<compile_context>
chip_gen: v7x
topology: tpu7x:2x2x1
jax: 0.10.2.dev20260603
libtpu: 0.0.44.dev20260713+nightly
codegen_flags: <defaults>
</compile_context>

<pallas_src>
import jax
import jax.numpy as jnp
from jax import lax
from jax.experimental import pallas as pl
from jax.experimental.pallas import tpu as pltpu
from jax.experimental.pallas import tpu_sc as plsc

N = 10000
E = 320000
DIM = 128
H = 8
DK = DIM // H
EDGE_DIM = 16

BN = 1000
BE = 8000

NC = 2
NS = 16
NW = NC * NS
EPW = E // NW
C = 80
NCH = EPW // C
NPAD = 10240
NPT = NPAD // NS

_SC_PARAMS = pltpu.CompilerParams(needs_layout_passes=False)



def _node_tf_body(h_ref, v_ref, wq_ref, bq_ref, wk_ref, bk_ref, wvh_ref,
                  bvh_ref, wvv_ref, q_ref, k_ref, vh_ref, vv_ref):
    hb = h_ref[...]
    q_ref[...] = hb @ wq_ref[...] + bq_ref[...]
    k_ref[...] = hb @ wk_ref[...] + bk_ref[...]
    vh_ref[...] = hb @ wvh_ref[...] + bvh_ref[...]
    for c in range(3):
        vv_ref[c] = v_ref[c] @ wvv_ref[...]


def _node_transforms(h, vT, Wq, bq, Wk, bk, Wvh, bvh, W_Vv):
    wspec = pl.BlockSpec((DIM, DIM), lambda i: (0, 0))
    bspec = pl.BlockSpec((DIM,), lambda i: (0,))
    nspec = pl.BlockSpec((BN, DIM), lambda i: (i, 0))
    return pl.pallas_call(
        _node_tf_body,
        grid=(N // BN,),
        in_specs=[
            nspec,
            pl.BlockSpec((3, BN, DIM), lambda i: (0, i, 0)),
            wspec, bspec, wspec, bspec, wspec, bspec, wspec,
        ],
        out_specs=[
            nspec, nspec, nspec,
            pl.BlockSpec((3, BN, DIM), lambda i: (0, i, 0)),
        ],
        out_shape=[
            jax.ShapeDtypeStruct((N, DIM), jnp.float32),
            jax.ShapeDtypeStruct((N, DIM), jnp.float32),
            jax.ShapeDtypeStruct((N, DIM), jnp.float32),
            jax.ShapeDtypeStruct((3, N, DIM), jnp.float32),
        ],
    )(h, vT, Wq, bq, Wk, bk, Wvh, bvh, W_Vv)


def _edge_mlp_body(ea_ref, el_ref, w1_ref, b1_ref, w2_ref, b2_ref, out_ref):
    x = ea_ref[...] @ w1_ref[...] + b1_ref[...]
    x = x * jax.nn.sigmoid(x)
    y = x @ w2_ref[...] + b2_ref[...] - el_ref[...]
    out_ref[...] = jnp.concatenate([y, jnp.zeros_like(y)], axis=1)


def _edge_mlp(edge_attr, edge_len, w1, b1, w2, b2):
    return pl.pallas_call(
        _edge_mlp_body,
        grid=(E // BE,),
        in_specs=[
            pl.BlockSpec((BE, EDGE_DIM), lambda i: (i, 0)),
            pl.BlockSpec((BE, 1), lambda i: (i, 0)),
            pl.BlockSpec((EDGE_DIM, EDGE_DIM), lambda i: (0, 0)),
            pl.BlockSpec((EDGE_DIM,), lambda i: (0,)),
            pl.BlockSpec((EDGE_DIM, H), lambda i: (0, 0)),
            pl.BlockSpec((H,), lambda i: (0,)),
        ],
        out_specs=pl.BlockSpec((BE, 2 * H), lambda i: (i, 0)),
        out_shape=jax.ShapeDtypeStruct((E, 2 * H), jnp.float32),
    )(edge_attr, edge_len, w1, b1, w2, b2)


def _sum_partials_body(sp_ref, out_ref):
    out_ref[...] = sp_ref[0] + sp_ref[1]


def _sum_partials(ssum):
    bs = 1024
    return pl.pallas_call(
        _sum_partials_body,
        grid=(NPAD // bs,),
        in_specs=[pl.BlockSpec((2, bs, DIM), lambda i: (0, i, 0))],
        out_specs=pl.BlockSpec((bs, DIM), lambda i: (i, 0)),
        out_shape=jax.ShapeDtypeStruct((NPAD, DIM), jnp.float32),
    )(ssum)


def _out_proj_body(hp_ref, vp_ref, woh_ref, wov_ref, dh_ref, dv_ref):
    ha = hp_ref[0] + hp_ref[1]
    dh_ref[...] = ha @ woh_ref[...]
    for c in range(3):
        va = vp_ref[0, c] + vp_ref[1, c]
        dv_ref[c] = va @ wov_ref[...]


def _out_proj(hagg_p, vagg_p, W_Oh, W_Ov):
    wspec = pl.BlockSpec((DIM, DIM), lambda i: (0, 0))
    return pl.pallas_call(
        _out_proj_body,
        grid=(N // BN,),
        in_specs=[
            pl.BlockSpec((2, BN, DIM), lambda i: (0, i, 0)),
            pl.BlockSpec((2, 3, BN, DIM), lambda i: (0, 0, i, 0)),
            wspec, wspec,
        ],
        out_specs=[
            pl.BlockSpec((BN, DIM), lambda i: (i, 0)),
            pl.BlockSpec((3, BN, DIM), lambda i: (0, i, 0)),
        ],
        out_shape=[
            jax.ShapeDtypeStruct((N, DIM), jnp.float32),
            jax.ShapeDtypeStruct((3, N, DIM), jnp.float32),
        ],
    )(hagg_p, vagg_p, W_Oh, W_Ov)



def _iota16():
    return lax.iota(jnp.int32, 16)


def _full16(x):
    return jnp.zeros((16,), jnp.int32) + x


def _sc_scores_body(qf, kf, iidx, jidx, eb2, z128, e_out, ssum,
                    qrows, krows, ebe, ec128, ibuf, jbuf, acc,
                    sem0, sem1, sem2):
    c = lax.axis_index("c")
    s = lax.axis_index("s")
    wid = s * NC + c
    ebase = wid * EPW

    pltpu.sync_copy(z128.at[pl.ds(0, C)], ec128)
    pltpu.sync_copy(z128.at[pl.ds(s * NPT, NPT)], acc.at[pl.ds(s * NPT, NPT)])
    plsc.subcore_barrier()

    def chunk_body(ch, _):
        base = ebase + ch * C
        pltpu.sync_copy(iidx.at[pl.ds(base, C)], ibuf)
        pltpu.sync_copy(jidx.at[pl.ds(base, C)], jbuf)
        h0 = pltpu.async_copy(qf.at[jbuf], qrows, sem0)
        h1 = pltpu.async_copy(kf.at[ibuf], krows, sem1)
        h2 = pltpu.async_copy(eb2.at[pl.ds(base, C)], ebe, sem2)
        h0.wait()
        h1.wait()
        h2.wait()

        def gh_body(gh, _):
            g = gh // H
            hh = gh - g * H
            le = _iota16() + g * 16
            hv = _full16(hh)
            ebv = plsc.load_gather(ebe, [le, hv])
            dot = jnp.zeros((16,), jnp.float32)
            for dk in range(DK):
                col = _full16(hh * DK + dk)
                dot = dot + (plsc.load_gather(qrows, [le, col]) *
                             plsc.load_gather(krows, [le, col]))
            ev = jnp.exp(dot * 0.25 + ebv)
            plsc.store_scatter(ebe, [le, hv + H], ev)
            plsc.store_scatter(ec128, [le, hv], ev)
            return 0

        lax.fori_loop(0, (C // 16) * H, gh_body, 0)
        hE = pltpu.async_copy(ebe, e_out.at[pl.ds(base, C)], sem2)
        pltpu.sync_copy(ec128, acc.at[jbuf], add=True)
        hE.wait()
        return 0

    lax.fori_loop(0, NCH, chunk_body, 0)

    plsc.subcore_barrier()
    pltpu.sync_copy(acc.at[pl.ds(s * NPT, NPT)],
                    ssum.at[c, pl.ds(s * NPT, NPT)])


def _sc_scores(qf, kf, iidx, jidx, eb2, z128):
    mesh = plsc.VectorSubcoreMesh(core_axis_name="c", subcore_axis_name="s")
    f = pl.kernel(
        _sc_scores_body,
        out_type=[
            jax.ShapeDtypeStruct((E, 2 * H), jnp.float32),
            jax.ShapeDtypeStruct((2, NPAD, DIM), jnp.float32),
        ],
        mesh=mesh,
        compiler_params=_SC_PARAMS,
        scratch_types=[
            pltpu.VMEM((C, DIM), jnp.float32),
            pltpu.VMEM((C, DIM), jnp.float32),
            pltpu.VMEM((C, 2 * H), jnp.float32),
            pltpu.VMEM((C, DIM), jnp.float32),
            pltpu.VMEM((C,), jnp.int32),
            pltpu.VMEM((C,), jnp.int32),
            pltpu.VMEM_SHARED((NPAD, DIM), jnp.float32),
            pltpu.SemaphoreType.DMA,
            pltpu.SemaphoreType.DMA,
            pltpu.SemaphoreType.DMA,
        ],
    )
    return f(qf, kf, iidx, jidx, eb2, z128)



def _sc_agg_body(vhf, vv0, vv1, vv2, iidx, jidx, ef, stot, z128,
                 hagg, vagg, a_out,
                 vrows, vrows2, erows, srows, ibuf, jbuf, ibuf2, jbuf2,
                 vacc, sem0, sem1, sem2, sem3):
    c = lax.axis_index("c")
    s = lax.axis_index("s")
    wid = s * NC + c
    ebase = wid * EPW

    tables = [vhf, vv0, vv1, vv2]
    bufs = [(vrows, ibuf, jbuf, sem0), (vrows2, ibuf2, jbuf2, sem3)]

    def make_scale(vr):
        def scale_body(el, _):
            arow = erows[el, :]
            for hh in range(H):
                sl = pl.ds(hh * DK, DK)
                vr[el, sl] = vr[el, sl] * arow[hh]
            return 0
        return scale_body

    for p in range(4):
        table = tables[p]
        pltpu.sync_copy(z128.at[pl.ds(s * NPT, NPT)],
                        vacc.at[pl.ds(s * NPT, NPT)])
        plsc.subcore_barrier()

        if p == 0:
            def chunk_body(ch, _, table=table):
                base = ebase + ch * C
                pltpu.sync_copy(iidx.at[pl.ds(base, C)], ibuf)
                pltpu.sync_copy(jidx.at[pl.ds(base, C)], jbuf)
                h0 = pltpu.async_copy(table.at[ibuf], vrows, sem0)
                h1 = pltpu.async_copy(ef.at[pl.ds(base, C)], erows, sem1)
                h2 = pltpu.async_copy(stot.at[jbuf], srows, sem2)
                h1.wait()
                h2.wait()

                def alpha_body(k, _):
                    idx = _iota16() + k * 16
                    el = lax.shift_right_logical(idx, 3)
                    hh = jnp.bitwise_and(idx, 7)
                    sv = plsc.load_gather(srows, [el, hh])
                    ev = plsc.load_gather(erows, [el, hh + H])
                    a = ev / (sv + 1e-16)
                    plsc.store_scatter(erows, [el, hh], a)
                    return 0

                lax.fori_loop(0, C * H // 16, alpha_body, 0)
                hA = pltpu.async_copy(erows, a_out.at[pl.ds(base, C)], sem1)
                h0.wait()
                lax.fori_loop(0, C, make_scale(vrows), 0)
                pltpu.sync_copy(vrows, vacc.at[jbuf], add=True)
                hA.wait()
                return 0

            lax.fori_loop(0, NCH, chunk_body, 0)
        else:
            pltpu.sync_copy(iidx.at[pl.ds(ebase, C)], ibuf)
            pltpu.sync_copy(jidx.at[pl.ds(ebase, C)], jbuf)
            pltpu.async_copy(table.at[ibuf], vrows, sem0)

            def pair_body(gg, _, table=table):
                for b in (0, 1):
                    vr, ib, jb, sm = bufs[b]
                    vo, io, jo, so = bufs[1 - b]
                    ch = gg * 2 + b
                    base = ebase + ch * C
                    hA = pltpu.async_copy(a_out.at[pl.ds(base, C)], erows,
                                          sem1)
                    pltpu.make_async_copy(table.at[ib], vr, sm).wait()
                    nbase = base + C
                    pltpu.sync_copy(iidx.at[pl.ds(nbase, C)], io)
                    pltpu.sync_copy(jidx.at[pl.ds(nbase, C)], jo)
                    pltpu.async_copy(table.at[io], vo, so)
                    hA.wait()
                    lax.fori_loop(0, C, make_scale(vr), 0)
                    pltpu.sync_copy(vr, vacc.at[jb], add=True)
                return 0

            lax.fori_loop(0, (NCH - 1) // 2, pair_body, 0)
            base = ebase + (NCH - 1) * C
            pltpu.make_async_copy(table.at[ibuf], vrows, sem0).wait()
            pltpu.sync_copy(a_out.at[pl.ds(base, C)], erows)
            lax.fori_loop(0, C, make_scale(vrows), 0)
            pltpu.sync_copy(vrows, vacc.at[jbuf], add=True)

        plsc.subcore_barrier()
        if p == 0:
            pltpu.sync_copy(vacc.at[pl.ds(s * NPT, NPT)],
                            hagg.at[c, pl.ds(s * NPT, NPT)])
        else:
            pltpu.sync_copy(vacc.at[pl.ds(s * NPT, NPT)],
                            vagg.at[c, p - 1, pl.ds(s * NPT, NPT)])
        plsc.subcore_barrier()


def _sc_aggregate(vhf, vv0, vv1, vv2, iidx, jidx, ef, stot, z128):
    mesh = plsc.VectorSubcoreMesh(core_axis_name="c", subcore_axis_name="s")
    f = pl.kernel(
        _sc_agg_body,
        out_type=[
            jax.ShapeDtypeStruct((2, NPAD, DIM), jnp.float32),
            jax.ShapeDtypeStruct((2, 3, NPAD, DIM), jnp.float32),
            jax.ShapeDtypeStruct((E, 2 * H), jnp.float32),
        ],
        mesh=mesh,
        compiler_params=_SC_PARAMS,
        scratch_types=[
            pltpu.VMEM((C, DIM), jnp.float32),
            pltpu.VMEM((C, DIM), jnp.float32),
            pltpu.VMEM((C, 2 * H), jnp.float32),
            pltpu.VMEM((C, DIM), jnp.float32),
            pltpu.VMEM((C,), jnp.int32),
            pltpu.VMEM((C,), jnp.int32),
            pltpu.VMEM((C,), jnp.int32),
            pltpu.VMEM((C,), jnp.int32),
            pltpu.VMEM_SHARED((NPAD, DIM), jnp.float32),
            pltpu.SemaphoreType.DMA,
            pltpu.SemaphoreType.DMA,
            pltpu.SemaphoreType.DMA,
            pltpu.SemaphoreType.DMA,
        ],
    )
    return f(vhf, vv0, vv1, vv2, iidx, jidx, ef, stot, z128)



def kernel(h, v, edge_index, edge_attr, edge_len, Wq, bq, Wk, bk, Wvh, bvh,
           W_Vv, W_Oh, W_Ov, mlp_w1, mlp_b1, mlp_w2, mlp_b2):
    i = edge_index[0]
    j = edge_index[1]
    vT = v.transpose(2, 0, 1)
    q, k, vh, vv = _node_transforms(h, vT, Wq, bq, Wk, bk, Wvh, bvh, W_Vv)
    eb2 = _edge_mlp(edge_attr, edge_len, mlp_w1, mlp_b1, mlp_w2, mlp_b2)

    z128 = jnp.zeros((NPAD, DIM), jnp.float32)

    ef, ssum = _sc_scores(q, k, i, j, eb2, z128)
    stot = _sum_partials(ssum)
    hagg_p, vagg_p, _ = _sc_aggregate(vh, vv[0], vv[1], vv[2], i, j, ef,
                                      stot, z128)

    dh, dvT = _out_proj(hagg_p, vagg_p, W_Oh, W_Ov)
    return (dh, dvT.transpose(1, 2, 0))

# --- scband reference (transcript-rebuilt; emitter-appended) ---
"""Pipeline reference for scband-equivariant-attention-16415365006062 (READ-ONLY COPY).

The authoritative reference and input builder live on the scoring server;
editing this copy changes nothing except your own understanding.
"""

import jax, jax.numpy as jnp
import numpy as np

N = 10000
E = 320000
DIM = 128
H = 8
DK = DIM // H
EDGE_DIM = 16

def _silu(x):
    return x * jax.nn.sigmoid(x)

def _graph_softmax(scores, index, dim_size):
    m = jax.ops.segment_max(scores, index, num_segments=dim_size)
    m = jnp.where(jnp.isfinite(m), m, 0.0)
    e = jnp.exp(scores - m[index])
    s = jax.ops.segment_sum(e, index, num_segments=dim_size)
    return e / (s[index] + 1e-16)

def setup_inputs(seed: int = 0):
    key = jax.random.key(seed)
    ks = jax.random.split(key, 20)
    s = 0.05
    return {
        "h": jax.random.normal(ks[0], (N, DIM), jnp.float32),
        "v": jax.random.normal(ks[1], (N, DIM, 3), jnp.float32),
        "edge_index": jax.random.randint(ks[2], (2, E), 0, N, jnp.int32),
        "edge_attr": jax.random.normal(ks[3], (E, EDGE_DIM), jnp.float32),
        "edge_len": jax.random.uniform(ks[4], (E, 1), jnp.float32),
        "Wq": jax.random.normal(ks[5], (DIM, DIM), jnp.float32) * s,
        "bq": jnp.zeros((DIM,), jnp.float32),
        "Wk": jax.random.normal(ks[6], (DIM, DIM), jnp.float32) * s,
        "bk": jnp.zeros((DIM,), jnp.float32),
        "Wvh": jax.random.normal(ks[7], (DIM, DIM), jnp.float32) * s,
        "bvh": jnp.zeros((DIM,), jnp.float32),
        "W_Vv": jax.random.normal(ks[8], (DIM, DIM), jnp.float32) * s,
        "W_Oh": jax.random.normal(ks[9], (DIM, DIM), jnp.float32) * s,
        "W_Ov": jax.random.normal(ks[10], (DIM, DIM), jnp.float32) * s,
        "mlp_w1": jax.random.normal(ks[11], (EDGE_DIM, EDGE_DIM), jnp.float32) * s,
        "mlp_b1": jnp.zeros((EDGE_DIM,), jnp.float32),
        "mlp_w2": jax.random.normal(ks[12], (EDGE_DIM, H), jnp.float32) * s,
        "mlp_b2": jnp.zeros((H,), jnp.float32),
    }

def reference(h, v, edge_index, edge_attr, edge_len, Wq, bq, Wk, bk, Wvh, bvh, W_Vv, W_Oh, W_Ov, mlp_w1, mlp_b1, mlp_w2, mlp_b2):
    num_nodes = h.shape[0]
    i = edge_index[0]
    j = edge_index[1]
    q = (h @ Wq + bq).reshape(num_nodes, H, DK)[j]
    k = (h @ Wk + bk).reshape(num_nodes, H, DK)[i]
    vh = (h @ Wvh + bvh).reshape(num_nodes, H, DK)[i]
    vv = jnp.einsum('ndi,df->nfi', v, W_Vv).reshape(num_nodes, H, DK, 3)[i]
    eb = _silu(edge_attr @ mlp_w1 + mlp_b1) @ mlp_w2 + mlp_b2
    scores = (q * k).sum(axis=-1) / jnp.sqrt(float(DK)) - edge_len + eb
    alpha = _graph_softmax(scores, j, num_nodes)
    h_agg = jax.ops.segment_sum((alpha[..., None] * vh).reshape(-1, DIM), j, num_segments=num_nodes)
    v_agg = jax.ops.segment_sum((alpha[..., None, None] * vv).reshape(-1, DIM, 3), j, num_segments=num_nodes)
    dh = h_agg @ W_Oh
    dv = jnp.einsum('ndi,df->nfi', v_agg, W_Ov)
    return (dh, dv)

if __name__ == "__main__":
    import jax
    _d = setup_inputs()
    print(jax.jit(kernel)(*tuple(_d.values())))

</pallas_src>

<mosaic_0001>
#map = affine_map<(d0, d1) -> (0, 0)>
#map1 = affine_map<(d0, d1) -> (0)>
#map2 = affine_map<(d0, d1) -> (0, 0, 0)>
#map3 = affine_map<(d0, d1) -> (0, 0, 0, 0)>
module attributes {stable_mosaic.version = 14 : i64} {
  func.func @_sc_agg_body(%arg0: i32, %arg1: i32, %arg2: memref<10000x128xf32, #tpu.memory_space<hbm>>, %arg3: memref<10000x128xf32, #tpu.memory_space<hbm>>, %arg4: memref<10000x128xf32, #tpu.memory_space<hbm>>, %arg5: memref<10000x128xf32, #tpu.memory_space<hbm>>, %arg6: memref<320000xi32, #tpu.memory_space<hbm>>, %arg7: memref<320000xi32, #tpu.memory_space<hbm>>, %arg8: memref<320000x16xf32, #tpu.memory_space<hbm>>, %arg9: memref<10240x128xf32, #tpu.memory_space<hbm>>, %arg10: memref<10240x128xf32, #tpu.memory_space<hbm>>, %arg11: memref<2x10240x128xf32, #tpu.memory_space<hbm>>, %arg12: memref<2x3x10240x128xf32, #tpu.memory_space<hbm>>, %arg13: memref<320000x16xf32, #tpu.memory_space<hbm>>, %arg14: memref<80x128xf32, #tpu.memory_space<vmem>>, %arg15: memref<80x128xf32, #tpu.memory_space<vmem>>, %arg16: memref<80x16xf32, #tpu.memory_space<vmem>>, %arg17: memref<80x128xf32, #tpu.memory_space<vmem>>, %arg18: memref<80xi32, #tpu.memory_space<vmem>>, %arg19: memref<80xi32, #tpu.memory_space<vmem>>, %arg20: memref<80xi32, #tpu.memory_space<vmem>>, %arg21: memref<80xi32, #tpu.memory_space<vmem>>, %arg22: memref<10240x128xf32, #tpu.memory_space<vmem_shared>>, %arg23: memref<!tpu.dma_semaphore, #tpu.memory_space<semaphore_mem>>, %arg24: memref<!tpu.dma_semaphore, #tpu.memory_space<semaphore_mem>>, %arg25: memref<!tpu.dma_semaphore, #tpu.memory_space<semaphore_mem>>, %arg26: memref<!tpu.dma_semaphore, #tpu.memory_space<semaphore_mem>>) attributes {dimension_semantics = [#tpu.dimension_semantics<core_parallel>, #tpu.dimension_semantics<subcore_parallel>], iteration_bounds = array<i64: 2, 16>, scalar_prefetch = 0 : i64, scratch_operands = 13 : i64, tpu.core_type = #tpu.core_type<sc_vector_subcore>, window_params = [{transform_indices = #map}, {transform_indices = #map}, {transform_indices = #map}, {transform_indices = #map}, {transform_indices = #map1}, {transform_indices = #map1}, {transform_indices = #map}, {transform_indices = #map}, {transform_indices = #map}, {transform_indices = #map2}, {transform_indices = #map3}, {transform_indices = #map}]} {
    %mul3A = arith.constant 2 : i32
    %mul3A_0 = arith.muli %arg1, %mul3A : i32
    %add3A = arith.addi %mul3A_0, %arg0 : i32
    %mul3A_1 = arith.constant 10000 : i32
    %mul3A_2 = arith.muli %add3A, %mul3A_1 : i32
    %mul3A_3 = arith.constant 640 : i32
    %mul3A_4 = arith.muli %arg1, %mul3A_3 : i32
    %mul3A_5 = arith.constant 640 : i32
    %mul3A_6 = arith.muli %arg1, %mul3A_5 : i32
    "tpu.region"() ({
      %run_scoped3A_118 = tpu.sem_alloc : memref<!tpu.dma_semaphore, #tpu.memory_space<semaphore_mem>>
      %dma_start3A_119 = arith.constant 0 : i32
      %dma_start3A_120 = tpu.memref_slice %arg22[%mul3A_6, %dma_start3A_119] : memref<10240x128xf32, #tpu.memory_space<vmem_shared>> -> memref<640x128xf32, #tpu.memory_space<vmem_shared>>
      %dma_start3A_121 = arith.constant 0 : i32
      %dma_start3A_122 = tpu.memref_slice %arg10[%mul3A_4, %dma_start3A_121] : memref<10240x128xf32, #tpu.memory_space<hbm>> -> memref<640x128xf32, #tpu.memory_space<hbm>>
      tpu.enqueue_dma source(%dma_start3A_122 : memref<640x128xf32, #tpu.memory_space<hbm>>) target(%dma_start3A_120 : memref<640x128xf32, #tpu.memory_space<vmem_shared>>) target_semaphore(%run_scoped3A_118 : memref<!tpu.dma_semaphore, #tpu.memory_space<semaphore_mem>>)
      %dma_wait3A_123 = arith.constant 0 : i32
      %dma_wait3A_124 = tpu.memref_slice %arg22[%mul3A_6, %dma_wait3A_123] : memref<10240x128xf32, #tpu.memory_space<vmem_shared>> -> memref<640x128xf32, #tpu.memory_space<vmem_shared>>
      %dma_wait3A_125 = arith.constant 0 : i32
      %dma_wait3A_126 = tpu.memref_slice %arg10[%mul3A_4, %dma_wait3A_125] : memref<10240x128xf32, #tpu.memory_space<hbm>> -> memref<640x128xf32, #tpu.memory_space<hbm>>
      tpu.wait_dma2 semaphore(%run_scoped3A_118 : memref<!tpu.dma_semaphore, #tpu.memory_space<semaphore_mem>>) src(%dma_wait3A_126 : memref<640x128xf32, #tpu.memory_space<hbm>>) dst(%dma_wait3A_124 : memref<640x128xf32, #tpu.memory_space<vmem_shared>>)
      tpu.yield
    }) : () -> ()
    %barrier3A = arith.constant 0 : index
    tpu.barrier barrier_id(%barrier3A)
    %scan3A = arith.constant 0 : i32
    %scan3A_7 = arith.constant 0 : i32
    %scan3A_8 = arith.constant 125 : i32
    %scan3A_9 = arith.addi %scan3A_7, %scan3A_8 : i32
    %scan3A_10 = arith.constant 1 : i32
    %scan3A_11 = scf.for %scan3A_118 = %scan3A_7 to %scan3A_9 step %scan3A_10 iter_args(%scan3A_119 = %scan3A) -> (i32)  : i32 {
      %mul3A_120 = arith.constant 80 : i32
      %mul3A_121 = arith.muli %scan3A_118, %mul3A_120 : i32
      %add3A_122 = arith.addi %mul3A_2, %mul3A_121 : i32
      "tpu.region"() ({
        %run_scoped3A_166 = tpu.sem_alloc : memref<!tpu.dma_semaphore, #tpu.memory_space<semaphore_mem>>
        %dma_start3A_167 = tpu.memref_slice %arg6[%add3A_122] : memref<320000xi32, #tpu.memory_space<hbm>> -> memref<80xi32, #tpu.memory_space<hbm>>
        %dma_start3A_168 = tpu.memref_slice %arg6[%add3A_122] : memref<320000xi32, #tpu.memory_space<hbm>> -> memref<80xi32, #tpu.memory_space<hbm>>
        tpu.enqueue_dma source(%dma_start3A_168 : memref<80xi32, #tpu.memory_space<hbm>>) target(%arg18 : memref<80xi32, #tpu.memory_space<vmem>>) target_semaphore(%run_scoped3A_166 : memref<!tpu.dma_semaphore, #tpu.memory_space<semaphore_mem>>)
        %dma_wait3A_169 = tpu.memref_slice %arg6[%add3A_122] : memref<320000xi32, #tpu.memory_space<hbm>> -> memref<80xi32, #tpu.memory_space<hbm>>
        %dma_wait3A_170 = tpu.memref_slice %arg6[%add3A_122] : memref<320000xi32, #tpu.memory_space<hbm>> -> memref<80xi32, #tpu.memory_space<hbm>>
        tpu.wait_dma2 semaphore(%run_scoped3A_166 : memref<!tpu.dma_semaphore, #tpu.memory_space<semaphore_mem>>) src(%dma_wait3A_170 : memref<80xi32, #tpu.memory_space<hbm>>) dst(%arg18 : memref<80xi32, #tpu.memory_space<vmem>>)
        tpu.yield
      }) : () -> ()
      "tpu.region"() ({
        %run_scoped3A_166 = tpu.sem_alloc : memref<!tpu.dma_semaphore, #tpu.memory_space<semaphore_mem>>
        %dma_start3A_167 = tpu.memref_slice %arg7[%add3A_122] : memref<320000xi32, #tpu.memory_space<hbm>> -> memref<80xi32, #tpu.memory_space<hbm>>
        %dma_start3A_168 = tpu.memref_slice %arg7[%add3A_122] : memref<320000xi32, #tpu.memory_space<hbm>> -> memref<80xi32, #tpu.memory_space<hbm>>
        tpu.enqueue_dma source(%dma_start3A_168 : memref<80xi32, #tpu.memory_space<hbm>>) target(%arg19 : memref<80xi32, #tpu.memory_space<vmem>>) target_semaphore(%run_scoped3A_166 : memref<!tpu.dma_semaphore, #tpu.memory_space<semaphore_mem>>)
        %dma_wait3A_169 = tpu.memref_slice %arg7[%add3A_122] : memref<320000xi32, #tpu.memory_space<hbm>> -> memref<80xi32, #tpu.memory_space<hbm>>
        %dma_wait3A_170 = tpu.memref_slice %arg7[%add3A_122] : memref<320000xi32, #tpu.memory_space<hbm>> -> memref<80xi32, #tpu.memory_space<hbm>>
        tpu.wait_dma2 semaphore(%run_scoped3A_166 : memref<!tpu.dma_semaphore, #tpu.memory_space<semaphore_mem>>) src(%dma_wait3A_170 : memref<80xi32, #tpu.memory_space<hbm>>) dst(%arg19 : memref<80xi32, #tpu.memory_space<vmem>>)
        tpu.yield
      }) : () -> ()
      %dma_start3A_123 = arith.constant 0 : i32
      %dma_start3A_124 = arith.constant 0 : i32
      %dma_start3A_125 = tpu.memref_slice %arg2[%dma_start3A_123, %dma_start3A_124] : memref<10000x128xf32, #tpu.memory_space<hbm>> -> memref<10000x128xf32, #tpu.memory_space<hbm>>
      tpu.enqueue_indirect_dma source(%dma_start3A_125 : memref<10000x128xf32, #tpu.memory_space<hbm>>) target(%arg14 : memref<80x128xf32, #tpu.memory_space<vmem>>) offsets(%arg18 : memref<80xi32, #tpu.memory_space<vmem>>) semaphore(%arg23 : memref<!tpu.dma_semaphore, #tpu.memory_space<semaphore_mem>>)
      %dma_start3A_126 = arith.constant 0 : i32
      %dma_start3A_127 = tpu.memref_slice %arg8[%add3A_122, %dma_start3A_126] : memref<320000x16xf32, #tpu.memory_space<hbm>> -> memref<80x16xf32, #tpu.memory_space<hbm>>
      %dma_start3A_128 = arith.constant 0 : i32
      %dma_start3A_129 = tpu.memref_slice %arg8[%add3A_122, %dma_start3A_128] : memref<320000x16xf32, #tpu.memory_space<hbm>> -> memref<80x16xf32, #tpu.memory_space<hbm>>
      tpu.enqueue_dma source(%dma_start3A_129 : memref<80x16xf32, #tpu.memory_space<hbm>>) target(%arg16 : memref<80x16xf32, #tpu.memory_space<vmem>>) target_semaphore(%arg24 : memref<!tpu.dma_semaphore, #tpu.memory_space<semaphore_mem>>)
      %dma_start3A_130 = arith.constant 0 : i32
      %dma_start3A_131 = arith.constant 0 : i32
      %dma_start3A_132 = tpu.memref_slice %arg9[%dma_start3A_130, %dma_start3A_131] : memref<10240x128xf32, #tpu.memory_space<hbm>> -> memref<10240x128xf32, #tpu.memory_space<hbm>>
      tpu.enqueue_indirect_dma source(%dma_start3A_132 : memref<10240x128xf32, #tpu.memory_space<hbm>>) target(%arg17 : memref<80x128xf32, #tpu.memory_space<vmem>>) offsets(%arg19 : memref<80xi32, #tpu.memory_space<vmem>>) semaphore(%arg25 : memref<!tpu.dma_semaphore, #tpu.memory_space<semaphore_mem>>)
      %dma_wait3A_133 = arith.constant 0 : i32
      %dma_wait3A_134 = tpu.memref_slice %arg8[%add3A_122, %dma_wait3A_133] : memref<320000x16xf32, #tpu.memory_space<hbm>> -> memref<80x16xf32, #tpu.memory_space<hbm>>
      %dma_wait3A_135 = arith.constant 0 : i32
      %dma_wait3A_136 = tpu.memref_slice %arg8[%add3A_122, %dma_wait3A_135] : memref<320000x16xf32, #tpu.memory_space<hbm>> -> memref<80x16xf32, #tpu.memory_space<hbm>>
      tpu.wait_dma2 semaphore(%arg24 : memref<!tpu.dma_semaphore, #tpu.memory_space<semaphore_mem>>) src(%dma_wait3A_136 : memref<80x16xf32, #tpu.memory_space<hbm>>) dst(%arg16 : memref<80x16xf32, #tpu.memory_space<vmem>>)
      %dma_wait3A_137 = arith.constant 0 : i32
      %dma_wait3A_138 = arith.constant 0 : i32
      %dma_wait3A_139 = tpu.memref_slice %arg9[%dma_wait3A_137, %dma_wait3A_138] : memref<10240x128xf32, #tpu.memory_space<hbm>> -> memref<10240x128xf32, #tpu.memory_space<hbm>>
      tpu.wait_indirect_dma semaphore(%arg25 : memref<!tpu.dma_semaphore, #tpu.memory_space<semaphore_mem>>) src(%dma_wait3A_139 : memref<10240x128xf32, #tpu.memory_space<hbm>>) dst(%arg17 : memref<80x128xf32, #tpu.memory_space<vmem>>)
      %scan3A_140 = arith.constant 0 : i32
      %scan3A_141 = arith.constant 0 : i32
      %scan3A_142 = arith.constant 40 : i32
      %scan3A_143 = arith.addi %scan3A_141, %scan3A_142 : i32
      %scan3A_144 = arith.constant 1 : i32
      %scan3A_145 = scf.for %scan3A_166 = %scan3A_141 to %scan3A_143 step %scan3A_144 iter_args(%scan3A_167 = %scan3A_140) -> (i32)  : i32 {
        %iota3A = tpu.iota {dimensions = array<i32: 0>} : vector<16xi32>
        %mul3A_168 = arith.constant 16 : i32
        %mul3A_169 = arith.muli %scan3A_166, %mul3A_168 : i32
        %add3A_170 = vector.broadcast %mul3A_169 : i32 to vector<16xi32>
        %add3A_171 = arith.addi %iota3A, %add3A_170 : vector<16xi32>
        %shift_right_logical3A = arith.constant 3 : i32
        %shift_right_logical3A_172 = vector.broadcast %shift_right_logical3A : i32 to vector<16xi32>
        %shift_right_logical3A_173 = arith.shrui %add3A_171, %shift_right_logical3A_172 : vector<16xi32>
        %and3A = arith.constant 7 : i32
        %and3A_174 = vector.broadcast %and3A : i32 to vector<16xi32>
        %and3A_175 = arith.andi %add3A_171, %and3A_174 : vector<16xi32>
        %gather3A = tpu.vector_load_idx %arg17[%shift_right_logical3A_173, %and3A_175] : memref<80x128xf32, #tpu.memory_space<vmem>>[vector<16xi32>, vector<16xi32>], vector<16xf32>,
        %add3A_176 = arith.constant 8 : i32
        %add3A_177 = vector.broadcast %add3A_176 : i32 to vector<16xi32>
        %add3A_178 = arith.addi %and3A_175, %add3A_177 : vector<16xi32>
        %gather3A_179 = tpu.vector_load_idx %arg16[%shift_right_logical3A_173, %add3A_178] : memref<80x16xf32, #tpu.memory_space<vmem>>[vector<16xi32>, vector<16xi32>], vector<16xf32>,
        %add3A_180 = arith.constant 1.000000e-16 : f32
        %add3A_181 = vector.broadcast %add3A_180 : f32 to vector<16xf32>
        %add3A_182 = arith.addf %gather3A, %add3A_181 : vector<16xf32>
        %div3A = arith.divf %gather3A_179, %add3A_182 : vector<16xf32>
        tpu.vector_store_idx %arg16[%shift_right_logical3A_173, %and3A_175], %div3A : memref<80x16xf32, #tpu.memory_space<vmem>>[vector<16xi32>, vector<16xi32>], vector<16xf32>,
        %scan3A_183 = arith.constant 0 : i32
        scf.yield %scan3A_183 : i32
      }
      %scan3A_146 = arith.constant 40 : i32
      %dma_start3A_147 = arith.constant 0 : i32
      %dma_start3A_148 = tpu.memref_slice %arg13[%add3A_122, %dma_start3A_147] : memref<320000x16xf32, #tpu.memory_space<hbm>> -> memref<80x16xf32, #tpu.memory_space<hbm>>
      %dma_start3A_149 = arith.constant 0 : i32
      %dma_start3A_150 = tpu.memref_slice %arg13[%add3A_122, %dma_start3A_149] : memref<320000x16xf32, #tpu.memory_space<hbm>> -> memref<80x16xf32, #tpu.memory_space<hbm>>
      tpu.enqueue_dma source(%arg16 : memref<80x16xf32, #tpu.memory_space<vmem>>) target(%dma_start3A_150 : memref<80x16xf32, #tpu.memory_space<hbm>>) target_semaphore(%arg24 : memref<!tpu.dma_semaphore, #tpu.memory_space<semaphore_mem>>)
      %dma_wait3A_151 = arith.constant 0 : i32
      %dma_wait3A_152 = arith.constant 0 : i32
      %dma_wait3A_153 = tpu.memref_slice %arg2[%dma_wait3A_151, %dma_wait3A_152] : memref<10000x128xf32, #tpu.memory_space<hbm>> -> memref<10000x128xf32, #tpu.memory_space<hbm>>
      tpu.wait_indirect_dma semaphore(%arg23 : memref<!tpu.dma_semaphore, #tpu.memory_space<semaphore_mem>>) src(%dma_wait3A_153 : memref<10000x128xf32, #tpu.memory_space<hbm>>) dst(%arg14 : memref<80x128xf32, #tpu.memory_space<vmem>>)
      %scan3A_154 = arith.constant 0 : i32
      %scan3A_155 = arith.constant 0 : i32
      %scan3A_156 = arith.constant 80 : i32
      %scan3A_157 = arith.addi %scan3A_155, %scan3A_156 : i32
      %scan3A_158 = arith.constant 1 : i32
      %scan3A_159 = scf.for %scan3A_166 = %scan3A_155 to %scan3A_157 step %scan3A_158 iter_args(%scan3A_167 = %scan3A_154) -> (i32)  : i32 {
        %get3A = arith.index_cast %scan3A_166 : i32 to index
        %get3A_168 = arith.constant 0 : index
        %get3A_169 = tpu.vector_load %arg16[%get3A, %get3A_168] {strides = array<i32>} : memref<80x16xf32, #tpu.memory_space<vmem>>, vector<16xf32>,
        %get3A_170 = arith.index_cast %scan3A_166 : i32 to index
        %get3A_171 = arith.constant 0 : index
        %get3A_172 = tpu.vector_load %arg14[%get3A_170, %get3A_171] {strides = array<i32>} : memref<80x128xf32, #tpu.memory_space<vmem>>, vector<16xf32>,
        %slice3A = vector.extract_strided_slice %get3A_169 {offsets = [0], sizes = [1], strides = [1]} : vector<16xf32> to vector<1xf32>
        %squeeze3A = vector.extract %slice3A[0] : f32 from vector<1xf32>
        %mul3A_173 = vector.broadcast %squeeze3A : f32 to vector<16xf32>
        %mul3A_174 = arith.mulf %get3A_172, %mul3A_173 : vector<16xf32>
        %swap3A = arith.index_cast %scan3A_166 : i32 to index
        %swap3A_175 = arith.constant 0 : index
        %swap3A_176 = tpu.vector_load %arg14[%swap3A, %swap3A_175] {strides = array<i32>} : memref<80x128xf32, #tpu.memory_space<vmem>>, vector<16xf32>,
        tpu.vector_store %arg14[%swap3A, %swap3A_175], %mul3A_174 {strides = array<i32>} : memref<80x128xf32, #tpu.memory_space<vmem>>, vector<16xf32>,
        %get3A_177 = arith.index_cast %scan3A_166 : i32 to index
        %get3A_178 = arith.constant 16 : index
        %get3A_179 = tpu.vector_load %arg14[%get3A_177, %get3A_178] {strides = array<i32>} : memref<80x128xf32, #tpu.memory_space<vmem>>, vector<16xf32>,
        %slice3A_180 = vector.extract_strided_slice %get3A_169 {offsets = [1], sizes = [1], strides = [1]} : vector<16xf32> to vector<1xf32>
        %squeeze3A_181 = vector.extract %slice3A_180[0] : f32 from vector<1xf32>
        %mul3A_182 = vector.broadcast %squeeze3A_181 : f32 to vector<16xf32>
        %mul3A_183 = arith.mulf %get3A_179, %mul3A_182 : vector<16xf32>
        %swap3A_184 = arith.index_cast %scan3A_166 : i32 to index
        %swap3A_185 = arith.constant 16 : index
        %swap3A_186 = tpu.vector_load %arg14[%swap3A_184, %swap3A_185] {strides = array<i32>} : memref<80x128xf32, #tpu.memory_space<vmem>>, vector<16xf32>,
        tpu.vector_store %arg14[%swap3A_184, %swap3A_185], %mul3A_183 {strides = array<i32>} : memref<80x128xf32, #tpu.memory_space<vmem>>, vector<16xf32>,
        %get3A_187 = arith.index_cast %scan3A_166 : i32 to index
        %get3A_188 = arith.constant 32 : index
        %get3A_189 = tpu.vector_load %arg14[%get3A_187, %get3A_188] {strides = array<i32>} : memref<80x128xf32, #tpu.memory_space<vmem>>, vector<16xf32>,
        %slice3A_190 = vector.extract_strided_slice %get3A_169 {offsets = [2], sizes = [1], strides = [1]} : vector<16xf32> to vector<1xf32>
        %squeeze3A_191 = vector.extract %slice3A_190[0] : f32 from vector<1xf32>
        %mul3A_192 = vector.broadcast %squeeze3A_191 : f32 to vector<16xf32>
        %mul3A_193 = arith.mulf %get3A_189, %mul3A_192 : vector<16xf32>
        %swap3A_194 = arith.index_cast %scan3A_166 : i32 to index
        %swap3A_195 = arith.constant 32 : index
        %swap3A_196 = tpu.vector_load %arg14[%swap3A_194, %swap3A_195] {strides = array<i32>} : memref<80x128xf32, #tpu.memory_space<vmem>>, vector<16xf32>,
        tpu.vector_store %arg14[%swap3A_194, %swap3A_195], %mul3A_193 {strides = array<i32>} : memref<80x128xf32, #tpu.memory_space<vmem>>, vector<16xf32>,
        %get3A_197 = arith.index_cast %scan3A_166 : i32 to index
        %get3A_198 = arith.constant 48 : index
        %get3A_199 = tpu.vector_load %arg14[%get3A_197, %get3A_198] {strides = array<i32>} : memref<80x128xf32, #tpu.memory_space<vmem>>, vector<16xf32>,
        %slice3A_200 = vector.extract_strided_slice %get3A_169 {offsets = [3], sizes = [1], strides = [1]} : vector<16xf32> to vector<1xf32>
        %squeeze3A_201 = vector.extract %slice3A_200[0] : f32 from vector<1xf32>
        %mul3A_202 = vector.broadcast %squeeze3A_201 : f32 to vector<16xf32>
        %mul3A_203 = arith.mulf %get3A_199, %mul3A_202 : vector<16xf32>
        %swap3A_204 = arith.index_cast %scan3A_166 : i32 to index
        %swap3A_205 = arith.constant 48 : index
        %swap3A_206 = tpu.vector_load %arg14[%swap3A_204, %swap3A_205] {strides = array<i32>} : memref<80x128xf32, #tpu.memory_space<vmem>>, vector<16xf32>,
        tpu.vector_store %arg14[%swap3A_204, %swap3A_205], %mul3A_203 {strides = array<i32>} : memref<80x128xf32, #tpu.memory_space<vmem>>, vector<16xf32>,
        %get3A_207 = arith.index_cast %scan3A_166 : i32 to index
        %get3A_208 = arith.constant 64 : index
        %get3A_209 = tpu.vector_load %arg14[%get3A_207, %get3A_208] {strides = array<i32>} : memref<80x128xf32, #tpu.memory_space<vmem>>, vector<16xf32>,
        %slice3A_210 = vector.extract_strided_slice %get3A_169 {offsets = [4], sizes = [1], strides = [1]} : vector<16xf32> to vector<1xf32>
        %squeeze3A_211 = vector.extract %slice3A_210[0] : f32 from vector<1xf32>
        %mul3A_212 = vector.broadcast %squeeze3A_211 : f32 to vector<16xf32>
        %mul3A_213 = arith.mulf %get3A_209, %mul3A_212 : vector<16xf32>
        %swap3A_214 = arith.index_cast %scan3A_166 : i32 to index
        %swap3A_215 = arith.constant 64 : index
        %swap3A_216 = tpu.vector_load %arg14[%swap3A_214, %swap3A_215] {strides = array<i32>} : memref<80x128xf32, #tpu.memory_space<vmem>>, vector<16xf32>,
        tpu.vector_store %arg14[%swap3A_214, %swap3A_215], %mul3A_213 {strides = array<i32>} : memref<80x128xf32, #tpu.memory_space<vmem>>, vector<16xf32>,
        %get3A_217 = arith.index_cast %scan3A_166 : i32 to index
        %get3A_218 = arith.constant 80 : index
        %get3A_219 = tpu.vector_load %arg14[%get3A_217, %get3A_218] {strides = array<i32>} : memref<80x128xf32, #tpu.memory_space<vmem>>, vector<16xf32>,
        %slice3A_220 = vector.extract_strided_slice %get3A_169 {offsets = [5], sizes = [1], strides = [1]} : vector<16xf32> to vector<1xf32>
        %squeeze3A_221 = vector.extract %slice3A_220[0] : f32 from vector<1xf32>
        %mul3A_222 = vector.broadcast %squeeze3A_221 : f32 to vector<16xf32>
        %mul3A_223 = arith.mulf %get3A_219, %mul3A_222 : vector<16xf32>
        %swap3A_224 = arith.index_cast %scan3A_166 : i32 to index
        %swap3A_225 = arith.constant 80 : index
        %swap3A_226 = tpu.vector_load %arg14[%swap3A_224, %swap3A_225] {strides = array<i32>} : memref<80x128xf32, #tpu.memory_space<vmem>>, vector<16xf32>,
        tpu.vector_store %arg14[%swap3A_224, %swap3A_225], %mul3A_223 {strides = array<i32>} : memref<80x128xf32, #tpu.memory_space<vmem>>, vector<16xf32>,
        %get3A_227 = arith.index_cast %scan3A_166 : i32 to index
        %get3A_228 = arith.constant 96 : index
        %get3A_229 = tpu.vector_load %arg14[%get3A_227, %get3A_228] {strides = array<i32>} : memref<80x128xf32, #tpu.memory_space<vmem>>, vector<16xf32>,
        %slice3A_230 = vector.extract_strided_slice %get3A_169 {offsets = [6], sizes = [1], strides = [1]} : vector<16xf32> to vector<1xf32>
        %squeeze3A_231 = vector.extract %slice3A_230[0] : f32 from vector<1xf32>
        %mul3A_232 = vector.broadcast %squeeze3A_231 : f32 to vector<16xf32>
        %mul3A_233 = arith.mulf %get3A_229, %mul3A_232 : vector<16xf32>
        %swap3A_234 = arith.index_cast %scan3A_166 : i32 to index
        %swap3A_235 = arith.constant 96 : index
        %swap3A_236 = tpu.vector_load %arg14[%swap3A_234, %swap3A_235] {strides = array<i32>} : memref<80x128xf32, #tpu.memory_space<vmem>>, vector<16xf32>,
        tpu.vector_store %arg14[%swap3A_234, %swap3A_235], %mul3A_233 {strides = array<i32>} : memref<80x128xf32, #tpu.memory_space<vmem>>, vector<16xf32>,
        %get3A_237 = arith.index_cast %scan3A_166 : i32 to index
        %get3A_238 = arith.constant 112 : index
        %get3A_239 = tpu.vector_load %arg14[%get3A_237, %get3A_238] {strides = array<i32>} : memref<80x128xf32, #tpu.memory_space<vmem>>, vector<16xf32>,
        %slice3A_240 = vector.extract_strided_slice %get3A_169 {offsets = [7], sizes = [1], strides = [1]} : vector<16xf32> to vector<1xf32>
        %squeeze3A_241 = vector.extract %slice3A_240[0] : f32 from vector<1xf32>
        %mul3A_242 = vector.broadcast %squeeze3A_241 : f32 to vector<16xf32>
        %mul3A_243 = arith.mulf %get3A_239, %mul3A_242 : vector<16xf32>
        %swap3A_244 = arith.index_cast %scan3A_166 : i32 to index
        %swap3A_245 = arith.constant 112 : index
        %swap3A_246 = tpu.vector_load %arg14[%swap3A_244, %swap3A_245] {strides = array<i32>} : memref<80x128xf32, #tpu.memory_space<vmem>>, vector<16xf32>,
        tpu.vector_store %arg14[%swap3A_244, %swap3A_245], %mul3A_243 {strides = array<i32>} : memref<80x128xf32, #tpu.memory_space<vmem>>, vector<16xf32>,
        %scan3A_247 = arith.constant 0 : i32
        scf.yield %scan3A_247 : i32
      }
      %scan3A_160 = arith.constant 80 : i32
      "tpu.region"() ({
        %run_scoped3A_166 = tpu.sem_alloc : memref<!tpu.dma_semaphore, #tpu.memory_space<semaphore_mem>>
        %dma_start3A_167 = arith.constant 0 : i32
        %dma_start3A_168 = arith.constant 0 : i32
        %dma_start3A_169 = tpu.memref_slice %arg22[%dma_start3A_167, %dma_start3A_168] : memref<10240x128xf32, #tpu.memory_space<vmem_shared>> -> memref<10240x128xf32, #tpu.memory_space<vmem_shared>>
        tpu.enqueue_indirect_dma source(%arg14 : memref<80x128xf32, #tpu.memory_space<vmem>>) target(%dma_start3A_169 : memref<10240x128xf32, #tpu.memory_space<vmem_shared>>) offsets(%arg19 : memref<80xi32, #tpu.memory_space<vmem>>) semaphore(%run_scoped3A_166 : memref<!tpu.dma_semaphore, #tpu.memory_space<semaphore_mem>>) {add = true}
        %dma_wait3A_170 = arith.constant 0 : i32
        %dma_wait3A_171 = arith.constant 0 : i32
        %dma_wait3A_172 = tpu.memref_slice %arg22[%dma_wait3A_170, %dma_wait3A_171] : memref<10240x128xf32, #tpu.memory_space<vmem_shared>> -> memref<10240x128xf32, #tpu.memory_space<vmem_shared>>
        tpu.wait_indirect_dma semaphore(%run_scoped3A_166 : memref<!tpu.dma_semaphore, #tpu.memory_space<semaphore_mem>>) src(%arg14 : memref<80x128xf32, #tpu.memory_space<vmem>>) dst(%dma_wait3A_172 : memref<10240x128xf32, #tpu.memory_space<vmem_shared>>)
        tpu.yield
      }) : () -> ()
      %dma_wait3A_161 = arith.constant 0 : i32
      %dma_wait3A_162 = tpu.memref_slice %arg13[%add3A_122, %dma_wait3A_161] : memref<320000x16xf32, #tpu.memory_space<hbm>> -> memref<80x16xf32, #tpu.memory_space<hbm>>
      %dma_wait3A_163 = arith.constant 0 : i32
      %dma_wait3A_164 = tpu.memref_slice %arg13[%add3A_122, %dma_wait3A_163] : memref<320000x16xf32, #tpu.memory_space<hbm>> -> memref<80x16xf32, #tpu.memory_space<hbm>>
      tpu.wait_dma2 semaphore(%arg24 : memref<!tpu.dma_semaphore, #tpu.memory_space<semaphore_mem>>) src(%arg16 : memref<80x16xf32, #tpu.memory_space<vmem>>) dst(%dma_wait3A_164 : memref<80x16xf32, #tpu.memory_space<hbm>>)
      %scan3A_165 = arith.constant 0 : i32
      scf.yield %scan3A_165 : i32
    }
    %scan3A_12 = arith.constant 125 : i32
    %barrier3A_13 = arith.constant 0 : index
    tpu.barrier barrier_id(%barrier3A_13)
    %mul3A_14 = arith.constant 640 : i32
    %mul3A_15 = arith.muli %arg1, %mul3A_14 : i32
    %mul3A_16 = arith.constant 640 : i32
    %mul3A_17 = arith.muli %arg1, %mul3A_16 : i32
    "tpu.region"() ({
      %run_scoped3A_118 = tpu.sem_alloc : memref<!tpu.dma_semaphore, #tpu.memory_space<semaphore_mem>>
      %dma_start3A_119 = arith.constant 0 : i32
      %dma_start3A_120 = tpu.memref_slice %arg11[%arg0, %mul3A_17, %dma_start3A_119] : memref<2x10240x128xf32, #tpu.memory_space<hbm>> -> memref<1x640x128xf32, #tpu.memory_space<hbm>>
      %dma_start3A_121 = tpu.memref_squeeze %dma_start3A_120 : memref<1x640x128xf32, #tpu.memory_space<hbm>> -> memref<640x128xf32, #tpu.memory_space<hbm>>
      %dma_start3A_122 = arith.constant 0 : i32
      %dma_start3A_123 = tpu.memref_slice %arg22[%mul3A_15, %dma_start3A_122] : memref<10240x128xf32, #tpu.memory_space<vmem_shared>> -> memref<640x128xf32, #tpu.memory_space<vmem_shared>>
      tpu.enqueue_dma source(%dma_start3A_123 : memref<640x128xf32, #tpu.memory_space<vmem_shared>>) target(%dma_start3A_121 : memref<640x128xf32, #tpu.memory_space<hbm>>) target_semaphore(%run_scoped3A_118 : memref<!tpu.dma_semaphore, #tpu.memory_space<semaphore_mem>>)
      %dma_wait3A_124 = arith.constant 0 : i32
      %dma_wait3A_125 = tpu.memref_slice %arg11[%arg0, %mul3A_17, %dma_wait3A_124] : memref<2x10240x128xf32, #tpu.memory_space<hbm>> -> memref<1x640x128xf32, #tpu.memory_space<hbm>>
      %dma_wait3A_126 = tpu.memref_squeeze %dma_wait3A_125 : memref<1x640x128xf32, #tpu.memory_space<hbm>> -> memref<640x128xf32, #tpu.memory_space<hbm>>
      %dma_wait3A_127 = arith.constant 0 : i32
      %dma_wait3A_128 = tpu.memref_slice %arg22[%mul3A_15, %dma_wait3A_127] : memref<10240x128xf32, #tpu.memory_space<vmem_shared>> -> memref<640x128xf32, #tpu.memory_space<vmem_shared>>
      tpu.wait_dma2 semaphore(%run_scoped3A_118 : memref<!tpu.dma_semaphore, #tpu.memory_space<semaphore_mem>>) src(%dma_wait3A_128 : memref<640x128xf32, #tpu.memory_space<vmem_shared>>) dst(%dma_wait3A_126 : memref<640x128xf32, #tpu.memory_space<hbm>>)
      tpu.yield
    }) : () -> ()
    %barrier3A_18 = arith.constant 0 : index
    tpu.barrier barrier_id(%barrier3A_18)
    %mul3A_19 = arith.constant 640 : i32
    %mul3A_20 = arith.muli %arg1, %mul3A_19 : i32
    %mul3A_21 = arith.constant 640 : i32
    %mul3A_22 = arith.muli %arg1, %mul3A_21 : i32
    "tpu.region"() ({
      %run_scoped3A_118 = tpu.sem_alloc : memref<!tpu.dma_semaphore, #tpu.memory_space<semaphore_mem>>
      %dma_start3A_119 = arith.constant 0 : i32
      %dma_start3A_120 = tpu.memref_slice %arg22[%mul3A_22, %dma_start3A_119] : memref<10240x128xf32, #tpu.memory_space<vmem_shared>> -> memref<640x128xf32, #tpu.memory_space<vmem_shared>>
      %dma_start3A_121 = arith.constant 0 : i32
      %dma_start3A_122 = tpu.memref_slice %arg10[%mul3A_20, %dma_start3A_121] : memref<10240x128xf32, #tpu.memory_space<hbm>> -> memref<640x128xf32, #tpu.memory_space<hbm>>
      tpu.enqueue_dma source(%dma_start3A_122 : memref<640x128xf32, #tpu.memory_space<hbm>>) target(%dma_start3A_120 : memref<640x128xf32, #tpu.memory_space<vmem_shared>>) target_semaphore(%run_scoped3A_118 : memref<!tpu.dma_semaphore, #tpu.memory_space<semaphore_mem>>)
      %dma_wait3A_123 = arith.constant 0 : i32
      %dma_wait3A_124 = tpu.memref_slice %arg22[%mul3A_22, %dma_wait3A_123] : memref<10240x128xf32, #tpu.memory_space<vmem_shared>> -> memref<640x128xf32, #tpu.memory_space<vmem_shared>>
      %dma_wait3A_125 = arith.constant 0 : i32
      %dma_wait3A_126 = tpu.memref_slice %arg10[%mul3A_20, %dma_wait3A_125] : memref<10240x128xf32, #tpu.memory_space<hbm>> -> memref<640x128xf32, #tpu.memory_space<hbm>>
      tpu.wait_dma2 semaphore(%run_scoped3A_118 : memref<!tpu.dma_semaphore, #tpu.memory_space<semaphore_mem>>) src(%dma_wait3A_126 : memref<640x128xf32, #tpu.memory_space<hbm>>) dst(%dma_wait3A_124 : memref<640x128xf32, #tpu.memory_space<vmem_shared>>)
      tpu.yield
    }) : () -> ()
    %barrier3A_23 = arith.constant 0 : index
    tpu.barrier barrier_id(%barrier3A_23)
    "tpu.region"() ({
      %run_scoped3A_118 = tpu.sem_alloc : memref<!tpu.dma_semaphore, #tpu.memory_space<semaphore_mem>>
      %dma_start3A_119 = tpu.memref_slice %arg6[%mul3A_2] : memref<320000xi32, #tpu.memory_space<hbm>> -> memref<80xi32, #tpu.memory_space<hbm>>
      %dma_start3A_120 = tpu.memref_slice %arg6[%mul3A_2] : memref<320000xi32, #tpu.memory_space<hbm>> -> memref<80xi32, #tpu.memory_space<hbm>>
      tpu.enqueue_dma source(%dma_start3A_120 : memref<80xi32, #tpu.memory_space<hbm>>) target(%arg18 : memref<80xi32, #tpu.memory_space<vmem>>) target_semaphore(%run_scoped3A_118 : memref<!tpu.dma_semaphore, #tpu.memory_space<semaphore_mem>>)
      %dma_wait3A_121 = tpu.memref_slice %arg6[%mul3A_2] : memref<320000xi32, #tpu.memory_space<hbm>> -> memref<80xi32, #tpu.memory_space<hbm>>
      %dma_wait3A_122 = tpu.memref_slice %arg6[%mul3A_2] : memref<320000xi32, #tpu.memory_space<hbm>> -> memref<80xi32, #tpu.memory_space<hbm>>
      tpu.wait_dma2 semaphore(%run_scoped3A_118 : memref<!tpu.dma_semaphore, #tpu.memory_space<semaphore_mem>>) src(%dma_wait3A_122 : memref<80xi32, #tpu.memory_space<hbm>>) dst(%arg18 : memref<80xi32, #tpu.memory_space<vmem>>)
      tpu.yield
    }) : () -> ()
    "tpu.region"() ({
      %run_scoped3A_118 = tpu.sem_alloc : memref<!tpu.dma_semaphore, #tpu.memory_space<semaphore_mem>>
      %dma_start3A_119 = tpu.memref_slice %arg7[%mul3A_2] : memref<320000xi32, #tpu.memory_space<hbm>> -> memref<80xi32, #tpu.memory_space<hbm>>
      %dma_start3A_120 = tpu.memref_slice %arg7[%mul3A_2] : memref<320000xi32, #tpu.memory_space<hbm>> -> memref<80xi32, #tpu.memory_space<hbm>>
      tpu.enqueue_dma source(%dma_start3A_120 : memref<80xi32, #tpu.memory_space<hbm>>) target(%arg19 : memref<80xi32, #tpu.memory_space<vmem>>) target_semaphore(%run_scoped3A_118 : memref<!tpu.dma_semaphore, #tpu.memory_space<semaphore_mem>>)
      %dma_wait3A_121 = tpu.memref_slice %arg7[%mul3A_2] : memref<320000xi32, #tpu.memory_space<hbm>> -> memref<80xi32, #tpu.memory_space<hbm>>
      %dma_wait3A_122 = tpu.memref_slice %arg7[%mul3A_2] : memref<320000xi32, #tpu.memory_space<hbm>> -> memref<80xi32, #tpu.memory_space<hbm>>
      tpu.wait_dma2 semaphore(%run_scoped3A_118 : memref<!tpu.dma_semaphore, #tpu.memory_space<semaphore_mem>>) src(%dma_wait3A_122 : memref<80xi32, #tpu.memory_space<hbm>>) dst(%arg19 : memref<80xi32, #tpu.memory_space<vmem>>)
      tpu.yield
    }) : () -> ()
    %dma_start3A = arith.constant 0 : i32
    %dma_start3A_24 = arith.constant 0 : i32
    %dma_start3A_25 = tpu.memref_slice %arg3[%dma_start3A, %dma_start3A_24] : memref<10000x128xf32, #tpu.memory_space<hbm>> -> memref<10000x128xf32, #tpu.memory_space<hbm>>
    tpu.enqueue_indirect_dma source(%dma_start3A_25 : memref<10000x128xf32, #tpu.memory_space<hbm>>) target(%arg14 : memref<80x128xf32, #tpu.memory_space<vmem>>) offsets(%arg18 : memref<80xi32, #tpu.memory_space<vmem>>) semaphore(%arg23 : memref<!tpu.dma_semaphore, #tpu.memory_space<semaphore_mem>>)
    %scan3A_26 = arith.constant 0 : i32
    %scan3A_27 = arith.constant 0 : i32
    %scan3A_28 = arith.constant 62 : i32
    %scan3A_29 = arith.addi %scan3A_27, %scan3A_28 : i32
    %scan3A_30 = arith.constant 1 : i32
    %scan3A_31 = scf.for %scan3A_118 = %scan3A_27 to %scan3A_29 step %scan3A_30 iter_args(%scan3A_119 = %scan3A_26) -> (i32)  : i32 {
      %mul3A_120 = arith.constant 2 : i32
      %mul3A_121 = arith.muli %scan3A_118, %mul3A_120 : i32
      %add3A_122 = arith.constant 0 : i32
      %add3A_123 = arith.addi %mul3A_121, %add3A_122 : i32
      %mul3A_124 = arith.constant 80 : i32
      %mul3A_125 = arith.muli %add3A_123, %mul3A_124 : i32
      %add3A_126 = arith.addi %mul3A_2, %mul3A_125 : i32
      %dma_start3A_127 = arith.constant 0 : i32
      %dma_start3A_128 = tpu.memref_slice %arg13[%add3A_126, %dma_start3A_127] : memref<320000x16xf32, #tpu.memory_space<hbm>> -> memref<80x16xf32, #tpu.memory_space<hbm>>
      %dma_start3A_129 = arith.constant 0 : i32
      %dma_start3A_130 = tpu.memref_slice %arg13[%add3A_126, %dma_start3A_129] : memref<320000x16xf32, #tpu.memory_space<hbm>> -> memref<80x16xf32, #tpu.memory_space<hbm>>
      tpu.enqueue_dma source(%dma_start3A_130 : memref<80x16xf32, #tpu.memory_space<hbm>>) target(%arg16 : memref<80x16xf32, #tpu.memory_space<vmem>>) target_semaphore(%arg24 : memref<!tpu.dma_semaphore, #tpu.memory_space<semaphore_mem>>)
      %dma_wait3A_131 = arith.constant 0 : i32
      %dma_wait3A_132 = arith.constant 0 : i32
      %dma_wait3A_133 = tpu.memref_slice %arg3[%dma_wait3A_131, %dma_wait3A_132] : memref<10000x128xf32, #tpu.memory_space<hbm>> -> memref<10000x128xf32, #tpu.memory_space<hbm>>
      tpu.wait_indirect_dma semaphore(%arg23 : memref<!tpu.dma_semaphore, #tpu.memory_space<semaphore_mem>>) src(%dma_wait3A_133 : memref<10000x128xf32, #tpu.memory_space<hbm>>) dst(%arg14 : memref<80x128xf32, #tpu.memory_space<vmem>>)
      %add3A_134 = arith.constant 80 : i32
      %add3A_135 = arith.addi %add3A_126, %add3A_134 : i32
      "tpu.region"() ({
        %run_scoped3A_181 = tpu.sem_alloc : memref<!tpu.dma_semaphore, #tpu.memory_space<semaphore_mem>>
        %dma_start3A_182 = tpu.memref_slice %arg6[%add3A_135] : memref<320000xi32, #tpu.memory_space<hbm>> -> memref<80xi32, #tpu.memory_space<hbm>>
        %dma_start3A_183 = tpu.memref_slice %arg6[%add3A_135] : memref<320000xi32, #tpu.memory_space<hbm>> -> memref<80xi32, #tpu.memory_space<hbm>>
        tpu.enqueue_dma source(%dma_start3A_183 : memref<80xi32, #tpu.memory_space<hbm>>) target(%arg20 : memref<80xi32, #tpu.memory_space<vmem>>) target_semaphore(%run_scoped3A_181 : memref<!tpu.dma_semaphore, #tpu.memory_space<semaphore_mem>>)
        %dma_wait3A_184 = tpu.memref_slice %arg6[%add3A_135] : memref<320000xi32, #tpu.memory_space<hbm>> -> memref<80xi32, #tpu.memory_space<hbm>>
        %dma_wait3A_185 = tpu.memref_slice %arg6[%add3A_135] : memref<320000xi32, #tpu.memory_space<hbm>> -> memref<80xi32, #tpu.memory_space<hbm>>
        tpu.wait_dma2 semaphore(%run_scoped3A_181 : memref<!tpu.dma_semaphore, #tpu.memory_space<semaphore_mem>>) src(%dma_wait3A_185 : memref<80xi32, #tpu.memory_space<hbm>>) dst(%arg20 : memref<80xi32, #tpu.memory_space<vmem>>)
        tpu.yield
      }) : () -> ()
      "tpu.region"() ({
        %run_scoped3A_181 = tpu.sem_alloc : memref<!tpu.dma_semaphore, #tpu.memory_space<semaphore_mem>>
        %dma_start3A_182 = tpu.memref_slice %arg7[%add3A_135] : memref<320000xi32, #tpu.memory_space<hbm>> -> memref<80xi32, #tpu.memory_space<hbm>>
        %dma_start3A_183 = tpu.memref_slice %arg7[%add3A_135] : memref<320000xi32, #tpu.memory_space<hbm>> -> memref<80xi32, #tpu.memory_space<hbm>>
        tpu.enqueue_dma source(%dma_start3A_183 : memref<80xi32, #tpu.memory_space<hbm>>) target(%arg21 : memref<80xi32, #tpu.memory_space<vmem>>) target_semaphore(%run_scoped3A_181 : memref<!tpu.dma_semaphore, #tpu.memory_space<semaphore_mem>>)
        %dma_wait3A_184 = tpu.memref_slice %arg7[%add3A_135] : memref<320000xi32, #tpu.memory_space<hbm>> -> memref<80xi32, #tpu.memory_space<hbm>>
        %dma_wait3A_185 = tpu.memref_slice %arg7[%add3A_135] : memref<320000xi32, #tpu.memory_space<hbm>> -> memref<80xi32, #tpu.memory_space<hbm>>
        tpu.wait_dma2 semaphore(%run_scoped3A_181 : memref<!tpu.dma_semaphore, #tpu.memory_space<semaphore_mem>>) src(%dma_wait3A_185 : memref<80xi32, #tpu.memory_space<hbm>>) dst(%arg21 : memref<80xi32, #tpu.memory_space<vmem>>)
        tpu.yield
      }) : () -> ()
      %dma_start3A_136 = arith.constant 0 : i32
      %dma_start3A_137 = arith.constant 0 : i32
      %dma_start3A_138 = tpu.memref_slice %arg3[%dma_start3A_136, %dma_start3A_137] : memref<10000x128xf32, #tpu.memory_space<hbm>> -> memref<10000x128xf32, #tpu.memory_space<hbm>>
      tpu.enqueue_indirect_dma source(%dma_start3A_138 : memref<10000x128xf32, #tpu.memory_space<hbm>>) target(%arg15 : memref<80x128xf32, #tpu.memory_space<vmem>>) offsets(%arg20 : memref<80xi32, #tpu.memory_space<vmem>>) semaphore(%arg26 : memref<!tpu.dma_semaphore, #tpu.memory_space<semaphore_mem>>)
      %dma_wait3A_139 = arith.constant 0 : i32
      %dma_wait3A_140 = tpu.memref_slice %arg13[%add3A_126, %dma_wait3A_139] : memref<320000x16xf32, #tpu.memory_space<hbm>> -> memref<80x16xf32, #tpu.memory_space<hbm>>
      %dma_wait3A_141 = arith.constant 0 : i32
      %dma_wait3A_142 = tpu.memref_slice %arg13[%add3A_126, %dma_wait3A_141] : memref<320000x16xf32, #tpu.memory_space<hbm>> -> memref<80x16xf32, #tpu.memory_space<hbm>>
      tpu.wait_dma2 semaphore(%arg24 : memref<!tpu.dma_semaphore, #tpu.memory_space<semaphore_mem>>) src(%dma_wait3A_142 : memref<80x16xf32, #tpu.memory_space<hbm>>) dst(%arg16 : memref<80x16xf32, #tpu.memory_space<vmem>>)
      %scan3A_143 = arith.constant 0 : i32
      %scan3A_144 = arith.constant 0 : i32
      %scan3A_145 = arith.constant 80 : i32
      %scan3A_146 = arith.addi %scan3A_144, %scan3A_145 : i32
      %scan3A_147 = arith.constant 1 : i32
      %scan3A_148 = scf.for %scan3A_181 = %scan3A_144 to %scan3A_146 step %scan3A_147 iter_args(%scan3A_182 = %scan3A_143) -> (i32)  : i32 {
        %get3A = arith.index_cast %scan3A_181 : i32 to index
        %get3A_183 = arith.constant 0 : index
        %get3A_184 = tpu.vector_load %arg16[%get3A, %get3A_183] {strides = array<i32>} : memref<80x16xf32, #tpu.memory_space<vmem>>, vector<16xf32>,
        %get3A_185 = arith.index_cast %scan3A_181 : i32 to index
        %get3A_186 = arith.constant 0 : index
        %get3A_187 = tpu.vector_load %arg14[%get3A_185, %get3A_186] {strides = array<i32>} : memref<80x128xf32, #tpu.memory_space<vmem>>, vector<16xf32>,
        %slice3A = vector.extract_strided_slice %get3A_184 {offsets = [0], sizes = [1], strides = [1]} : vector<16xf32> to vector<1xf32>
        %squeeze3A = vector.extract %slice3A[0] : f32 from vector<1xf32>
        %mul3A_188 = vector.broadcast %squeeze3A : f32 to vector<16xf32>
        %mul3A_189 = arith.mulf %get3A_187, %mul3A_188 : vector<16xf32>
        %swap3A = arith.index_cast %scan3A_181 : i32 to index
        %swap3A_190 = arith.constant 0 : index
        %swap3A_191 = tpu.vector_load %arg14[%swap3A, %swap3A_190] {strides = array<i32>} : memref<80x128xf32, #tpu.memory_space<vmem>>, vector<16xf32>,
        tpu.vector_store %arg14[%swap3A, %swap3A_190], %mul3A_189 {strides = array<i32>} : memref<80x128xf32, #tpu.memory_space<vmem>>, vector<16xf32>,
        %get3A_192 = arith.index_cast %scan3A_181 : i32 to index
        %get3A_193 = arith.constant 16 : index
        %get3A_194 = tpu.vector_load %arg14[%get3A_192, %get3A_193] {strides = array<i32>} : memref<80x128xf32, #tpu.memory_space<vmem>>, vector<16xf32>,
        %slice3A_195 = vector.extract_strided_slice %get3A_184 {offsets = [1], sizes = [1], strides = [1]} : vector<16xf32> to vector<1xf32>
        %squeeze3A_196 = vector.extract %slice3A_195[0] : f32 from vector<1xf32>
        %mul3A_197 = vector.broadcast %squeeze3A_196 : f32 to vector<16xf32>
        %mul3A_198 = arith.mulf %get3A_194, %mul3A_197 : vector<16xf32>
        %swap3A_199 = arith.index_cast %scan3A_181 : i32 to index
        %swap3A_200 = arith.constant 16 : index
        %swap3A_201 = tpu.vector_load %arg14[%swap3A_199, %swap3A_200] {strides = array<i32>} : memref<80x128xf32, #tpu.memory_space<vmem>>, vector<16xf32>,
        tpu.vector_store %arg14[%swap3A_199, %swap3A_200], %mul3A_198 {strides = array<i32>} : memref<80x128xf32, #tpu.memory_space<vmem>>, vector<16xf32>,
        %get3A_202 = arith.index_cast %scan3A_181 : i32 to index
        %get3A_203 = arith.constant 32 : index
        %get3A_204 = tpu.vector_load %arg14[%get3A_202, %get3A_203] {strides = array<i32>} : memref<80x128xf32, #tpu.memory_space<vmem>>, vector<16xf32>,
        %slice3A_205 = vector.extract_strided_slice %get3A_184 {offsets = [2], sizes = [1], strides = [1]} : vector<16xf32> to vector<1xf32>
        %squeeze3A_206 = vector.extract %slice3A_205[0] : f32 from vector<1xf32>
        %mul3A_207 = vector.broadcast %squeeze3A_206 : f32 to vector<16xf32>
        %mul3A_208 = arith.mulf %get3A_204, %mul3A_207 : vector<16xf32>
        %swap3A_209 = arith.index_cast %scan3A_181 : i32 to index
        %swap3A_210 = arith.constant 32 : index
        %swap3A_211 = tpu.vector_load %arg14[%swap3A_209, %swap3A_210] {strides = array<i32>} : memref<80x128xf32, #tpu.memory_space<vmem>>, vector<16xf32>,
        tpu.vector_store %arg14[%swap3A_209, %swap3A_210], %mul3A_208 {strides = array<i32>} : memref<80x128xf32, #tpu.memory_space<vmem>>, vector<16xf32>,
        %get3A_212 = arith.index_cast %scan3A_181 : i32 to index
        %get3A_213 = arith.constant 48 : index
        %get3A_214 = tpu.vector_load %arg14[%get3A_212, %get3A_213] {strides = array<i32>} : memref<80x128xf32, #tpu.memory_space<vmem>>, vector<16xf32>,
        %slice3A_215 = vector.extract_strided_slice %get3A_184 {offsets = [3], sizes = [1], strides = [1]} : vector<16xf32> to vector<1xf32>
        %squeeze3A_216 = vector.extract %slice3A_215[0] : f32 from vector<1xf32>
        %mul3A_217 = vector.broadcast %squeeze3A_216 : f32 to vector<16xf32>
        %mul3A_218 = arith.mulf %get3A_214, %mul3A_217 : vector<16xf32>
        %swap3A_219 = arith.index_cast %scan3A_181 : i32 to index
        %swap3A_220 = arith.constant 48 : index
        %swap3A_221 = tpu.vector_load %arg14[%swap3A_219, %swap3A_220] {strides = array<i32>} : memref<80x128xf32, #tpu.memory_space<vmem>>, vector<16xf32>,
        tpu.vector_store %arg14[%swap3A_219, %swap3A_220], %mul3A_218 {strides = array<i32>} : memref<80x128xf32, #tpu.memory_space<vmem>>, vector<16xf32>,
        %get3A_222 = arith.index_cast %scan3A_181 : i32 to index
        %get3A_223 = arith.constant 64 : index
        %get3A_224 = tpu.vector_load %arg14[%get3A_222, %get3A_223] {strides = array<i32>} : memref<80x128xf32, #tpu.memory_space<vmem>>, vector<16xf32>,
        %slice3A_225 = vector.extract_strided_slice %get3A_184 {offsets = [4], sizes = [1], strides = [1]} : vector<16xf32> to vector<1xf32>
        %squeeze3A_226 = vector.extract %slice3A_225[0] : f32 from vector<1xf32>
        %mul3A_227 = vector.broadcast %squeeze3A_226 : f32 to vector<16xf32>
        %mul3A_228 = arith.mulf %get3A_224, %mul3A_227 : vector<16xf32>
        %swap3A_229 = arith.index_cast %scan3A_181 : i32 to index
        %swap3A_230 = arith.constant 64 : index
        %swap3A_231 = tpu.vector_load %arg14[%swap3A_229, %swap3A_230] {strides = array<i32>} : memref<80x128xf32, #tpu.memory_space<vmem>>, vector<16xf32>,
        tpu.vector_store %arg14[%swap3A_229, %swap3A_230], %mul3A_228 {strides = array<i32>} : memref<80x128xf32, #tpu.memory_space<vmem>>, vector<16xf32>,
        %get3A_232 = arith.index_cast %scan3A_181 : i32 to index
        %get3A_233 = arith.constant 80 : index
        %get3A_234 = tpu.vector_load %arg14[%get3A_232, %get3A_233] {strides = array<i32>} : memref<80x128xf32, #tpu.memory_space<vmem>>, vector<16xf32>,
        %slice3A_235 = vector.extract_strided_slice %get3A_184 {offsets = [5], sizes = [1], strides = [1]} : vector<16xf32> to vector<1xf32>
        %squeeze3A_236 = vector.extract %slice3A_235[0] : f32 from vector<1xf32>
        %mul3A_237 = vector.broadcast %squeeze3A_236 : f32 to vector<16xf32>
        %mul3A_238 = arith.mulf %get3A_234, %mul3A_237 : vector<16xf32>
        %swap3A_239 = arith.index_cast %scan3A_181 : i32 to index
        %swap3A_240 = arith.constant 80 : index
        %swap3A_241 = tpu.vector_load %arg14[%swap3A_239, %swap3A_240] {strides = array<i32>} : memref<80x128xf32, #tpu.memory_space<vmem>>, vector<16xf32>,
        tpu.vector_store %arg14[%swap3A_239, %swap3A_240], %mul3A_238 {strides = array<i32>} : memref<80x128xf32, #tpu.memory_space<vmem>>, vector<16xf32>,
        %get3A_242 = arith.index_cast %scan3A_181 : i32 to index
        %get3A_243 = arith.constant 96 : index
        %get3A_244 = tpu.vector_load %arg14[%get3A_242, %get3A_243] {strides = array<i32>} : memref<80x128xf32, #tpu.memory_space<vmem>>, vector<16xf32>,
        %slice3A_245 = vector.extract_strided_slice %get3A_184 {offsets = [6], sizes = [1], strides = [1]} : vector<16xf32> to vector<1xf32>
        %squeeze3A_246 = vector.extract %slice3A_245[0] : f32 from vector<1xf32>
        %mul3A_247 = vector.broadcast %squeeze3A_246 : f32 to vector<16xf32>
        %mul3A_248 = arith.mulf %get3A_244, %mul3A_247 : vector<16xf32>
        %swap3A_249 = arith.index_cast %scan3A_181 : i32 to index
        %swap3A_250 = arith.constant 96 : index
        %swap3A_251 = tpu.vector_load %arg14[%swap3A_249, %swap3A_250] {strides = array<i32>} : memref<80x128xf32, #tpu.memory_space<vmem>>, vector<16xf32>,
        tpu.vector_store %arg14[%swap3A_249, %swap3A_250], %mul3A_248 {strides = array<i32>} : memref<80x128xf32, #tpu.memory_space<vmem>>, vector<16xf32>,
        %get3A_252 = arith.index_cast %scan3A_181 : i32 to index
        %get3A_253 = arith.constant 112 : index
        %get3A_254 = tpu.vector_load %arg14[%get3A_252, %get3A_253] {strides = array<i32>} : memref<80x128xf32, #tpu.memory_space<vmem>>, vector<16xf32>,
        %slice3A_255 = vector.extract_strided_slice %get3A_184 {offsets = [7], sizes = [1], strides = [1]} : vector<16xf32> to vector<1xf32>
        %squeeze3A_256 = vector.extract %slice3A_255[0] : f32 from vector<1xf32>
        %mul3A_257 = vector.broadcast %squeeze3A_256 : f32 to vector<16xf32>
        %mul3A_258 = arith.mulf %get3A_254, %mul3A_257 : vector<16xf32>
        %swap3A_259 = arith.index_cast %scan3A_181 : i32 to index
        %swap3A_260 = arith.constant 112 : index
        %swap3A_261 = tpu.vector_load %arg14[%swap3A_259, %swap3A_260] {strides = array<i32>} : memref<80x128xf32, #tpu.memory_space<vmem>>, vector<16xf32>,
        tpu.vector_store %arg14[%swap3A_259, %swap3A_260], %mul3A_258 {strides = array<i32>} : memref<80x128xf32, #tpu.memory_space<vmem>>, vector<16xf32>,
        %scan3A_262 = arith.constant 0 : i32
        scf.yield %scan3A_262 : i32
      }
      %scan3A_149 = arith.constant 80 : i32
      "tpu.region"() ({
        %run_scoped3A_181 = tpu.sem_alloc : memref<!tpu.dma_semaphore, #tpu.memory_space<semaphore_mem>>
        %dma_start3A_182 = arith.constant 0 : i32
        %dma_start3A_183 = arith.constant 0 : i32
        %dma_start3A_184 = tpu.memref_slice %arg22[%dma_start3A_182, %dma_start3A_183] : memref<10240x128xf32, #tpu.memory_space<vmem_shared>> -> memref<10240x128xf32, #tpu.memory_space<vmem_shared>>
        tpu.enqueue_indirect_dma source(%arg14 : memref<80x128xf32, #tpu.memory_space<vmem>>) target(%dma_start3A_184 : memref<10240x128xf32, #tpu.memory_space<vmem_shared>>) offsets(%arg19 : memref<80xi32, #tpu.memory_space<vmem>>) semaphore(%run_scoped3A_181 : memref<!tpu.dma_semaphore, #tpu.memory_space<semaphore_mem>>) {add = true}
        %dma_wait3A_185 = arith.constant 0 : i32
        %dma_wait3A_186 = arith.constant 0 : i32
        %dma_wait3A_187 = tpu.memref_slice %arg22[%dma_wait3A_185, %dma_wait3A_186] : memref<10240x128xf32, #tpu.memory_space<vmem_shared>> -> memref<10240x128xf32, #tpu.memory_space<vmem_shared>>
        tpu.wait_indirect_dma semaphore(%run_scoped3A_181 : memref<!tpu.dma_semaphore, #tpu.memory_space<semaphore_mem>>) src(%arg14 : memref<80x128xf32, #tpu.memory_space<vmem>>) dst(%dma_wait3A_187 : memref<10240x128xf32, #tpu.memory_space<vmem_shared>>)
        tpu.yield
      }) : () -> ()
      %mul3A_150 = arith.constant 2 : i32
      %mul3A_151 = arith.muli %scan3A_118, %mul3A_150 : i32
      %add3A_152 = arith.constant 1 : i32
      %add3A_153 = arith.addi %mul3A_151, %add3A_152 : i32
      %mul3A_154 = arith.constant 80 : i32
      %mul3A_155 = arith.muli %add3A_153, %mul3A_154 : i32
      %add3A_156 = arith.addi %mul3A_2, %mul3A_155 : i32
      %dma_start3A_157 = arith.constant 0 : i32
      %dma_start3A_158 = tpu.memref_slice %arg13[%add3A_156, %dma_start3A_157] : memref<320000x16xf32, #tpu.memory_space<hbm>> -> memref<80x16xf32, #tpu.memory_space<hbm>>
      %dma_start3A_159 = arith.constant 0 : i32
      %dma_start3A_160 = tpu.memref_slice %arg13[%add3A_156, %dma_start3A_159] : memref<320000x16xf32, #tpu.memory_space<hbm>> -> memref<80x16xf32, #tpu.memory_space<hbm>>
      tpu.enqueue_dma source(%dma_start3A_160 : memref<80x16xf32, #tpu.memory_space<hbm>>) target(%arg16 : memref<80x16xf32, #tpu.memory_space<vmem>>) target_semaphore(%arg24 : memref<!tpu.dma_semaphore, #tpu.memory_space<semaphore_mem>>)
      %dma_wait3A_161 = arith.constant 0 : i32
      %dma_wait3A_162 = arith.constant 0 : i32
      %dma_wait3A_163 = tpu.memref_slice %arg3[%dma_wait3A_161, %dma_wait3A_162] : memref<10000x128xf32, #tpu.memory_space<hbm>> -> memref<10000x128xf32, #tpu.memory_space<hbm>>
      tpu.wait_indirect_dma semaphore(%arg26 : memref<!tpu.dma_semaphore, #tpu.memory_space<semaphore_mem>>) src(%dma_wait3A_163 : memref<10000x128xf32, #tpu.memory_space<hbm>>) dst(%arg15 : memref<80x128xf32, #tpu.memory_space<vmem>>)
      %add3A_164 = arith.constant 80 : i32
      %add3A_165 = arith.addi %add3A_156, %add3A_164 : i32
      "tpu.region"() ({
        %run_scoped3A_181 = tpu.sem_alloc : memref<!tpu.dma_semaphore, #tpu.memory_space<semaphore_mem>>
        %dma_start3A_182 = tpu.memref_slice %arg6[%add3A_165] : memref<320000xi32, #tpu.memory_space<hbm>> -> memref<80xi32, #tpu.memory_space<hbm>>
        %dma_start3A_183 = tpu.memref_slice %arg6[%add3A_165] : memref<320000xi32, #tpu.memory_space<hbm>> -> memref<80xi32, #tpu.memory_space<hbm>>
        tpu.enqueue_dma source(%dma_start3A_183 : memref<80xi32, #tpu.memory_space<hbm>>) target(%arg18 : memref<80xi32, #tpu.memory_space<vmem>>) target_semaphore(%run_scoped3A_181 : memref<!tpu.dma_semaphore, #tpu.memory_space<semaphore_mem>>)
        %dma_wait3A_184 = tpu.memref_slice %arg6[%add3A_165] : memref<320000xi32, #tpu.memory_space<hbm>> -> memref<80xi32, #tpu.memory_space<hbm>>
        %dma_wait3A_185 = tpu.memref_slice %arg6[%add3A_165] : memref<320000xi32, #tpu.memory_space<hbm>> -> memref<80xi32, #tpu.memory_space<hbm>>
        tpu.wait_dma2 semaphore(%run_scoped3A_181 : memref<!tpu.dma_semaphore, #tpu.memory_space<semaphore_mem>>) src(%dma_wait3A_185 : memref<80xi32, #tpu.memory_space<hbm>>) dst(%arg18 : memref<80xi32, #tpu.memory_space<vmem>>)
        tpu.yield
      }) : () -> ()
      "tpu.region"() ({
        %run_scoped3A_181 = tpu.sem_alloc : memref<!tpu.dma_semaphore, #tpu.memory_space<semaphore_mem>>
        %dma_start3A_182 = tpu.memref_slice %arg7[%add3A_165] : memref<320000xi32, #tpu.memory_space<hbm>> -> memref<80xi32, #tpu.memory_space<hbm>>
        %dma_start3A_183 = tpu.memref_slice %arg7[%add3A_165] : memref<320000xi32, #tpu.memory_space<hbm>> -> memref<80xi32, #tpu.memory_space<hbm>>
        tpu.enqueue_dma source(%dma_start3A_183 : memref<80xi32, #tpu.memory_space<hbm>>) target(%arg19 : memref<80xi32, #tpu.memory_space<vmem>>) target_semaphore(%run_scoped3A_181 : memref<!tpu.dma_semaphore, #tpu.memory_space<semaphore_mem>>)
        %dma_wait3A_184 = tpu.memref_slice %arg7[%add3A_165] : memref<320000xi32, #tpu.memory_space<hbm>> -> memref<80xi32, #tpu.memory_space<hbm>>
        %dma_wait3A_185 = tpu.memref_slice %arg7[%add3A_165] : memref<320000xi32, #tpu.memory_space<hbm>> -> memref<80xi32, #tpu.memory_space<hbm>>
        tpu.wait_dma2 semaphore(%run_scoped3A_181 : memref<!tpu.dma_semaphore, #tpu.memory_space<semaphore_mem>>) src(%dma_wait3A_185 : memref<80xi32, #tpu.memory_space<hbm>>) dst(%arg19 : memref<80xi32, #tpu.memory_space<vmem>>)
        tpu.yield
      }) : () -> ()
      %dma_start3A_166 = arith.constant 0 : i32
      %dma_start3A_167 = arith.constant 0 : i32
      %dma_start3A_168 = tpu.memref_slice %arg3[%dma_start3A_166, %dma_start3A_167] : memref<10000x128xf32, #tpu.memory_space<hbm>> -> memref<10000x128xf32, #tpu.memory_space<hbm>>
      tpu.enqueue_indirect_dma source(%dma_start3A_168 : memref<10000x128xf32, #tpu.memory_space<hbm>>) target(%arg14 : memref<80x128xf32, #tpu.memory_space<vmem>>) offsets(%arg18 : memref<80xi32, #tpu.memory_space<vmem>>) semaphore(%arg23 : memref<!tpu.dma_semaphore, #tpu.memory_space<semaphore_mem>>)
      %dma_wait3A_169 = arith.constant 0 : i32
      %dma_wait3A_170 = tpu.memref_slice %arg13[%add3A_156, %dma_wait3A_169] : memref<320000x16xf32, #tpu.memory_space<hbm>> -> memref<80x16xf32, #tpu.memory_space<hbm>>
      %dma_wait3A_171 = arith.constant 0 : i32
      %dma_wait3A_172 = tpu.memref_slice %arg13[%add3A_156, %dma_wait3A_171] : memref<320000x16xf32, #tpu.memory_space<hbm>> -> memref<80x16xf32, #tpu.memory_space<hbm>>
      tpu.wait_dma2 semaphore(%arg24 : memref<!tpu.dma_semaphore, #tpu.memory_space<semaphore_mem>>) src(%dma_wait3A_172 : memref<80x16xf32, #tpu.memory_space<hbm>>) dst(%arg16 : memref<80x16xf32, #tpu.memory_space<vmem>>)
      %scan3A_173 = arith.constant 0 : i32
      %scan3A_174 = arith.constant 0 : i32
      %scan3A_175 = arith.constant 80 : i32
      %scan3A_176 = arith.addi %scan3A_174, %scan3A_175 : i32
      %scan3A_177 = arith.constant 1 : i32
      %scan3A_178 = scf.for %scan3A_181 = %scan3A_174 to %scan3A_176 step %scan3A_177 iter_args(%scan3A_182 = %scan3A_173) -> (i32)  : i32 {
        %get3A = arith.index_cast %scan3A_181 : i32 to index
        %get3A_183 = arith.constant 0 : index
        %get3A_184 = tpu.vector_load %arg16[%get3A, %get3A_183] {strides = array<i32>} : memref<80x16xf32, #tpu.memory_space<vmem>>, vector<16xf32>,
        %get3A_185 = arith.index_cast %scan3A_181 : i32 to index
        %get3A_186 = arith.constant 0 : index
        %get3A_187 = tpu.vector_load %arg15[%get3A_185, %get3A_186] {strides = array<i32>} : memref<80x128xf32, #tpu.memory_space<vmem>>, vector<16xf32>,
        %slice3A = vector.extract_strided_slice %get3A_184 {offsets = [0], sizes = [1], strides = [1]} : vector<16xf32> to vector<1xf32>
        %squeeze3A = vector.extract %slice3A[0] : f32 from vector<1xf32>
        %mul3A_188 = vector.broadcast %squeeze3A : f32 to vector<16xf32>
        %mul3A_189 = arith.mulf %get3A_187, %mul3A_188 : vector<16xf32>
        %swap3A = arith.index_cast %scan3A_181 : i32 to index
        %swap3A_190 = arith.constant 0 : index
        %swap3A_191 = tpu.vector_load %arg15[%swap3A, %swap3A_190] {strides = array<i32>} : memref<80x128xf32, #tpu.memory_space<vmem>>, vector<16xf32>,
        tpu.vector_store %arg15[%swap3A, %swap3A_190], %mul3A_189 {strides = array<i32>} : memref<80x128xf32, #tpu.memory_space<vmem>>, vector<16xf32>,
        %get3A_192 = arith.index_cast %scan3A_181 : i32 to index
        %get3A_193 = arith.constant 16 : index
        %get3A_194 = tpu.vector_load %arg15[%get3A_192, %get3A_193] {strides = array<i32>} : memref<80x128xf32, #tpu.memory_space<vmem>>, vector<16xf32>,
        %slice3A_195 = vector.extract_strided_slice %get3A_184 {offsets = [1], sizes = [1], strides = [1]} : vector<16xf32> to vector<1xf32>
        %squeeze3A_196 = vector.extract %slice3A_195[0] : f32 from vector<1xf32>
        %mul3A_197 = vector.broadcast %squeeze3A_196 : f32 to vector<16xf32>
        %mul3A_198 = arith.mulf %get3A_194, %mul3A_197 : vector<16xf32>
        %swap3A_199 = arith.index_cast %scan3A_181 : i32 to index
        %swap3A_200 = arith.constant 16 : index
        %swap3A_201 = tpu.vector_load %arg15[%swap3A_199, %swap3A_200] {strides = array<i32>} : memref<80x128xf32, #tpu.memory_space<vmem>>, vector<16xf32>,
        tpu.vector_store %arg15[%swap3A_199, %swap3A_200], %mul3A_198 {strides = array<i32>} : memref<80x128xf32, #tpu.memory_space<vmem>>, vector<16xf32>,
        %get3A_202 = arith.index_cast %scan3A_181 : i32 to index
        %get3A_203 = arith.constant 32 : index
        %get3A_204 = tpu.vector_load %arg15[%get3A_202, %get3A_203] {strides = array<i32>} : memref<80x128xf32, #tpu.memory_space<vmem>>, vector<16xf32>,
        %slice3A_205 = vector.extract_strided_slice %get3A_184 {offsets = [2], sizes = [1], strides = [1]} : vector<16xf32> to vector<1xf32>
        %squeeze3A_206 = vector.extract %slice3A_205[0] : f32 from vector<1xf32>
        %mul3A_207 = vector.broadcast %squeeze3A_206 : f32 to vector<16xf32>
        %mul3A_208 = arith.mulf %get3A_204, %mul3A_207 : vector<16xf32>
        %swap3A_209 = arith.index_cast %scan3A_181 : i32 to index
        %swap3A_210 = arith.constant 32 : index
        %swap3A_211 = tpu.vector_load %arg15[%swap3A_209, %swap3A_210] {strides = array<i32>} : memref<80x128xf32, #tpu.memory_space<vmem>>, vector<16xf32>,
        tpu.vector_store %arg15[%swap3A_209, %swap3A_210], %mul3A_208 {strides = array<i32>} : memref<80x128xf32, #tpu.memory_space<vmem>>, vector<16xf32>,
        %get3A_212 = arith.index_cast %scan3A_181 : i32 to index
        %get3A_213 = arith.constant 48 : index
        %get3A_214 = tpu.vector_load %arg15[%get3A_212, %get3A_213] {strides = array<i32>} : memref<80x128xf32, #tpu.memory_space<vmem>>, vector<16xf32>,
        %slice3A_215 = vector.extract_strided_slice %get3A_184 {offsets = [3], sizes = [1], strides = [1]} : vector<16xf32> to vector<1xf32>
        %squeeze3A_216 = vector.extract %slice3A_215[0] : f32 from vector<1xf32>
        %mul3A_217 = vector.broadcast %squeeze3A_216 : f32 to vector<16xf32>
        %mul3A_218 = arith.mulf %get3A_214, %mul3A_217 : vector<16xf32>
        %swap3A_219 = arith.index_cast %scan3A_181 : i32 to index
        %swap3A_220 = arith.constant 48 : index
        %swap3A_221 = tpu.vector_load %arg15[%swap3A_219, %swap3A_220] {strides = array<i32>} : memref<80x128xf32, #tpu.memory_space<vmem>>, vector<16xf32>,
        tpu.vector_store %arg15[%swap3A_219, %swap3A_220], %mul3A_218 {strides = array<i32>} : memref<80x128xf32, #tpu.memory_space<vmem>>, vector<16xf32>,
        %get3A_222 = arith.index_cast %scan3A_181 : i32 to index
        %get3A_223 = arith.constant 64 : index
        %get3A_224 = tpu.vector_load %arg15[%get3A_222, %get3A_223] {strides = array<i32>} : memref<80x128xf32, #tpu.memory_space<vmem>>, vector<16xf32>,
        %slice3A_225 = vector.extract_strided_slice %get3A_184 {offsets = [4], sizes = [1], strides = [1]} : vector<16xf32> to vector<1xf32>
        %squeeze3A_226 = vector.extract %slice3A_225[0] : f32 from vector<1xf32>
        %mul3A_227 = vector.broadcast %squeeze3A_226 : f32 to vector<16xf32>
        %mul3A_228 = arith.mulf %get3A_224, %mul3A_227 : vector<16xf32>
        %swap3A_229 = arith.index_cast %scan3A_181 : i32 to index
        %swap3A_230 = arith.constant 64 : index
        %swap3A_231 = tpu.vector_load %arg15[%swap3A_229, %swap3A_230] {strides = array<i32>} : memref<80x128xf32, #tpu.memory_space<vmem>>, vector<16xf32>,
        tpu.vector_store %arg15[%swap3A_229, %swap3A_230], %mul3A_228 {strides = array<i32>} : memref<80x128xf32, #tpu.memory_space<vmem>>, vector<16xf32>,
        %get3A_232 = arith.index_cast %scan3A_181 : i32 to index
        %get3A_233 = arith.constant 80 : index
        %get3A_234 = tpu.vector_load %arg15[%get3A_232, %get3A_233] {strides = array<i32>} : memref<80x128xf32, #tpu.memory_space<vmem>>, vector<16xf32>,
        %slice3A_235 = vector.extract_strided_slice %get3A_184 {offsets = [5], sizes = [1], strides = [1]} : vector<16xf32> to vector<1xf32>
        %squeeze3A_236 = vector.extract %slice3A_235[0] : f32 from vector<1xf32>
        %mul3A_237 = vector.broadcast %squeeze3A_236 : f32 to vector<16xf32>
        %mul3A_238 = arith.mulf %get3A_234, %mul3A_237 : vector<16xf32>
        %swap3A_239 = arith.index_cast %scan3A_181 : i32 to index
        %swap3A_240 = arith.constant 80 : index
        %swap3A_241 = tpu.vector_load %arg15[%swap3A_239, %swap3A_240] {strides = array<i32>} : memref<80x128xf32, #tpu.memory_space<vmem>>, vector<16xf32>,
        tpu.vector_store %arg15[%swap3A_239, %swap3A_240], %mul3A_238 {strides = array<i32>} : memref<80x128xf32, #tpu.memory_space<vmem>>, vector<16xf32>,
        %get3A_242 = arith.index_cast %scan3A_181 : i32 to index
        %get3A_243 = arith.constant 96 : index
        %get3A_244 = tpu.vector_load %arg15[%get3A_242, %get3A_243] {strides = array<i32>} : memref<80x128xf32, #tpu.memory_space<vmem>>, vector<16xf32>,
        %slice3A_245 = vector.extract_strided_slice %get3A_184 {offsets = [6], sizes = [1], strides = [1]} : vector<16xf32> to vector<1xf32>
        %squeeze3A_246 = vector.extract %slice3A_245[0] : f32 from vector<1xf32>
        %mul3A_247 = vector.broadcast %squeeze3A_246 : f32 to vector<16xf32>
        %mul3A_248 = arith.mulf %get3A_244, %mul3A_247 : vector<16xf32>
        %swap3A_249 = arith.index_cast %scan3A_181 : i32 to index
        %swap3A_250 = arith.constant 96 : index
        %swap3A_251 = tpu.vector_load %arg15[%swap3A_249, %swap3A_250] {strides = array<i32>} : memref<80x128xf32, #tpu.memory_space<vmem>>, vector<16xf32>,
        tpu.vector_store %arg15[%swap3A_249, %swap3A_250], %mul3A_248 {strides = array<i32>} : memref<80x128xf32, #tpu.memory_space<vmem>>, vector<16xf32>,
        %get3A_252 = arith.index_cast %scan3A_181 : i32 to index
        %get3A_253 = arith.constant 112 : index
        %get3A_254 = tpu.vector_load %arg15[%get3A_252, %get3A_253] {strides = array<i32>} : memref<80x128xf32, #tpu.memory_space<vmem>>, vector<16xf32>,
        %slice3A_255 = vector.extract_strided_slice %get3A_184 {offsets = [7], sizes = [1], strides = [1]} : vector<16xf32> to vector<1xf32>
        %squeeze3A_256 = vector.extract %slice3A_255[0] : f32 from vector<1xf32>
        %mul3A_257 = vector.broadcast %squeeze3A_256 : f32 to vector<16xf32>
        %mul3A_258 = arith.mulf %get3A_254, %mul3A_257 : vector<16xf32>
        %swap3A_259 = arith.index_cast %scan3A_181 : i32 to index
        %swap3A_260 = arith.constant 112 : index
        %swap3A_261 = tpu.vector_load %arg15[%swap3A_259, %swap3A_260] {strides = array<i32>} : memref<80x128xf32, #tpu.memory_space<vmem>>, vector<16xf32>,
        tpu.vector_store %arg15[%swap3A_259, %swap3A_260], %mul3A_258 {strides = array<i32>} : memref<80x128xf32, #tpu.memory_space<vmem>>, vector<16xf32>,
        %scan3A_262 = arith.constant 0 : i32
        scf.yield %scan3A_262 : i32
      }
      %scan3A_179 = arith.constant 80 : i32
      "tpu.region"() ({
        %run_scoped3A_181 = tpu.sem_alloc : memref<!tpu.dma_semaphore, #tpu.memory_space<semaphore_mem>>
        %dma_start3A_182 = arith.constant 0 : i32
        %dma_start3A_183 = arith.constant 0 : i32
        %dma_start3A_184 = tpu.memref_slice %arg22[%dma_start3A_182, %dma_start3A_183] : memref<10240x128xf32, #tpu.memory_space<vmem_shared>> -> memref<10240x128xf32, #tpu.memory_space<vmem_shared>>
        tpu.enqueue_indirect_dma source(%arg15 : memref<80x128xf32, #tpu.memory_space<vmem>>) target(%dma_start3A_184 : memref<10240x128xf32, #tpu.memory_space<vmem_shared>>) offsets(%arg21 : memref<80xi32, #tpu.memory_space<vmem>>) semaphore(%run_scoped3A_181 : memref<!tpu.dma_semaphore, #tpu.memory_space<semaphore_mem>>) {add = true}
        %dma_wait3A_185 = arith.constant 0 : i32
        %dma_wait3A_186 = arith.constant 0 : i32
        %dma_wait3A_187 = tpu.memref_slice %arg22[%dma_wait3A_185, %dma_wait3A_186] : memref<10240x128xf32, #tpu.memory_space<vmem_shared>> -> memref<10240x128xf32, #tpu.memory_space<vmem_shared>>
        tpu.wait_indirect_dma semaphore(%run_scoped3A_181 : memref<!tpu.dma_semaphore, #tpu.memory_space<semaphore_mem>>) src(%arg15 : memref<80x128xf32, #tpu.memory_space<vmem>>) dst(%dma_wait3A_187 : memref<10240x128xf32, #tpu.memory_space<vmem_shared>>)
        tpu.yield
      }) : () -> ()
      %scan3A_180 = arith.constant 0 : i32
      scf.yield %scan3A_180 : i32
    }
    %scan3A_32 = arith.constant 62 : i32
    %add3A_33 = arith.constant 9920 : i32
    %add3A_34 = arith.addi %mul3A_2, %add3A_33 : i32
    %dma_wait3A = arith.constant 0 : i32
    %dma_wait3A_35 = arith.constant 0 : i32
    %dma_wait3A_36 = tpu.memref_slice %arg3[%dma_wait3A, %dma_wait3A_35] : memref<10000x128xf32, #tpu.memory_space<hbm>> -> memref<10000x128xf32, #tpu.memory_space<hbm>>
    tpu.wait_indirect_dma semaphore(%arg23 : memref<!tpu.dma_semaphore, #tpu.memory_space<semaphore_mem>>) src(%dma_wait3A_36 : memref<10000x128xf32, #tpu.memory_space<hbm>>) dst(%arg14 : memref<80x128xf32, #tpu.memory_space<vmem>>)
    "tpu.region"() ({
      %run_scoped3A_118 = tpu.sem_alloc : memref<!tpu.dma_semaphore, #tpu.memory_space<semaphore_mem>>
      %dma_start3A_119 = arith.constant 0 : i32
      %dma_start3A_120 = tpu.memref_slice %arg13[%add3A_34, %dma_start3A_119] : memref<320000x16xf32, #tpu.memory_space<hbm>> -> memref<80x16xf32, #tpu.memory_space<hbm>>
      %dma_start3A_121 = arith.constant 0 : i32
      %dma_start3A_122 = tpu.memref_slice %arg13[%add3A_34, %dma_start3A_121] : memref<320000x16xf32, #tpu.memory_space<hbm>> -> memref<80x16xf32, #tpu.memory_space<hbm>>
      tpu.enqueue_dma source(%dma_start3A_122 : memref<80x16xf32, #tpu.memory_space<hbm>>) target(%arg16 : memref<80x16xf32, #tpu.memory_space<vmem>>) target_semaphore(%run_scoped3A_118 : memref<!tpu.dma_semaphore, #tpu.memory_space<semaphore_mem>>)
      %dma_wait3A_123 = arith.constant 0 : i32
      %dma_wait3A_124 = tpu.memref_slice %arg13[%add3A_34, %dma_wait3A_123] : memref<320000x16xf32, #tpu.memory_space<hbm>> -> memref<80x16xf32, #tpu.memory_space<hbm>>
      %dma_wait3A_125 = arith.constant 0 : i32
      %dma_wait3A_126 = tpu.memref_slice %arg13[%add3A_34, %dma_wait3A_125] : memref<320000x16xf32, #tpu.memory_space<hbm>> -> memref<80x16xf32, #tpu.memory_space<hbm>>
      tpu.wait_dma2 semaphore(%run_scoped3A_118 : memref<!tpu.dma_semaphore, #tpu.memory_space<semaphore_mem>>) src(%dma_wait3A_126 : memref<80x16xf32, #tpu.memory_space<hbm>>) dst(%arg16 : memref<80x16xf32, #tpu.memory_space<vmem>>)
      tpu.yield
    }) : () -> ()
    %scan3A_37 = arith.constant 0 : i32
    %scan3A_38 = arith.constant 0 : i32
    %scan3A_39 = arith.constant 80 : i32
    %scan3A_40 = arith.addi %scan3A_38, %scan3A_39 : i32
    %scan3A_41 = arith.constant 1 : i32
    %scan3A_42 = scf.for %scan3A_118 = %scan3A_38 to %scan3A_40 step %scan3A_41 iter_args(%scan3A_119 = %scan3A_37) -> (i32)  : i32 {
      %get3A = arith.index_cast %scan3A_118 : i32 to index
      %get3A_120 = arith.constant 0 : index
      %get3A_121 = tpu.vector_load %arg16[%get3A, %get3A_120] {strides = array<i32>} : memref<80x16xf32, #tpu.memory_space<vmem>>, vector<16xf32>,
      %get3A_122 = arith.index_cast %scan3A_118 : i32 to index
      %get3A_123 = arith.constant 0 : index
      %get3A_124 = tpu.vector_load %arg14[%get3A_122, %get3A_123] {strides = array<i32>} : memref<80x128xf32, #tpu.memory_space<vmem>>, vector<16xf32>,
      %slice3A = vector.extract_strided_slice %get3A_121 {offsets = [0], sizes = [1], strides = [1]} : vector<16xf32> to vector<1xf32>
      %squeeze3A = vector.extract %slice3A[0] : f32 from vector<1xf32>
      %mul3A_125 = vector.broadcast %squeeze3A : f32 to vector<16xf32>
      %mul3A_126 = arith.mulf %get3A_124, %mul3A_125 : vector<16xf32>
      %swap3A = arith.index_cast %scan3A_118 : i32 to index
      %swap3A_127 = arith.constant 0 : index
      %swap3A_128 = tpu.vector_load %arg14[%swap3A, %swap3A_127] {strides = array<i32>} : memref<80x128xf32, #tpu.memory_space<vmem>>, vector<16xf32>,
      tpu.vector_store %arg14[%swap3A, %swap3A_127], %mul3A_126 {strides = array<i32>} : memref<80x128xf32, #tpu.memory_space<vmem>>, vector<16xf32>,
      %get3A_129 = arith.index_cast %scan3A_118 : i32 to index
      %get3A_130 = arith.constant 16 : index
      %get3A_131 = tpu.vector_load %arg14[%get3A_129, %get3A_130] {strides = array<i32>} : memref<80x128xf32, #tpu.memory_space<vmem>>, vector<16xf32>,
      %slice3A_132 = vector.extract_strided_slice %get3A_121 {offsets = [1], sizes = [1], strides = [1]} : vector<16xf32> to vector<1xf32>
      %squeeze3A_133 = vector.extract %slice3A_132[0] : f32 from vector<1xf32>
      %mul3A_134 = vector.broadcast %squeeze3A_133 : f32 to vector<16xf32>
      %mul3A_135 = arith.mulf %get3A_131, %mul3A_134 : vector<16xf32>
      %swap3A_136 = arith.index_cast %scan3A_118 : i32 to index
      %swap3A_137 = arith.constant 16 : index
      %swap3A_138 = tpu.vector_load %arg14[%swap3A_136, %swap3A_137] {strides = array<i32>} : memref<80x128xf32, #tpu.memory_space<vmem>>, vector<16xf32>,
      tpu.vector_store %arg14[%swap3A_136, %swap3A_137], %mul3A_135 {strides = array<i32>} : memref<80x128xf32, #tpu.memory_space<vmem>>, vector<16xf32>,
      %get3A_139 = arith.index_cast %scan3A_118 : i32 to index
      %get3A_140 = arith.constant 32 : index
      %get3A_141 = tpu.vector_load %arg14[%get3A_139, %get3A_140] {strides = array<i32>} : memref<80x128xf32, #tpu.memory_space<vmem>>, vector<16xf32>,
      %slice3A_142 = vector.extract_strided_slice %get3A_121 {offsets = [2], sizes = [1], strides = [1]} : vector<16xf32> to vector<1xf32>
      %squeeze3A_143 = vector.extract %slice3A_142[0] : f32 from vector<1xf32>
      %mul3A_144 = vector.broadcast %squeeze3A_143 : f32 to vector<16xf32>
      %mul3A_145 = arith.mulf %get3A_141, %mul3A_144 : vector<16xf32>
      %swap3A_146 = arith.index_cast %scan3A_118 : i32 to index
      %swap3A_147 = arith.constant 32 : index
      %swap3A_148 = tpu.vector_load %arg14[%swap3A_146, %swap3A_147] {strides = array<i32>} : memref<80x128xf32, #tpu.memory_space<vmem>>, vector<16xf32>,
      tpu.vector_store %arg14[%swap3A_146, %swap3A_147], %mul3A_145 {strides = array<i32>} : memref<80x128xf32, #tpu.memory_space<vmem>>, vector<16xf32>,
      %get3A_149 = arith.index_cast %scan3A_118 : i32 to index
      %get3A_150 = arith.constant 48 : index
      %get3A_151 = tpu.vector_load %arg14[%get3A_149, %get3A_150] {strides = array<i32>} : memref<80x128xf32, #tpu.memory_space<vmem>>, vector<16xf32>,
      %slice3A_152 = vector.extract_strided_slice %get3A_121 {offsets = [3], sizes = [1], strides = [1]} : vector<16xf32> to vector<1xf32>
      %squeeze3A_153 = vector.extract %slice3A_152[0] : f32 from vector<1xf32>
      %mul3A_154 = vector.broadcast %squeeze3A_153 : f32 to vector<16xf32>
      %mul3A_155 = arith.mulf %get3A_151, %mul3A_154 : vector<16xf32>
      %swap3A_156 = arith.index_cast %scan3A_118 : i32 to index
      %swap3A_157 = arith.constant 48 : index
      %swap3A_158 = tpu.vector_load %arg14[%swap3A_156, %swap3A_157] {strides = array<i32>} : memref<80x128xf32, #tpu.memory_space<vmem>>, vector<16xf32>,
      tpu.vector_store %arg14[%swap3A_156, %swap3A_157], %mul3A_155 {strides = array<i32>} : memref<80x128xf32, #tpu.memory_space<vmem>>, vector<16xf32>,
      %get3A_159 = arith.index_cast %scan3A_118 : i32 to index
      %get3A_160 = arith.constant 64 : index
      %get3A_161 = tpu.vector_load %arg14[%get3A_159, %get3A_160] {strides = array<i32>} : memref<80x128xf32, #tpu.memory_space<vmem>>, vector<16xf32>,
      %slice3A_162 = vector.extract_strided_slice %get3A_121 {offsets = [4], sizes = [1], strides = [1]} : vector<16xf32> to vector<1xf32>
      %squeeze3A_163 = vector.extract %slice3A_162[0] : f32 from vector<1xf32>
      %mul3A_164 = vector.broadcast %squeeze3A_163 : f32 to vector<16xf32>
      %mul3A_165 = arith.mulf %get3A_161, %mul3A_164 : vector<16xf32>
      %swap3A_166 = arith.index_cast %scan3A_118 : i32 to index
      %swap3A_167 = arith.constant 64 : index
      %swap3A_168 = tpu.vector_load %arg14[%swap3A_166, %swap3A_167] {strides = array<i32>} : memref<80x128xf32, #tpu.memory_space<vmem>>, vector<16xf32>,
      tpu.vector_store %arg14[%swap3A_166, %swap3A_167], %mul3A_165 {strides = array<i32>} : memref<80x128xf32, #tpu.memory_space<vmem>>, vector<16xf32>,
      %get3A_169 = arith.index_cast %scan3A_118 : i32 to index
      %get3A_170 = arith.constant 80 : index
      %get3A_171 = tpu.vector_load %arg14[%get3A_169, %get3A_170] {strides = array<i32>} : memref<80x128xf32, #tpu.memory_space<vmem>>, vector<16xf32>,
      %slice3A_172 = vector.extract_strided_slice %get3A_121 {offsets = [5], sizes = [1], strides = [1]} : vector<16xf32> to vector<1xf32>
      %squeeze3A_173 = vector.extract %slice3A_172[0] : f32 from vector<1xf32>
      %mul3A_174 = vector.broadcast %squeeze3A_173 : f32 to vector<16xf32>
      %mul3A_175 = arith.mulf %get3A_171, %mul3A_174 : vector<16xf32>
      %swap3A_176 = arith.index_cast %scan3A_118 : i32 to index
      %swap3A_177 = arith.constant 80 : index
      %swap3A_178 = tpu.vector_load %arg14[%swap3A_176, %swap3A_177] {strides = array<i32>} : memref<80x128xf32, #tpu.memory_space<vmem>>, vector<16xf32>,
      tpu.vector_store %arg14[%swap3A_176, %swap3A_177], %mul3A_175 {strides = array<i32>} : memref<80x128xf32, #tpu.memory_space<vmem>>, vector<16xf32>,
      %get3A_179 = arith.index_cast %scan3A_118 : i32 to index
      %get3A_180 = arith.constant 96 : index
      %get3A_181 = tpu.vector_load %arg14[%get3A_179, %get3A_180] {strides = array<i32>} : memref<80x128xf32, #tpu.memory_space<vmem>>, vector<16xf32>,
      %slice3A_182 = vector.extract_strided_slice %get3A_121 {offsets = [6], sizes = [1], strides = [1]} : vector<16xf32> to vector<1xf32>
      %squeeze3A_183 = vector.extract %slice3A_182[0] : f32 from vector<1xf32>
      %mul3A_184 = vector.broadcast %squeeze3A_183 : f32 to vector<16xf32>
      %mul3A_185 = arith.mulf %get3A_181, %mul3A_184 : vector<16xf32>
      %swap3A_186 = arith.index_cast %scan3A_118 : i32 to index
      %swap3A_187 = arith.constant 96 : index
      %swap3A_188 = tpu.vector_load %arg14[%swap3A_186, %swap3A_187] {strides = array<i32>} : memref<80x128xf32, #tpu.memory_space<vmem>>, vector<16xf32>,
      tpu.vector_store %arg14[%swap3A_186, %swap3A_187], %mul3A_185 {strides = array<i32>} : memref<80x128xf32, #tpu.memory_space<vmem>>, vector<16xf32>,
      %get3A_189 = arith.index_cast %scan3A_118 : i32 to index
      %get3A_190 = arith.constant 112 : index
      %get3A_191 = tpu.vector_load %arg14[%get3A_189, %get3A_190] {strides = array<i32>} : memref<80x128xf32, #tpu.memory_space<vmem>>, vector<16xf32>,
      %slice3A_192 = vector.extract_strided_slice %get3A_121 {offsets = [7], sizes = [1], strides = [1]} : vector<16xf32> to vector<1xf32>
      %squeeze3A_193 = vector.extract %slice3A_192[0] : f32 from vector<1xf32>
      %mul3A_194 = vector.broadcast %squeeze3A_193 : f32 to vector<16xf32>
      %mul3A_195 = arith.mulf %get3A_191, %mul3A_194 : vector<16xf32>
      %swap3A_196 = arith.index_cast %scan3A_118 : i32 to index
      %swap3A_197 = arith.constant 112 : index
      %swap3A_198 = tpu.vector_load %arg14[%swap3A_196, %swap3A_197] {strides = array<i32>} : memref<80x128xf32, #tpu.memory_space<vmem>>, vector<16xf32>,
      tpu.vector_store %arg14[%swap3A_196, %swap3A_197], %mul3A_195 {strides = array<i32>} : memref<80x128xf32, #tpu.memory_space<vmem>>, vector<16xf32>,
      %scan3A_199 = arith.constant 0 : i32
      scf.yield %scan3A_199 : i32
    }
    %scan3A_43 = arith.constant 80 : i32
    "tpu.region"() ({
      %run_scoped3A_118 = tpu.sem_alloc : memref<!tpu.dma_semaphore, #tpu.memory_space<semaphore_mem>>
      %dma_start3A_119 = arith.constant 0 : i32
      %dma_start3A_120 = arith.constant 0 : i32
      %dma_start3A_121 = tpu.memref_slice %arg22[%dma_start3A_119, %dma_start3A_120] : memref<10240x128xf32, #tpu.memory_space<vmem_shared>> -> memref<10240x128xf32, #tpu.memory_space<vmem_shared>>
      tpu.enqueue_indirect_dma source(%arg14 : memref<80x128xf32, #tpu.memory_space<vmem>>) target(%dma_start3A_121 : memref<10240x128xf32, #tpu.memory_space<vmem_shared>>) offsets(%arg19 : memref<80xi32, #tpu.memory_space<vmem>>) semaphore(%run_scoped3A_118 : memref<!tpu.dma_semaphore, #tpu.memory_space<semaphore_mem>>) {add = true}
      %dma_wait3A_122 = arith.constant 0 : i32
      %dma_wait3A_123 = arith.constant 0 : i32
      %dma_wait3A_124 = tpu.memref_slice %arg22[%dma_wait3A_122, %dma_wait3A_123] : memref<10240x128xf32, #tpu.memory_space<vmem_shared>> -> memref<10240x128xf32, #tpu.memory_space<vmem_shared>>
      tpu.wait_indirect_dma semaphore(%run_scoped3A_118 : memref<!tpu.dma_semaphore, #tpu.memory_space<semaphore_mem>>) src(%arg14 : memref<80x128xf32, #tpu.memory_space<vmem>>) dst(%dma_wait3A_124 : memref<10240x128xf32, #tpu.memory_space<vmem_shared>>)
      tpu.yield
    }) : () -> ()
    %barrier3A_44 = arith.constant 0 : index
    tpu.barrier barrier_id(%barrier3A_44)
    %mul3A_45 = arith.constant 640 : i32
    %mul3A_46 = arith.muli %arg1, %mul3A_45 : i32
    %mul3A_47 = arith.constant 640 : i32
    %mul3A_48 = arith.muli %arg1, %mul3A_47 : i32
    %run_scoped3A = arith.constant 0 : i32
    "tpu.region"() ({
      %run_scoped3A_118 = tpu.sem_alloc : memref<!tpu.dma_semaphore, #tpu.memory_space<semaphore_mem>>
      %dma_start3A_119 = arith.constant 0 : i32
      %dma_start3A_120 = tpu.memref_slice %arg12[%arg0, %run_scoped3A, %mul3A_48, %dma_start3A_119] : memref<2x3x10240x128xf32, #tpu.memory_space<hbm>> -> memref<1x1x640x128xf32, #tpu.memory_space<hbm>>
      %dma_start3A_121 = tpu.memref_squeeze %dma_start3A_120 : memref<1x1x640x128xf32, #tpu.memory_space<hbm>> -> memref<640x128xf32, #tpu.memory_space<hbm>>
      %dma_start3A_122 = arith.constant 0 : i32
      %dma_start3A_123 = tpu.memref_slice %arg22[%mul3A_46, %dma_start3A_122] : memref<10240x128xf32, #tpu.memory_space<vmem_shared>> -> memref<640x128xf32, #tpu.memory_space<vmem_shared>>
      tpu.enqueue_dma source(%dma_start3A_123 : memref<640x128xf32, #tpu.memory_space<vmem_shared>>) target(%dma_start3A_121 : memref<640x128xf32, #tpu.memory_space<hbm>>) target_semaphore(%run_scoped3A_118 : memref<!tpu.dma_semaphore, #tpu.memory_space<semaphore_mem>>)
      %dma_wait3A_124 = arith.constant 0 : i32
      %dma_wait3A_125 = tpu.memref_slice %arg12[%arg0, %run_scoped3A, %mul3A_48, %dma_wait3A_124] : memref<2x3x10240x128xf32, #tpu.memory_space<hbm>> -> memref<1x1x640x128xf32, #tpu.memory_space<hbm>>
      %dma_wait3A_126 = tpu.memref_squeeze %dma_wait3A_125 : memref<1x1x640x128xf32, #tpu.memory_space<hbm>> -> memref<640x128xf32, #tpu.memory_space<hbm>>
      %dma_wait3A_127 = arith.constant 0 : i32
      %dma_wait3A_128 = tpu.memref_slice %arg22[%mul3A_46, %dma_wait3A_127] : memref<10240x128xf32, #tpu.memory_space<vmem_shared>> -> memref<640x128xf32, #tpu.memory_space<vmem_shared>>
      tpu.wait_dma2 semaphore(%run_scoped3A_118 : memref<!tpu.dma_semaphore, #tpu.memory_space<semaphore_mem>>) src(%dma_wait3A_128 : memref<640x128xf32, #tpu.memory_space<vmem_shared>>) dst(%dma_wait3A_126 : memref<640x128xf32, #tpu.memory_space<hbm>>)
      tpu.yield
    }) : () -> ()
    %barrier3A_49 = arith.constant 0 : index
    tpu.barrier barrier_id(%barrier3A_49)
    %mul3A_50 = arith.constant 640 : i32
    %mul3A_51 = arith.muli %arg1, %mul3A_50 : i32
    %mul3A_52 = arith.constant 640 : i32
    %mul3A_53 = arith.muli %arg1, %mul3A_52 : i32
    "tpu.region"() ({
      %run_scoped3A_118 = tpu.sem_alloc : memref<!tpu.dma_semaphore, #tpu.memory_space<semaphore_mem>>
      %dma_start3A_119 = arith.constant 0 : i32
      %dma_start3A_120 = tpu.memref_slice %arg22[%mul3A_53, %dma_start3A_119] : memref<10240x128xf32, #tpu.memory_space<vmem_shared>> -> memref<640x128xf32, #tpu.memory_space<vmem_shared>>
      %dma_start3A_121 = arith.constant 0 : i32
      %dma_start3A_122 = tpu.memref_slice %arg10[%mul3A_51, %dma_start3A_121] : memref<10240x128xf32, #tpu.memory_space<hbm>> -> memref<640x128xf32, #tpu.memory_space<hbm>>
      tpu.enqueue_dma source(%dma_start3A_122 : memref<640x128xf32, #tpu.memory_space<hbm>>) target(%dma_start3A_120 : memref<640x128xf32, #tpu.memory_space<vmem_shared>>) target_semaphore(%run_scoped3A_118 : memref<!tpu.dma_semaphore, #tpu.memory_space<semaphore_mem>>)
      %dma_wait3A_123 = arith.constant 0 : i32
      %dma_wait3A_124 = tpu.memref_slice %arg22[%mul3A_53, %dma_wait3A_123] : memref<10240x128xf32, #tpu.memory_space<vmem_shared>> -> memref<640x128xf32, #tpu.memory_space<vmem_shared>>
      %dma_wait3A_125 = arith.constant 0 : i32
      %dma_wait3A_126 = tpu.memref_slice %arg10[%mul3A_51, %dma_wait3A_125] : memref<10240x128xf32, #tpu.memory_space<hbm>> -> memref<640x128xf32, #tpu.memory_space<hbm>>
      tpu.wait_dma2 semaphore(%run_scoped3A_118 : memref<!tpu.dma_semaphore, #tpu.memory_space<semaphore_mem>>) src(%dma_wait3A_126 : memref<640x128xf32, #tpu.memory_space<hbm>>) dst(%dma_wait3A_124 : memref<640x128xf32, #tpu.memory_space<vmem_shared>>)
      tpu.yield
    }) : () -> ()
    %barrier3A_54 = arith.constant 0 : index
    tpu.barrier barrier_id(%barrier3A_54)
    "tpu.region"() ({
      %run_scoped3A_118 = tpu.sem_alloc : memref<!tpu.dma_semaphore, #tpu.memory_space<semaphore_mem>>
      %dma_start3A_119 = tpu.memref_slice %arg6[%mul3A_2] : memref<320000xi32, #tpu.memory_space<hbm>> -> memref<80xi32, #tpu.memory_space<hbm>>
      %dma_start3A_120 = tpu.memref_slice %arg6[%mul3A_2] : memref<320000xi32, #tpu.memory_space<hbm>> -> memref<80xi32, #tpu.memory_space<hbm>>
      tpu.enqueue_dma source(%dma_start3A_120 : memref<80xi32, #tpu.memory_space<hbm>>) target(%arg18 : memref<80xi32, #tpu.memory_space<vmem>>) target_semaphore(%run_scoped3A_118 : memref<!tpu.dma_semaphore, #tpu.memory_space<semaphore_mem>>)
      %dma_wait3A_121 = tpu.memref_slice %arg6[%mul3A_2] : memref<320000xi32, #tpu.memory_space<hbm>> -> memref<80xi32, #tpu.memory_space<hbm>>
      %dma_wait3A_122 = tpu.memref_slice %arg6[%mul3A_2] : memref<320000xi32, #tpu.memory_space<hbm>> -> memref<80xi32, #tpu.memory_space<hbm>>
      tpu.wait_dma2 semaphore(%run_scoped3A_118 : memref<!tpu.dma_semaphore, #tpu.memory_space<semaphore_mem>>) src(%dma_wait3A_122 : memref<80xi32, #tpu.memory_space<hbm>>) dst(%arg18 : memref<80xi32, #tpu.memory_space<vmem>>)
      tpu.yield
    }) : () -> ()
    "tpu.region"() ({
      %run_scoped3A_118 = tpu.sem_alloc : memref<!tpu.dma_semaphore, #tpu.memory_space<semaphore_mem>>
      %dma_start3A_119 = tpu.memref_slice %arg7[%mul3A_2] : memref<320000xi32, #tpu.memory_space<hbm>> -> memref<80xi32, #tpu.memory_space<hbm>>
      %dma_start3A_120 = tpu.memref_slice %arg7[%mul3A_2] : memref<320000xi32, #tpu.memory_space<hbm>> -> memref<80xi32, #tpu.memory_space<hbm>>
      tpu.enqueue_dma source(%dma_start3A_120 : memref<80xi32, #tpu.memory_space<hbm>>) target(%arg19 : memref<80xi32, #tpu.memory_space<vmem>>) target_semaphore(%run_scoped3A_118 : memref<!tpu.dma_semaphore, #tpu.memory_space<semaphore_mem>>)
      %dma_wait3A_121 = tpu.memref_slice %arg7[%mul3A_2] : memref<320000xi32, #tpu.memory_space<hbm>> -> memref<80xi32, #tpu.memory_space<hbm>>
      %dma_wait3A_122 = tpu.memref_slice %arg7[%mul3A_2] : memref<320000xi32, #tpu.memory_space<hbm>> -> memref<80xi32, #tpu.memory_space<hbm>>
      tpu.wait_dma2 semaphore(%run_scoped3A_118 : memref<!tpu.dma_semaphore, #tpu.memory_space<semaphore_mem>>) src(%dma_wait3A_122 : memref<80xi32, #tpu.memory_space<hbm>>) dst(%arg19 : memref<80xi32, #tpu.memory_space<vmem>>)
      tpu.yield
    }) : () -> ()
    %dma_start3A_55 = arith.constant 0 : i32
    %dma_start3A_56 = arith.constant 0 : i32
    %dma_start3A_57 = tpu.memref_slice %arg4[%dma_start3A_55, %dma_start3A_56] : memref<10000x128xf32, #tpu.memory_space<hbm>> -> memref<10000x128xf32, #tpu.memory_space<hbm>>
    tpu.enqueue_indirect_dma source(%dma_start3A_57 : memref<10000x128xf32, #tpu.memory_space<hbm>>) target(%arg14 : memref<80x128xf32, #tpu.memory_space<vmem>>) offsets(%arg18 : memref<80xi32, #tpu.memory_space<vmem>>) semaphore(%arg23 : memref<!tpu.dma_semaphore, #tpu.memory_space<semaphore_mem>>)
    %scan3A_58 = arith.constant 0 : i32
    %scan3A_59 = arith.constant 0 : i32
    %scan3A_60 = arith.constant 62 : i32
    %scan3A_61 = arith.addi %scan3A_59, %scan3A_60 : i32
    %scan3A_62 = arith.constant 1 : i32
    %scan3A_63 = scf.for %scan3A_118 = %scan3A_59 to %scan3A_61 step %scan3A_62 iter_args(%scan3A_119 = %scan3A_58) -> (i32)  : i32 {
      %mul3A_120 = arith.constant 2 : i32
      %mul3A_121 = arith.muli %scan3A_118, %mul3A_120 : i32
      %add3A_122 = arith.constant 0 : i32
      %add3A_123 = arith.addi %mul3A_121, %add3A_122 : i32
      %mul3A_124 = arith.constant 80 : i32
      %mul3A_125 = arith.muli %add3A_123, %mul3A_124 : i32
      %add3A_126 = arith.addi %mul3A_2, %mul3A_125 : i32
      %dma_start3A_127 = arith.constant 0 : i32
      %dma_start3A_128 = tpu.memref_slice %arg13[%add3A_126, %dma_start3A_127] : memref<320000x16xf32, #tpu.memory_space<hbm>> -> memref<80x16xf32, #tpu.memory_space<hbm>>
      %dma_start3A_129 = arith.constant 0 : i32
      %dma_start3A_130 = tpu.memref_slice %arg13[%add3A_126, %dma_start3A_129] : memref<320000x16xf32, #tpu.memory_space<hbm>> -> memref<80x16xf32, #tpu.memory_space<hbm>>
      tpu.enqueue_dma source(%dma_start3A_130 : memref<80x16xf32, #tpu.memory_space<hbm>>) target(%arg16 : memref<80x16xf32, #tpu.memory_space<vmem>>) target_semaphore(%arg24 : memref<!tpu.dma_semaphore, #tpu.memory_space<semaphore_mem>>)
      %dma_wait3A_131 = arith.constant 0 : i32
      %dma_wait3A_132 = arith.constant 0 : i32
      %dma_wait3A_133 = tpu.memref_slice %arg4[%dma_wait3A_131, %dma_wait3A_132] : memref<10000x128xf32, #tpu.memory_space<hbm>> -> memref<10000x128xf32, #tpu.memory_space<hbm>>
      tpu.wait_indirect_dma semaphore(%arg23 : memref<!tpu.dma_semaphore, #tpu.memory_space<semaphore_mem>>) src(%dma_wait3A_133 : memref<10000x128xf32, #tpu.memory_space<hbm>>) dst(%arg14 : memref<80x128xf32, #tpu.memory_space<vmem>>)
      %add3A_134 = arith.constant 80 : i32
      %add3A_135 = arith.addi %add3A_126, %add3A_134 : i32
      "tpu.region"() ({
        %run_scoped3A_181 = tpu.sem_alloc : memref<!tpu.dma_semaphore, #tpu.memory_space<semaphore_mem>>
        %dma_start3A_182 = tpu.memref_slice %arg6[%add3A_135] : memref<320000xi32, #tpu.memory_space<hbm>> -> memref<80xi32, #tpu.memory_space<hbm>>
        %dma_start3A_183 = tpu.memref_slice %arg6[%add3A_135] : memref<320000xi32, #tpu.memory_space<hbm>> -> memref<80xi32, #tpu.memory_space<hbm>>
        tpu.enqueue_dma source(%dma_start3A_183 : memref<80xi32, #tpu.memory_space<hbm>>) target(%arg20 : memref<80xi32, #tpu.memory_space<vmem>>) target_semaphore(%run_scoped3A_181 : memref<!tpu.dma_semaphore, #tpu.memory_space<semaphore_mem>>)
        %dma_wait3A_184 = tpu.memref_slice %arg6[%add3A_135] : memref<320000xi32, #tpu.memory_space<hbm>> -> memref<80xi32, #tpu.memory_space<hbm>>
        %dma_wait3A_185 = tpu.memref_slice %arg6[%add3A_135] : memref<320000xi32, #tpu.memory_space<hbm>> -> memref<80xi32, #tpu.memory_space<hbm>>
        tpu.wait_dma2 semaphore(%run_scoped3A_181 : memref<!tpu.dma_semaphore, #tpu.memory_space<semaphore_mem>>) src(%dma_wait3A_185 : memref<80xi32, #tpu.memory_space<hbm>>) dst(%arg20 : memref<80xi32, #tpu.memory_space<vmem>>)
        tpu.yield
      }) : () -> ()
      "tpu.region"() ({
        %run_scoped3A_181 = tpu.sem_alloc : memref<!tpu.dma_semaphore, #tpu.memory_space<semaphore_mem>>
        %dma_start3A_182 = tpu.memref_slice %arg7[%add3A_135] : memref<320000xi32, #tpu.memory_space<hbm>> -> memref<80xi32, #tpu.memory_space<hbm>>
        %dma_start3A_183 = tpu.memref_slice %arg7[%add3A_135] : memref<320000xi32, #tpu.memory_space<hbm>> -> memref<80xi32, #tpu.memory_space<hbm>>
        tpu.enqueue_dma source(%dma_start3A_183 : memref<80xi32, #tpu.memory_space<hbm>>) target(%arg21 : memref<80xi32, #tpu.memory_space<vmem>>) target_semaphore(%run_scoped3A_181 : memref<!tpu.dma_semaphore, #tpu.memory_space<semaphore_mem>>)
        %dma_wait3A_184 = tpu.memref_slice %arg7[%add3A_135] : memref<320000xi32, #tpu.memory_space<hbm>> -> memref<80xi32, #tpu.memory_space<hbm>>
        %dma_wait3A_185 = tpu.memref_slice %arg7[%add3A_135] : memref<320000xi32, #tpu.memory_space<hbm>> -> memref<80xi32, #tpu.memory_space<hbm>>
        tpu.wait_dma2 semaphore(%run_scoped3A_181 : memref<!tpu.dma_semaphore, #tpu.memory_space<semaphore_mem>>) src(%dma_wait3A_185 : memref<80xi32, #tpu.memory_space<hbm>>) dst(%arg21 : memref<80xi32, #tpu.memory_space<vmem>>)
        tpu.yield
      }) : () -> ()
      %dma_start3A_136 = arith.constant 0 : i32
      %dma_start3A_137 = arith.constant 0 : i32
      %dma_start3A_138 = tpu.memref_slice %arg4[%dma_start3A_136, %dma_start3A_137] : memref<10000x128xf32, #tpu.memory_space<hbm>> -> memref<10000x128xf32, #tpu.memory_space<hbm>>
      tpu.enqueue_indirect_dma source(%dma_start3A_138 : memref<10000x128xf32, #tpu.memory_space<hbm>>) target(%arg15 : memref<80x128xf32, #tpu.memory_space<vmem>>) offsets(%arg20 : memref<80xi32, #tpu.memory_space<vmem>>) semaphore(%arg26 : memref<!tpu.dma_semaphore, #tpu.memory_space<semaphore_mem>>)
      %dma_wait3A_139 = arith.constant 0 : i32
      %dma_wait3A_140 = tpu.memref_slice %arg13[%add3A_126, %dma_wait3A_139] : memref<320000x16xf32, #tpu.memory_space<hbm>> -> memref<80x16xf32, #tpu.memory_space<hbm>>
      %dma_wait3A_141 = arith.constant 0 : i32
      %dma_wait3A_142 = tpu.memref_slice %arg13[%add3A_126, %dma_wait3A_141] : memref<320000x16xf32, #tpu.memory_space<hbm>> -> memref<80x16xf32, #tpu.memory_space<hbm>>
      tpu.wait_dma2 semaphore(%arg24 : memref<!tpu.dma_semaphore, #tpu.memory_space<semaphore_mem>>) src(%dma_wait3A_142 : memref<80x16xf32, #tpu.memory_space<hbm>>) dst(%arg16 : memref<80x16xf32, #tpu.memory_space<vmem>>)
      %scan3A_143 = arith.constant 0 : i32
      %scan3A_144 = arith.constant 0 : i32
      %scan3A_145 = arith.constant 80 : i32
      %scan3A_146 = arith.addi %scan3A_144, %scan3A_145 : i32
      %scan3A_147 = arith.constant 1 : i32
      %scan3A_148 = scf.for %scan3A_181 = %scan3A_144 to %scan3A_146 step %scan3A_147 iter_args(%scan3A_182 = %scan3A_143) -> (i32)  : i32 {
        %get3A = arith.index_cast %scan3A_181 : i32 to index
        %get3A_183 = arith.constant 0 : index
        %get3A_184 = tpu.vector_load %arg16[%get3A, %get3A_183] {strides = array<i32>} : memref<80x16xf32, #tpu.memory_space<vmem>>, vector<16xf32>,
        %get3A_185 = arith.index_cast %scan3A_181 : i32 to index
        %get3A_186 = arith.constant 0 : index
        %get3A_187 = tpu.vector_load %arg14[%get3A_185, %get3A_186] {strides = array<i32>} : memref<80x128xf32, #tpu.memory_space<vmem>>, vector<16xf32>,
        %slice3A = vector.extract_strided_slice %get3A_184 {offsets = [0], sizes = [1], strides = [1]} : vector<16xf32> to vector<1xf32>
        %squeeze3A = vector.extract %slice3A[0] : f32 from vector<1xf32>
        %mul3A_188 = vector.broadcast %squeeze3A : f32 to vector<16xf32>
        %mul3A_189 = arith.mulf %get3A_187, %mul3A_188 : vector<16xf32>
        %swap3A = arith.index_cast %scan3A_181 : i32 to index
        %swap3A_190 = arith.constant 0 : index
        %swap3A_191 = tpu.vector_load %arg14[%swap3A, %swap3A_190] {strides = array<i32>} : memref<80x128xf32, #tpu.memory_space<vmem>>, vector<16xf32>,
        tpu.vector_store %arg14[%swap3A, %swap3A_190], %mul3A_189 {strides = array<i32>} : memref<80x128xf32, #tpu.memory_space<vmem>>, vector<16xf32>,
        %get3A_192 = arith.index_cast %scan3A_181 : i32 to index
        %get3A_193 = arith.constant 16 : index
        %get3A_194 = tpu.vector_load %arg14[%get3A_192, %get3A_193] {strides = array<i32>} : memref<80x128xf32, #tpu.memory_space<vmem>>, vector<16xf32>,
        %slice3A_195 = vector.extract_strided_slice %get3A_184 {offsets = [1], sizes = [1], strides = [1]} : vector<16xf32> to vector<1xf32>
        %squeeze3A_196 = vector.extract %slice3A_195[0] : f32 from vector<1xf32>
        %mul3A_197 = vector.broadcast %squeeze3A_196 : f32 to vector<16xf32>
        %mul3A_198 = arith.mulf %get3A_194, %mul3A_197 : vector<16xf32>
        %swap3A_199 = arith.index_cast %scan3A_181 : i32 to index
        %swap3A_200 = arith.constant 16 : index
        %swap3A_201 = tpu.vector_load %arg14[%swap3A_199, %swap3A_200] {strides = array<i32>} : memref<80x128xf32, #tpu.memory_space<vmem>>, vector<16xf32>,
        tpu.vector_store %arg14[%swap3A_199, %swap3A_200], %mul3A_198 {strides = array<i32>} : memref<80x128xf32, #tpu.memory_space<vmem>>, vector<16xf32>,
        %get3A_202 = arith.index_cast %scan3A_181 : i32 to index
        %get3A_203 = arith.constant 32 : index
        %get3A_204 = tpu.vector_load %arg14[%get3A_202, %get3A_203] {strides = array<i32>} : memref<80x128xf32, #tpu.memory_space<vmem>>, vector<16xf32>,
        %slice3A_205 = vector.extract_strided_slice %get3A_184 {offsets = [2], sizes = [1], strides = [1]} : vector<16xf32> to vector<1xf32>
        %squeeze3A_206 = vector.extract %slice3A_205[0] : f32 from vector<1xf32>
        %mul3A_207 = vector.broadcast %squeeze3A_206 : f32 to vector<16xf32>
        %mul3A_208 = arith.mulf %get3A_204, %mul3A_207 : vector<16xf32>
        %swap3A_209 = arith.index_cast %scan3A_181 : i32 to index
        %swap3A_210 = arith.constant 32 : index
        %swap3A_211 = tpu.vector_load %arg14[%swap3A_209, %swap3A_210] {strides = array<i32>} : memref<80x128xf32, #tpu.memory_space<vmem>>, vector<16xf32>,
        tpu.vector_store %arg14[%swap3A_209, %swap3A_210], %mul3A_208 {strides = array<i32>} : memref<80x128xf32, #tpu.memory_space<vmem>>, vector<16xf32>,
        %get3A_212 = arith.index_cast %scan3A_181 : i32 to index
        %get3A_213 = arith.constant 48 : index
        %get3A_214 = tpu.vector_load %arg14[%get3A_212, %get3A_213] {strides = array<i32>} : memref<80x128xf32, #tpu.memory_space<vmem>>, vector<16xf32>,
        %slice3A_215 = vector.extract_strided_slice %get3A_184 {offsets = [3], sizes = [1], strides = [1]} : vector<16xf32> to vector<1xf32>
        %squeeze3A_216 = vector.extract %slice3A_215[0] : f32 from vector<1xf32>
        %mul3A_217 = vector.broadcast %squeeze3A_216 : f32 to vector<16xf32>
        %mul3A_218 = arith.mulf %get3A_214, %mul3A_217 : vector<16xf32>
        %swap3A_219 = arith.index_cast %scan3A_181 : i32 to index
        %swap3A_220 = arith.constant 48 : index
        %swap3A_221 = tpu.vector_load %arg14[%swap3A_219, %swap3A_220] {strides = array<i32>} : memref<80x128xf32, #tpu.memory_space<vmem>>, vector<16xf32>,
        tpu.vector_store %arg14[%swap3A_219, %swap3A_220], %mul3A_218 {strides = array<i32>} : memref<80x128xf32, #tpu.memory_space<vmem>>, vector<16xf32>,
        %get3A_222 = arith.index_cast %scan3A_181 : i32 to index
        %get3A_223 = arith.constant 64 : index
        %get3A_224 = tpu.vector_load %arg14[%get3A_222, %get3A_223] {strides = array<i32>} : memref<80x128xf32, #tpu.memory_space<vmem>>, vector<16xf32>,
        %slice3A_225 = vector.extract_strided_slice %get3A_184 {offsets = [4], sizes = [1], strides = [1]} : vector<16xf32> to vector<1xf32>
        %squeeze3A_226 = vector.extract %slice3A_225[0] : f32 from vector<1xf32>
        %mul3A_227 = vector.broadcast %squeeze3A_226 : f32 to vector<16xf32>
        %mul3A_228 = arith.mulf %get3A_224, %mul3A_227 : vector<16xf32>
        %swap3A_229 = arith.index_cast %scan3A_181 : i32 to index
        %swap3A_230 = arith.constant 64 : index
        %swap3A_231 = tpu.vector_load %arg14[%swap3A_229, %swap3A_230] {strides = array<i32>} : memref<80x128xf32, #tpu.memory_space<vmem>>, vector<16xf32>,
        tpu.vector_store %arg14[%swap3A_229, %swap3A_230], %mul3A_228 {strides = array<i32>} : memref<80x128xf32, #tpu.memory_space<vmem>>, vector<16xf32>,
        %get3A_232 = arith.index_cast %scan3A_181 : i32 to index
        %get3A_233 = arith.constant 80 : index
        %get3A_234 = tpu.vector_load %arg14[%get3A_232, %get3A_233] {strides = array<i32>} : memref<80x128xf32, #tpu.memory_space<vmem>>, vector<16xf32>,
        %slice3A_235 = vector.extract_strided_slice %get3A_184 {offsets = [5], sizes = [1], strides = [1]} : vector<16xf32> to vector<1xf32>
        %squeeze3A_236 = vector.extract %slice3A_235[0] : f32 from vector<1xf32>
        %mul3A_237 = vector.broadcast %squeeze3A_236 : f32 to vector<16xf32>
        %mul3A_238 = arith.mulf %get3A_234, %mul3A_237 : vector<16xf32>
        %swap3A_239 = arith.index_cast %scan3A_181 : i32 to index
        %swap3A_240 = arith.constant 80 : index
        %swap3A_241 = tpu.vector_load %arg14[%swap3A_239, %swap3A_240] {strides = array<i32>} : memref<80x128xf32, #tpu.memory_space<vmem>>, vector<16xf32>,
        tpu.vector_store %arg14[%swap3A_239, %swap3A_240], %mul3A_238 {strides = array<i32>} : memref<80x128xf32, #tpu.memory_space<vmem>>, vector<16xf32>,
        %get3A_242 = arith.index_cast %scan3A_181 : i32 to index
        %get3A_243 = arith.constant 96 : index
        %get3A_244 = tpu.vector_load %arg14[%get3A_242, %get3A_243] {strides = array<i32>} : memref<80x128xf32, #tpu.memory_space<vmem>>, vector<16xf32>,
        %slice3A_245 = vector.extract_strided_slice %get3A_184 {offsets = [6], sizes = [1], strides = [1]} : vector<16xf32> to vector<1xf32>
        %squeeze3A_246 = vector.extract %slice3A_245[0] : f32 from vector<1xf32>
        %mul3A_247 = vector.broadcast %squeeze3A_246 : f32 to vector<16xf32>
        %mul3A_248 = arith.mulf %get3A_244, %mul3A_247 : vector<16xf32>
        %swap3A_249 = arith.index_cast %scan3A_181 : i32 to index
        %swap3A_250 = arith.constant 96 : index
        %swap3A_251 = tpu.vector_load %arg14[%swap3A_249, %swap3A_250] {strides = array<i32>} : memref<80x128xf32, #tpu.memory_space<vmem>>, vector<16xf32>,
        tpu.vector_store %arg14[%swap3A_249, %swap3A_250], %mul3A_248 {strides = array<i32>} : memref<80x128xf32, #tpu.memory_space<vmem>>, vector<16xf32>,
        %get3A_252 = arith.index_cast %scan3A_181 : i32 to index
        %get3A_253 = arith.constant 112 : index
        %get3A_254 = tpu.vector_load %arg14[%get3A_252, %get3A_253] {strides = array<i32>} : memref<80x128xf32, #tpu.memory_space<vmem>>, vector<16xf32>,
        %slice3A_255 = vector.extract_strided_slice %get3A_184 {offsets = [7], sizes = [1], strides = [1]} : vector<16xf32> to vector<1xf32>
        %squeeze3A_256 = vector.extract %slice3A_255[0] : f32 from vector<1xf32>
        %mul3A_257 = vector.broadcast %squeeze3A_256 : f32 to vector<16xf32>
        %mul3A_258 = arith.mulf %get3A_254, %mul3A_257 : vector<16xf32>
        %swap3A_259 = arith.index_cast %scan3A_181 : i32 to index
        %swap3A_260 = arith.constant 112 : index
        %swap3A_261 = tpu.vector_load %arg14[%swap3A_259, %swap3A_260] {strides = array<i32>} : memref<80x128xf32, #tpu.memory_space<vmem>>, vector<16xf32>,
        tpu.vector_store %arg14[%swap3A_259, %swap3A_260], %mul3A_258 {strides = array<i32>} : memref<80x128xf32, #tpu.memory_space<vmem>>, vector<16xf32>,
        %scan3A_262 = arith.constant 0 : i32
        scf.yield %scan3A_262 : i32
      }
      %scan3A_149 = arith.constant 80 : i32
      "tpu.region"() ({
        %run_scoped3A_181 = tpu.sem_alloc : memref<!tpu.dma_semaphore, #tpu.memory_space<semaphore_mem>>
        %dma_start3A_182 = arith.constant 0 : i32
        %dma_start3A_183 = arith.constant 0 : i32
        %dma_start3A_184 = tpu.memref_slice %arg22[%dma_start3A_182, %dma_start3A_183] : memref<10240x128xf32, #tpu.memory_space<vmem_shared>> -> memref<10240x128xf32, #tpu.memory_space<vmem_shared>>
        tpu.enqueue_indirect_dma source(%arg14 : memref<80x128xf32, #tpu.memory_space<vmem>>) target(%dma_start3A_184 : memref<10240x128xf32, #tpu.memory_space<vmem_shared>>) offsets(%arg19 : memref<80xi32, #tpu.memory_space<vmem>>) semaphore(%run_scoped3A_181 : memref<!tpu.dma_semaphore, #tpu.memory_space<semaphore_mem>>) {add = true}
        %dma_wait3A_185 = arith.constant 0 : i32
        %dma_wait3A_186 = arith.constant 0 : i32
        %dma_wait3A_187 = tpu.memref_slice %arg22[%dma_wait3A_185, %dma_wait3A_186] : memref<10240x128xf32, #tpu.memory_space<vmem_shared>> -> memref<10240x128xf32, #tpu.memory_space<vmem_shared>>
        tpu.wait_indirect_dma semaphore(%run_scoped3A_181 : memref<!tpu.dma_semaphore, #tpu.memory_space<semaphore_mem>>) src(%arg14 : memref<80x128xf32, #tpu.memory_space<vmem>>) dst(%dma_wait3A_187 : memref<10240x128xf32, #tpu.memory_space<vmem_shared>>)
        tpu.yield
      }) : () -> ()
      %mul3A_150 = arith.constant 2 : i32
      %mul3A_151 = arith.muli %scan3A_118, %mul3A_150 : i32
      %add3A_152 = arith.constant 1 : i32
      %add3A_153 = arith.addi %mul3A_151, %add3A_152 : i32
      %mul3A_154 = arith.constant 80 : i32
      %mul3A_155 = arith.muli %add3A_153, %mul3A_154 : i32
      %add3A_156 = arith.addi %mul3A_2, %mul3A_155 : i32
      %dma_start3A_157 = arith.constant 0 : i32
      %dma_start3A_158 = tpu.memref_slice %arg13[%add3A_156, %dma_start3A_157] : memref<320000x16xf32, #tpu.memory_space<hbm>> -> memref<80x16xf32, #tpu.memory_space<hbm>>
      %dma_start3A_159 = arith.constant 0 : i32
      %dma_start3A_160 = tpu.memref_slice %arg13[%add3A_156, %dma_start3A_159] : memref<320000x16xf32, #tpu.memory_space<hbm>> -> memref<80x16xf32, #tpu.memory_space<hbm>>
      tpu.enqueue_dma source(%dma_start3A_160 : memref<80x16xf32, #tpu.memory_space<hbm>>) target(%arg16 : memref<80x16xf32, #tpu.memory_space<vmem>>) target_semaphore(%arg24 : memref<!tpu.dma_semaphore, #tpu.memory_space<semaphore_mem>>)
      %dma_wait3A_161 = arith.constant 0 : i32
      %dma_wait3A_162 = arith.constant 0 : i32
      %dma_wait3A_163 = tpu.memref_slice %arg4[%dma_wait3A_161, %dma_wait3A_162] : memref<10000x128xf32, #tpu.memory_space<hbm>> -> memref<10000x128xf32, #tpu.memory_space<hbm>>
      tpu.wait_indirect_dma semaphore(%arg26 : memref<!tpu.dma_semaphore, #tpu.memory_space<semaphore_mem>>) src(%dma_wait3A_163 : memref<10000x128xf32, #tpu.memory_space<hbm>>) dst(%arg15 : memref<80x128xf32, #tpu.memory_space<vmem>>)
      %add3A_164 = arith.constant 80 : i32
      %add3A_165 = arith.addi %add3A_156, %add3A_164 : i32
      "tpu.region"() ({
        %run_scoped3A_181 = tpu.sem_alloc : memref<!tpu.dma_semaphore, #tpu.memory_space<semaphore_mem>>
        %dma_start3A_182 = tpu.memref_slice %arg6[%add3A_165] : memref<320000xi32, #tpu.memory_space<hbm>> -> memref<80xi32, #tpu.memory_space<hbm>>
        %dma_start3A_183 = tpu.memref_slice %arg6[%add3A_165] : memref<320000xi32, #tpu.memory_space<hbm>> -> memref<80xi32, #tpu.memory_space<hbm>>
        tpu.enqueue_dma source(%dma_start3A_183 : memref<80xi32, #tpu.memory_space<hbm>>) target(%arg18 : memref<80xi32, #tpu.memory_space<vmem>>) target_semaphore(%run_scoped3A_181 : memref<!tpu.dma_semaphore, #tpu.memory_space<semaphore_mem>>)
        %dma_wait3A_184 = tpu.memref_slice %arg6[%add3A_165] : memref<320000xi32, #tpu.memory_space<hbm>> -> memref<80xi32, #tpu.memory_space<hbm>>
        %dma_wait3A_185 = tpu.memref_slice %arg6[%add3A_165] : memref<320000xi32, #tpu.memory_space<hbm>> -> memref<80xi32, #tpu.memory_space<hbm>>
        tpu.wait_dma2 semaphore(%run_scoped3A_181 : memref<!tpu.dma_semaphore, #tpu.memory_space<semaphore_mem>>) src(%dma_wait3A_185 : memref<80xi32, #tpu.memory_space<hbm>>) dst(%arg18 : memref<80xi32, #tpu.memory_space<vmem>>)
        tpu.yield
      }) : () -> ()
      "tpu.region"() ({
        %run_scoped3A_181 = tpu.sem_alloc : memref<!tpu.dma_semaphore, #tpu.memory_space<semaphore_mem>>
        %dma_start3A_182 = tpu.memref_slice %arg7[%add3A_165] : memref<320000xi32, #tpu.memory_space<hbm>> -> memref<80xi32, #tpu.memory_space<hbm>>
        %dma_start3A_183 = tpu.memref_slice %arg7[%add3A_165] : memref<320000xi32, #tpu.memory_space<hbm>> -> memref<80xi32, #tpu.memory_space<hbm>>
        tpu.enqueue_dma source(%dma_start3A_183 : memref<80xi32, #tpu.memory_space<hbm>>) target(%arg19 : memref<80xi32, #tpu.memory_space<vmem>>) target_semaphore(%run_scoped3A_181 : memref<!tpu.dma_semaphore, #tpu.memory_space<semaphore_mem>>)
        %dma_wait3A_184 = tpu.memref_slice %arg7[%add3A_165] : memref<320000xi32, #tpu.memory_space<hbm>> -> memref<80xi32, #tpu.memory_space<hbm>>
        %dma_wait3A_185 = tpu.memref_slice %arg7[%add3A_165] : memref<320000xi32, #tpu.memory_space<hbm>> -> memref<80xi32, #tpu.memory_space<hbm>>
        tpu.wait_dma2 semaphore(%run_scoped3A_181 : memref<!tpu.dma_semaphore, #tpu.memory_space<semaphore_mem>>) src(%dma_wait3A_185 : memref<80xi32, #tpu.memory_space<hbm>>) dst(%arg19 : memref<80xi32, #tpu.memory_space<vmem>>)
        tpu.yield
      }) : () -> ()
      %dma_start3A_166 = arith.constant 0 : i32
      %dma_start3A_167 = arith.constant 0 : i32
      %dma_start3A_168 = tpu.memref_slice %arg4[%dma_start3A_166, %dma_start3A_167] : memref<10000x128xf32, #tpu.memory_space<hbm>> -> memref<10000x128xf32, #tpu.memory_space<hbm>>
      tpu.enqueue_indirect_dma source(%dma_start3A_168 : memref<10000x128xf32, #tpu.memory_space<hbm>>) target(%arg14 : memref<80x128xf32, #tpu.memory_space<vmem>>) offsets(%arg18 : memref<80xi32, #tpu.memory_space<vmem>>) semaphore(%arg23 : memref<!tpu.dma_semaphore, #tpu.memory_space<semaphore_mem>>)
      %dma_wait3A_169 = arith.constant 0 : i32
      %dma_wait3A_170 = tpu.memref_slice %arg13[%add3A_156, %dma_wait3A_169] : memref<320000x16xf32, #tpu.memory_space<hbm>> -> memref<80x16xf32, #tpu.memory_space<hbm>>
      %dma_wait3A_171 = arith.constant 0 : i32
      %dma_wait3A_172 = tpu.memref_slice %arg13[%add3A_156, %dma_wait3A_171] : memref<320000x16xf32, #tpu.memory_space<hbm>> -> memref<80x16xf32, #tpu.memory_space<hbm>>
      tpu.wait_dma2 semaphore(%arg24 : memref<!tpu.dma_semaphore, #tpu.memory_space<semaphore_mem>>) src(%dma_wait3A_172 : memref<80x16xf32, #tpu.memory_space<hbm>>) dst(%arg16 : memref<80x16xf32, #tpu.memory_space<vmem>>)
      %scan3A_173 = arith.constant 0 : i32
      %scan3A_174 = arith.constant 0 : i32
      %scan3A_175 = arith.constant 80 : i32
      %scan3A_176 = arith.addi %scan3A_174, %scan3A_175 : i32
      %scan3A_177 = arith.constant 1 : i32
      %scan3A_178 = scf.for %scan3A_181 = %scan3A_174 to %scan3A_176 step %scan3A_177 iter_args(%scan3A_182 = %scan3A_173) -> (i32)  : i32 {
        %get3A = arith.index_cast %scan3A_181 : i32 to index
        %get3A_183 = arith.constant 0 : index
        %get3A_184 = tpu.vector_load %arg16[%get3A, %get3A_183] {strides = array<i32>} : memref<80x16xf32, #tpu.memory_space<vmem>>, vector<16xf32>,
        %get3A_185 = arith.index_cast %scan3A_181 : i32 to index
        %get3A_186 = arith.constant 0 : index
        %get3A_187 = tpu.vector_load %arg15[%get3A_185, %get3A_186] {strides = array<i32>} : memref<80x128xf32, #tpu.memory_space<vmem>>, vector<16xf32>,
        %slice3A = vector.extract_strided_slice %get3A_184 {offsets = [0], sizes = [1], strides = [1]} : vector<16xf32> to vector<1xf32>
        %squeeze3A = vector.extract %slice3A[0] : f32 from vector<1xf32>
        %mul3A_188 = vector.broadcast %squeeze3A : f32 to vector<16xf32>
        %mul3A_189 = arith.mulf %get3A_187, %mul3A_188 : vector<16xf32>
        %swap3A = arith.index_cast %scan3A_181 : i32 to index
        %swap3A_190 = arith.constant 0 : index
        %swap3A_191 = tpu.vector_load %arg15[%swap3A, %swap3A_190] {strides = array<i32>} : memref<80x128xf32, #tpu.memory_space<vmem>>, vector<16xf32>,
        tpu.vector_store %arg15[%swap3A, %swap3A_190], %mul3A_189 {strides = array<i32>} : memref<80x128xf32, #tpu.memory_space<vmem>>, vector<16xf32>,
        %get3A_192 = arith.index_cast %scan3A_181 : i32 to index
        %get3A_193 = arith.constant 16 : index
        %get3A_194 = tpu.vector_load %arg15[%get3A_192, %get3A_193] {strides = array<i32>} : memref<80x128xf32, #tpu.memory_space<vmem>>, vector<16xf32>,
        %slice3A_195 = vector.extract_strided_slice %get3A_184 {offsets = [1], sizes = [1], strides = [1]} : vector<16xf32> to vector<1xf32>
        %squeeze3A_196 = vector.extract %slice3A_195[0] : f32 from vector<1xf32>
        %mul3A_197 = vector.broadcast %squeeze3A_196 : f32 to vector<16xf32>
        %mul3A_198 = arith.mulf %get3A_194, %mul3A_197 : vector<16xf32>
        %swap3A_199 = arith.index_cast %scan3A_181 : i32 to index
        %swap3A_200 = arith.constant 16 : index
        %swap3A_201 = tpu.vector_load %arg15[%swap3A_199, %swap3A_200] {strides = array<i32>} : memref<80x128xf32, #tpu.memory_space<vmem>>, vector<16xf32>,
        tpu.vector_store %arg15[%swap3A_199, %swap3A_200], %mul3A_198 {strides = array<i32>} : memref<80x128xf32, #tpu.memory_space<vmem>>, vector<16xf32>,
        %get3A_202 = arith.index_cast %scan3A_181 : i32 to index
        %get3A_203 = arith.constant 32 : index
        %get3A_204 = tpu.vector_load %arg15[%get3A_202, %get3A_203] {strides = array<i32>} : memref<80x128xf32, #tpu.memory_space<vmem>>, vector<16xf32>,
        %slice3A_205 = vector.extract_strided_slice %get3A_184 {offsets = [2], sizes = [1], strides = [1]} : vector<16xf32> to vector<1xf32>
        %squeeze3A_206 = vector.extract %slice3A_205[0] : f32 from vector<1xf32>
        %mul3A_207 = vector.broadcast %squeeze3A_206 : f32 to vector<16xf32>
        %mul3A_208 = arith.mulf %get3A_204, %mul3A_207 : vector<16xf32>
        %swap3A_209 = arith.index_cast %scan3A_181 : i32 to index
        %swap3A_210 = arith.constant 32 : index
        %swap3A_211 = tpu.vector_load %arg15[%swap3A_209, %swap3A_210] {strides = array<i32>} : memref<80x128xf32, #tpu.memory_space<vmem>>, vector<16xf32>,
        tpu.vector_store %arg15[%swap3A_209, %swap3A_210], %mul3A_208 {strides = array<i32>} : memref<80x128xf32, #tpu.memory_space<vmem>>, vector<16xf32>,
        %get3A_212 = arith.index_cast %scan3A_181 : i32 to index
        %get3A_213 = arith.constant 48 : index
        %get3A_214 = tpu.vector_load %arg15[%get3A_212, %get3A_213] {strides = array<i32>} : memref<80x128xf32, #tpu.memory_space<vmem>>, vector<16xf32>,
        %slice3A_215 = vector.extract_strided_slice %get3A_184 {offsets = [3], sizes = [1], strides = [1]} : vector<16xf32> to vector<1xf32>
        %squeeze3A_216 = vector.extract %slice3A_215[0] : f32 from vector<1xf32>
        %mul3A_217 = vector.broadcast %squeeze3A_216 : f32 to vector<16xf32>
        %mul3A_218 = arith.mulf %get3A_214, %mul3A_217 : vector<16xf32>
        %swap3A_219 = arith.index_cast %scan3A_181 : i32 to index
        %swap3A_220 = arith.constant 48 : index
        %swap3A_221 = tpu.vector_load %arg15[%swap3A_219, %swap3A_220] {strides = array<i32>} : memref<80x128xf32, #tpu.memory_space<vmem>>, vector<16xf32>,
        tpu.vector_store %arg15[%swap3A_219, %swap3A_220], %mul3A_218 {strides = array<i32>} : memref<80x128xf32, #tpu.memory_space<vmem>>, vector<16xf32>,
        %get3A_222 = arith.index_cast %scan3A_181 : i32 to index
        %get3A_223 = arith.constant 64 : index
        %get3A_224 = tpu.vector_load %arg15[%get3A_222, %get3A_223] {strides = array<i32>} : memref<80x128xf32, #tpu.memory_space<vmem>>, vector<16xf32>,
        %slice3A_225 = vector.extract_strided_slice %get3A_184 {offsets = [4], sizes = [1], strides = [1]} : vector<16xf32> to vector<1xf32>
        %squeeze3A_226 = vector.extract %slice3A_225[0] : f32 from vector<1xf32>
        %mul3A_227 = vector.broadcast %squeeze3A_226 : f32 to vector<16xf32>
        %mul3A_228 = arith.mulf %get3A_224, %mul3A_227 : vector<16xf32>
        %swap3A_229 = arith.index_cast %scan3A_181 : i32 to index
        %swap3A_230 = arith.constant 64 : index
        %swap3A_231 = tpu.vector_load %arg15[%swap3A_229, %swap3A_230] {strides = array<i32>} : memref<80x128xf32, #tpu.memory_space<vmem>>, vector<16xf32>,
        tpu.vector_store %arg15[%swap3A_229, %swap3A_230], %mul3A_228 {strides = array<i32>} : memref<80x128xf32, #tpu.memory_space<vmem>>, vector<16xf32>,
        %get3A_232 = arith.index_cast %scan3A_181 : i32 to index
        %get3A_233 = arith.constant 80 : index
        %get3A_234 = tpu.vector_load %arg15[%get3A_232, %get3A_233] {strides = array<i32>} : memref<80x128xf32, #tpu.memory_space<vmem>>, vector<16xf32>,
        %slice3A_235 = vector.extract_strided_slice %get3A_184 {offsets = [5], sizes = [1], strides = [1]} : vector<16xf32> to vector<1xf32>
        %squeeze3A_236 = vector.extract %slice3A_235[0] : f32 from vector<1xf32>
        %mul3A_237 = vector.broadcast %squeeze3A_236 : f32 to vector<16xf32>
        %mul3A_238 = arith.mulf %get3A_234, %mul3A_237 : vector<16xf32>
        %swap3A_239 = arith.index_cast %scan3A_181 : i32 to index
        %swap3A_240 = arith.constant 80 : index
        %swap3A_241 = tpu.vector_load %arg15[%swap3A_239, %swap3A_240] {strides = array<i32>} : memref<80x128xf32, #tpu.memory_space<vmem>>, vector<16xf32>,
        tpu.vector_store %arg15[%swap3A_239, %swap3A_240], %mul3A_238 {strides = array<i32>} : memref<80x128xf32, #tpu.memory_space<vmem>>, vector<16xf32>,
        %get3A_242 = arith.index_cast %scan3A_181 : i32 to index
        %get3A_243 = arith.constant 96 : index
        %get3A_244 = tpu.vector_load %arg15[%get3A_242, %get3A_243] {strides = array<i32>} : memref<80x128xf32, #tpu.memory_space<vmem>>, vector<16xf32>,
        %slice3A_245 = vector.extract_strided_slice %get3A_184 {offsets = [6], sizes = [1], strides = [1]} : vector<16xf32> to vector<1xf32>
        %squeeze3A_246 = vector.extract %slice3A_245[0] : f32 from vector<1xf32>
        %mul3A_247 = vector.broadcast %squeeze3A_246 : f32 to vector<16xf32>
        %mul3A_248 = arith.mulf %get3A_244, %mul3A_247 : vector<16xf32>
        %swap3A_249 = arith.index_cast %scan3A_181 : i32 to index
        %swap3A_250 = arith.constant 96 : index
        %swap3A_251 = tpu.vector_load %arg15[%swap3A_249, %swap3A_250] {strides = array<i32>} : memref<80x128xf32, #tpu.memory_space<vmem>>, vector<16xf32>,
        tpu.vector_store %arg15[%swap3A_249, %swap3A_250], %mul3A_248 {strides = array<i32>} : memref<80x128xf32, #tpu.memory_space<vmem>>, vector<16xf32>,
        %get3A_252 = arith.index_cast %scan3A_181 : i32 to index
        %get3A_253 = arith.constant 112 : index
        %get3A_254 = tpu.vector_load %arg15[%get3A_252, %get3A_253] {strides = array<i32>} : memref<80x128xf32, #tpu.memory_space<vmem>>, vector<16xf32>,
        %slice3A_255 = vector.extract_strided_slice %get3A_184 {offsets = [7], sizes = [1], strides = [1]} : vector<16xf32> to vector<1xf32>
        %squeeze3A_256 = vector.extract %slice3A_255[0] : f32 from vector<1xf32>
        %mul3A_257 = vector.broadcast %squeeze3A_256 : f32 to vector<16xf32>
        %mul3A_258 = arith.mulf %get3A_254, %mul3A_257 : vector<16xf32>
        %swap3A_259 = arith.index_cast %scan3A_181 : i32 to index
        %swap3A_260 = arith.constant 112 : index
        %swap3A_261 = tpu.vector_load %arg15[%swap3A_259, %swap3A_260] {strides = array<i32>} : memref<80x128xf32, #tpu.memory_space<vmem>>, vector<16xf32>,
        tpu.vector_store %arg15[%swap3A_259, %swap3A_260], %mul3A_258 {strides = array<i32>} : memref<80x128xf32, #tpu.memory_space<vmem>>, vector<16xf32>,
        %scan3A_262 = arith.constant 0 : i32
        scf.yield %scan3A_262 : i32
      }
      %scan3A_179 = arith.constant 80 : i32
      "tpu.region"() ({
        %run_scoped3A_181 = tpu.sem_alloc : memref<!tpu.dma_semaphore, #tpu.memory_space<semaphore_mem>>
        %dma_start3A_182 = arith.constant 0 : i32
        %dma_start3A_183 = arith.constant 0 : i32
        %dma_start3A_184 = tpu.memref_slice %arg22[%dma_start3A_182, %dma_start3A_183] : memref<10240x128xf32, #tpu.memory_space<vmem_shared>> -> memref<10240x128xf32, #tpu.memory_space<vmem_shared>>
        tpu.enqueue_indirect_dma source(%arg15 : memref<80x128xf32, #tpu.memory_space<vmem>>) target(%dma_start3A_184 : memref<10240x128xf32, #tpu.memory_space<vmem_shared>>) offsets(%arg21 : memref<80xi32, #tpu.memory_space<vmem>>) semaphore(%run_scoped3A_181 : memref<!tpu.dma_semaphore, #tpu.memory_space<semaphore_mem>>) {add = true}
        %dma_wait3A_185 = arith.constant 0 : i32
        %dma_wait3A_186 = arith.constant 0 : i32
        %dma_wait3A_187 = tpu.memref_slice %arg22[%dma_wait3A_185, %dma_wait3A_186] : memref<10240x128xf32, #tpu.memory_space<vmem_shared>> -> memref<10240x128xf32, #tpu.memory_space<vmem_shared>>
        tpu.wait_indirect_dma semaphore(%run_scoped3A_181 : memref<!tpu.dma_semaphore, #tpu.memory_space<semaphore_mem>>) src(%arg15 : memref<80x128xf32, #tpu.memory_space<vmem>>) dst(%dma_wait3A_187 : memref<10240x128xf32, #tpu.memory_space<vmem_shared>>)
        tpu.yield
      }) : () -> ()
      %scan3A_180 = arith.constant 0 : i32
      scf.yield %scan3A_180 : i32
    }
    %scan3A_64 = arith.constant 62 : i32
    %add3A_65 = arith.constant 9920 : i32
    %add3A_66 = arith.addi %mul3A_2, %add3A_65 : i32
    %dma_wait3A_67 = arith.constant 0 : i32
    %dma_wait3A_68 = arith.constant 0 : i32
    %dma_wait3A_69 = tpu.memref_slice %arg4[%dma_wait3A_67, %dma_wait3A_68] : memref<10000x128xf32, #tpu.memory_space<hbm>> -> memref<10000x128xf32, #tpu.memory_space<hbm>>
    tpu.wait_indirect_dma semaphore(%arg23 : memref<!tpu.dma_semaphore, #tpu.memory_space<semaphore_mem>>) src(%dma_wait3A_69 : memref<10000x128xf32, #tpu.memory_space<hbm>>) dst(%arg14 : memref<80x128xf32, #tpu.memory_space<vmem>>)
    "tpu.region"() ({
      %run_scoped3A_118 = tpu.sem_alloc : memref<!tpu.dma_semaphore, #tpu.memory_space<semaphore_mem>>
      %dma_start3A_119 = arith.constant 0 : i32
      %dma_start3A_120 = tpu.memref_slice %arg13[%add3A_66, %dma_start3A_119] : memref<320000x16xf32, #tpu.memory_space<hbm>> -> memref<80x16xf32, #tpu.memory_space<hbm>>
      %dma_start3A_121 = arith.constant 0 : i32
      %dma_start3A_122 = tpu.memref_slice %arg13[%add3A_66, %dma_start3A_121] : memref<320000x16xf32, #tpu.memory_space<hbm>> -> memref<80x16xf32, #tpu.memory_space<hbm>>
      tpu.enqueue_dma source(%dma_start3A_122 : memref<80x16xf32, #tpu.memory_space<hbm>>) target(%arg16 : memref<80x16xf32, #tpu.memory_space<vmem>>) target_semaphore(%run_scoped3A_118 : memref<!tpu.dma_semaphore, #tpu.memory_space<semaphore_mem>>)
      %dma_wait3A_123 = arith.constant 0 : i32
      %dma_wait3A_124 = tpu.memref_slice %arg13[%add3A_66, %dma_wait3A_123] : memref<320000x16xf32, #tpu.memory_space<hbm>> -> memref<80x16xf32, #tpu.memory_space<hbm>>
      %dma_wait3A_125 = arith.constant 0 : i32
      %dma_wait3A_126 = tpu.memref_slice %arg13[%add3A_66, %dma_wait3A_125] : memref<320000x16xf32, #tpu.memory_space<hbm>> -> memref<80x16xf32, #tpu.memory_space<hbm>>
      tpu.wait_dma2 semaphore(%run_scoped3A_118 : memref<!tpu.dma_semaphore, #tpu.memory_space<semaphore_mem>>) src(%dma_wait3A_126 : memref<80x16xf32, #tpu.memory_space<hbm>>) dst(%arg16 : memref<80x16xf32, #tpu.memory_space<vmem>>)
      tpu.yield
    }) : () -> ()
    %scan3A_70 = arith.constant 0 : i32
    %scan3A_71 = arith.constant 0 : i32
    %scan3A_72 = arith.constant 80 : i32
    %scan3A_73 = arith.addi %scan3A_71, %scan3A_72 : i32
    %scan3A_74 = arith.constant 1 : i32
    %scan3A_75 = scf.for %scan3A_118 = %scan3A_71 to %scan3A_73 step %scan3A_74 iter_args(%scan3A_119 = %scan3A_70) -> (i32)  : i32 {
      %get3A = arith.index_cast %scan3A_118 : i32 to index
      %get3A_120 = arith.constant 0 : index
      %get3A_121 = tpu.vector_load %arg16[%get3A, %get3A_120] {strides = array<i32>} : memref<80x16xf32, #tpu.memory_space<vmem>>, vector<16xf32>,
      %get3A_122 = arith.index_cast %scan3A_118 : i32 to index
      %get3A_123 = arith.constant 0 : index
      %get3A_124 = tpu.vector_load %arg14[%get3A_122, %get3A_123] {strides = array<i32>} : memref<80x128xf32, #tpu.memory_space<vmem>>, vector<16xf32>,
      %slice3A = vector.extract_strided_slice %get3A_121 {offsets = [0], sizes = [1], strides = [1]} : vector<16xf32> to vector<1xf32>
      %squeeze3A = vector.extract %slice3A[0] : f32 from vector<1xf32>
      %mul3A_125 = vector.broadcast %squeeze3A : f32 to vector<16xf32>
      %mul3A_126 = arith.mulf %get3A_124, %mul3A_125 : vector<16xf32>
      %swap3A = arith.index_cast %scan3A_118 : i32 to index
      %swap3A_127 = arith.constant 0 : index
      %swap3A_128 = tpu.vector_load %arg14[%swap3A, %swap3A_127] {strides = array<i32>} : memref<80x128xf32, #tpu.memory_space<vmem>>, vector<16xf32>,
      tpu.vector_store %arg14[%swap3A, %swap3A_127], %mul3A_126 {strides = array<i32>} : memref<80x128xf32, #tpu.memory_space<vmem>>, vector<16xf32>,
      %get3A_129 = arith.index_cast %scan3A_118 : i32 to index
      %get3A_130 = arith.constant 16 : index
      %get3A_131 = tpu.vector_load %arg14[%get3A_129, %get3A_130] {strides = array<i32>} : memref<80x128xf32, #tpu.memory_space<vmem>>, vector<16xf32>,
      %slice3A_132 = vector.extract_strided_slice %get3A_121 {offsets = [1], sizes = [1], strides = [1]} : vector<16xf32> to vector<1xf32>
      %squeeze3A_133 = vector.extract %slice3A_132[0] : f32 from vector<1xf32>
      %mul3A_134 = vector.broadcast %squeeze3A_133 : f32 to vector<16xf32>
      %mul3A_135 = arith.mulf %get3A_131, %mul3A_134 : vector<16xf32>
      %swap3A_136 = arith.index_cast %scan3A_118 : i32 to index
      %swap3A_137 = arith.constant 16 : index
      %swap3A_138 = tpu.vector_load %arg14[%swap3A_136, %swap3A_137] {strides = array<i32>} : memref<80x128xf32, #tpu.memory_space<vmem>>, vector<16xf32>,
      tpu.vector_store %arg14[%swap3A_136, %swap3A_137], %mul3A_135 {strides = array<i32>} : memref<80x128xf32, #tpu.memory_space<vmem>>, vector<16xf32>,
      %get3A_139 = arith.index_cast %scan3A_118 : i32 to index
      %get3A_140 = arith.constant 32 : index
      %get3A_141 = tpu.vector_load %arg14[%get3A_139, %get3A_140] {strides = array<i32>} : memref<80x128xf32, #tpu.memory_space<vmem>>, vector<16xf32>,
      %slice3A_142 = vector.extract_strided_slice %get3A_121 {offsets = [2], sizes = [1], strides = [1]} : vector<16xf32> to vector<1xf32>
      %squeeze3A_143 = vector.extract %slice3A_142[0] : f32 from vector<1xf32>
      %mul3A_144 = vector.broadcast %squeeze3A_143 : f32 to vector<16xf32>
      %mul3A_145 = arith.mulf %get3A_141, %mul3A_144 : vector<16xf32>
      %swap3A_146 = arith.index_cast %scan3A_118 : i32 to index
      %swap3A_147 = arith.constant 32 : index
      %swap3A_148 = tpu.vector_load %arg14[%swap3A_146, %swap3A_147] {strides = array<i32>} : memref<80x128xf32, #tpu.memory_space<vmem>>, vector<16xf32>,
      tpu.vector_store %arg14[%swap3A_146, %swap3A_147], %mul3A_145 {strides = array<i32>} : memref<80x128xf32, #tpu.memory_space<vmem>>, vector<16xf32>,
      %get3A_149 = arith.index_cast %scan3A_118 : i32 to index
      %get3A_150 = arith.constant 48 : index
      %get3A_151 = tpu.vector_load %arg14[%get3A_149, %get3A_150] {strides = array<i32>} : memref<80x128xf32, #tpu.memory_space<vmem>>, vector<16xf32>,
      %slice3A_152 = vector.extract_strided_slice %get3A_121 {offsets = [3], sizes = [1], strides = [1]} : vector<16xf32> to vector<1xf32>
      %squeeze3A_153 = vector.extract %slice3A_152[0] : f32 from vector<1xf32>
      %mul3A_154 = vector.broadcast %squeeze3A_153 : f32 to vector<16xf32>
      %mul3A_155 = arith.mulf %get3A_151, %mul3A_154 : vector<16xf32>
      %swap3A_156 = arith.index_cast %scan3A_118 : i32 to index
      %swap3A_157 = arith.constant 48 : index
      %swap3A_158 = tpu.vector_load %arg14[%swap3A_156, %swap3A_157] {strides = array<i32>} : memref<80x128xf32, #tpu.memory_space<vmem>>, vector<16xf32>,
      tpu.vector_store %arg14[%swap3A_156, %swap3A_157], %mul3A_155 {strides = array<i32>} : memref<80x128xf32, #tpu.memory_space<vmem>>, vector<16xf32>,
      %get3A_159 = arith.index_cast %scan3A_118 : i32 to index
      %get3A_160 = arith.constant 64 : index
      %get3A_161 = tpu.vector_load %arg14[%get3A_159, %get3A_160] {strides = array<i32>} : memref<80x128xf32, #tpu.memory_space<vmem>>, vector<16xf32>,
      %slice3A_162 = vector.extract_strided_slice %get3A_121 {offsets = [4], sizes = [1], strides = [1]} : vector<16xf32> to vector<1xf32>
      %squeeze3A_163 = vector.extract %slice3A_162[0] : f32 from vector<1xf32>
      %mul3A_164 = vector.broadcast %squeeze3A_163 : f32 to vector<16xf32>
      %mul3A_165 = arith.mulf %get3A_161, %mul3A_164 : vector<16xf32>
      %swap3A_166 = arith.index_cast %scan3A_118 : i32 to index
      %swap3A_167 = arith.constant 64 : index
      %swap3A_168 = tpu.vector_load %arg14[%swap3A_166, %swap3A_167] {strides = array<i32>} : memref<80x128xf32, #tpu.memory_space<vmem>>, vector<16xf32>,
      tpu.vector_store %arg14[%swap3A_166, %swap3A_167], %mul3A_165 {strides = array<i32>} : memref<80x128xf32, #tpu.memory_space<vmem>>, vector<16xf32>,
      %get3A_169 = arith.index_cast %scan3A_118 : i32 to index
      %get3A_170 = arith.constant 80 : index
      %get3A_171 = tpu.vector_load %arg14[%get3A_169, %get3A_170] {strides = array<i32>} : memref<80x128xf32, #tpu.memory_space<vmem>>, vector<16xf32>,
      %slice3A_172 = vector.extract_strided_slice %get3A_121 {offsets = [5], sizes = [1], strides = [1]} : vector<16xf32> to vector<1xf32>
      %squeeze3A_173 = vector.extract %slice3A_172[0] : f32 from vector<1xf32>
      %mul3A_174 = vector.broadcast %squeeze3A_173 : f32 to vector<16xf32>
      %mul3A_175 = arith.mulf %get3A_171, %mul3A_174 : vector<16xf32>
      %swap3A_176 = arith.index_cast %scan3A_118 : i32 to index
      %swap3A_177 = arith.constant 80 : index
      %swap3A_178 = tpu.vector_load %arg14[%swap3A_176, %swap3A_177] {strides = array<i32>} : memref<80x128xf32, #tpu.memory_space<vmem>>, vector<16xf32>,
      tpu.vector_store %arg14[%swap3A_176, %swap3A_177], %mul3A_175 {strides = array<i32>} : memref<80x128xf32, #tpu.memory_space<vmem>>, vector<16xf32>,
      %get3A_179 = arith.index_cast %scan3A_118 : i32 to index
      %get3A_180 = arith.constant 96 : index
      %get3A_181 = tpu.vector_load %arg14[%get3A_179, %get3A_180] {strides = array<i32>} : memref<80x128xf32, #tpu.memory_space<vmem>>, vector<16xf32>,
      %slice3A_182 = vector.extract_strided_slice %get3A_121 {offsets = [6], sizes = [1], strides = [1]} : vector<16xf32> to vector<1xf32>
      %squeeze3A_183 = vector.extract %slice3A_182[0] : f32 from vector<1xf32>
      %mul3A_184 = vector.broadcast %squeeze3A_183 : f32 to vector<16xf32>
      %mul3A_185 = arith.mulf %get3A_181, %mul3A_184 : vector<16xf32>
      %swap3A_186 = arith.index_cast %scan3A_118 : i32 to index
      %swap3A_187 = arith.constant 96 : index
      %swap3A_188 = tpu.vector_load %arg14[%swap3A_186, %swap3A_187] {strides = array<i32>} : memref<80x128xf32, #tpu.memory_space<vmem>>, vector<16xf32>,
      tpu.vector_store %arg14[%swap3A_186, %swap3A_187], %mul3A_185 {strides = array<i32>} : memref<80x128xf32, #tpu.memory_space<vmem>>, vector<16xf32>,
      %get3A_189 = arith.index_cast %scan3A_118 : i32 to index
      %get3A_190 = arith.constant 112 : index
      %get3A_191 = tpu.vector_load %arg14[%get3A_189, %get3A_190] {strides = array<i32>} : memref<80x128xf32, #tpu.memory_space<vmem>>, vector<16xf32>,
      %slice3A_192 = vector.extract_strided_slice %get3A_121 {offsets = [7], sizes = [1], strides = [1]} : vector<16xf32> to vector<1xf32>
      %squeeze3A_193 = vector.extract %slice3A_192[0] : f32 from vector<1xf32>
      %mul3A_194 = vector.broadcast %squeeze3A_193 : f32 to vector<16xf32>
      %mul3A_195 = arith.mulf %get3A_191, %mul3A_194 : vector<16xf32>
      %swap3A_196 = arith.index_cast %scan3A_118 : i32 to index
      %swap3A_197 = arith.constant 112 : index
      %swap3A_198 = tpu.vector_load %arg14[%swap3A_196, %swap3A_197] {strides = array<i32>} : memref<80x128xf32, #tpu.memory_space<vmem>>, vector<16xf32>,
      tpu.vector_store %arg14[%swap3A_196, %swap3A_197], %mul3A_195 {strides = array<i32>} : memref<80x128xf32, #tpu.memory_space<vmem>>, vector<16xf32>,
      %scan3A_199 = arith.constant 0 : i32
      scf.yield %scan3A_199 : i32
    }
    %scan3A_76 = arith.constant 80 : i32
    "tpu.region"() ({
      %run_scoped3A_118 = tpu.sem_alloc : memref<!tpu.dma_semaphore, #tpu.memory_space<semaphore_mem>>
      %dma_start3A_119 = arith.constant 0 : i32
      %dma_start3A_120 = arith.constant 0 : i32
      %dma_start3A_121 = tpu.memref_slice %arg22[%dma_start3A_119, %dma_start3A_120] : memref<10240x128xf32, #tpu.memory_space<vmem_shared>> -> memref<10240x128xf32, #tpu.memory_space<vmem_shared>>
      tpu.enqueue_indirect_dma source(%arg14 : memref<80x128xf32, #tpu.memory_space<vmem>>) target(%dma_start3A_121 : memref<10240x128xf32, #tpu.memory_space<vmem_shared>>) offsets(%arg19 : memref<80xi32, #tpu.memory_space<vmem>>) semaphore(%run_scoped3A_118 : memref<!tpu.dma_semaphore, #tpu.memory_space<semaphore_mem>>) {add = true}
      %dma_wait3A_122 = arith.constant 0 : i32
      %dma_wait3A_123 = arith.constant 0 : i32
      %dma_wait3A_124 = tpu.memref_slice %arg22[%dma_wait3A_122, %dma_wait3A_123] : memref<10240x128xf32, #tpu.memory_space<vmem_shared>> -> memref<10240x128xf32, #tpu.memory_space<vmem_shared>>
      tpu.wait_indirect_dma semaphore(%run_scoped3A_118 : memref<!tpu.dma_semaphore, #tpu.memory_space<semaphore_mem>>) src(%arg14 : memref<80x128xf32, #tpu.memory_space<vmem>>) dst(%dma_wait3A_124 : memref<10240x128xf32, #tpu.memory_space<vmem_shared>>)
      tpu.yield
    }) : () -> ()
    %barrier3A_77 = arith.constant 0 : index
    tpu.barrier barrier_id(%barrier3A_77)
    %mul3A_78 = arith.constant 640 : i32
    %mul3A_79 = arith.muli %arg1, %mul3A_78 : i32
    %mul3A_80 = arith.constant 640 : i32
    %mul3A_81 = arith.muli %arg1, %mul3A_80 : i32
    %run_scoped3A_82 = arith.constant 1 : i32
    "tpu.region"() ({
      %run_scoped3A_118 = tpu.sem_alloc : memref<!tpu.dma_semaphore, #tpu.memory_space<semaphore_mem>>
      %dma_start3A_119 = arith.constant 0 : i32
      %dma_start3A_120 = tpu.memref_slice %arg12[%arg0, %run_scoped3A_82, %mul3A_81, %dma_start3A_119] : memref<2x3x10240x128xf32, #tpu.memory_space<hbm>> -> memref<1x1x640x128xf32, #tpu.memory_space<hbm>>
      %dma_start3A_121 = tpu.memref_squeeze %dma_start3A_120 : memref<1x1x640x128xf32, #tpu.memory_space<hbm>> -> memref<640x128xf32, #tpu.memory_space<hbm>>
      %dma_start3A_122 = arith.constant 0 : i32
      %dma_start3A_123 = tpu.memref_slice %arg22[%mul3A_79, %dma_start3A_122] : memref<10240x128xf32, #tpu.memory_space<vmem_shared>> -> memref<640x128xf32, #tpu.memory_space<vmem_shared>>
      tpu.enqueue_dma source(%dma_start3A_123 : memref<640x128xf32, #tpu.memory_space<vmem_shared>>) target(%dma_start3A_121 : memref<640x128xf32, #tpu.memory_space<hbm>>) target_semaphore(%run_scoped3A_118 : memref<!tpu.dma_semaphore, #tpu.memory_space<semaphore_mem>>)
      %dma_wait3A_124 = arith.constant 0 : i32
      %dma_wait3A_125 = tpu.memref_slice %arg12[%arg0, %run_scoped3A_82, %mul3A_81, %dma_wait3A_124] : memref<2x3x10240x128xf32, #tpu.memory_space<hbm>> -> memref<1x1x640x128xf32, #tpu.memory_space<hbm>>
      %dma_wait3A_126 = tpu.memref_squeeze %dma_wait3A_125 : memref<1x1x640x128xf32, #tpu.memory_space<hbm>> -> memref<640x128xf32, #tpu.memory_space<hbm>>
      %dma_wait3A_127 = arith.constant 0 : i32
      %dma_wait3A_128 = tpu.memref_slice %arg22[%mul3A_79, %dma_wait3A_127] : memref<10240x128xf32, #tpu.memory_space<vmem_shared>> -> memref<640x128xf32, #tpu.memory_space<vmem_shared>>
      tpu.wait_dma2 semaphore(%run_scoped3A_118 : memref<!tpu.dma_semaphore, #tpu.memory_space<semaphore_mem>>) src(%dma_wait3A_128 : memref<640x128xf32, #tpu.memory_space<vmem_shared>>) dst(%dma_wait3A_126 : memref<640x128xf32, #tpu.memory_space<hbm>>)
      tpu.yield
    }) : () -> ()
    %barrier3A_83 = arith.constant 0 : index
    tpu.barrier barrier_id(%barrier3A_83)
    %mul3A_84 = arith.constant 640 : i32
    %mul3A_85 = arith.muli %arg1, %mul3A_84 : i32
    %mul3A_86 = arith.constant 640 : i32
    %mul3A_87 = arith.muli %arg1, %mul3A_86 : i32
    "tpu.region"() ({
      %run_scoped3A_118 = tpu.sem_alloc : memref<!tpu.dma_semaphore, #tpu.memory_space<semaphore_mem>>
      %dma_start3A_119 = arith.constant 0 : i32
      %dma_start3A_120 = tpu.memref_slice %arg22[%mul3A_87, %dma_start3A_119] : memref<10240x128xf32, #tpu.memory_space<vmem_shared>> -> memref<640x128xf32, #tpu.memory_space<vmem_shared>>
      %dma_start3A_121 = arith.constant 0 : i32
      %dma_start3A_122 = tpu.memref_slice %arg10[%mul3A_85, %dma_start3A_121] : memref<10240x128xf32, #tpu.memory_space<hbm>> -> memref<640x128xf32, #tpu.memory_space<hbm>>
      tpu.enqueue_dma source(%dma_start3A_122 : memref<640x128xf32, #tpu.memory_space<hbm>>) target(%dma_start3A_120 : memref<640x128xf32, #tpu.memory_space<vmem_shared>>) target_semaphore(%run_scoped3A_118 : memref<!tpu.dma_semaphore, #tpu.memory_space<semaphore_mem>>)
      %dma_wait3A_123 = arith.constant 0 : i32
      %dma_wait3A_124 = tpu.memref_slice %arg22[%mul3A_87, %dma_wait3A_123] : memref<10240x128xf32, #tpu.memory_space<vmem_shared>> -> memref<640x128xf32, #tpu.memory_space<vmem_shared>>
      %dma_wait3A_125 = arith.constant 0 : i32
      %dma_wait3A_126 = tpu.memref_slice %arg10[%mul3A_85, %dma_wait3A_125] : memref<10240x128xf32, #tpu.memory_space<hbm>> -> memref<640x128xf32, #tpu.memory_space<hbm>>
      tpu.wait_dma2 semaphore(%run_scoped3A_118 : memref<!tpu.dma_semaphore, #tpu.memory_space<semaphore_mem>>) src(%dma_wait3A_126 : memref<640x128xf32, #tpu.memory_space<hbm>>) dst(%dma_wait3A_124 : memref<640x128xf32, #tpu.memory_space<vmem_shared>>)
      tpu.yield
    }) : () -> ()
    %barrier3A_88 = arith.constant 0 : index
    tpu.barrier barrier_id(%barrier3A_88)
    "tpu.region"() ({
      %run_scoped3A_118 = tpu.sem_alloc : memref<!tpu.dma_semaphore, #tpu.memory_space<semaphore_mem>>
      %dma_start3A_119 = tpu.memref_slice %arg6[%mul3A_2] : memref<320000xi32, #tpu.memory_space<hbm>> -> memref<80xi32, #tpu.memory_space<hbm>>
      %dma_start3A_120 = tpu.memref_slice %arg6[%mul3A_2] : memref<320000xi32, #tpu.memory_space<hbm>> -> memref<80xi32, #tpu.memory_space<hbm>>
      tpu.enqueue_dma source(%dma_start3A_120 : memref<80xi32, #tpu.memory_space<hbm>>) target(%arg18 : memref<80xi32, #tpu.memory_space<vmem>>) target_semaphore(%run_scoped3A_118 : memref<!tpu.dma_semaphore, #tpu.memory_space<semaphore_mem>>)
      %dma_wait3A_121 = tpu.memref_slice %arg6[%mul3A_2] : memref<320000xi32, #tpu.memory_space<hbm>> -> memref<80xi32, #tpu.memory_space<hbm>>
      %dma_wait3A_122 = tpu.memref_slice %arg6[%mul3A_2] : memref<320000xi32, #tpu.memory_space<hbm>> -> memref<80xi32, #tpu.memory_space<hbm>>
      tpu.wait_dma2 semaphore(%run_scoped3A_118 : memref<!tpu.dma_semaphore, #tpu.memory_space<semaphore_mem>>) src(%dma_wait3A_122 : memref<80xi32, #tpu.memory_space<hbm>>) dst(%arg18 : memref<80xi32, #tpu.memory_space<vmem>>)
      tpu.yield
    }) : () -> ()
    "tpu.region"() ({
      %run_scoped3A_118 = tpu.sem_alloc : memref<!tpu.dma_semaphore, #tpu.memory_space<semaphore_mem>>
      %dma_start3A_119 = tpu.memref_slice %arg7[%mul3A_2] : memref<320000xi32, #tpu.memory_space<hbm>> -> memref<80xi32, #tpu.memory_space<hbm>>
      %dma_start3A_120 = tpu.memref_slice %arg7[%mul3A_2] : memref<320000xi32, #tpu.memory_space<hbm>> -> memref<80xi32, #tpu.memory_space<hbm>>
      tpu.enqueue_dma source(%dma_start3A_120 : memref<80xi32, #tpu.memory_space<hbm>>) target(%arg19 : memref<80xi32, #tpu.memory_space<vmem>>) target_semaphore(%run_scoped3A_118 : memref<!tpu.dma_semaphore, #tpu.memory_space<semaphore_mem>>)
      %dma_wait3A_121 = tpu.memref_slice %arg7[%mul3A_2] : memref<320000xi32, #tpu.memory_space<hbm>> -> memref<80xi32, #tpu.memory_space<hbm>>
      %dma_wait3A_122 = tpu.memref_slice %arg7[%mul3A_2] : memref<320000xi32, #tpu.memory_space<hbm>> -> memref<80xi32, #tpu.memory_space<hbm>>
      tpu.wait_dma2 semaphore(%run_scoped3A_118 : memref<!tpu.dma_semaphore, #tpu.memory_space<semaphore_mem>>) src(%dma_wait3A_122 : memref<80xi32, #tpu.memory_space<hbm>>) dst(%arg19 : memref<80xi32, #tpu.memory_space<vmem>>)
      tpu.yield
    }) : () -> ()
    %dma_start3A_89 = arith.constant 0 : i32
    %dma_start3A_90 = arith.constant 0 : i32
    %dma_start3A_91 = tpu.memref_slice %arg5[%dma_start3A_89, %dma_start3A_90] : memref<10000x128xf32, #tpu.memory_space<hbm>> -> memref<10000x128xf32, #tpu.memory_space<hbm>>
    tpu.enqueue_indirect_dma source(%dma_start3A_91 : memref<10000x128xf32, #tpu.memory_space<hbm>>) target(%arg14 : memref<80x128xf32, #tpu.memory_space<vmem>>) offsets(%arg18 : memref<80xi32, #tpu.memory_space<vmem>>) semaphore(%arg23 : memref<!tpu.dma_semaphore, #tpu.memory_space<semaphore_mem>>)
    %scan3A_92 = arith.constant 0 : i32
    %scan3A_93 = arith.constant 0 : i32
    %scan3A_94 = arith.constant 62 : i32
    %scan3A_95 = arith.addi %scan3A_93, %scan3A_94 : i32
    %scan3A_96 = arith.constant 1 : i32
    %scan3A_97 = scf.for %scan3A_118 = %scan3A_93 to %scan3A_95 step %scan3A_96 iter_args(%scan3A_119 = %scan3A_92) -> (i32)  : i32 {
      %mul3A_120 = arith.constant 2 : i32
      %mul3A_121 = arith.muli %scan3A_118, %mul3A_120 : i32
      %add3A_122 = arith.constant 0 : i32
      %add3A_123 = arith.addi %mul3A_121, %add3A_122 : i32
      %mul3A_124 = arith.constant 80 : i32
      %mul3A_125 = arith.muli %add3A_123, %mul3A_124 : i32
      %add3A_126 = arith.addi %mul3A_2, %mul3A_125 : i32
      %dma_start3A_127 = arith.constant 0 : i32
      %dma_start3A_128 = tpu.memref_slice %arg13[%add3A_126, %dma_start3A_127] : memref<320000x16xf32, #tpu.memory_space<hbm>> -> memref<80x16xf32, #tpu.memory_space<hbm>>
      %dma_start3A_129 = arith.constant 0 : i32
      %dma_start3A_130 = tpu.memref_slice %arg13[%add3A_126, %dma_start3A_129] : memref<320000x16xf32, #tpu.memory_space<hbm>> -> memref<80x16xf32, #tpu.memory_space<hbm>>
      tpu.enqueue_dma source(%dma_start3A_130 : memref<80x16xf32, #tpu.memory_space<hbm>>) target(%arg16 : memref<80x16xf32, #tpu.memory_space<vmem>>) target_semaphore(%arg24 : memref<!tpu.dma_semaphore, #tpu.memory_space<semaphore_mem>>)
      %dma_wait3A_131 = arith.constant 0 : i32
      %dma_wait3A_132 = arith.constant 0 : i32
      %dma_wait3A_133 = tpu.memref_slice %arg5[%dma_wait3A_131, %dma_wait3A_132] : memref<10000x128xf32, #tpu.memory_space<hbm>> -> memref<10000x128xf32, #tpu.memory_space<hbm>>
      tpu.wait_indirect_dma semaphore(%arg23 : memref<!tpu.dma_semaphore, #tpu.memory_space<semaphore_mem>>) src(%dma_wait3A_133 : memref<10000x128xf32, #tpu.memory_space<hbm>>) dst(%arg14 : memref<80x128xf32, #tpu.memory_space<vmem>>)
      %add3A_134 = arith.constant 80 : i32
      %add3A_135 = arith.addi %add3A_126, %add3A_134 : i32
      "tpu.region"() ({
        %run_scoped3A_181 = tpu.sem_alloc : memref<!tpu.dma_semaphore, #tpu.memory_space<semaphore_mem>>
        %dma_start3A_182 = tpu.memref_slice %arg6[%add3A_135] : memref<320000xi32, #tpu.memory_space<hbm>> -> memref<80xi32, #tpu.memory_space<hbm>>
        %dma_start3A_183 = tpu.memref_slice %arg6[%add3A_135] : memref<320000xi32, #tpu.memory_space<hbm>> -> memref<80xi32, #tpu.memory_space<hbm>>
        tpu.enqueue_dma source(%dma_start3A_183 : memref<80xi32, #tpu.memory_space<hbm>>) target(%arg20 : memref<80xi32, #tpu.memory_space<vmem>>) target_semaphore(%run_scoped3A_181 : memref<!tpu.dma_semaphore, #tpu.memory_space<semaphore_mem>>)
        %dma_wait3A_184 = tpu.memref_slice %arg6[%add3A_135] : memref<320000xi32, #tpu.memory_space<hbm>> -> memref<80xi32, #tpu.memory_space<hbm>>
        %dma_wait3A_185 = tpu.memref_slice %arg6[%add3A_135] : memref<320000xi32, #tpu.memory_space<hbm>> -> memref<80xi32, #tpu.memory_space<hbm>>
        tpu.wait_dma2 semaphore(%run_scoped3A_181 : memref<!tpu.dma_semaphore, #tpu.memory_space<semaphore_mem>>) src(%dma_wait3A_185 : memref<80xi32, #tpu.memory_space<hbm>>) dst(%arg20 : memref<80xi32, #tpu.memory_space<vmem>>)
        tpu.yield
      }) : () -> ()
      "tpu.region"() ({
        %run_scoped3A_181 = tpu.sem_alloc : memref<!tpu.dma_semaphore, #tpu.memory_space<semaphore_mem>>
        %dma_start3A_182 = tpu.memref_slice %arg7[%add3A_135] : memref<320000xi32, #tpu.memory_space<hbm>> -> memref<80xi32, #tpu.memory_space<hbm>>
        %dma_start3A_183 = tpu.memref_slice %arg7[%add3A_135] : memref<320000xi32, #tpu.memory_space<hbm>> -> memref<80xi32, #tpu.memory_space<hbm>>
        tpu.enqueue_dma source(%dma_start3A_183 : memref<80xi32, #tpu.memory_space<hbm>>) target(%arg21 : memref<80xi32, #tpu.memory_space<vmem>>) target_semaphore(%run_scoped3A_181 : memref<!tpu.dma_semaphore, #tpu.memory_space<semaphore_mem>>)
        %dma_wait3A_184 = tpu.memref_slice %arg7[%add3A_135] : memref<320000xi32, #tpu.memory_space<hbm>> -> memref<80xi32, #tpu.memory_space<hbm>>
        %dma_wait3A_185 = tpu.memref_slice %arg7[%add3A_135] : memref<320000xi32, #tpu.memory_space<hbm>> -> memref<80xi32, #tpu.memory_space<hbm>>
        tpu.wait_dma2 semaphore(%run_scoped3A_181 : memref<!tpu.dma_semaphore, #tpu.memory_space<semaphore_mem>>) src(%dma_wait3A_185 : memref<80xi32, #tpu.memory_space<hbm>>) dst(%arg21 : memref<80xi32, #tpu.memory_space<vmem>>)
        tpu.yield
      }) : () -> ()
      %dma_start3A_136 = arith.constant 0 : i32
      %dma_start3A_137 = arith.constant 0 : i32
      %dma_start3A_138 = tpu.memref_slice %arg5[%dma_start3A_136, %dma_start3A_137] : memref<10000x128xf32, #tpu.memory_space<hbm>> -> memref<10000x128xf32, #tpu.memory_space<hbm>>
      tpu.enqueue_indirect_dma source(%dma_start3A_138 : memref<10000x128xf32, #tpu.memory_space<hbm>>) target(%arg15 : memref<80x128xf32, #tpu.memory_space<vmem>>) offsets(%arg20 : memref<80xi32, #tpu.memory_space<vmem>>) semaphore(%arg26 : memref<!tpu.dma_semaphore, #tpu.memory_space<semaphore_mem>>)
      %dma_wait3A_139 = arith.constant 0 : i32
      %dma_wait3A_140 = tpu.memref_slice %arg13[%add3A_126, %dma_wait3A_139] : memref<320000x16xf32, #tpu.memory_space<hbm>> -> memref<80x16xf32, #tpu.memory_space<hbm>>
      %dma_wait3A_141 = arith.constant 0 : i32
      %dma_wait3A_142 = tpu.memref_slice %arg13[%add3A_126, %dma_wait3A_141] : memref<320000x16xf32, #tpu.memory_space<hbm>> -> memref<80x16xf32, #tpu.memory_space<hbm>>
      tpu.wait_dma2 semaphore(%arg24 : memref<!tpu.dma_semaphore, #tpu.memory_space<semaphore_mem>>) src(%dma_wait3A_142 : memref<80x16xf32, #tpu.memory_space<hbm>>) dst(%arg16 : memref<80x16xf32, #tpu.memory_space<vmem>>)
      %scan3A_143 = arith.constant 0 : i32
      %scan3A_144 = arith.constant 0 : i32
      %scan3A_145 = arith.constant 80 : i32
      %scan3A_146 = arith.addi %scan3A_144, %scan3A_145 : i32
      %scan3A_147 = arith.constant 1 : i32
      %scan3A_148 = scf.for %scan3A_181 = %scan3A_144 to %scan3A_146 step %scan3A_147 iter_args(%scan3A_182 = %scan3A_143) -> (i32)  : i32 {
        %get3A = arith.index_cast %scan3A_181 : i32 to index
        %get3A_183 = arith.constant 0 : index
        %get3A_184 = tpu.vector_load %arg16[%get3A, %get3A_183] {strides = array<i32>} : memref<80x16xf32, #tpu.memory_space<vmem>>, vector<16xf32>,
        %get3A_185 = arith.index_cast %scan3A_181 : i32 to index
        %get3A_186 = arith.constant 0 : index
        %get3A_187 = tpu.vector_load %arg14[%get3A_185, %get3A_186] {strides = array<i32>} : memref<80x128xf32, #tpu.memory_space<vmem>>, vector<16xf32>,
        %slice3A = vector.extract_strided_slice %get3A_184 {offsets = [0], sizes = [1], strides = [1]} : vector<16xf32> to vector<1xf32>
        %squeeze3A = vector.extract %slice3A[0] : f32 from vector<1xf32>
        %mul3A_188 = vector.broadcast %squeeze3A : f32 to vector<16xf32>
        %mul3A_189 = arith.mulf %get3A_187, %mul3A_188 : vector<16xf32>
        %swap3A = arith.index_cast %scan3A_181 : i32 to index
        %swap3A_190 = arith.constant 0 : index
        %swap3A_191 = tpu.vector_load %arg14[%swap3A, %swap3A_190] {strides = array<i32>} : memref<80x128xf32, #tpu.memory_space<vmem>>, vector<16xf32>,
        tpu.vector_store %arg14[%swap3A, %swap3A_190], %mul3A_189 {strides = array<i32>} : memref<80x128xf32, #tpu.memory_space<vmem>>, vector<16xf32>,
        %get3A_192 = arith.index_cast %scan3A_181 : i32 to index
        %get3A_193 = arith.constant 16 : index
        %get3A_194 = tpu.vector_load %arg14[%get3A_192, %get3A_193] {strides = array<i32>} : memref<80x128xf32, #tpu.memory_space<vmem>>, vector<16xf32>,
        %slice3A_195 = vector.extract_strided_slice %get3A_184 {offsets = [1], sizes = [1], strides = [1]} : vector<16xf32> to vector<1xf32>
        %squeeze3A_196 = vector.extract %slice3A_195[0] : f32 from vector<1xf32>
        %mul3A_197 = vector.broadcast %squeeze3A_196 : f32 to vector<16xf32>
        %mul3A_198 = arith.mulf %get3A_194, %mul3A_197 : vector<16xf32>
        %swap3A_199 = arith.index_cast %scan3A_181 : i32 to index
        %swap3A_200 = arith.constant 16 : index
        %swap3A_201 = tpu.vector_load %arg14[%swap3A_199, %swap3A_200] {strides = array<i32>} : memref<80x128xf32, #tpu.memory_space<vmem>>, vector<16xf32>,
        tpu.vector_store %arg14[%swap3A_199, %swap3A_200], %mul3A_198 {strides = array<i32>} : memref<80x128xf32, #tpu.memory_space<vmem>>, vector<16xf32>,
        %get3A_202 = arith.index_cast %scan3A_181 : i32 to index
        %get3A_203 = arith.constant 32 : index
        %get3A_204 = tpu.vector_load %arg14[%get3A_202, %get3A_203] {strides = array<i32>} : memref<80x128xf32, #tpu.memory_space<vmem>>, vector<16xf32>,
        %slice3A_205 = vector.extract_strided_slice %get3A_184 {offsets = [2], sizes = [1], strides = [1]} : vector<16xf32> to vector<1xf32>
        %squeeze3A_206 = vector.extract %slice3A_205[0] : f32 from vector<1xf32>
        %mul3A_207 = vector.broadcast %squeeze3A_206 : f32 to vector<16xf32>
        %mul3A_208 = arith.mulf %get3A_204, %mul3A_207 : vector<16xf32>
        %swap3A_209 = arith.index_cast %scan3A_181 : i32 to index
        %swap3A_210 = arith.constant 32 : index
        %swap3A_211 = tpu.vector_load %arg14[%swap3A_209, %swap3A_210] {strides = array<i32>} : memref<80x128xf32, #tpu.memory_space<vmem>>, vector<16xf32>,
        tpu.vector_store %arg14[%swap3A_209, %swap3A_210], %mul3A_208 {strides = array<i32>} : memref<80x128xf32, #tpu.memory_space<vmem>>, vector<16xf32>,
        %get3A_212 = arith.index_cast %scan3A_181 : i32 to index
        %get3A_213 = arith.constant 48 : index
        %get3A_214 = tpu.vector_load %arg14[%get3A_212, %get3A_213] {strides = array<i32>} : memref<80x128xf32, #tpu.memory_space<vmem>>, vector<16xf32>,
        %slice3A_215 = vector.extract_strided_slice %get3A_184 {offsets = [3], sizes = [1], strides = [1]} : vector<16xf32> to vector<1xf32>
        %squeeze3A_216 = vector.extract %slice3A_215[0] : f32 from vector<1xf32>
        %mul3A_217 = vector.broadcast %squeeze3A_216 : f32 to vector<16xf32>
        %mul3A_218 = arith.mulf %get3A_214, %mul3A_217 : vector<16xf32>
        %swap3A_219 = arith.index_cast %scan3A_181 : i32 to index
        %swap3A_220 = arith.constant 48 : index
        %swap3A_221 = tpu.vector_load %arg14[%swap3A_219, %swap3A_220] {strides = array<i32>} : memref<80x128xf32, #tpu.memory_space<vmem>>, vector<16xf32>,
        tpu.vector_store %arg14[%swap3A_219, %swap3A_220], %mul3A_218 {strides = array<i32>} : memref<80x128xf32, #tpu.memory_space<vmem>>, vector<16xf32>,
        %get3A_222 = arith.index_cast %scan3A_181 : i32 to index
        %get3A_223 = arith.constant 64 : index
        %get3A_224 = tpu.vector_load %arg14[%get3A_222, %get3A_223] {strides = array<i32>} : memref<80x128xf32, #tpu.memory_space<vmem>>, vector<16xf32>,
        %slice3A_225 = vector.extract_strided_slice %get3A_184 {offsets = [4], sizes = [1], strides = [1]} : vector<16xf32> to vector<1xf32>
        %squeeze3A_226 = vector.extract %slice3A_225[0] : f32 from vector<1xf32>
        %mul3A_227 = vector.broadcast %squeeze3A_226 : f32 to vector<16xf32>
        %mul3A_228 = arith.mulf %get3A_224, %mul3A_227 : vector<16xf32>
        %swap3A_229 = arith.index_cast %scan3A_181 : i32 to index
        %swap3A_230 = arith.constant 64 : index
        %swap3A_231 = tpu.vector_load %arg14[%swap3A_229, %swap3A_230] {strides = array<i32>} : memref<80x128xf32, #tpu.memory_space<vmem>>, vector<16xf32>,
        tpu.vector_store %arg14[%swap3A_229, %swap3A_230], %mul3A_228 {strides = array<i32>} : memref<80x128xf32, #tpu.memory_space<vmem>>, vector<16xf32>,
        %get3A_232 = arith.index_cast %scan3A_181 : i32 to index
        %get3A_233 = arith.constant 80 : index
        %get3A_234 = tpu.vector_load %arg14[%get3A_232, %get3A_233] {strides = array<i32>} : memref<80x128xf32, #tpu.memory_space<vmem>>, vector<16xf32>,
        %slice3A_235 = vector.extract_strided_slice %get3A_184 {offsets = [5], sizes = [1], strides = [1]} : vector<16xf32> to vector<1xf32>
        %squeeze3A_236 = vector.extract %slice3A_235[0] : f32 from vector<1xf32>
        %mul3A_237 = vector.broadcast %squeeze3A_236 : f32 to vector<16xf32>
        %mul3A_238 = arith.mulf %get3A_234, %mul3A_237 : vector<16xf32>
        %swap3A_239 = arith.index_cast %scan3A_181 : i32 to index
        %swap3A_240 = arith.constant 80 : index
        %swap3A_241 = tpu.vector_load %arg14[%swap3A_239, %swap3A_240] {strides = array<i32>} : memref<80x128xf32, #tpu.memory_space<vmem>>, vector<16xf32>,
        tpu.vector_store %arg14[%swap3A_239, %swap3A_240], %mul3A_238 {strides = array<i32>} : memref<80x128xf32, #tpu.memory_space<vmem>>, vector<16xf32>,
        %get3A_242 = arith.index_cast %scan3A_181 : i32 to index
        %get3A_243 = arith.constant 96 : index
        %get3A_244 = tpu.vector_load %arg14[%get3A_242, %get3A_243] {strides = array<i32>} : memref<80x128xf32, #tpu.memory_space<vmem>>, vector<16xf32>,
        %slice3A_245 = vector.extract_strided_slice %get3A_184 {offsets = [6], sizes = [1], strides = [1]} : vector<16xf32> to vector<1xf32>
        %squeeze3A_246 = vector.extract %slice3A_245[0] : f32 from vector<1xf32>
        %mul3A_247 = vector.broadcast %squeeze3A_246 : f32 to vector<16xf32>
        %mul3A_248 = arith.mulf %get3A_244, %mul3A_247 : vector<16xf32>
        %swap3A_249 = arith.index_cast %scan3A_181 : i32 to index
        %swap3A_250 = arith.constant 96 : index
        %swap3A_251 = tpu.vector_load %arg14[%swap3A_249, %swap3A_250] {strides = array<i32>} : memref<80x128xf32, #tpu.memory_space<vmem>>, vector<16xf32>,
        tpu.vector_store %arg14[%swap3A_249, %swap3A_250], %mul3A_248 {strides = array<i32>} : memref<80x128xf32, #tpu.memory_space<vmem>>, vector<16xf32>,
        %get3A_252 = arith.index_cast %scan3A_181 : i32 to index
        %get3A_253 = arith.constant 112 : index
        %get3A_254 = tpu.vector_load %arg14[%get3A_252, %get3A_253] {strides = array<i32>} : memref<80x128xf32, #tpu.memory_space<vmem>>, vector<16xf32>,
        %slice3A_255 = vector.extract_strided_slice %get3A_184 {offsets = [7], sizes = [1], strides = [1]} : vector<16xf32> to vector<1xf32>
        %squeeze3A_256 = vector.extract %slice3A_255[0] : f32 from vector<1xf32>
        %mul3A_257 = vector.broadcast %squeeze3A_256 : f32 to vector<16xf32>
        %mul3A_258 = arith.mulf %get3A_254, %mul3A_257 : vector<16xf32>
        %swap3A_259 = arith.index_cast %scan3A_181 : i32 to index
        %swap3A_260 = arith.constant 112 : index
        %swap3A_261 = tpu.vector_load %arg14[%swap3A_259, %swap3A_260] {strides = array<i32>} : memref<80x128xf32, #tpu.memory_space<vmem>>, vector<16xf32>,
        tpu.vector_store %arg14[%swap3A_259, %swap3A_260], %mul3A_258 {strides = array<i32>} : memref<80x128xf32, #tpu.memory_space<vmem>>, vector<16xf32>,
        %scan3A_262 = arith.constant 0 : i32
        scf.yield %scan3A_262 : i32
      }
      %scan3A_149 = arith.constant 80 : i32
      "tpu.region"() ({
        %run_scoped3A_181 = tpu.sem_alloc : memref<!tpu.dma_semaphore, #tpu.memory_space<semaphore_mem>>
        %dma_start3A_182 = arith.constant 0 : i32
        %dma_start3A_183 = arith.constant 0 : i32
        %dma_start3A_184 = tpu.memref_slice %arg22[%dma_start3A_182, %dma_start3A_183] : memref<10240x128xf32, #tpu.memory_space<vmem_shared>> -> memref<10240x128xf32, #tpu.memory_space<vmem_shared>>
        tpu.enqueue_indirect_dma source(%arg14 : memref<80x128xf32, #tpu.memory_space<vmem>>) target(%dma_start3A_184 : memref<10240x128xf32, #tpu.memory_space<vmem_shared>>) offsets(%arg19 : memref<80xi32, #tpu.memory_space<vmem>>) semaphore(%run_scoped3A_181 : memref<!tpu.dma_semaphore, #tpu.memory_space<semaphore_mem>>) {add = true}
        %dma_wait3A_185 = arith.constant 0 : i32
        %dma_wait3A_186 = arith.constant 0 : i32
        %dma_wait3A_187 = tpu.memref_slice %arg22[%dma_wait3A_185, %dma_wait3A_186] : memref<10240x128xf32, #tpu.memory_space<vmem_shared>> -> memref<10240x128xf32, #tpu.memory_space<vmem_shared>>
        tpu.wait_indirect_dma semaphore(%run_scoped3A_181 : memref<!tpu.dma_semaphore, #tpu.memory_space<semaphore_mem>>) src(%arg14 : memref<80x128xf32, #tpu.memory_space<vmem>>) dst(%dma_wait3A_187 : memref<10240x128xf32, #tpu.memory_space<vmem_shared>>)
        tpu.yield
      }) : () -> ()
      %mul3A_150 = arith.constant 2 : i32
      %mul3A_151 = arith.muli %scan3A_118, %mul3A_150 : i32
      %add3A_152 = arith.constant 1 : i32
      %add3A_153 = arith.addi %mul3A_151, %add3A_152 : i32
      %mul3A_154 = arith.constant 80 : i32
      %mul3A_155 = arith.muli %add3A_153, %mul3A_154 : i32
      %add3A_156 = arith.addi %mul3A_2, %mul3A_155 : i32
      %dma_start3A_157 = arith.constant 0 : i32
      %dma_start3A_158 = tpu.memref_slice %arg13[%add3A_156, %dma_start3A_157] : memref<320000x16xf32, #tpu.memory_space<hbm>> -> memref<80x16xf32, #tpu.memory_space<hbm>>
      %dma_start3A_159 = arith.constant 0 : i32
      %dma_start3A_160 = tpu.memref_slice %arg13[%add3A_156, %dma_start3A_159] : memref<320000x16xf32, #tpu.memory_space<hbm>> -> memref<80x16xf32, #tpu.memory_space<hbm>>
      tpu.enqueue_dma source(%dma_start3A_160 : memref<80x16xf32, #tpu.memory_space<hbm>>) target(%arg16 : memref<80x16xf32, #tpu.memory_space<vmem>>) target_semaphore(%arg24 : memref<!tpu.dma_semaphore, #tpu.memory_space<semaphore_mem>>)
      %dma_wait3A_161 = arith.constant 0 : i32
      %dma_wait3A_162 = arith.constant 0 : i32
      %dma_wait3A_163 = tpu.memref_slice %arg5[%dma_wait3A_161, %dma_wait3A_162] : memref<10000x128xf32, #tpu.memory_space<hbm>> -> memref<10000x128xf32, #tpu.memory_space<hbm>>
      tpu.wait_indirect_dma semaphore(%arg26 : memref<!tpu.dma_semaphore, #tpu.memory_space<semaphore_mem>>) src(%dma_wait3A_163 : memref<10000x128xf32, #tpu.memory_space<hbm>>) dst(%arg15 : memref<80x128xf32, #tpu.memory_space<vmem>>)
      %add3A_164 = arith.constant 80 : i32
      %add3A_165 = arith.addi %add3A_156, %add3A_164 : i32
      "tpu.region"() ({
        %run_scoped3A_181 = tpu.sem_alloc : memref<!tpu.dma_semaphore, #tpu.memory_space<semaphore_mem>>
        %dma_start3A_182 = tpu.memref_slice %arg6[%add3A_165] : memref<320000xi32, #tpu.memory_space<hbm>> -> memref<80xi32, #tpu.memory_space<hbm>>
        %dma_start3A_183 = tpu.memref_slice %arg6[%add3A_165] : memref<320000xi32, #tpu.memory_space<hbm>> -> memref<80xi32, #tpu.memory_space<hbm>>
        tpu.enqueue_dma source(%dma_start3A_183 : memref<80xi32, #tpu.memory_space<hbm>>) target(%arg18 : memref<80xi32, #tpu.memory_space<vmem>>) target_semaphore(%run_scoped3A_181 : memref<!tpu.dma_semaphore, #tpu.memory_space<semaphore_mem>>)
        %dma_wait3A_184 = tpu.memref_slice %arg6[%add3A_165] : memref<320000xi32, #tpu.memory_space<hbm>> -> memref<80xi32, #tpu.memory_space<hbm>>
        %dma_wait3A_185 = tpu.memref_slice %arg6[%add3A_165] : memref<320000xi32, #tpu.memory_space<hbm>> -> memref<80xi32, #tpu.memory_space<hbm>>
        tpu.wait_dma2 semaphore(%run_scoped3A_181 : memref<!tpu.dma_semaphore, #tpu.memory_space<semaphore_mem>>) src(%dma_wait3A_185 : memref<80xi32, #tpu.memory_space<hbm>>) dst(%arg18 : memref<80xi32, #tpu.memory_space<vmem>>)
        tpu.yield
      }) : () -> ()
      "tpu.region"() ({
        %run_scoped3A_181 = tpu.sem_alloc : memref<!tpu.dma_semaphore, #tpu.memory_space<semaphore_mem>>
        %dma_start3A_182 = tpu.memref_slice %arg7[%add3A_165] : memref<320000xi32, #tpu.memory_space<hbm>> -> memref<80xi32, #tpu.memory_space<hbm>>
        %dma_start3A_183 = tpu.memref_slice %arg7[%add3A_165] : memref<320000xi32, #tpu.memory_space<hbm>> -> memref<80xi32, #tpu.memory_space<hbm>>
        tpu.enqueue_dma source(%dma_start3A_183 : memref<80xi32, #tpu.memory_space<hbm>>) target(%arg19 : memref<80xi32, #tpu.memory_space<vmem>>) target_semaphore(%run_scoped3A_181 : memref<!tpu.dma_semaphore, #tpu.memory_space<semaphore_mem>>)
        %dma_wait3A_184 = tpu.memref_slice %arg7[%add3A_165] : memref<320000xi32, #tpu.memory_space<hbm>> -> memref<80xi32, #tpu.memory_space<hbm>>
        %dma_wait3A_185 = tpu.memref_slice %arg7[%add3A_165] : memref<320000xi32, #tpu.memory_space<hbm>> -> memref<80xi32, #tpu.memory_space<hbm>>
        tpu.wait_dma2 semaphore(%run_scoped3A_181 : memref<!tpu.dma_semaphore, #tpu.memory_space<semaphore_mem>>) src(%dma_wait3A_185 : memref<80xi32, #tpu.memory_space<hbm>>) dst(%arg19 : memref<80xi32, #tpu.memory_space<vmem>>)
        tpu.yield
      }) : () -> ()
      %dma_start3A_166 = arith.constant 0 : i32
      %dma_start3A_167 = arith.constant 0 : i32
      %dma_start3A_168 = tpu.memref_slice %arg5[%dma_start3A_166, %dma_start3A_167] : memref<10000x128xf32, #tpu.memory_space<hbm>> -> memref<10000x128xf32, #tpu.memory_space<hbm>>
      tpu.enqueue_indirect_dma source(%dma_start3A_168 : memref<10000x128xf32, #tpu.memory_space<hbm>>) target(%arg14 : memref<80x128xf32, #tpu.memory_space<vmem>>) offsets(%arg18 : memref<80xi32, #tpu.memory_space<vmem>>) semaphore(%arg23 : memref<!tpu.dma_semaphore, #tpu.memory_space<semaphore_mem>>)
      %dma_wait3A_169 = arith.constant 0 : i32
      %dma_wait3A_170 = tpu.memref_slice %arg13[%add3A_156, %dma_wait3A_169] : memref<320000x16xf32, #tpu.memory_space<hbm>> -> memref<80x16xf32, #tpu.memory_space<hbm>>
      %dma_wait3A_171 = arith.constant 0 : i32
      %dma_wait3A_172 = tpu.memref_slice %arg13[%add3A_156, %dma_wait3A_171] : memref<320000x16xf32, #tpu.memory_space<hbm>> -> memref<80x16xf32, #tpu.memory_space<hbm>>
      tpu.wait_dma2 semaphore(%arg24 : memref<!tpu.dma_semaphore, #tpu.memory_space<semaphore_mem>>) src(%dma_wait3A_172 : memref<80x16xf32, #tpu.memory_space<hbm>>) dst(%arg16 : memref<80x16xf32, #tpu.memory_space<vmem>>)
      %scan3A_173 = arith.constant 0 : i32
      %scan3A_174 = arith.constant 0 : i32
      %scan3A_175 = arith.constant 80 : i32
      %scan3A_176 = arith.addi %scan3A_174, %scan3A_175 : i32
      %scan3A_177 = arith.constant 1 : i32
      %scan3A_178 = scf.for %scan3A_181 = %scan3A_174 to %scan3A_176 step %scan3A_177 iter_args(%scan3A_182 = %scan3A_173) -> (i32)  : i32 {
        %get3A = arith.index_cast %scan3A_181 : i32 to index
        %get3A_183 = arith.constant 0 : index
        %get3A_184 = tpu.vector_load %arg16[%get3A, %get3A_183] {strides = array<i32>} : memref<80x16xf32, #tpu.memory_space<vmem>>, vector<16xf32>,
        %get3A_185 = arith.index_cast %scan3A_181 : i32 to index
        %get3A_186 = arith.constant 0 : index
        %get3A_187 = tpu.vector_load %arg15[%get3A_185, %get3A_186] {strides = array<i32>} : memref<80x128xf32, #tpu.memory_space<vmem>>, vector<16xf32>,
        %slice3A = vector.extract_strided_slice %get3A_184 {offsets = [0], sizes = [1], strides = [1]} : vector<16xf32> to vector<1xf32>
        %squeeze3A = vector.extract %slice3A[0] : f32 from vector<1xf32>
        %mul3A_188 = vector.broadcast %squeeze3A : f32 to vector<16xf32>
        %mul3A_189 = arith.mulf %get3A_187, %mul3A_188 : vector<16xf32>
        %swap3A = arith.index_cast %scan3A_181 : i32 to index
        %swap3A_190 = arith.constant 0 : index
        %swap3A_191 = tpu.vector_load %arg15[%swap3A, %swap3A_190] {strides = array<i32>} : memref<80x128xf32, #tpu.memory_space<vmem>>, vector<16xf32>,
        tpu.vector_store %arg15[%swap3A, %swap3A_190], %mul3A_189 {strides = array<i32>} : memref<80x128xf32, #tpu.memory_space<vmem>>, vector<16xf32>,
        %get3A_192 = arith.index_cast %scan3A_181 : i32 to index
        %get3A_193 = arith.constant 16 : index
        %get3A_194 = tpu.vector_load %arg15[%get3A_192, %get3A_193] {strides = array<i32>} : memref<80x128xf32, #tpu.memory_space<vmem>>, vector<16xf32>,
        %slice3A_195 = vector.extract_strided_slice %get3A_184 {offsets = [1], sizes = [1], strides = [1]} : vector<16xf32> to vector<1xf32>
        %squeeze3A_196 = vector.extract %slice3A_195[0] : f32 from vector<1xf32>
        %mul3A_197 = vector.broadcast %squeeze3A_196 : f32 to vector<16xf32>
        %mul3A_198 = arith.mulf %get3A_194, %mul3A_197 : vector<16xf32>
        %swap3A_199 = arith.index_cast %scan3A_181 : i32 to index
        %swap3A_200 = arith.constant 16 : index
        %swap3A_201 = tpu.vector_load %arg15[%swap3A_199, %swap3A_200] {strides = array<i32>} : memref<80x128xf32, #tpu.memory_space<vmem>>, vector<16xf32>,
        tpu.vector_store %arg15[%swap3A_199, %swap3A_200], %mul3A_198 {strides = array<i32>} : memref<80x128xf32, #tpu.memory_space<vmem>>, vector<16xf32>,
        %get3A_202 = arith.index_cast %scan3A_181 : i32 to index
        %get3A_203 = arith.constant 32 : index
        %get3A_204 = tpu.vector_load %arg15[%get3A_202, %get3A_203] {strides = array<i32>} : memref<80x128xf32, #tpu.memory_space<vmem>>, vector<16xf32>,
        %slice3A_205 = vector.extract_strided_slice %get3A_184 {offsets = [2], sizes = [1], strides = [1]} : vector<16xf32> to vector<1xf32>
        %squeeze3A_206 = vector.extract %slice3A_205[0] : f32 from vector<1xf32>
        %mul3A_207 = vector.broadcast %squeeze3A_206 : f32 to vector<16xf32>
        %mul3A_208 = arith.mulf %get3A_204, %mul3A_207 : vector<16xf32>
        %swap3A_209 = arith.index_cast %scan3A_181 : i32 to index
        %swap3A_210 = arith.constant 32 : index
        %swap3A_211 = tpu.vector_load %arg15[%swap3A_209, %swap3A_210] {strides = array<i32>} : memref<80x128xf32, #tpu.memory_space<vmem>>, vector<16xf32>,
        tpu.vector_store %arg15[%swap3A_209, %swap3A_210], %mul3A_208 {strides = array<i32>} : memref<80x128xf32, #tpu.memory_space<vmem>>, vector<16xf32>,
        %get3A_212 = arith.index_cast %scan3A_181 : i32 to index
        %get3A_213 = arith.constant 48 : index
        %get3A_214 = tpu.vector_load %arg15[%get3A_212, %get3A_213] {strides = array<i32>} : memref<80x128xf32, #tpu.memory_space<vmem>>, vector<16xf32>,
        %slice3A_215 = vector.extract_strided_slice %get3A_184 {offsets = [3], sizes = [1], strides = [1]} : vector<16xf32> to vector<1xf32>
        %squeeze3A_216 = vector.extract %slice3A_215[0] : f32 from vector<1xf32>
        %mul3A_217 = vector.broadcast %squeeze3A_216 : f32 to vector<16xf32>
        %mul3A_218 = arith.mulf %get3A_214, %mul3A_217 : vector<16xf32>
        %swap3A_219 = arith.index_cast %scan3A_181 : i32 to index
        %swap3A_220 = arith.constant 48 : index
        %swap3A_221 = tpu.vector_load %arg15[%swap3A_219, %swap3A_220] {strides = array<i32>} : memref<80x128xf32, #tpu.memory_space<vmem>>, vector<16xf32>,
        tpu.vector_store %arg15[%swap3A_219, %swap3A_220], %mul3A_218 {strides = array<i32>} : memref<80x128xf32, #tpu.memory_space<vmem>>, vector<16xf32>,
        %get3A_222 = arith.index_cast %scan3A_181 : i32 to index
        %get3A_223 = arith.constant 64 : index
        %get3A_224 = tpu.vector_load %arg15[%get3A_222, %get3A_223] {strides = array<i32>} : memref<80x128xf32, #tpu.memory_space<vmem>>, vector<16xf32>,
        %slice3A_225 = vector.extract_strided_slice %get3A_184 {offsets = [4], sizes = [1], strides = [1]} : vector<16xf32> to vector<1xf32>
        %squeeze3A_226 = vector.extract %slice3A_225[0] : f32 from vector<1xf32>
        %mul3A_227 = vector.broadcast %squeeze3A_226 : f32 to vector<16xf32>
        %mul3A_228 = arith.mulf %get3A_224, %mul3A_227 : vector<16xf32>
        %swap3A_229 = arith.index_cast %scan3A_181 : i32 to index
        %swap3A_230 = arith.constant 64 : index
        %swap3A_231 = tpu.vector_load %arg15[%swap3A_229, %swap3A_230] {strides = array<i32>} : memref<80x128xf32, #tpu.memory_space<vmem>>, vector<16xf32>,
        tpu.vector_store %arg15[%swap3A_229, %swap3A_230], %mul3A_228 {strides = array<i32>} : memref<80x128xf32, #tpu.memory_space<vmem>>, vector<16xf32>,
        %get3A_232 = arith.index_cast %scan3A_181 : i32 to index
        %get3A_233 = arith.constant 80 : index
        %get3A_234 = tpu.vector_load %arg15[%get3A_232, %get3A_233] {strides = array<i32>} : memref<80x128xf32, #tpu.memory_space<vmem>>, vector<16xf32>,
        %slice3A_235 = vector.extract_strided_slice %get3A_184 {offsets = [5], sizes = [1], strides = [1]} : vector<16xf32> to vector<1xf32>
        %squeeze3A_236 = vector.extract %slice3A_235[0] : f32 from vector<1xf32>
        %mul3A_237 = vector.broadcast %squeeze3A_236 : f32 to vector<16xf32>
        %mul3A_238 = arith.mulf %get3A_234, %mul3A_237 : vector<16xf32>
        %swap3A_239 = arith.index_cast %scan3A_181 : i32 to index
        %swap3A_240 = arith.constant 80 : index
        %swap3A_241 = tpu.vector_load %arg15[%swap3A_239, %swap3A_240] {strides = array<i32>} : memref<80x128xf32, #tpu.memory_space<vmem>>, vector<16xf32>,
        tpu.vector_store %arg15[%swap3A_239, %swap3A_240], %mul3A_238 {strides = array<i32>} : memref<80x128xf32, #tpu.memory_space<vmem>>, vector<16xf32>,
        %get3A_242 = arith.index_cast %scan3A_181 : i32 to index
        %get3A_243 = arith.constant 96 : index
        %get3A_244 = tpu.vector_load %arg15[%get3A_242, %get3A_243] {strides = array<i32>} : memref<80x128xf32, #tpu.memory_space<vmem>>, vector<16xf32>,
        %slice3A_245 = vector.extract_strided_slice %get3A_184 {offsets = [6], sizes = [1], strides = [1]} : vector<16xf32> to vector<1xf32>
        %squeeze3A_246 = vector.extract %slice3A_245[0] : f32 from vector<1xf32>
        %mul3A_247 = vector.broadcast %squeeze3A_246 : f32 to vector<16xf32>
        %mul3A_248 = arith.mulf %get3A_244, %mul3A_247 : vector<16xf32>
        %swap3A_249 = arith.index_cast %scan3A_181 : i32 to index
        %swap3A_250 = arith.constant 96 : index
        %swap3A_251 = tpu.vector_load %arg15[%swap3A_249, %swap3A_250] {strides = array<i32>} : memref<80x128xf32, #tpu.memory_space<vmem>>, vector<16xf32>,
        tpu.vector_store %arg15[%swap3A_249, %swap3A_250], %mul3A_248 {strides = array<i32>} : memref<80x128xf32, #tpu.memory_space<vmem>>, vector<16xf32>,
        %get3A_252 = arith.index_cast %scan3A_181 : i32 to index
        %get3A_253 = arith.constant 112 : index
        %get3A_254 = tpu.vector_load %arg15[%get3A_252, %get3A_253] {strides = array<i32>} : memref<80x128xf32, #tpu.memory_space<vmem>>, vector<16xf32>,
        %slice3A_255 = vector.extract_strided_slice %get3A_184 {offsets = [7], sizes = [1], strides = [1]} : vector<16xf32> to vector<1xf32>
        %squeeze3A_256 = vector.extract %slice3A_255[0] : f32 from vector<1xf32>
        %mul3A_257 = vector.broadcast %squeeze3A_256 : f32 to vector<16xf32>
        %mul3A_258 = arith.mulf %get3A_254, %mul3A_257 : vector<16xf32>
        %swap3A_259 = arith.index_cast %scan3A_181 : i32 to index
        %swap3A_260 = arith.constant 112 : index
        %swap3A_261 = tpu.vector_load %arg15[%swap3A_259, %swap3A_260] {strides = array<i32>} : memref<80x128xf32, #tpu.memory_space<vmem>>, vector<16xf32>,
        tpu.vector_store %arg15[%swap3A_259, %swap3A_260], %mul3A_258 {strides = array<i32>} : memref<80x128xf32, #tpu.memory_space<vmem>>, vector<16xf32>,
        %scan3A_262 = arith.constant 0 : i32
        scf.yield %scan3A_262 : i32
      }
      %scan3A_179 = arith.constant 80 : i32
      "tpu.region"() ({
        %run_scoped3A_181 = tpu.sem_alloc : memref<!tpu.dma_semaphore, #tpu.memory_space<semaphore_mem>>
        %dma_start3A_182 = arith.constant 0 : i32
        %dma_start3A_183 = arith.constant 0 : i32
        %dma_start3A_184 = tpu.memref_slice %arg22[%dma_start3A_182, %dma_start3A_183] : memref<10240x128xf32, #tpu.memory_space<vmem_shared>> -> memref<10240x128xf32, #tpu.memory_space<vmem_shared>>
        tpu.enqueue_indirect_dma source(%arg15 : memref<80x128xf32, #tpu.memory_space<vmem>>) target(%dma_start3A_184 : memref<10240x128xf32, #tpu.memory_space<vmem_shared>>) offsets(%arg21 : memref<80xi32, #tpu.memory_space<vmem>>) semaphore(%run_scoped3A_181 : memref<!tpu.dma_semaphore, #tpu.memory_space<semaphore_mem>>) {add = true}
        %dma_wait3A_185 = arith.constant 0 : i32
        %dma_wait3A_186 = arith.constant 0 : i32
        %dma_wait3A_187 = tpu.memref_slice %arg22[%dma_wait3A_185, %dma_wait3A_186] : memref<10240x128xf32, #tpu.memory_space<vmem_shared>> -> memref<10240x128xf32, #tpu.memory_space<vmem_shared>>
        tpu.wait_indirect_dma semaphore(%run_scoped3A_181 : memref<!tpu.dma_semaphore, #tpu.memory_space<semaphore_mem>>) src(%arg15 : memref<80x128xf32, #tpu.memory_space<vmem>>) dst(%dma_wait3A_187 : memref<10240x128xf32, #tpu.memory_space<vmem_shared>>)
        tpu.yield
      }) : () -> ()
      %scan3A_180 = arith.constant 0 : i32
      scf.yield %scan3A_180 : i32
    }
    %scan3A_98 = arith.constant 62 : i32
    %add3A_99 = arith.constant 9920 : i32
    %add3A_100 = arith.addi %mul3A_2, %add3A_99 : i32
    %dma_wait3A_101 = arith.constant 0 : i32
    %dma_wait3A_102 = arith.constant 0 : i32
    %dma_wait3A_103 = tpu.memref_slice %arg5[%dma_wait3A_101, %dma_wait3A_102] : memref<10000x128xf32, #tpu.memory_space<hbm>> -> memref<10000x128xf32, #tpu.memory_space<hbm>>
    tpu.wait_indirect_dma semaphore(%arg23 : memref<!tpu.dma_semaphore, #tpu.memory_space<semaphore_mem>>) src(%dma_wait3A_103 : memref<10000x128xf32, #tpu.memory_space<hbm>>) dst(%arg14 : memref<80x128xf32, #tpu.memory_space<vmem>>)
    "tpu.region"() ({
      %run_scoped3A_118 = tpu.sem_alloc : memref<!tpu.dma_semaphore, #tpu.memory_space<semaphore_mem>>
      %dma_start3A_119 = arith.constant 0 : i32
      %dma_start3A_120 = tpu.memref_slice %arg13[%add3A_100, %dma_start3A_119] : memref<320000x16xf32, #tpu.memory_space<hbm>> -> memref<80x16xf32, #tpu.memory_space<hbm>>
      %dma_start3A_121 = arith.constant 0 : i32
      %dma_start3A_122 = tpu.memref_slice %arg13[%add3A_100, %dma_start3A_121] : memref<320000x16xf32, #tpu.memory_space<hbm>> -> memref<80x16xf32, #tpu.memory_space<hbm>>
      tpu.enqueue_dma source(%dma_start3A_122 : memref<80x16xf32, #tpu.memory_space<hbm>>) target(%arg16 : memref<80x16xf32, #tpu.memory_space<vmem>>) target_semaphore(%run_scoped3A_118 : memref<!tpu.dma_semaphore, #tpu.memory_space<semaphore_mem>>)
      %dma_wait3A_123 = arith.constant 0 : i32
      %dma_wait3A_124 = tpu.memref_slice %arg13[%add3A_100, %dma_wait3A_123] : memref<320000x16xf32, #tpu.memory_space<hbm>> -> memref<80x16xf32, #tpu.memory_space<hbm>>
      %dma_wait3A_125 = arith.constant 0 : i32
      %dma_wait3A_126 = tpu.memref_slice %arg13[%add3A_100, %dma_wait3A_125] : memref<320000x16xf32, #tpu.memory_space<hbm>> -> memref<80x16xf32, #tpu.memory_space<hbm>>
      tpu.wait_dma2 semaphore(%run_scoped3A_118 : memref<!tpu.dma_semaphore, #tpu.memory_space<semaphore_mem>>) src(%dma_wait3A_126 : memref<80x16xf32, #tpu.memory_space<hbm>>) dst(%arg16 : memref<80x16xf32, #tpu.memory_space<vmem>>)
      tpu.yield
    }) : () -> ()
    %scan3A_104 = arith.constant 0 : i32
    %scan3A_105 = arith.constant 0 : i32
    %scan3A_106 = arith.constant 80 : i32
    %scan3A_107 = arith.addi %scan3A_105, %scan3A_106 : i32
    %scan3A_108 = arith.constant 1 : i32
    %scan3A_109 = scf.for %scan3A_118 = %scan3A_105 to %scan3A_107 step %scan3A_108 iter_args(%scan3A_119 = %scan3A_104) -> (i32)  : i32 {
      %get3A = arith.index_cast %scan3A_118 : i32 to index
      %get3A_120 = arith.constant 0 : index
      %get3A_121 = tpu.vector_load %arg16[%get3A, %get3A_120] {strides = array<i32>} : memref<80x16xf32, #tpu.memory_space<vmem>>, vector<16xf32>,
      %get3A_122 = arith.index_cast %scan3A_118 : i32 to index
      %get3A_123 = arith.constant 0 : index
      %get3A_124 = tpu.vector_load %arg14[%get3A_122, %get3A_123] {strides = array<i32>} : memref<80x128xf32, #tpu.memory_space<vmem>>, vector<16xf32>,
      %slice3A = vector.extract_strided_slice %get3A_121 {offsets = [0], sizes = [1], strides = [1]} : vector<16xf32> to vector<1xf32>
      %squeeze3A = vector.extract %slice3A[0] : f32 from vector<1xf32>
      %mul3A_125 = vector.broadcast %squeeze3A : f32 to vector<16xf32>
      %mul3A_126 = arith.mulf %get3A_124, %mul3A_125 : vector<16xf32>
      %swap3A = arith.index_cast %scan3A_118 : i32 to index
      %swap3A_127 = arith.constant 0 : index
      %swap3A_128 = tpu.vector_load %arg14[%swap3A, %swap3A_127] {strides = array<i32>} : memref<80x128xf32, #tpu.memory_space<vmem>>, vector<16xf32>,
      tpu.vector_store %arg14[%swap3A, %swap3A_127], %mul3A_126 {strides = array<i32>} : memref<80x128xf32, #tpu.memory_space<vmem>>, vector<16xf32>,
      %get3A_129 = arith.index_cast %scan3A_118 : i32 to index
      %get3A_130 = arith.constant 16 : index
      %get3A_131 = tpu.vector_load %arg14[%get3A_129, %get3A_130] {strides = array<i32>} : memref<80x128xf32, #tpu.memory_space<vmem>>, vector<16xf32>,
      %slice3A_132 = vector.extract_strided_slice %get3A_121 {offsets = [1], sizes = [1], strides = [1]} : vector<16xf32> to vector<1xf32>
      %squeeze3A_133 = vector.extract %slice3A_132[0] : f32 from vector<1xf32>
      %mul3A_134 = vector.broadcast %squeeze3A_133 : f32 to vector<16xf32>
      %mul3A_135 = arith.mulf %get3A_131, %mul3A_134 : vector<16xf32>
      %swap3A_136 = arith.index_cast %scan3A_118 : i32 to index
      %swap3A_137 = arith.constant 16 : index
      %swap3A_138 = tpu.vector_load %arg14[%swap3A_136, %swap3A_137] {strides = array<i32>} : memref<80x128xf32, #tpu.memory_space<vmem>>, vector<16xf32>,
      tpu.vector_store %arg14[%swap3A_136, %swap3A_137], %mul3A_135 {strides = array<i32>} : memref<80x128xf32, #tpu.memory_space<vmem>>, vector<16xf32>,
      %get3A_139 = arith.index_cast %scan3A_118 : i32 to index
      %get3A_140 = arith.constant 32 : index
      %get3A_141 = tpu.vector_load %arg14[%get3A_139, %get3A_140] {strides = array<i32>} : memref<80x128xf32, #tpu.memory_space<vmem>>, vector<16xf32>,
      %slice3A_142 = vector.extract_strided_slice %get3A_121 {offsets = [2], sizes = [1], strides = [1]} : vector<16xf32> to vector<1xf32>
      %squeeze3A_143 = vector.extract %slice3A_142[0] : f32 from vector<1xf32>
      %mul3A_144 = vector.broadcast %squeeze3A_143 : f32 to vector<16xf32>
      %mul3A_145 = arith.mulf %get3A_141, %mul3A_144 : vector<16xf32>
      %swap3A_146 = arith.index_cast %scan3A_118 : i32 to index
      %swap3A_147 = arith.constant 32 : index
      %swap3A_148 = tpu.vector_load %arg14[%swap3A_146, %swap3A_147] {strides = array<i32>} : memref<80x128xf32, #tpu.memory_space<vmem>>, vector<16xf32>,
      tpu.vector_store %arg14[%swap3A_146, %swap3A_147], %mul3A_145 {strides = array<i32>} : memref<80x128xf32, #tpu.memory_space<vmem>>, vector<16xf32>,
      %get3A_149 = arith.index_cast %scan3A_118 : i32 to index
      %get3A_150 = arith.constant 48 : index
      %get3A_151 = tpu.vector_load %arg14[%get3A_149, %get3A_150] {strides = array<i32>} : memref<80x128xf32, #tpu.memory_space<vmem>>, vector<16xf32>,
      %slice3A_152 = vector.extract_strided_slice %get3A_121 {offsets = [3], sizes = [1], strides = [1]} : vector<16xf32> to vector<1xf32>
      %squeeze3A_153 = vector.extract %slice3A_152[0] : f32 from vector<1xf32>
      %mul3A_154 = vector.broadcast %squeeze3A_153 : f32 to vector<16xf32>
      %mul3A_155 = arith.mulf %get3A_151, %mul3A_154 : vector<16xf32>
      %swap3A_156 = arith.index_cast %scan3A_118 : i32 to index
      %swap3A_157 = arith.constant 48 : index
      %swap3A_158 = tpu.vector_load %arg14[%swap3A_156, %swap3A_157] {strides = array<i32>} : memref<80x128xf32, #tpu.memory_space<vmem>>, vector<16xf32>,
      tpu.vector_store %arg14[%swap3A_156, %swap3A_157], %mul3A_155 {strides = array<i32>} : memref<80x128xf32, #tpu.memory_space<vmem>>, vector<16xf32>,
      %get3A_159 = arith.index_cast %scan3A_118 : i32 to index
      %get3A_160 = arith.constant 64 : index
      %get3A_161 = tpu.vector_load %arg14[%get3A_159, %get3A_160] {strides = array<i32>} : memref<80x128xf32, #tpu.memory_space<vmem>>, vector<16xf32>,
      %slice3A_162 = vector.extract_strided_slice %get3A_121 {offsets = [4], sizes = [1], strides = [1]} : vector<16xf32> to vector<1xf32>
      %squeeze3A_163 = vector.extract %slice3A_162[0] : f32 from vector<1xf32>
      %mul3A_164 = vector.broadcast %squeeze3A_163 : f32 to vector<16xf32>
      %mul3A_165 = arith.mulf %get3A_161, %mul3A_164 : vector<16xf32>
      %swap3A_166 = arith.index_cast %scan3A_118 : i32 to index
      %swap3A_167 = arith.constant 64 : index
      %swap3A_168 = tpu.vector_load %arg14[%swap3A_166, %swap3A_167] {strides = array<i32>} : memref<80x128xf32, #tpu.memory_space<vmem>>, vector<16xf32>,
      tpu.vector_store %arg14[%swap3A_166, %swap3A_167], %mul3A_165 {strides = array<i32>} : memref<80x128xf32, #tpu.memory_space<vmem>>, vector<16xf32>,
      %get3A_169 = arith.index_cast %scan3A_118 : i32 to index
      %get3A_170 = arith.constant 80 : index
      %get3A_171 = tpu.vector_load %arg14[%get3A_169, %get3A_170] {strides = array<i32>} : memref<80x128xf32, #tpu.memory_space<vmem>>, vector<16xf32>,
      %slice3A_172 = vector.extract_strided_slice %get3A_121 {offsets = [5], sizes = [1], strides = [1]} : vector<16xf32> to vector<1xf32>
      %squeeze3A_173 = vector.extract %slice3A_172[0] : f32 from vector<1xf32>
      %mul3A_174 = vector.broadcast %squeeze3A_173 : f32 to vector<16xf32>
      %mul3A_175 = arith.mulf %get3A_171, %mul3A_174 : vector<16xf32>
      %swap3A_176 = arith.index_cast %scan3A_118 : i32 to index
      %swap3A_177 = arith.constant 80 : index
      %swap3A_178 = tpu.vector_load %arg14[%swap3A_176, %swap3A_177] {strides = array<i32>} : memref<80x128xf32, #tpu.memory_space<vmem>>, vector<16xf32>,
      tpu.vector_store %arg14[%swap3A_176, %swap3A_177], %mul3A_175 {strides = array<i32>} : memref<80x128xf32, #tpu.memory_space<vmem>>, vector<16xf32>,
      %get3A_179 = arith.index_cast %scan3A_118 : i32 to index
      %get3A_180 = arith.constant 96 : index
      %get3A_181 = tpu.vector_load %arg14[%get3A_179, %get3A_180] {strides = array<i32>} : memref<80x128xf32, #tpu.memory_space<vmem>>, vector<16xf32>,
      %slice3A_182 = vector.extract_strided_slice %get3A_121 {offsets = [6], sizes = [1], strides = [1]} : vector<16xf32> to vector<1xf32>
      %squeeze3A_183 = vector.extract %slice3A_182[0] : f32 from vector<1xf32>
      %mul3A_184 = vector.broadcast %squeeze3A_183 : f32 to vector<16xf32>
      %mul3A_185 = arith.mulf %get3A_181, %mul3A_184 : vector<16xf32>
      %swap3A_186 = arith.index_cast %scan3A_118 : i32 to index
      %swap3A_187 = arith.constant 96 : index
      %swap3A_188 = tpu.vector_load %arg14[%swap3A_186, %swap3A_187] {strides = array<i32>} : memref<80x128xf32, #tpu.memory_space<vmem>>, vector<16xf32>,
      tpu.vector_store %arg14[%swap3A_186, %swap3A_187], %mul3A_185 {strides = array<i32>} : memref<80x128xf32, #tpu.memory_space<vmem>>, vector<16xf32>,
      %get3A_189 = arith.index_cast %scan3A_118 : i32 to index
      %get3A_190 = arith.constant 112 : index
      %get3A_191 = tpu.vector_load %arg14[%get3A_189, %get3A_190] {strides = array<i32>} : memref<80x128xf32, #tpu.memory_space<vmem>>, vector<16xf32>,
      %slice3A_192 = vector.extract_strided_slice %get3A_121 {offsets = [7], sizes = [1], strides = [1]} : vector<16xf32> to vector<1xf32>
      %squeeze3A_193 = vector.extract %slice3A_192[0] : f32 from vector<1xf32>
      %mul3A_194 = vector.broadcast %squeeze3A_193 : f32 to vector<16xf32>
      %mul3A_195 = arith.mulf %get3A_191, %mul3A_194 : vector<16xf32>
      %swap3A_196 = arith.index_cast %scan3A_118 : i32 to index
      %swap3A_197 = arith.constant 112 : index
      %swap3A_198 = tpu.vector_load %arg14[%swap3A_196, %swap3A_197] {strides = array<i32>} : memref<80x128xf32, #tpu.memory_space<vmem>>, vector<16xf32>,
      tpu.vector_store %arg14[%swap3A_196, %swap3A_197], %mul3A_195 {strides = array<i32>} : memref<80x128xf32, #tpu.memory_space<vmem>>, vector<16xf32>,
      %scan3A_199 = arith.constant 0 : i32
      scf.yield %scan3A_199 : i32
    }
    %scan3A_110 = arith.constant 80 : i32
    "tpu.region"() ({
      %run_scoped3A_118 = tpu.sem_alloc : memref<!tpu.dma_semaphore, #tpu.memory_space<semaphore_mem>>
      %dma_start3A_119 = arith.constant 0 : i32
      %dma_start3A_120 = arith.constant 0 : i32
      %dma_start3A_121 = tpu.memref_slice %arg22[%dma_start3A_119, %dma_start3A_120] : memref<10240x128xf32, #tpu.memory_space<vmem_shared>> -> memref<10240x128xf32, #tpu.memory_space<vmem_shared>>
      tpu.enqueue_indirect_dma source(%arg14 : memref<80x128xf32, #tpu.memory_space<vmem>>) target(%dma_start3A_121 : memref<10240x128xf32, #tpu.memory_space<vmem_shared>>) offsets(%arg19 : memref<80xi32, #tpu.memory_space<vmem>>) semaphore(%run_scoped3A_118 : memref<!tpu.dma_semaphore, #tpu.memory_space<semaphore_mem>>) {add = true}
      %dma_wait3A_122 = arith.constant 0 : i32
      %dma_wait3A_123 = arith.constant 0 : i32
      %dma_wait3A_124 = tpu.memref_slice %arg22[%dma_wait3A_122, %dma_wait3A_123] : memref<10240x128xf32, #tpu.memory_space<vmem_shared>> -> memref<10240x128xf32, #tpu.memory_space<vmem_shared>>
      tpu.wait_indirect_dma semaphore(%run_scoped3A_118 : memref<!tpu.dma_semaphore, #tpu.memory_space<semaphore_mem>>) src(%arg14 : memref<80x128xf32, #tpu.memory_space<vmem>>) dst(%dma_wait3A_124 : memref<10240x128xf32, #tpu.memory_space<vmem_shared>>)
      tpu.yield
    }) : () -> ()
    %barrier3A_111 = arith.constant 0 : index
    tpu.barrier barrier_id(%barrier3A_111)
    %mul3A_112 = arith.constant 640 : i32
    %mul3A_113 = arith.muli %arg1, %mul3A_112 : i32
    %mul3A_114 = arith.constant 640 : i32
    %mul3A_115 = arith.muli %arg1, %mul3A_114 : i32
    %run_scoped3A_116 = arith.constant 2 : i32
    "tpu.region"() ({
      %run_scoped3A_118 = tpu.sem_alloc : memref<!tpu.dma_semaphore, #tpu.memory_space<semaphore_mem>>
      %dma_start3A_119 = arith.constant 0 : i32
      %dma_start3A_120 = tpu.memref_slice %arg12[%arg0, %run_scoped3A_116, %mul3A_115, %dma_start3A_119] : memref<2x3x10240x128xf32, #tpu.memory_space<hbm>> -> memref<1x1x640x128xf32, #tpu.memory_space<hbm>>
      %dma_start3A_121 = tpu.memref_squeeze %dma_start3A_120 : memref<1x1x640x128xf32, #tpu.memory_space<hbm>> -> memref<640x128xf32, #tpu.memory_space<hbm>>
      %dma_start3A_122 = arith.constant 0 : i32
      %dma_start3A_123 = tpu.memref_slice %arg22[%mul3A_113, %dma_start3A_122] : memref<10240x128xf32, #tpu.memory_space<vmem_shared>> -> memref<640x128xf32, #tpu.memory_space<vmem_shared>>
      tpu.enqueue_dma source(%dma_start3A_123 : memref<640x128xf32, #tpu.memory_space<vmem_shared>>) target(%dma_start3A_121 : memref<640x128xf32, #tpu.memory_space<hbm>>) target_semaphore(%run_scoped3A_118 : memref<!tpu.dma_semaphore, #tpu.memory_space<semaphore_mem>>)
      %dma_wait3A_124 = arith.constant 0 : i32
      %dma_wait3A_125 = tpu.memref_slice %arg12[%arg0, %run_scoped3A_116, %mul3A_115, %dma_wait3A_124] : memref<2x3x10240x128xf32, #tpu.memory_space<hbm>> -> memref<1x1x640x128xf32, #tpu.memory_space<hbm>>
      %dma_wait3A_126 = tpu.memref_squeeze %dma_wait3A_125 : memref<1x1x640x128xf32, #tpu.memory_space<hbm>> -> memref<640x128xf32, #tpu.memory_space<hbm>>
      %dma_wait3A_127 = arith.constant 0 : i32
      %dma_wait3A_128 = tpu.memref_slice %arg22[%mul3A_113, %dma_wait3A_127] : memref<10240x128xf32, #tpu.memory_space<vmem_shared>> -> memref<640x128xf32, #tpu.memory_space<vmem_shared>>
      tpu.wait_dma2 semaphore(%run_scoped3A_118 : memref<!tpu.dma_semaphore, #tpu.memory_space<semaphore_mem>>) src(%dma_wait3A_128 : memref<640x128xf32, #tpu.memory_space<vmem_shared>>) dst(%dma_wait3A_126 : memref<640x128xf32, #tpu.memory_space<hbm>>)
      tpu.yield
    }) : () -> ()
    %barrier3A_117 = arith.constant 0 : index
    tpu.barrier barrier_id(%barrier3A_117)
    return
  }
}

#map = affine_map<(d0, d1) -> (0, 0)>
#map1 = affine_map<(d0, d1) -> (0)>
#map2 = affine_map<(d0, d1) -> (0, 0, 0)>
module attributes {stable_mosaic.version = 14 : i64} {
  func.func @_sc_scores_body(%arg0: i32, %arg1: i32, %arg2: memref<10000x128xf32, #tpu.memory_space<hbm>>, %arg3: memref<10000x128xf32, #tpu.memory_space<hbm>>, %arg4: memref<320000xi32, #tpu.memory_space<hbm>>, %arg5: memref<320000xi32, #tpu.memory_space<hbm>>, %arg6: memref<320000x16xf32, #tpu.memory_space<hbm>>, %arg7: memref<10240x128xf32, #tpu.memory_space<hbm>>, %arg8: memref<320000x16xf32, #tpu.memory_space<hbm>>, %arg9: memref<2x10240x128xf32, #tpu.memory_space<hbm>>, %arg10: memref<80x128xf32, #tpu.memory_space<vmem>>, %arg11: memref<80x128xf32, #tpu.memory_space<vmem>>, %arg12: memref<80x16xf32, #tpu.memory_space<vmem>>, %arg13: memref<80x128xf32, #tpu.memory_space<vmem>>, %arg14: memref<80xi32, #tpu.memory_space<vmem>>, %arg15: memref<80xi32, #tpu.memory_space<vmem>>, %arg16: memref<10240x128xf32, #tpu.memory_space<vmem_shared>>, %arg17: memref<!tpu.dma_semaphore, #tpu.memory_space<semaphore_mem>>, %arg18: memref<!tpu.dma_semaphore, #tpu.memory_space<semaphore_mem>>, %arg19: memref<!tpu.dma_semaphore, #tpu.memory_space<semaphore_mem>>) attributes {dimension_semantics = [#tpu.dimension_semantics<core_parallel>, #tpu.dimension_semantics<subcore_parallel>], iteration_bounds = array<i64: 2, 16>, scalar_prefetch = 0 : i64, scratch_operands = 10 : i64, tpu.core_type = #tpu.core_type<sc_vector_subcore>, window_params = [{transform_indices = #map}, {transform_indices = #map}, {transform_indices = #map1}, {transform_indices = #map1}, {transform_indices = #map}, {transform_indices = #map}, {transform_indices = #map}, {transform_indices = #map2}]} {
    %mul3A = arith.constant 2 : i32
    %mul3A_0 = arith.muli %arg1, %mul3A : i32
    %add3A = arith.addi %mul3A_0, %arg0 : i32
    %mul3A_1 = arith.constant 10000 : i32
    %mul3A_2 = arith.muli %add3A, %mul3A_1 : i32
    "tpu.region"() ({
      %run_scoped3A = tpu.sem_alloc : memref<!tpu.dma_semaphore, #tpu.memory_space<semaphore_mem>>
      %dma_start3A = arith.constant 0 : i32
      %dma_start3A_18 = arith.constant 0 : i32
      %dma_start3A_19 = tpu.memref_slice %arg7[%dma_start3A, %dma_start3A_18] : memref<10240x128xf32, #tpu.memory_space<hbm>> -> memref<80x128xf32, #tpu.memory_space<hbm>>
      %dma_start3A_20 = arith.constant 0 : i32
      %dma_start3A_21 = arith.constant 0 : i32
      %dma_start3A_22 = tpu.memref_slice %arg7[%dma_start3A_20, %dma_start3A_21] : memref<10240x128xf32, #tpu.memory_space<hbm>> -> memref<80x128xf32, #tpu.memory_space<hbm>>
      tpu.enqueue_dma source(%dma_start3A_22 : memref<80x128xf32, #tpu.memory_space<hbm>>) target(%arg13 : memref<80x128xf32, #tpu.memory_space<vmem>>) target_semaphore(%run_scoped3A : memref<!tpu.dma_semaphore, #tpu.memory_space<semaphore_mem>>)
      %dma_wait3A = arith.constant 0 : i32
      %dma_wait3A_23 = arith.constant 0 : i32
      %dma_wait3A_24 = tpu.memref_slice %arg7[%dma_wait3A, %dma_wait3A_23] : memref<10240x128xf32, #tpu.memory_space<hbm>> -> memref<80x128xf32, #tpu.memory_space<hbm>>
      %dma_wait3A_25 = arith.constant 0 : i32
      %dma_wait3A_26 = arith.constant 0 : i32
      %dma_wait3A_27 = tpu.memref_slice %arg7[%dma_wait3A_25, %dma_wait3A_26] : memref<10240x128xf32, #tpu.memory_space<hbm>> -> memref<80x128xf32, #tpu.memory_space<hbm>>
      tpu.wait_dma2 semaphore(%run_scoped3A : memref<!tpu.dma_semaphore, #tpu.memory_space<semaphore_mem>>) src(%dma_wait3A_27 : memref<80x128xf32, #tpu.memory_space<hbm>>) dst(%arg13 : memref<80x128xf32, #tpu.memory_space<vmem>>)
      tpu.yield
    }) : () -> ()
    %mul3A_3 = arith.constant 640 : i32
    %mul3A_4 = arith.muli %arg1, %mul3A_3 : i32
    %mul3A_5 = arith.constant 640 : i32
    %mul3A_6 = arith.muli %arg1, %mul3A_5 : i32
    "tpu.region"() ({
      %run_scoped3A = tpu.sem_alloc : memref<!tpu.dma_semaphore, #tpu.memory_space<semaphore_mem>>
      %dma_start3A = arith.constant 0 : i32
      %dma_start3A_18 = tpu.memref_slice %arg16[%mul3A_6, %dma_start3A] : memref<10240x128xf32, #tpu.memory_space<vmem_shared>> -> memref<640x128xf32, #tpu.memory_space<vmem_shared>>
      %dma_start3A_19 = arith.constant 0 : i32
      %dma_start3A_20 = tpu.memref_slice %arg7[%mul3A_4, %dma_start3A_19] : memref<10240x128xf32, #tpu.memory_space<hbm>> -> memref<640x128xf32, #tpu.memory_space<hbm>>
      tpu.enqueue_dma source(%dma_start3A_20 : memref<640x128xf32, #tpu.memory_space<hbm>>) target(%dma_start3A_18 : memref<640x128xf32, #tpu.memory_space<vmem_shared>>) target_semaphore(%run_scoped3A : memref<!tpu.dma_semaphore, #tpu.memory_space<semaphore_mem>>)
      %dma_wait3A = arith.constant 0 : i32
      %dma_wait3A_21 = tpu.memref_slice %arg16[%mul3A_6, %dma_wait3A] : memref<10240x128xf32, #tpu.memory_space<vmem_shared>> -> memref<640x128xf32, #tpu.memory_space<vmem_shared>>
      %dma_wait3A_22 = arith.constant 0 : i32
      %dma_wait3A_23 = tpu.memref_slice %arg7[%mul3A_4, %dma_wait3A_22] : memref<10240x128xf32, #tpu.memory_space<hbm>> -> memref<640x128xf32, #tpu.memory_space<hbm>>
      tpu.wait_dma2 semaphore(%run_scoped3A : memref<!tpu.dma_semaphore, #tpu.memory_space<semaphore_mem>>) src(%dma_wait3A_23 : memref<640x128xf32, #tpu.memory_space<hbm>>) dst(%dma_wait3A_21 : memref<640x128xf32, #tpu.memory_space<vmem_shared>>)
      tpu.yield
    }) : () -> ()
    %barrier3A = arith.constant 0 : index
    tpu.barrier barrier_id(%barrier3A)
    %scan3A = arith.constant 0 : i32
    %scan3A_7 = arith.constant 0 : i32
    %scan3A_8 = arith.constant 125 : i32
    %scan3A_9 = arith.addi %scan3A_7, %scan3A_8 : i32
    %scan3A_10 = arith.constant 1 : i32
    %scan3A_11 = scf.for %scan3A_18 = %scan3A_7 to %scan3A_9 step %scan3A_10 iter_args(%scan3A_19 = %scan3A) -> (i32)  : i32 {
      %mul3A_20 = arith.constant 80 : i32
      %mul3A_21 = arith.muli %scan3A_18, %mul3A_20 : i32
      %add3A_22 = arith.addi %mul3A_2, %mul3A_21 : i32
      "tpu.region"() ({
        %run_scoped3A = tpu.sem_alloc : memref<!tpu.dma_semaphore, #tpu.memory_space<semaphore_mem>>
        %dma_start3A_57 = tpu.memref_slice %arg4[%add3A_22] : memref<320000xi32, #tpu.memory_space<hbm>> -> memref<80xi32, #tpu.memory_space<hbm>>
        %dma_start3A_58 = tpu.memref_slice %arg4[%add3A_22] : memref<320000xi32, #tpu.memory_space<hbm>> -> memref<80xi32, #tpu.memory_space<hbm>>
        tpu.enqueue_dma source(%dma_start3A_58 : memref<80xi32, #tpu.memory_space<hbm>>) target(%arg14 : memref<80xi32, #tpu.memory_space<vmem>>) target_semaphore(%run_scoped3A : memref<!tpu.dma_semaphore, #tpu.memory_space<semaphore_mem>>)
        %dma_wait3A_59 = tpu.memref_slice %arg4[%add3A_22] : memref<320000xi32, #tpu.memory_space<hbm>> -> memref<80xi32, #tpu.memory_space<hbm>>
        %dma_wait3A_60 = tpu.memref_slice %arg4[%add3A_22] : memref<320000xi32, #tpu.memory_space<hbm>> -> memref<80xi32, #tpu.memory_space<hbm>>
        tpu.wait_dma2 semaphore(%run_scoped3A : memref<!tpu.dma_semaphore, #tpu.memory_space<semaphore_mem>>) src(%dma_wait3A_60 : memref<80xi32, #tpu.memory_space<hbm>>) dst(%arg14 : memref<80xi32, #tpu.memory_space<vmem>>)
        tpu.yield
      }) : () -> ()
      "tpu.region"() ({
        %run_scoped3A = tpu.sem_alloc : memref<!tpu.dma_semaphore, #tpu.memory_space<semaphore_mem>>
        %dma_start3A_57 = tpu.memref_slice %arg5[%add3A_22] : memref<320000xi32, #tpu.memory_space<hbm>> -> memref<80xi32, #tpu.memory_space<hbm>>
        %dma_start3A_58 = tpu.memref_slice %arg5[%add3A_22] : memref<320000xi32, #tpu.memory_space<hbm>> -> memref<80xi32, #tpu.memory_space<hbm>>
        tpu.enqueue_dma source(%dma_start3A_58 : memref<80xi32, #tpu.memory_space<hbm>>) target(%arg15 : memref<80xi32, #tpu.memory_space<vmem>>) target_semaphore(%run_scoped3A : memref<!tpu.dma_semaphore, #tpu.memory_space<semaphore_mem>>)
        %dma_wait3A_59 = tpu.memref_slice %arg5[%add3A_22] : memref<320000xi32, #tpu.memory_space<hbm>> -> memref<80xi32, #tpu.memory_space<hbm>>
        %dma_wait3A_60 = tpu.memref_slice %arg5[%add3A_22] : memref<320000xi32, #tpu.memory_space<hbm>> -> memref<80xi32, #tpu.memory_space<hbm>>
        tpu.wait_dma2 semaphore(%run_scoped3A : memref<!tpu.dma_semaphore, #tpu.memory_space<semaphore_mem>>) src(%dma_wait3A_60 : memref<80xi32, #tpu.memory_space<hbm>>) dst(%arg15 : memref<80xi32, #tpu.memory_space<vmem>>)
        tpu.yield
      }) : () -> ()
      %dma_start3A = arith.constant 0 : i32
      %dma_start3A_23 = arith.constant 0 : i32
      %dma_start3A_24 = tpu.memref_slice %arg2[%dma_start3A, %dma_start3A_23] : memref<10000x128xf32, #tpu.memory_space<hbm>> -> memref<10000x128xf32, #tpu.memory_space<hbm>>
      tpu.enqueue_indirect_dma source(%dma_start3A_24 : memref<10000x128xf32, #tpu.memory_space<hbm>>) target(%arg10 : memref<80x128xf32, #tpu.memory_space<vmem>>) offsets(%arg15 : memref<80xi32, #tpu.memory_space<vmem>>) semaphore(%arg17 : memref<!tpu.dma_semaphore, #tpu.memory_space<semaphore_mem>>)
      %dma_start3A_25 = arith.constant 0 : i32
      %dma_start3A_26 = arith.constant 0 : i32
      %dma_start3A_27 = tpu.memref_slice %arg3[%dma_start3A_25, %dma_start3A_26] : memref<10000x128xf32, #tpu.memory_space<hbm>> -> memref<10000x128xf32, #tpu.memory_space<hbm>>
      tpu.enqueue_indirect_dma source(%dma_start3A_27 : memref<10000x128xf32, #tpu.memory_space<hbm>>) target(%arg11 : memref<80x128xf32, #tpu.memory_space<vmem>>) offsets(%arg14 : memref<80xi32, #tpu.memory_space<vmem>>) semaphore(%arg18 : memref<!tpu.dma_semaphore, #tpu.memory_space<semaphore_mem>>)
      %dma_start3A_28 = arith.constant 0 : i32
      %dma_start3A_29 = tpu.memref_slice %arg6[%add3A_22, %dma_start3A_28] : memref<320000x16xf32, #tpu.memory_space<hbm>> -> memref<80x16xf32, #tpu.memory_space<hbm>>
      %dma_start3A_30 = arith.constant 0 : i32
      %dma_start3A_31 = tpu.memref_slice %arg6[%add3A_22, %dma_start3A_30] : memref<320000x16xf32, #tpu.memory_space<hbm>> -> memref<80x16xf32, #tpu.memory_space<hbm>>
      tpu.enqueue_dma source(%dma_start3A_31 : memref<80x16xf32, #tpu.memory_space<hbm>>) target(%arg12 : memref<80x16xf32, #tpu.memory_space<vmem>>) target_semaphore(%arg19 : memref<!tpu.dma_semaphore, #tpu.memory_space<semaphore_mem>>)
      %dma_wait3A = arith.constant 0 : i32
      %dma_wait3A_32 = arith.constant 0 : i32
      %dma_wait3A_33 = tpu.memref_slice %arg2[%dma_wait3A, %dma_wait3A_32] : memref<10000x128xf32, #tpu.memory_space<hbm>> -> memref<10000x128xf32, #tpu.memory_space<hbm>>
      tpu.wait_indirect_dma semaphore(%arg17 : memref<!tpu.dma_semaphore, #tpu.memory_space<semaphore_mem>>) src(%dma_wait3A_33 : memref<10000x128xf32, #tpu.memory_space<hbm>>) dst(%arg10 : memref<80x128xf32, #tpu.memory_space<vmem>>)
      %dma_wait3A_34 = arith.constant 0 : i32
      %dma_wait3A_35 = arith.constant 0 : i32
      %dma_wait3A_36 = tpu.memref_slice %arg3[%dma_wait3A_34, %dma_wait3A_35] : memref<10000x128xf32, #tpu.memory_space<hbm>> -> memref<10000x128xf32, #tpu.memory_space<hbm>>
      tpu.wait_indirect_dma semaphore(%arg18 : memref<!tpu.dma_semaphore, #tpu.memory_space<semaphore_mem>>) src(%dma_wait3A_36 : memref<10000x128xf32, #tpu.memory_space<hbm>>) dst(%arg11 : memref<80x128xf32, #tpu.memory_space<vmem>>)
      %dma_wait3A_37 = arith.constant 0 : i32
      %dma_wait3A_38 = tpu.memref_slice %arg6[%add3A_22, %dma_wait3A_37] : memref<320000x16xf32, #tpu.memory_space<hbm>> -> memref<80x16xf32, #tpu.memory_space<hbm>>
      %dma_wait3A_39 = arith.constant 0 : i32
      %dma_wait3A_40 = tpu.memref_slice %arg6[%add3A_22, %dma_wait3A_39] : memref<320000x16xf32, #tpu.memory_space<hbm>> -> memref<80x16xf32, #tpu.memory_space<hbm>>
      tpu.wait_dma2 semaphore(%arg19 : memref<!tpu.dma_semaphore, #tpu.memory_space<semaphore_mem>>) src(%dma_wait3A_40 : memref<80x16xf32, #tpu.memory_space<hbm>>) dst(%arg12 : memref<80x16xf32, #tpu.memory_space<vmem>>)
      %scan3A_41 = arith.constant 0 : i32
      %scan3A_42 = arith.constant 0 : i32
      %scan3A_43 = arith.constant 40 : i32
      %scan3A_44 = arith.addi %scan3A_42, %scan3A_43 : i32
      %scan3A_45 = arith.constant 1 : i32
      %scan3A_46 = scf.for %scan3A_57 = %scan3A_42 to %scan3A_44 step %scan3A_45 iter_args(%scan3A_58 = %scan3A_41) -> (i32)  : i32 {
        %jit3A = arith.constant 8 : i32
        %div3A = arith.divsi %scan3A_57, %jit3A : i32
        %sign3A = arith.constant 0 : i32
        %sign3A_59 = arith.cmpi sgt, %scan3A_57, %sign3A : i32
        %sign3A_60 = arith.extui %sign3A_59 : i1 to i32
        %sign3A_61 = arith.constant 0 : i32
        %sign3A_62 = arith.cmpi slt, %scan3A_57, %sign3A_61 : i32
        %sign3A_63 = arith.extui %sign3A_62 : i1 to i32
        %sign3A_64 = arith.subi %sign3A_60, %sign3A_63 : i32
        %sign3A_65 = arith.constant 0 : i32
        %sign3A_66 = arith.cmpi sgt, %jit3A, %sign3A_65 : i32
        %sign3A_67 = arith.extui %sign3A_66 : i1 to i32
        %sign3A_68 = arith.constant 0 : i32
        %sign3A_69 = arith.cmpi slt, %jit3A, %sign3A_68 : i32
        %sign3A_70 = arith.extui %sign3A_69 : i1 to i32
        %sign3A_71 = arith.subi %sign3A_67, %sign3A_70 : i32
        %ne3A = arith.cmpi ne, %sign3A_64, %sign3A_71 : i32
        %rem3A = arith.remsi %scan3A_57, %jit3A : i32
        %ne3A_72 = arith.constant 0 : i32
        %ne3A_73 = arith.cmpi ne, %rem3A, %ne3A_72 : i32
        %and3A = arith.andi %ne3A, %ne3A_73 : i1
        %sub3A = arith.constant 1 : i32
        %sub3A_74 = arith.subi %div3A, %sub3A : i32
        %select_n3A = arith.select %and3A, %sub3A_74, %div3A : i32
        %mul3A_75 = arith.constant 8 : i32
        %mul3A_76 = arith.muli %select_n3A, %mul3A_75 : i32
        %sub3A_77 = arith.subi %scan3A_57, %mul3A_76 : i32
        %iota3A = tpu.iota {dimensions = array<i32: 0>} : vector<16xi32>
        %mul3A_78 = arith.constant 16 : i32
        %mul3A_79 = arith.muli %select_n3A, %mul3A_78 : i32
        %add3A_80 = vector.broadcast %mul3A_79 : i32 to vector<16xi32>
        %add3A_81 = arith.addi %iota3A, %add3A_80 : vector<16xi32>
        %broadcast_in_dim3A = arith.constant 0 : i32
        %broadcast_in_dim3A_82 = vector.broadcast %broadcast_in_dim3A : i32 to vector<16xi32>
        %add3A_83 = vector.broadcast %sub3A_77 : i32 to vector<16xi32>
        %add3A_84 = arith.addi %broadcast_in_dim3A_82, %add3A_83 : vector<16xi32>
        %gather3A = tpu.vector_load_idx %arg12[%add3A_81, %add3A_84] : memref<80x16xf32, #tpu.memory_space<vmem>>[vector<16xi32>, vector<16xi32>], vector<16xf32>,
        %broadcast_in_dim3A_85 = arith.constant 0.000000e+00 : f32
        %broadcast_in_dim3A_86 = vector.broadcast %broadcast_in_dim3A_85 : f32 to vector<16xf32>
        %mul3A_87 = arith.constant 16 : i32
        %mul3A_88 = arith.muli %sub3A_77, %mul3A_87 : i32
        %add3A_89 = arith.constant 0 : i32
        %add3A_90 = arith.addi %mul3A_88, %add3A_89 : i32
        %broadcast_in_dim3A_91 = arith.constant 0 : i32
        %broadcast_in_dim3A_92 = vector.broadcast %broadcast_in_dim3A_91 : i32 to vector<16xi32>
        %add3A_93 = vector.broadcast %add3A_90 : i32 to vector<16xi32>
        %add3A_94 = arith.addi %broadcast_in_dim3A_92, %add3A_93 : vector<16xi32>
        %gather3A_95 = tpu.vector_load_idx %arg10[%add3A_81, %add3A_94] : memref<80x128xf32, #tpu.memory_space<vmem>>[vector<16xi32>, vector<16xi32>], vector<16xf32>,
        %gather3A_96 = tpu.vector_load_idx %arg11[%add3A_81, %add3A_94] : memref<80x128xf32, #tpu.memory_space<vmem>>[vector<16xi32>, vector<16xi32>], vector<16xf32>,
        %mul3A_97 = arith.mulf %gather3A_95, %gather3A_96 : vector<16xf32>
        %add3A_98 = arith.addf %broadcast_in_dim3A_86, %mul3A_97 : vector<16xf32>
        %mul3A_99 = arith.constant 16 : i32
        %mul3A_100 = arith.muli %sub3A_77, %mul3A_99 : i32
        %add3A_101 = arith.constant 1 : i32
        %add3A_102 = arith.addi %mul3A_100, %add3A_101 : i32
        %broadcast_in_dim3A_103 = arith.constant 0 : i32
        %broadcast_in_dim3A_104 = vector.broadcast %broadcast_in_dim3A_103 : i32 to vector<16xi32>
        %add3A_105 = vector.broadcast %add3A_102 : i32 to vector<16xi32>
        %add3A_106 = arith.addi %broadcast_in_dim3A_104, %add3A_105 : vector<16xi32>
        %gather3A_107 = tpu.vector_load_idx %arg10[%add3A_81, %add3A_106] : memref<80x128xf32, #tpu.memory_space<vmem>>[vector<16xi32>, vector<16xi32>], vector<16xf32>,
        %gather3A_108 = tpu.vector_load_idx %arg11[%add3A_81, %add3A_106] : memref<80x128xf32, #tpu.memory_space<vmem>>[vector<16xi32>, vector<16xi32>], vector<16xf32>,
        %mul3A_109 = arith.mulf %gather3A_107, %gather3A_108 : vector<16xf32>
        %add3A_110 = arith.addf %add3A_98, %mul3A_109 : vector<16xf32>
        %mul3A_111 = arith.constant 16 : i32
        %mul3A_112 = arith.muli %sub3A_77, %mul3A_111 : i32
        %add3A_113 = arith.constant 2 : i32
        %add3A_114 = arith.addi %mul3A_112, %add3A_113 : i32
        %broadcast_in_dim3A_115 = arith.constant 0 : i32
        %broadcast_in_dim3A_116 = vector.broadcast %broadcast_in_dim3A_115 : i32 to vector<16xi32>
        %add3A_117 = vector.broadcast %add3A_114 : i32 to vector<16xi32>
        %add3A_118 = arith.addi %broadcast_in_dim3A_116, %add3A_117 : vector<16xi32>
        %gather3A_119 = tpu.vector_load_idx %arg10[%add3A_81, %add3A_118] : memref<80x128xf32, #tpu.memory_space<vmem>>[vector<16xi32>, vector<16xi32>], vector<16xf32>,
        %gather3A_120 = tpu.vector_load_idx %arg11[%add3A_81, %add3A_118] : memref<80x128xf32, #tpu.memory_space<vmem>>[vector<16xi32>, vector<16xi32>], vector<16xf32>,
        %mul3A_121 = arith.mulf %gather3A_119, %gather3A_120 : vector<16xf32>
        %add3A_122 = arith.addf %add3A_110, %mul3A_121 : vector<16xf32>
        %mul3A_123 = arith.constant 16 : i32
        %mul3A_124 = arith.muli %sub3A_77, %mul3A_123 : i32
        %add3A_125 = arith.constant 3 : i32
        %add3A_126 = arith.addi %mul3A_124, %add3A_125 : i32
        %broadcast_in_dim3A_127 = arith.constant 0 : i32
        %broadcast_in_dim3A_128 = vector.broadcast %broadcast_in_dim3A_127 : i32 to vector<16xi32>
        %add3A_129 = vector.broadcast %add3A_126 : i32 to vector<16xi32>
        %add3A_130 = arith.addi %broadcast_in_dim3A_128, %add3A_129 : vector<16xi32>
        %gather3A_131 = tpu.vector_load_idx %arg10[%add3A_81, %add3A_130] : memref<80x128xf32, #tpu.memory_space<vmem>>[vector<16xi32>, vector<16xi32>], vector<16xf32>,
        %gather3A_132 = tpu.vector_load_idx %arg11[%add3A_81, %add3A_130] : memref<80x128xf32, #tpu.memory_space<vmem>>[vector<16xi32>, vector<16xi32>], vector<16xf32>,
        %mul3A_133 = arith.mulf %gather3A_131, %gather3A_132 : vector<16xf32>
        %add3A_134 = arith.addf %add3A_122, %mul3A_133 : vector<16xf32>
        %mul3A_135 = arith.constant 16 : i32
        %mul3A_136 = arith.muli %sub3A_77, %mul3A_135 : i32
        %add3A_137 = arith.constant 4 : i32
        %add3A_138 = arith.addi %mul3A_136, %add3A_137 : i32
        %broadcast_in_dim3A_139 = arith.constant 0 : i32
        %broadcast_in_dim3A_140 = vector.broadcast %broadcast_in_dim3A_139 : i32 to vector<16xi32>
        %add3A_141 = vector.broadcast %add3A_138 : i32 to vector<16xi32>
        %add3A_142 = arith.addi %broadcast_in_dim3A_140, %add3A_141 : vector<16xi32>
        %gather3A_143 = tpu.vector_load_idx %arg10[%add3A_81, %add3A_142] : memref<80x128xf32, #tpu.memory_space<vmem>>[vector<16xi32>, vector<16xi32>], vector<16xf32>,
        %gather3A_144 = tpu.vector_load_idx %arg11[%add3A_81, %add3A_142] : memref<80x128xf32, #tpu.memory_space<vmem>>[vector<16xi32>, vector<16xi32>], vector<16xf32>,
        %mul3A_145 = arith.mulf %gather3A_143, %gather3A_144 : vector<16xf32>
        %add3A_146 = arith.addf %add3A_134, %mul3A_145 : vector<16xf32>
        %mul3A_147 = arith.constant 16 : i32
        %mul3A_148 = arith.muli %sub3A_77, %mul3A_147 : i32
        %add3A_149 = arith.constant 5 : i32
        %add3A_150 = arith.addi %mul3A_148, %add3A_149 : i32
        %broadcast_in_dim3A_151 = arith.constant 0 : i32
        %broadcast_in_dim3A_152 = vector.broadcast %broadcast_in_dim3A_151 : i32 to vector<16xi32>
        %add3A_153 = vector.broadcast %add3A_150 : i32 to vector<16xi32>
        %add3A_154 = arith.addi %broadcast_in_dim3A_152, %add3A_153 : vector<16xi32>
        %gather3A_155 = tpu.vector_load_idx %arg10[%add3A_81, %add3A_154] : memref<80x128xf32, #tpu.memory_space<vmem>>[vector<16xi32>, vector<16xi32>], vector<16xf32>,
        %gather3A_156 = tpu.vector_load_idx %arg11[%add3A_81, %add3A_154] : memref<80x128xf32, #tpu.memory_space<vmem>>[vector<16xi32>, vector<16xi32>], vector<16xf32>,
        %mul3A_157 = arith.mulf %gather3A_155, %gather3A_156 : vector<16xf32>
        %add3A_158 = arith.addf %add3A_146, %mul3A_157 : vector<16xf32>
        %mul3A_159 = arith.constant 16 : i32
        %mul3A_160 = arith.muli %sub3A_77, %mul3A_159 : i32
        %add3A_161 = arith.constant 6 : i32
        %add3A_162 = arith.addi %mul3A_160, %add3A_161 : i32
        %broadcast_in_dim3A_163 = arith.constant 0 : i32
        %broadcast_in_dim3A_164 = vector.broadcast %broadcast_in_dim3A_163 : i32 to vector<16xi32>
        %add3A_165 = vector.broadcast %add3A_162 : i32 to vector<16xi32>
        %add3A_166 = arith.addi %broadcast_in_dim3A_164, %add3A_165 : vector<16xi32>
        %gather3A_167 = tpu.vector_load_idx %arg10[%add3A_81, %add3A_166] : memref<80x128xf32, #tpu.memory_space<vmem>>[vector<16xi32>, vector<16xi32>], vector<16xf32>,
        %gather3A_168 = tpu.vector_load_idx %arg11[%add3A_81, %add3A_166] : memref<80x128xf32, #tpu.memory_space<vmem>>[vector<16xi32>, vector<16xi32>], vector<16xf32>,
        %mul3A_169 = arith.mulf %gather3A_167, %gather3A_168 : vector<16xf32>
        %add3A_170 = arith.addf %add3A_158, %mul3A_169 : vector<16xf32>
        %mul3A_171 = arith.constant 16 : i32
        %mul3A_172 = arith.muli %sub3A_77, %mul3A_171 : i32
        %add3A_173 = arith.constant 7 : i32
        %add3A_174 = arith.addi %mul3A_172, %add3A_173 : i32
        %broadcast_in_dim3A_175 = arith.constant 0 : i32
        %broadcast_in_dim3A_176 = vector.broadcast %broadcast_in_dim3A_175 : i32 to vector<16xi32>
        %add3A_177 = vector.broadcast %add3A_174 : i32 to vector<16xi32>
        %add3A_178 = arith.addi %broadcast_in_dim3A_176, %add3A_177 : vector<16xi32>
        %gather3A_179 = tpu.vector_load_idx %arg10[%add3A_81, %add3A_178] : memref<80x128xf32, #tpu.memory_space<vmem>>[vector<16xi32>, vector<16xi32>], vector<16xf32>,
        %gather3A_180 = tpu.vector_load_idx %arg11[%add3A_81, %add3A_178] : memref<80x128xf32, #tpu.memory_space<vmem>>[vector<16xi32>, vector<16xi32>], vector<16xf32>,
        %mul3A_181 = arith.mulf %gather3A_179, %gather3A_180 : vector<16xf32>
        %add3A_182 = arith.addf %add3A_170, %mul3A_181 : vector<16xf32>
        %mul3A_183 = arith.constant 16 : i32
        %mul3A_184 = arith.muli %sub3A_77, %mul3A_183 : i32
        %add3A_185 = arith.constant 8 : i32
        %add3A_186 = arith.addi %mul3A_184, %add3A_185 : i32
        %broadcast_in_dim3A_187 = arith.constant 0 : i32
        %broadcast_in_dim3A_188 = vector.broadcast %broadcast_in_dim3A_187 : i32 to vector<16xi32>
        %add3A_189 = vector.broadcast %add3A_186 : i32 to vector<16xi32>
        %add3A_190 = arith.addi %broadcast_in_dim3A_188, %add3A_189 : vector<16xi32>
        %gather3A_191 = tpu.vector_load_idx %arg10[%add3A_81, %add3A_190] : memref<80x128xf32, #tpu.memory_space<vmem>>[vector<16xi32>, vector<16xi32>], vector<16xf32>,
        %gather3A_192 = tpu.vector_load_idx %arg11[%add3A_81, %add3A_190] : memref<80x128xf32, #tpu.memory_space<vmem>>[vector<16xi32>, vector<16xi32>], vector<16xf32>,
        %mul3A_193 = arith.mulf %gather3A_191, %gather3A_192 : vector<16xf32>
        %add3A_194 = arith.addf %add3A_182, %mul3A_193 : vector<16xf32>
        %mul3A_195 = arith.constant 16 : i32
        %mul3A_196 = arith.muli %sub3A_77, %mul3A_195 : i32
        %add3A_197 = arith.constant 9 : i32
        %add3A_198 = arith.addi %mul3A_196, %add3A_197 : i32
        %broadcast_in_dim3A_199 = arith.constant 0 : i32
        %broadcast_in_dim3A_200 = vector.broadcast %broadcast_in_dim3A_199 : i32 to vector<16xi32>
        %add3A_201 = vector.broadcast %add3A_198 : i32 to vector<16xi32>
        %add3A_202 = arith.addi %broadcast_in_dim3A_200, %add3A_201 : vector<16xi32>
        %gather3A_203 = tpu.vector_load_idx %arg10[%add3A_81, %add3A_202] : memref<80x128xf32, #tpu.memory_space<vmem>>[vector<16xi32>, vector<16xi32>], vector<16xf32>,
        %gather3A_204 = tpu.vector_load_idx %arg11[%add3A_81, %add3A_202] : memref<80x128xf32, #tpu.memory_space<vmem>>[vector<16xi32>, vector<16xi32>], vector<16xf32>,
        %mul3A_205 = arith.mulf %gather3A_203, %gather3A_204 : vector<16xf32>
        %add3A_206 = arith.addf %add3A_194, %mul3A_205 : vector<16xf32>
        %mul3A_207 = arith.constant 16 : i32
        %mul3A_208 = arith.muli %sub3A_77, %mul3A_207 : i32
        %add3A_209 = arith.constant 10 : i32
        %add3A_210 = arith.addi %mul3A_208, %add3A_209 : i32
        %broadcast_in_dim3A_211 = arith.constant 0 : i32
        %broadcast_in_dim3A_212 = vector.broadcast %broadcast_in_dim3A_211 : i32 to vector<16xi32>
        %add3A_213 = vector.broadcast %add3A_210 : i32 to vector<16xi32>
        %add3A_214 = arith.addi %broadcast_in_dim3A_212, %add3A_213 : vector<16xi32>
        %gather3A_215 = tpu.vector_load_idx %arg10[%add3A_81, %add3A_214] : memref<80x128xf32, #tpu.memory_space<vmem>>[vector<16xi32>, vector<16xi32>], vector<16xf32>,
        %gather3A_216 = tpu.vector_load_idx %arg11[%add3A_81, %add3A_214] : memref<80x128xf32, #tpu.memory_space<vmem>>[vector<16xi32>, vector<16xi32>], vector<16xf32>,
        %mul3A_217 = arith.mulf %gather3A_215, %gather3A_216 : vector<16xf32>
        %add3A_218 = arith.addf %add3A_206, %mul3A_217 : vector<16xf32>
        %mul3A_219 = arith.constant 16 : i32
        %mul3A_220 = arith.muli %sub3A_77, %mul3A_219 : i32
        %add3A_221 = arith.constant 11 : i32
        %add3A_222 = arith.addi %mul3A_220, %add3A_221 : i32
        %broadcast_in_dim3A_223 = arith.constant 0 : i32
        %broadcast_in_dim3A_224 = vector.broadcast %broadcast_in_dim3A_223 : i32 to vector<16xi32>
        %add3A_225 = vector.broadcast %add3A_222 : i32 to vector<16xi32>
        %add3A_226 = arith.addi %broadcast_in_dim3A_224, %add3A_225 : vector<16xi32>
        %gather3A_227 = tpu.vector_load_idx %arg10[%add3A_81, %add3A_226] : memref<80x128xf32, #tpu.memory_space<vmem>>[vector<16xi32>, vector<16xi32>], vector<16xf32>,
        %gather3A_228 = tpu.vector_load_idx %arg11[%add3A_81, %add3A_226] : memref<80x128xf32, #tpu.memory_space<vmem>>[vector<16xi32>, vector<16xi32>], vector<16xf32>,
        %mul3A_229 = arith.mulf %gather3A_227, %gather3A_228 : vector<16xf32>
        %add3A_230 = arith.addf %add3A_218, %mul3A_229 : vector<16xf32>
        %mul3A_231 = arith.constant 16 : i32
        %mul3A_232 = arith.muli %sub3A_77, %mul3A_231 : i32
        %add3A_233 = arith.constant 12 : i32
        %add3A_234 = arith.addi %mul3A_232, %add3A_233 : i32
        %broadcast_in_dim3A_235 = arith.constant 0 : i32
        %broadcast_in_dim3A_236 = vector.broadcast %broadcast_in_dim3A_235 : i32 to vector<16xi32>
        %add3A_237 = vector.broadcast %add3A_234 : i32 to vector<16xi32>
        %add3A_238 = arith.addi %broadcast_in_dim3A_236, %add3A_237 : vector<16xi32>
        %gather3A_239 = tpu.vector_load_idx %arg10[%add3A_81, %add3A_238] : memref<80x128xf32, #tpu.memory_space<vmem>>[vector<16xi32>, vector<16xi32>], vector<16xf32>,
        %gather3A_240 = tpu.vector_load_idx %arg11[%add3A_81, %add3A_238] : memref<80x128xf32, #tpu.memory_space<vmem>>[vector<16xi32>, vector<16xi32>], vector<16xf32>,
        %mul3A_241 = arith.mulf %gather3A_239, %gather3A_240 : vector<16xf32>
        %add3A_242 = arith.addf %add3A_230, %mul3A_241 : vector<16xf32>
        %mul3A_243 = arith.constant 16 : i32
        %mul3A_244 = arith.muli %sub3A_77, %mul3A_243 : i32
        %add3A_245 = arith.constant 13 : i32
        %add3A_246 = arith.addi %mul3A_244, %add3A_245 : i32
        %broadcast_in_dim3A_247 = arith.constant 0 : i32
        %broadcast_in_dim3A_248 = vector.broadcast %broadcast_in_dim3A_247 : i32 to vector<16xi32>
        %add3A_249 = vector.broadcast %add3A_246 : i32 to vector<16xi32>
        %add3A_250 = arith.addi %broadcast_in_dim3A_248, %add3A_249 : vector<16xi32>
        %gather3A_251 = tpu.vector_load_idx %arg10[%add3A_81, %add3A_250] : memref<80x128xf32, #tpu.memory_space<vmem>>[vector<16xi32>, vector<16xi32>], vector<16xf32>,
        %gather3A_252 = tpu.vector_load_idx %arg11[%add3A_81, %add3A_250] : memref<80x128xf32, #tpu.memory_space<vmem>>[vector<16xi32>, vector<16xi32>], vector<16xf32>,
        %mul3A_253 = arith.mulf %gather3A_251, %gather3A_252 : vector<16xf32>
        %add3A_254 = arith.addf %add3A_242, %mul3A_253 : vector<16xf32>
        %mul3A_255 = arith.constant 16 : i32
        %mul3A_256 = arith.muli %sub3A_77, %mul3A_255 : i32
        %add3A_257 = arith.constant 14 : i32
        %add3A_258 = arith.addi %mul3A_256, %add3A_257 : i32
        %broadcast_in_dim3A_259 = arith.constant 0 : i32
        %broadcast_in_dim3A_260 = vector.broadcast %broadcast_in_dim3A_259 : i32 to vector<16xi32>
        %add3A_261 = vector.broadcast %add3A_258 : i32 to vector<16xi32>
        %add3A_262 = arith.addi %broadcast_in_dim3A_260, %add3A_261 : vector<16xi32>
        %gather3A_263 = tpu.vector_load_idx %arg10[%add3A_81, %add3A_262] : memref<80x128xf32, #tpu.memory_space<vmem>>[vector<16xi32>, vector<16xi32>], vector<16xf32>,
        %gather3A_264 = tpu.vector_load_idx %arg11[%add3A_81, %add3A_262] : memref<80x128xf32, #tpu.memory_space<vmem>>[vector<16xi32>, vector<16xi32>], vector<16xf32>,
        %mul3A_265 = arith.mulf %gather3A_263, %gather3A_264 : vector<16xf32>
        %add3A_266 = arith.addf %add3A_254, %mul3A_265 : vector<16xf32>
        %mul3A_267 = arith.constant 16 : i32
        %mul3A_268 = arith.muli %sub3A_77, %mul3A_267 : i32
        %add3A_269 = arith.constant 15 : i32
        %add3A_270 = arith.addi %mul3A_268, %add3A_269 : i32
        %broadcast_in_dim3A_271 = arith.constant 0 : i32
        %broadcast_in_dim3A_272 = vector.broadcast %broadcast_in_dim3A_271 : i32 to vector<16xi32>
        %add3A_273 = vector.broadcast %add3A_270 : i32 to vector<16xi32>
        %add3A_274 = arith.addi %broadcast_in_dim3A_272, %add3A_273 : vector<16xi32>
        %gather3A_275 = tpu.vector_load_idx %arg10[%add3A_81, %add3A_274] : memref<80x128xf32, #tpu.memory_space<vmem>>[vector<16xi32>, vector<16xi32>], vector<16xf32>,
        %gather3A_276 = tpu.vector_load_idx %arg11[%add3A_81, %add3A_274] : memref<80x128xf32, #tpu.memory_space<vmem>>[vector<16xi32>, vector<16xi32>], vector<16xf32>,
        %mul3A_277 = arith.mulf %gather3A_275, %gather3A_276 : vector<16xf32>
        %add3A_278 = arith.addf %add3A_266, %mul3A_277 : vector<16xf32>
        %mul3A_279 = arith.constant 2.500000e-01 : f32
        %mul3A_280 = vector.broadcast %mul3A_279 : f32 to vector<16xf32>
        %mul3A_281 = arith.mulf %add3A_278, %mul3A_280 : vector<16xf32>
        %add3A_282 = arith.addf %mul3A_281, %gather3A : vector<16xf32>
        %exp3A = math.exp %add3A_282 : vector<16xf32>
        %add3A_283 = arith.constant 8 : i32
        %add3A_284 = vector.broadcast %add3A_283 : i32 to vector<16xi32>
        %add3A_285 = arith.addi %add3A_84, %add3A_284 : vector<16xi32>
        tpu.vector_store_idx %arg12[%add3A_81, %add3A_285], %exp3A : memref<80x16xf32, #tpu.memory_space<vmem>>[vector<16xi32>, vector<16xi32>], vector<16xf32>,
        tpu.vector_store_idx %arg13[%add3A_81, %add3A_84], %exp3A : memref<80x128xf32, #tpu.memory_space<vmem>>[vector<16xi32>, vector<16xi32>], vector<16xf32>,
        %scan3A_286 = arith.constant 0 : i32
        scf.yield %scan3A_286 : i32
      }
      %scan3A_47 = arith.constant 40 : i32
      %dma_start3A_48 = arith.constant 0 : i32
      %dma_start3A_49 = tpu.memref_slice %arg8[%add3A_22, %dma_start3A_48] : memref<320000x16xf32, #tpu.memory_space<hbm>> -> memref<80x16xf32, #tpu.memory_space<hbm>>
      %dma_start3A_50 = arith.constant 0 : i32
      %dma_start3A_51 = tpu.memref_slice %arg8[%add3A_22, %dma_start3A_50] : memref<320000x16xf32, #tpu.memory_space<hbm>> -> memref<80x16xf32, #tpu.memory_space<hbm>>
      tpu.enqueue_dma source(%arg12 : memref<80x16xf32, #tpu.memory_space<vmem>>) target(%dma_start3A_51 : memref<80x16xf32, #tpu.memory_space<hbm>>) target_semaphore(%arg19 : memref<!tpu.dma_semaphore, #tpu.memory_space<semaphore_mem>>)
      "tpu.region"() ({
        %run_scoped3A = tpu.sem_alloc : memref<!tpu.dma_semaphore, #tpu.memory_space<semaphore_mem>>
        %dma_start3A_57 = arith.constant 0 : i32
        %dma_start3A_58 = arith.constant 0 : i32
        %dma_start3A_59 = tpu.memref_slice %arg16[%dma_start3A_57, %dma_start3A_58] : memref<10240x128xf32, #tpu.memory_space<vmem_shared>> -> memref<10240x128xf32, #tpu.memory_space<vmem_shared>>
        tpu.enqueue_indirect_dma source(%arg13 : memref<80x128xf32, #tpu.memory_space<vmem>>) target(%dma_start3A_59 : memref<10240x128xf32, #tpu.memory_space<vmem_shared>>) offsets(%arg15 : memref<80xi32, #tpu.memory_space<vmem>>) semaphore(%run_scoped3A : memref<!tpu.dma_semaphore, #tpu.memory_space<semaphore_mem>>) {add = true}
        %dma_wait3A_60 = arith.constant 0 : i32
        %dma_wait3A_61 = arith.constant 0 : i32
        %dma_wait3A_62 = tpu.memref_slice %arg16[%dma_wait3A_60, %dma_wait3A_61] : memref<10240x128xf32, #tpu.memory_space<vmem_shared>> -> memref<10240x128xf32, #tpu.memory_space<vmem_shared>>
        tpu.wait_indirect_dma semaphore(%run_scoped3A : memref<!tpu.dma_semaphore, #tpu.memory_space<semaphore_mem>>) src(%arg13 : memref<80x128xf32, #tpu.memory_space<vmem>>) dst(%dma_wait3A_62 : memref<10240x128xf32, #tpu.memory_space<vmem_shared>>)
        tpu.yield
      }) : () -> ()
      %dma_wait3A_52 = arith.constant 0 : i32
      %dma_wait3A_53 = tpu.memref_slice %arg8[%add3A_22, %dma_wait3A_52] : memref<320000x16xf32, #tpu.memory_space<hbm>> -> memref<80x16xf32, #tpu.memory_space<hbm>>
      %dma_wait3A_54 = arith.constant 0 : i32
      %dma_wait3A_55 = tpu.memref_slice %arg8[%add3A_22, %dma_wait3A_54] : memref<320000x16xf32, #tpu.memory_space<hbm>> -> memref<80x16xf32, #tpu.memory_space<hbm>>
      tpu.wait_dma2 semaphore(%arg19 : memref<!tpu.dma_semaphore, #tpu.memory_space<semaphore_mem>>) src(%arg12 : memref<80x16xf32, #tpu.memory_space<vmem>>) dst(%dma_wait3A_55 : memref<80x16xf32, #tpu.memory_space<hbm>>)
      %scan3A_56 = arith.constant 0 : i32
      scf.yield %scan3A_56 : i32
    }
    %scan3A_12 = arith.constant 125 : i32
    %barrier3A_13 = arith.constant 0 : index
    tpu.barrier barrier_id(%barrier3A_13)
    %mul3A_14 = arith.constant 640 : i32
    %mul3A_15 = arith.muli %arg1, %mul3A_14 : i32
    %mul3A_16 = arith.constant 640 : i32
    %mul3A_17 = arith.muli %arg1, %mul3A_16 : i32
    "tpu.region"() ({
      %run_scoped3A = tpu.sem_alloc : memref<!tpu.dma_semaphore, #tpu.memory_space<semaphore_mem>>
      %dma_start3A = arith.constant 0 : i32
      %dma_start3A_18 = tpu.memref_slice %arg9[%arg0, %mul3A_17, %dma_start3A] : memref<2x10240x128xf32, #tpu.memory_space<hbm>> -> memref<1x640x128xf32, #tpu.memory_space<hbm>>
      %dma_start3A_19 = tpu.memref_squeeze %dma_start3A_18 : memref<1x640x128xf32, #tpu.memory_space<hbm>> -> memref<640x128xf32, #tpu.memory_space<hbm>>
      %dma_start3A_20 = arith.constant 0 : i32
      %dma_start3A_21 = tpu.memref_slice %arg16[%mul3A_15, %dma_start3A_20] : memref<10240x128xf32, #tpu.memory_space<vmem_shared>> -> memref<640x128xf32, #tpu.memory_space<vmem_shared>>
      tpu.enqueue_dma source(%dma_start3A_21 : memref<640x128xf32, #tpu.memory_space<vmem_shared>>) target(%dma_start3A_19 : memref<640x128xf32, #tpu.memory_space<hbm>>) target_semaphore(%run_scoped3A : memref<!tpu.dma_semaphore, #tpu.memory_space<semaphore_mem>>)
      %dma_wait3A = arith.constant 0 : i32
      %dma_wait3A_22 = tpu.memref_slice %arg9[%arg0, %mul3A_17, %dma_wait3A] : memref<2x10240x128xf32, #tpu.memory_space<hbm>> -> memref<1x640x128xf32, #tpu.memory_space<hbm>>
      %dma_wait3A_23 = tpu.memref_squeeze %dma_wait3A_22 : memref<1x640x128xf32, #tpu.memory_space<hbm>> -> memref<640x128xf32, #tpu.memory_space<hbm>>
      %dma_wait3A_24 = arith.constant 0 : i32
      %dma_wait3A_25 = tpu.memref_slice %arg16[%mul3A_15, %dma_wait3A_24] : memref<10240x128xf32, #tpu.memory_space<vmem_shared>> -> memref<640x128xf32, #tpu.memory_space<vmem_shared>>
      tpu.wait_dma2 semaphore(%run_scoped3A : memref<!tpu.dma_semaphore, #tpu.memory_space<semaphore_mem>>) src(%dma_wait3A_25 : memref<640x128xf32, #tpu.memory_space<vmem_shared>>) dst(%dma_wait3A_23 : memref<640x128xf32, #tpu.memory_space<hbm>>)
      tpu.yield
    }) : () -> ()
    return
  }
}

module attributes {stable_mosaic.version = 14 : i64} {
  func.func @_edge_mlp_body(%arg0: i32, %arg1: memref<8000x16xf32, #tpu.memory_space<vmem>>, %arg2: memref<8000x1xf32, #tpu.memory_space<vmem>>, %arg3: memref<16x16xf32, #tpu.memory_space<vmem>>, %arg4: memref<16xf32, #tpu.memory_space<vmem>>, %arg5: memref<16x8xf32, #tpu.memory_space<vmem>>, %arg6: memref<8xf32, #tpu.memory_space<vmem>>, %arg7: memref<8000x16xf32, #tpu.memory_space<vmem>>) attributes {dimension_semantics = [#tpu.dimension_semantics<arbitrary>], iteration_bounds = array<i64: 40>, scalar_prefetch = 0 : i64, scratch_operands = 0 : i64, tpu.core_type = #tpu.core_type<tc>, window_params = [{transform_indices = @transform_0, window_bounds = array<i64: 8000, 16>}, {transform_indices = @transform_1, window_bounds = array<i64: 8000, 1>}, {pipeline_mode = #tpu.pipeline_mode<synchronous>, transform_indices = @transform_2, window_bounds = array<i64: 16, 16>}, {pipeline_mode = #tpu.pipeline_mode<synchronous>, transform_indices = @transform_3, window_bounds = array<i64: 16>}, {pipeline_mode = #tpu.pipeline_mode<synchronous>, transform_indices = @transform_4, window_bounds = array<i64: 16, 8>}, {pipeline_mode = #tpu.pipeline_mode<synchronous>, transform_indices = @transform_5, window_bounds = array<i64: 8>}, {transform_indices = @transform_6, window_bounds = array<i64: 8000, 16>}]} {
    %get3A = arith.constant 0 : index
    %get3A_0 = arith.constant 0 : index
    %get3A_1 = vector.load %arg1[%get3A, %get3A_0] : memref<8000x16xf32, #tpu.memory_space<vmem>>, vector<8000x16xf32>
    %get3A_2 = arith.constant 0 : index
    %get3A_3 = arith.constant 0 : index
    %get3A_4 = vector.load %arg3[%get3A_2, %get3A_3] : memref<16x16xf32, #tpu.memory_space<vmem>>, vector<16x16xf32>
    %dot_general3A = arith.constant dense<0.000000e+00> : vector<8000x16xf32>
    %dot_general3A_5 = tpu.matmul %get3A_1, %get3A_4, %dot_general3A {dimension_numbers = #tpu.dot_dimension_numbers<[1], [0], [0], [1], [0, 0, 1, 1], [], []>, transpose_lhs_hint = false} : vector<8000x16xf32>, vector<16x16xf32>, vector<8000x16xf32> -> vector<8000x16xf32>
    %get3A_6 = arith.constant 0 : index
    %get3A_7 = vector.load %arg4[%get3A_6] : memref<16xf32, #tpu.memory_space<vmem>>, vector<16xf32>
    %broadcast_in_dim3A = vector.shape_cast %get3A_7 : vector<16xf32> to vector<1x16xf32>
    %add3A = vector.broadcast %broadcast_in_dim3A : vector<1x16xf32> to vector<8000x16xf32>
    %add3A_8 = arith.addf %dot_general3A_5, %add3A : vector<8000x16xf32>
    %logistic3A = arith.negf %add3A_8 : vector<8000x16xf32>
    %logistic3A_9 = math.exp %logistic3A : vector<8000x16xf32>
    %logistic3A_10 = arith.constant 1.000000e+00 : f32
    %logistic3A_11 = vector.broadcast %logistic3A_10 : f32 to vector<8000x16xf32>
    %logistic3A_12 = arith.addf %logistic3A_11, %logistic3A_9 : vector<8000x16xf32>
    %logistic3A_13 = arith.divf %logistic3A_11, %logistic3A_12 : vector<8000x16xf32>
    %mul3A = arith.mulf %add3A_8, %logistic3A_13 : vector<8000x16xf32>
    %get3A_14 = arith.constant 0 : index
    %get3A_15 = arith.constant 0 : index
    %get3A_16 = vector.load %arg5[%get3A_14, %get3A_15] : memref<16x8xf32, #tpu.memory_space<vmem>>, vector<16x8xf32>
    %dot_general3A_17 = arith.constant dense<0.000000e+00> : vector<8000x8xf32>
    %dot_general3A_18 = tpu.matmul %mul3A, %get3A_16, %dot_general3A_17 {dimension_numbers = #tpu.dot_dimension_numbers<[1], [0], [0], [1], [0, 0, 1, 1], [], []>, transpose_lhs_hint = false} : vector<8000x16xf32>, vector<16x8xf32>, vector<8000x8xf32> -> vector<8000x8xf32>
    %get3A_19 = arith.constant 0 : index
    %get3A_20 = vector.load %arg6[%get3A_19] : memref<8xf32, #tpu.memory_space<vmem>>, vector<8xf32>
    %broadcast_in_dim3A_21 = vector.shape_cast %get3A_20 : vector<8xf32> to vector<1x8xf32>
    %add3A_22 = vector.broadcast %broadcast_in_dim3A_21 : vector<1x8xf32> to vector<8000x8xf32>
    %add3A_23 = arith.addf %dot_general3A_18, %add3A_22 : vector<8000x8xf32>
    %get3A_24 = arith.constant 0 : index
    %get3A_25 = arith.constant 0 : index
    %get3A_26 = vector.load %arg2[%get3A_24, %get3A_25] : memref<8000x1xf32, #tpu.memory_space<vmem>>, vector<8000x1xf32>
    %sub3A = vector.broadcast %get3A_26 : vector<8000x1xf32> to vector<8000x8xf32>
    %sub3A_27 = arith.subf %add3A_23, %sub3A : vector<8000x8xf32>
    %broadcast_in_dim3A_28 = arith.constant 0.000000e+00 : f32
    %broadcast_in_dim3A_29 = vector.broadcast %broadcast_in_dim3A_28 : f32 to vector<8000x8xf32>
    %concatenate3A = tpu.concatenate %sub3A_27, %broadcast_in_dim3A_29 in 1 : vector<8000x8xf32>, vector<8000x8xf32> -> vector<8000x16xf32>
    %swap3A = arith.constant 0 : index
    %swap3A_30 = arith.constant 0 : index
    %swap3A_31 = vector.load %arg7[%swap3A, %swap3A_30] : memref<8000x16xf32, #tpu.memory_space<vmem>>, vector<8000x16xf32>
    tpu.vector_store %arg7[%swap3A, %swap3A_30], %concatenate3A {strides = array<i32>} : memref<8000x16xf32, #tpu.memory_space<vmem>>, vector<8000x16xf32>,
    return
  }
  func.func @transform_0(%arg0: i32) -> (i32, i32) {
    %c0_i32 = arith.constant 0 : i32
    %c0_i32_0 = arith.constant 0 : i32
    return %arg0, %c0_i32 : i32, i32
  }
  func.func @transform_1(%arg0: i32) -> (i32, i32) {
    %c0_i32 = arith.constant 0 : i32
    %c0_i32_0 = arith.constant 0 : i32
    return %arg0, %c0_i32 : i32, i32
  }
  func.func @transform_2(%arg0: i32) -> (i32, i32) {
    %c0_i32 = arith.constant 0 : i32
    %c0_i32_0 = arith.constant 0 : i32
    %c0_i32_1 = arith.constant 0 : i32
    return %c0_i32, %c0_i32_0 : i32, i32
  }
  func.func @transform_3(%arg0: i32) -> i32 {
    %c0_i32 = arith.constant 0 : i32
    %c0_i32_0 = arith.constant 0 : i32
    return %c0_i32 : i32
  }
  func.func @transform_4(%arg0: i32) -> (i32, i32) {
    %c0_i32 = arith.constant 0 : i32
    %c0_i32_0 = arith.constant 0 : i32
    %c0_i32_1 = arith.constant 0 : i32
    return %c0_i32, %c0_i32_0 : i32, i32
  }
  func.func @transform_5(%arg0: i32) -> i32 {
    %c0_i32 = arith.constant 0 : i32
    %c0_i32_0 = arith.constant 0 : i32
    return %c0_i32 : i32
  }
  func.func @transform_6(%arg0: i32) -> (i32, i32) {
    %c0_i32 = arith.constant 0 : i32
    %c0_i32_0 = arith.constant 0 : i32
    return %arg0, %c0_i32 : i32, i32
  }
}

module attributes {stable_mosaic.version = 14 : i64} {
  func.func @_node_tf_body(%arg0: i32, %arg1: memref<1000x128xf32, #tpu.memory_space<vmem>>, %arg2: memref<3x1000x128xf32, #tpu.memory_space<vmem>>, %arg3: memref<128x128xf32, #tpu.memory_space<vmem>>, %arg4: memref<128xf32, #tpu.memory_space<vmem>>, %arg5: memref<128x128xf32, #tpu.memory_space<vmem>>, %arg6: memref<128xf32, #tpu.memory_space<vmem>>, %arg7: memref<128x128xf32, #tpu.memory_space<vmem>>, %arg8: memref<128xf32, #tpu.memory_space<vmem>>, %arg9: memref<128x128xf32, #tpu.memory_space<vmem>>, %arg10: memref<1000x128xf32, #tpu.memory_space<vmem>>, %arg11: memref<1000x128xf32, #tpu.memory_space<vmem>>, %arg12: memref<1000x128xf32, #tpu.memory_space<vmem>>, %arg13: memref<3x1000x128xf32, #tpu.memory_space<vmem>>) attributes {dimension_semantics = [#tpu.dimension_semantics<arbitrary>], iteration_bounds = array<i64: 10>, scalar_prefetch = 0 : i64, scratch_operands = 0 : i64, tpu.core_type = #tpu.core_type<tc>, window_params = [{transform_indices = @transform_0, window_bounds = array<i64: 1000, 128>}, {transform_indices = @transform_1, window_bounds = array<i64: 3, 1000, 128>}, {pipeline_mode = #tpu.pipeline_mode<synchronous>, transform_indices = @transform_2, window_bounds = array<i64: 128, 128>}, {pipeline_mode = #tpu.pipeline_mode<synchronous>, transform_indices = @transform_3, window_bounds = array<i64: 128>}, {pipeline_mode = #tpu.pipeline_mode<synchronous>, transform_indices = @transform_4, window_bounds = array<i64: 128, 128>}, {pipeline_mode = #tpu.pipeline_mode<synchronous>, transform_indices = @transform_5, window_bounds = array<i64: 128>}, {pipeline_mode = #tpu.pipeline_mode<synchronous>, transform_indices = @transform_6, window_bounds = array<i64: 128, 128>}, {pipeline_mode = #tpu.pipeline_mode<synchronous>, transform_indices = @transform_7, window_bounds = array<i64: 128>}, {pipeline_mode = #tpu.pipeline_mode<synchronous>, transform_indices = @transform_8, window_bounds = array<i64: 128, 128>}, {transform_indices = @transform_9, window_bounds = array<i64: 1000, 128>}, {transform_indices = @transform_10, window_bounds = array<i64: 1000, 128>}, {transform_indices = @transform_11, window_bounds = array<i64: 1000, 128>}, {transform_indices = @transform_12, window_bounds = array<i64: 3, 1000, 128>}]} {
    %get3A = arith.constant 0 : index
    %get3A_0 = arith.constant 0 : index
    %get3A_1 = vector.load %arg1[%get3A, %get3A_0] : memref<1000x128xf32, #tpu.memory_space<vmem>>, vector<1000x128xf32>
    %get3A_2 = arith.constant 0 : index
    %get3A_3 = arith.constant 0 : index
    %get3A_4 = vector.load %arg3[%get3A_2, %get3A_3] : memref<128x128xf32, #tpu.memory_space<vmem>>, vector<128x128xf32>
    %dot_general3A = arith.constant dense<0.000000e+00> : vector<1000x128xf32>
    %dot_general3A_5 = tpu.matmul %get3A_1, %get3A_4, %dot_general3A {dimension_numbers = #tpu.dot_dimension_numbers<[1], [0], [0], [1], [0, 0, 1, 1], [], []>, transpose_lhs_hint = false} : vector<1000x128xf32>, vector<128x128xf32>, vector<1000x128xf32> -> vector<1000x128xf32>
    %get3A_6 = arith.constant 0 : index
    %get3A_7 = vector.load %arg4[%get3A_6] : memref<128xf32, #tpu.memory_space<vmem>>, vector<128xf32>
    %broadcast_in_dim3A = vector.shape_cast %get3A_7 : vector<128xf32> to vector<1x128xf32>
    %add3A = vector.broadcast %broadcast_in_dim3A : vector<1x128xf32> to vector<1000x128xf32>
    %add3A_8 = arith.addf %dot_general3A_5, %add3A : vector<1000x128xf32>
    %swap3A = arith.constant 0 : index
    %swap3A_9 = arith.constant 0 : index
    %swap3A_10 = vector.load %arg10[%swap3A, %swap3A_9] : memref<1000x128xf32, #tpu.memory_space<vmem>>, vector<1000x128xf32>
    tpu.vector_store %arg10[%swap3A, %swap3A_9], %add3A_8 {strides = array<i32>} : memref<1000x128xf32, #tpu.memory_space<vmem>>, vector<1000x128xf32>,
    %get3A_11 = arith.constant 0 : index
    %get3A_12 = arith.constant 0 : index
    %get3A_13 = vector.load %arg5[%get3A_11, %get3A_12] : memref<128x128xf32, #tpu.memory_space<vmem>>, vector<128x128xf32>
    %dot_general3A_14 = arith.constant dense<0.000000e+00> : vector<1000x128xf32>
    %dot_general3A_15 = tpu.matmul %get3A_1, %get3A_13, %dot_general3A_14 {dimension_numbers = #tpu.dot_dimension_numbers<[1], [0], [0], [1], [0, 0, 1, 1], [], []>, transpose_lhs_hint = false} : vector<1000x128xf32>, vector<128x128xf32>, vector<1000x128xf32> -> vector<1000x128xf32>
    %get3A_16 = arith.constant 0 : index
    %get3A_17 = vector.load %arg6[%get3A_16] : memref<128xf32, #tpu.memory_space<vmem>>, vector<128xf32>
    %broadcast_in_dim3A_18 = vector.shape_cast %get3A_17 : vector<128xf32> to vector<1x128xf32>
    %add3A_19 = vector.broadcast %broadcast_in_dim3A_18 : vector<1x128xf32> to vector<1000x128xf32>
    %add3A_20 = arith.addf %dot_general3A_15, %add3A_19 : vector<1000x128xf32>
    %swap3A_21 = arith.constant 0 : index
    %swap3A_22 = arith.constant 0 : index
    %swap3A_23 = vector.load %arg11[%swap3A_21, %swap3A_22] : memref<1000x128xf32, #tpu.memory_space<vmem>>, vector<1000x128xf32>
    tpu.vector_store %arg11[%swap3A_21, %swap3A_22], %add3A_20 {strides = array<i32>} : memref<1000x128xf32, #tpu.memory_space<vmem>>, vector<1000x128xf32>,
    %get3A_24 = arith.constant 0 : index
    %get3A_25 = arith.constant 0 : index
    %get3A_26 = vector.load %arg7[%get3A_24, %get3A_25] : memref<128x128xf32, #tpu.memory_space<vmem>>, vector<128x128xf32>
    %dot_general3A_27 = arith.constant dense<0.000000e+00> : vector<1000x128xf32>
    %dot_general3A_28 = tpu.matmul %get3A_1, %get3A_26, %dot_general3A_27 {dimension_numbers = #tpu.dot_dimension_numbers<[1], [0], [0], [1], [0, 0, 1, 1], [], []>, transpose_lhs_hint = false} : vector<1000x128xf32>, vector<128x128xf32>, vector<1000x128xf32> -> vector<1000x128xf32>
    %get3A_29 = arith.constant 0 : index
    %get3A_30 = vector.load %arg8[%get3A_29] : memref<128xf32, #tpu.memory_space<vmem>>, vector<128xf32>
    %broadcast_in_dim3A_31 = vector.shape_cast %get3A_30 : vector<128xf32> to vector<1x128xf32>
    %add3A_32 = vector.broadcast %broadcast_in_dim3A_31 : vector<1x128xf32> to vector<1000x128xf32>
    %add3A_33 = arith.addf %dot_general3A_28, %add3A_32 : vector<1000x128xf32>
    %swap3A_34 = arith.constant 0 : index
    %swap3A_35 = arith.constant 0 : index
    %swap3A_36 = vector.load %arg12[%swap3A_34, %swap3A_35] : memref<1000x128xf32, #tpu.memory_space<vmem>>, vector<1000x128xf32>
    tpu.vector_store %arg12[%swap3A_34, %swap3A_35], %add3A_33 {strides = array<i32>} : memref<1000x128xf32, #tpu.memory_space<vmem>>, vector<1000x128xf32>,
    %get3A_37 = arith.constant 0 : index
    %get3A_38 = arith.constant 0 : index
    %get3A_39 = arith.constant 0 : index
    %get3A_40 = vector.load %arg2[%get3A_37, %get3A_38, %get3A_39] : memref<3x1000x128xf32, #tpu.memory_space<vmem>>, vector<1x1000x128xf32>
    %get3A_41 = vector.shape_cast %get3A_40 : vector<1x1000x128xf32> to vector<1000x128xf32>
    %get3A_42 = arith.constant 0 : index
    %get3A_43 = arith.constant 0 : index
    %get3A_44 = vector.load %arg9[%get3A_42, %get3A_43] : memref<128x128xf32, #tpu.memory_space<vmem>>, vector<128x128xf32>
    %dot_general3A_45 = arith.constant dense<0.000000e+00> : vector<1000x128xf32>
    %dot_general3A_46 = tpu.matmul %get3A_41, %get3A_44, %dot_general3A_45 {dimension_numbers = #tpu.dot_dimension_numbers<[1], [0], [0], [1], [0, 0, 1, 1], [], []>, transpose_lhs_hint = false} : vector<1000x128xf32>, vector<128x128xf32>, vector<1000x128xf32> -> vector<1000x128xf32>
    %swap3A_47 = arith.constant 0 : index
    %swap3A_48 = arith.constant 0 : index
    %swap3A_49 = arith.constant 0 : index
    %swap3A_50 = vector.load %arg13[%swap3A_47, %swap3A_48, %swap3A_49] : memref<3x1000x128xf32, #tpu.memory_space<vmem>>, vector<1x1000x128xf32>
    %swap3A_51 = vector.shape_cast %swap3A_50 : vector<1x1000x128xf32> to vector<1000x128xf32>
    %swap3A_52 = vector.shape_cast %dot_general3A_46 : vector<1000x128xf32> to vector<1x1000x128xf32>
    tpu.vector_store %arg13[%swap3A_47, %swap3A_48, %swap3A_49], %swap3A_52 {strides = array<i32>} : memref<3x1000x128xf32, #tpu.memory_space<vmem>>, vector<1x1000x128xf32>,
    %get3A_53 = arith.constant 1 : index
    %get3A_54 = arith.constant 0 : index
    %get3A_55 = arith.constant 0 : index
    %get3A_56 = vector.load %arg2[%get3A_53, %get3A_54, %get3A_55] : memref<3x1000x128xf32, #tpu.memory_space<vmem>>, vector<1x1000x128xf32>
    %get3A_57 = vector.shape_cast %get3A_56 : vector<1x1000x128xf32> to vector<1000x128xf32>
    %get3A_58 = arith.constant 0 : index
    %get3A_59 = arith.constant 0 : index
    %get3A_60 = vector.load %arg9[%get3A_58, %get3A_59] : memref<128x128xf32, #tpu.memory_space<vmem>>, vector<128x128xf32>
    %dot_general3A_61 = arith.constant dense<0.000000e+00> : vector<1000x128xf32>
    %dot_general3A_62 = tpu.matmul %get3A_57, %get3A_60, %dot_general3A_61 {dimension_numbers = #tpu.dot_dimension_numbers<[1], [0], [0], [1], [0, 0, 1, 1], [], []>, transpose_lhs_hint = false} : vector<1000x128xf32>, vector<128x128xf32>, vector<1000x128xf32> -> vector<1000x128xf32>
    %swap3A_63 = arith.constant 1 : index
    %swap3A_64 = arith.constant 0 : index
    %swap3A_65 = arith.constant 0 : index
    %swap3A_66 = vector.load %arg13[%swap3A_63, %swap3A_64, %swap3A_65] : memref<3x1000x128xf32, #tpu.memory_space<vmem>>, vector<1x1000x128xf32>
    %swap3A_67 = vector.shape_cast %swap3A_66 : vector<1x1000x128xf32> to vector<1000x128xf32>
    %swap3A_68 = vector.shape_cast %dot_general3A_62 : vector<1000x128xf32> to vector<1x1000x128xf32>
    tpu.vector_store %arg13[%swap3A_63, %swap3A_64, %swap3A_65], %swap3A_68 {strides = array<i32>} : memref<3x1000x128xf32, #tpu.memory_space<vmem>>, vector<1x1000x128xf32>,
    %get3A_69 = arith.constant 2 : index
    %get3A_70 = arith.constant 0 : index
    %get3A_71 = arith.constant 0 : index
    %get3A_72 = vector.load %arg2[%get3A_69, %get3A_70, %get3A_71] : memref<3x1000x128xf32, #tpu.memory_space<vmem>>, vector<1x1000x128xf32>
    %get3A_73 = vector.shape_cast %get3A_72 : vector<1x1000x128xf32> to vector<1000x128xf32>
    %get3A_74 = arith.constant 0 : index
    %get3A_75 = arith.constant 0 : index
    %get3A_76 = vector.load %arg9[%get3A_74, %get3A_75] : memref<128x128xf32, #tpu.memory_space<vmem>>, vector<128x128xf32>
    %dot_general3A_77 = arith.constant dense<0.000000e+00> : vector<1000x128xf32>
    %dot_general3A_78 = tpu.matmul %get3A_73, %get3A_76, %dot_general3A_77 {dimension_numbers = #tpu.dot_dimension_numbers<[1], [0], [0], [1], [0, 0, 1, 1], [], []>, transpose_lhs_hint = false} : vector<1000x128xf32>, vector<128x128xf32>, vector<1000x128xf32> -> vector<1000x128xf32>
    %swap3A_79 = arith.constant 2 : index
    %swap3A_80 = arith.constant 0 : index
    %swap3A_81 = arith.constant 0 : index
    %swap3A_82 = vector.load %arg13[%swap3A_79, %swap3A_80, %swap3A_81] : memref<3x1000x128xf32, #tpu.memory_space<vmem>>, vector<1x1000x128xf32>
    %swap3A_83 = vector.shape_cast %swap3A_82 : vector<1x1000x128xf32> to vector<1000x128xf32>
    %swap3A_84 = vector.shape_cast %dot_general3A_78 : vector<1000x128xf32> to vector<1x1000x128xf32>
    tpu.vector_store %arg13[%swap3A_79, %swap3A_80, %swap3A_81], %swap3A_84 {strides = array<i32>} : memref<3x1000x128xf32, #tpu.memory_space<vmem>>, vector<1x1000x128xf32>,
    return
  }
  func.func @transform_0(%arg0: i32) -> (i32, i32) {
    %c0_i32 = arith.constant 0 : i32
    %c0_i32_0 = arith.constant 0 : i32
    return %arg0, %c0_i32 : i32, i32
  }
  func.func @transform_1(%arg0: i32) -> (i32, i32, i32) {
    %c0_i32 = arith.constant 0 : i32
    %c0_i32_0 = arith.constant 0 : i32
    %c0_i32_1 = arith.constant 0 : i32
    return %c0_i32, %arg0, %c0_i32_0 : i32, i32, i32
  }
  func.func @transform_2(%arg0: i32) -> (i32, i32) {
    %c0_i32 = arith.constant 0 : i32
    %c0_i32_0 = arith.constant 0 : i32
    %c0_i32_1 = arith.constant 0 : i32
    return %c0_i32, %c0_i32_0 : i32, i32
  }
  func.func @transform_3(%arg0: i32) -> i32 {
    %c0_i32 = arith.constant 0 : i32
    %c0_i32_0 = arith.constant 0 : i32
    return %c0_i32 : i32
  }
  func.func @transform_4(%arg0: i32) -> (i32, i32) {
    %c0_i32 = arith.constant 0 : i32
    %c0_i32_0 = arith.constant 0 : i32
    %c0_i32_1 = arith.constant 0 : i32
    return %c0_i32, %c0_i32_0 : i32, i32
  }
  func.func @transform_5(%arg0: i32) -> i32 {
    %c0_i32 = arith.constant 0 : i32
    %c0_i32_0 = arith.constant 0 : i32
    return %c0_i32 : i32
  }
  func.func @transform_6(%arg0: i32) -> (i32, i32) {
    %c0_i32 = arith.constant 0 : i32
    %c0_i32_0 = arith.constant 0 : i32
    %c0_i32_1 = arith.constant 0 : i32
    return %c0_i32, %c0_i32_0 : i32, i32
  }
  func.func @transform_7(%arg0: i32) -> i32 {
    %c0_i32 = arith.constant 0 : i32
    %c0_i32_0 = arith.constant 0 : i32
    return %c0_i32 : i32
  }
  func.func @transform_8(%arg0: i32) -> (i32, i32) {
    %c0_i32 = arith.constant 0 : i32
    %c0_i32_0 = arith.constant 0 : i32
    %c0_i32_1 = arith.constant 0 : i32
    return %c0_i32, %c0_i32_0 : i32, i32
  }
  func.func @transform_9(%arg0: i32) -> (i32, i32) {
    %c0_i32 = arith.constant 0 : i32
    %c0_i32_0 = arith.constant 0 : i32
    return %arg0, %c0_i32 : i32, i32
  }
  func.func @transform_10(%arg0: i32) -> (i32, i32) {
    %c0_i32 = arith.constant 0 : i32
    %c0_i32_0 = arith.constant 0 : i32
    return %arg0, %c0_i32 : i32, i32
  }
  func.func @transform_11(%arg0: i32) -> (i32, i32) {
    %c0_i32 = arith.constant 0 : i32
    %c0_i32_0 = arith.constant 0 : i32
    return %arg0, %c0_i32 : i32, i32
  }
  func.func @transform_12(%arg0: i32) -> (i32, i32, i32) {
    %c0_i32 = arith.constant 0 : i32
    %c0_i32_0 = arith.constant 0 : i32
    %c0_i32_1 = arith.constant 0 : i32
    return %c0_i32, %arg0, %c0_i32_0 : i32, i32, i32
  }
}

module attributes {stable_mosaic.version = 14 : i64} {
  func.func @_sum_partials_body(%arg0: i32, %arg1: memref<2x1024x128xf32, #tpu.memory_space<vmem>>, %arg2: memref<1024x128xf32, #tpu.memory_space<vmem>>) attributes {dimension_semantics = [#tpu.dimension_semantics<arbitrary>], iteration_bounds = array<i64: 10>, scalar_prefetch = 0 : i64, scratch_operands = 0 : i64, tpu.core_type = #tpu.core_type<tc>, window_params = [{transform_indices = @transform_0, window_bounds = array<i64: 2, 1024, 128>}, {transform_indices = @transform_1, window_bounds = array<i64: 1024, 128>}]} {
    %get3A = arith.constant 0 : index
    %get3A_0 = arith.constant 0 : index
    %get3A_1 = arith.constant 0 : index
    %get3A_2 = vector.load %arg1[%get3A, %get3A_0, %get3A_1] : memref<2x1024x128xf32, #tpu.memory_space<vmem>>, vector<1x1024x128xf32>
    %get3A_3 = vector.shape_cast %get3A_2 : vector<1x1024x128xf32> to vector<1024x128xf32>
    %get3A_4 = arith.constant 1 : index
    %get3A_5 = arith.constant 0 : index
    %get3A_6 = arith.constant 0 : index
    %get3A_7 = vector.load %arg1[%get3A_4, %get3A_5, %get3A_6] : memref<2x1024x128xf32, #tpu.memory_space<vmem>>, vector<1x1024x128xf32>
    %get3A_8 = vector.shape_cast %get3A_7 : vector<1x1024x128xf32> to vector<1024x128xf32>
    %add3A = arith.addf %get3A_3, %get3A_8 : vector<1024x128xf32>
    %swap3A = arith.constant 0 : index
    %swap3A_9 = arith.constant 0 : index
    %swap3A_10 = vector.load %arg2[%swap3A, %swap3A_9] : memref<1024x128xf32, #tpu.memory_space<vmem>>, vector<1024x128xf32>
    tpu.vector_store %arg2[%swap3A, %swap3A_9], %add3A {strides = array<i32>} : memref<1024x128xf32, #tpu.memory_space<vmem>>, vector<1024x128xf32>,
    return
  }
  func.func @transform_0(%arg0: i32) -> (i32, i32, i32) {
    %c0_i32 = arith.constant 0 : i32
    %c0_i32_0 = arith.constant 0 : i32
    %c0_i32_1 = arith.constant 0 : i32
    return %c0_i32, %arg0, %c0_i32_0 : i32, i32, i32
  }
  func.func @transform_1(%arg0: i32) -> (i32, i32) {
    %c0_i32 = arith.constant 0 : i32
    %c0_i32_0 = arith.constant 0 : i32
    return %arg0, %c0_i32 : i32, i32
  }
}

module attributes {stable_mosaic.version = 14 : i64} {
  func.func @_out_proj_body(%arg0: i32, %arg1: memref<2x1000x128xf32, #tpu.memory_space<vmem>>, %arg2: memref<2x3x1000x128xf32, #tpu.memory_space<vmem>>, %arg3: memref<128x128xf32, #tpu.memory_space<vmem>>, %arg4: memref<128x128xf32, #tpu.memory_space<vmem>>, %arg5: memref<1000x128xf32, #tpu.memory_space<vmem>>, %arg6: memref<3x1000x128xf32, #tpu.memory_space<vmem>>) attributes {dimension_semantics = [#tpu.dimension_semantics<arbitrary>], iteration_bounds = array<i64: 10>, scalar_prefetch = 0 : i64, scratch_operands = 0 : i64, tpu.core_type = #tpu.core_type<tc>, window_params = [{transform_indices = @transform_0, window_bounds = array<i64: 2, 1000, 128>}, {transform_indices = @transform_1, window_bounds = array<i64: 2, 3, 1000, 128>}, {pipeline_mode = #tpu.pipeline_mode<synchronous>, transform_indices = @transform_2, window_bounds = array<i64: 128, 128>}, {pipeline_mode = #tpu.pipeline_mode<synchronous>, transform_indices = @transform_3, window_bounds = array<i64: 128, 128>}, {transform_indices = @transform_4, window_bounds = array<i64: 1000, 128>}, {transform_indices = @transform_5, window_bounds = array<i64: 3, 1000, 128>}]} {
    %get3A = arith.constant 0 : index
    %get3A_0 = arith.constant 0 : index
    %get3A_1 = arith.constant 0 : index
    %get3A_2 = vector.load %arg1[%get3A, %get3A_0, %get3A_1] : memref<2x1000x128xf32, #tpu.memory_space<vmem>>, vector<1x1000x128xf32>
    %get3A_3 = vector.shape_cast %get3A_2 : vector<1x1000x128xf32> to vector<1000x128xf32>
    %get3A_4 = arith.constant 1 : index
    %get3A_5 = arith.constant 0 : index
    %get3A_6 = arith.constant 0 : index
    %get3A_7 = vector.load %arg1[%get3A_4, %get3A_5, %get3A_6] : memref<2x1000x128xf32, #tpu.memory_space<vmem>>, vector<1x1000x128xf32>
    %get3A_8 = vector.shape_cast %get3A_7 : vector<1x1000x128xf32> to vector<1000x128xf32>
    %add3A = arith.addf %get3A_3, %get3A_8 : vector<1000x128xf32>
    %get3A_9 = arith.constant 0 : index
    %get3A_10 = arith.constant 0 : index
    %get3A_11 = vector.load %arg3[%get3A_9, %get3A_10] : memref<128x128xf32, #tpu.memory_space<vmem>>, vector<128x128xf32>
    %dot_general3A = arith.constant dense<0.000000e+00> : vector<1000x128xf32>
    %dot_general3A_12 = tpu.matmul %add3A, %get3A_11, %dot_general3A {dimension_numbers = #tpu.dot_dimension_numbers<[1], [0], [0], [1], [0, 0, 1, 1], [], []>, transpose_lhs_hint = false} : vector<1000x128xf32>, vector<128x128xf32>, vector<1000x128xf32> -> vector<1000x128xf32>
    %swap3A = arith.constant 0 : index
    %swap3A_13 = arith.constant 0 : index
    %swap3A_14 = vector.load %arg5[%swap3A, %swap3A_13] : memref<1000x128xf32, #tpu.memory_space<vmem>>, vector<1000x128xf32>
    tpu.vector_store %arg5[%swap3A, %swap3A_13], %dot_general3A_12 {strides = array<i32>} : memref<1000x128xf32, #tpu.memory_space<vmem>>, vector<1000x128xf32>,
    %get3A_15 = arith.constant 0 : index
    %get3A_16 = arith.constant 0 : index
    %get3A_17 = arith.constant 0 : index
    %get3A_18 = arith.constant 0 : index
    %get3A_19 = vector.load %arg2[%get3A_15, %get3A_16, %get3A_17, %get3A_18] : memref<2x3x1000x128xf32, #tpu.memory_space<vmem>>, vector<1x1x1000x128xf32>
    %get3A_20 = vector.shape_cast %get3A_19 : vector<1x1x1000x128xf32> to vector<1000x128xf32>
    %get3A_21 = arith.constant 1 : index
    %get3A_22 = arith.constant 0 : index
    %get3A_23 = arith.constant 0 : index
    %get3A_24 = arith.constant 0 : index
    %get3A_25 = vector.load %arg2[%get3A_21, %get3A_22, %get3A_23, %get3A_24] : memref<2x3x1000x128xf32, #tpu.memory_space<vmem>>, vector<1x1x1000x128xf32>
    %get3A_26 = vector.shape_cast %get3A_25 : vector<1x1x1000x128xf32> to vector<1000x128xf32>
    %add3A_27 = arith.addf %get3A_20, %get3A_26 : vector<1000x128xf32>
    %get3A_28 = arith.constant 0 : index
    %get3A_29 = arith.constant 0 : index
    %get3A_30 = vector.load %arg4[%get3A_28, %get3A_29] : memref<128x128xf32, #tpu.memory_space<vmem>>, vector<128x128xf32>
    %dot_general3A_31 = arith.constant dense<0.000000e+00> : vector<1000x128xf32>
    %dot_general3A_32 = tpu.matmul %add3A_27, %get3A_30, %dot_general3A_31 {dimension_numbers = #tpu.dot_dimension_numbers<[1], [0], [0], [1], [0, 0, 1, 1], [], []>, transpose_lhs_hint = false} : vector<1000x128xf32>, vector<128x128xf32>, vector<1000x128xf32> -> vector<1000x128xf32>
    %swap3A_33 = arith.constant 0 : index
    %swap3A_34 = arith.constant 0 : index
    %swap3A_35 = arith.constant 0 : index
    %swap3A_36 = vector.load %arg6[%swap3A_33, %swap3A_34, %swap3A_35] : memref<3x1000x128xf32, #tpu.memory_space<vmem>>, vector<1x1000x128xf32>
    %swap3A_37 = vector.shape_cast %swap3A_36 : vector<1x1000x128xf32> to vector<1000x128xf32>
    %swap3A_38 = vector.shape_cast %dot_general3A_32 : vector<1000x128xf32> to vector<1x1000x128xf32>
    tpu.vector_store %arg6[%swap3A_33, %swap3A_34, %swap3A_35], %swap3A_38 {strides = array<i32>} : memref<3x1000x128xf32, #tpu.memory_space<vmem>>, vector<1x1000x128xf32>,
    %get3A_39 = arith.constant 0 : index
    %get3A_40 = arith.constant 1 : index
    %get3A_41 = arith.constant 0 : index
    %get3A_42 = arith.constant 0 : index
    %get3A_43 = vector.load %arg2[%get3A_39, %get3A_40, %get3A_41, %get3A_42] : memref<2x3x1000x128xf32, #tpu.memory_space<vmem>>, vector<1x1x1000x128xf32>
    %get3A_44 = vector.shape_cast %get3A_43 : vector<1x1x1000x128xf32> to vector<1000x128xf32>
    %get3A_45 = arith.constant 1 : index
    %get3A_46 = arith.constant 1 : index
    %get3A_47 = arith.constant 0 : index
    %get3A_48 = arith.constant 0 : index
    %get3A_49 = vector.load %arg2[%get3A_45, %get3A_46, %get3A_47, %get3A_48] : memref<2x3x1000x128xf32, #tpu.memory_space<vmem>>, vector<1x1x1000x128xf32>
    %get3A_50 = vector.shape_cast %get3A_49 : vector<1x1x1000x128xf32> to vector<1000x128xf32>
    %add3A_51 = arith.addf %get3A_44, %get3A_50 : vector<1000x128xf32>
    %get3A_52 = arith.constant 0 : index
    %get3A_53 = arith.constant 0 : index
    %get3A_54 = vector.load %arg4[%get3A_52, %get3A_53] : memref<128x128xf32, #tpu.memory_space<vmem>>, vector<128x128xf32>
    %dot_general3A_55 = arith.constant dense<0.000000e+00> : vector<1000x128xf32>
    %dot_general3A_56 = tpu.matmul %add3A_51, %get3A_54, %dot_general3A_55 {dimension_numbers = #tpu.dot_dimension_numbers<[1], [0], [0], [1], [0, 0, 1, 1], [], []>, transpose_lhs_hint = false} : vector<1000x128xf32>, vector<128x128xf32>, vector<1000x128xf32> -> vector<1000x128xf32>
    %swap3A_57 = arith.constant 1 : index
    %swap3A_58 = arith.constant 0 : index
    %swap3A_59 = arith.constant 0 : index
    %swap3A_60 = vector.load %arg6[%swap3A_57, %swap3A_58, %swap3A_59] : memref<3x1000x128xf32, #tpu.memory_space<vmem>>, vector<1x1000x128xf32>
    %swap3A_61 = vector.shape_cast %swap3A_60 : vector<1x1000x128xf32> to vector<1000x128xf32>
    %swap3A_62 = vector.shape_cast %dot_general3A_56 : vector<1000x128xf32> to vector<1x1000x128xf32>
    tpu.vector_store %arg6[%swap3A_57, %swap3A_58, %swap3A_59], %swap3A_62 {strides = array<i32>} : memref<3x1000x128xf32, #tpu.memory_space<vmem>>, vector<1x1000x128xf32>,
    %get3A_63 = arith.constant 0 : index
    %get3A_64 = arith.constant 2 : index
    %get3A_65 = arith.constant 0 : index
    %get3A_66 = arith.constant 0 : index
    %get3A_67 = vector.load %arg2[%get3A_63, %get3A_64, %get3A_65, %get3A_66] : memref<2x3x1000x128xf32, #tpu.memory_space<vmem>>, vector<1x1x1000x128xf32>
    %get3A_68 = vector.shape_cast %get3A_67 : vector<1x1x1000x128xf32> to vector<1000x128xf32>
    %get3A_69 = arith.constant 1 : index
    %get3A_70 = arith.constant 2 : index
    %get3A_71 = arith.constant 0 : index
    %get3A_72 = arith.constant 0 : index
    %get3A_73 = vector.load %arg2[%get3A_69, %get3A_70, %get3A_71, %get3A_72] : memref<2x3x1000x128xf32, #tpu.memory_space<vmem>>, vector<1x1x1000x128xf32>
    %get3A_74 = vector.shape_cast %get3A_73 : vector<1x1x1000x128xf32> to vector<1000x128xf32>
    %add3A_75 = arith.addf %get3A_68, %get3A_74 : vector<1000x128xf32>
    %get3A_76 = arith.constant 0 : index
    %get3A_77 = arith.constant 0 : index
    %get3A_78 = vector.load %arg4[%get3A_76, %get3A_77] : memref<128x128xf32, #tpu.memory_space<vmem>>, vector<128x128xf32>
    %dot_general3A_79 = arith.constant dense<0.000000e+00> : vector<1000x128xf32>
    %dot_general3A_80 = tpu.matmul %add3A_75, %get3A_78, %dot_general3A_79 {dimension_numbers = #tpu.dot_dimension_numbers<[1], [0], [0], [1], [0, 0, 1, 1], [], []>, transpose_lhs_hint = false} : vector<1000x128xf32>, vector<128x128xf32>, vector<1000x128xf32> -> vector<1000x128xf32>
    %swap3A_81 = arith.constant 2 : index
    %swap3A_82 = arith.constant 0 : index
    %swap3A_83 = arith.constant 0 : index
    %swap3A_84 = vector.load %arg6[%swap3A_81, %swap3A_82, %swap3A_83] : memref<3x1000x128xf32, #tpu.memory_space<vmem>>, vector<1x1000x128xf32>
    %swap3A_85 = vector.shape_cast %swap3A_84 : vector<1x1000x128xf32> to vector<1000x128xf32>
    %swap3A_86 = vector.shape_cast %dot_general3A_80 : vector<1000x128xf32> to vector<1x1000x128xf32>
    tpu.vector_store %arg6[%swap3A_81, %swap3A_82, %swap3A_83], %swap3A_86 {strides = array<i32>} : memref<3x1000x128xf32, #tpu.memory_space<vmem>>, vector<1x1000x128xf32>,
    return
  }
  func.func @transform_0(%arg0: i32) -> (i32, i32, i32) {
    %c0_i32 = arith.constant 0 : i32
    %c0_i32_0 = arith.constant 0 : i32
    %c0_i32_1 = arith.constant 0 : i32
    return %c0_i32, %arg0, %c0_i32_0 : i32, i32, i32
  }
  func.func @transform_1(%arg0: i32) -> (i32, i32, i32, i32) {
    %c0_i32 = arith.constant 0 : i32
    %c0_i32_0 = arith.constant 0 : i32
    %c0_i32_1 = arith.constant 0 : i32
    %c0_i32_2 = arith.constant 0 : i32
    return %c0_i32, %c0_i32_0, %arg0, %c0_i32_1 : i32, i32, i32, i32
  }
  func.func @transform_2(%arg0: i32) -> (i32, i32) {
    %c0_i32 = arith.constant 0 : i32
    %c0_i32_0 = arith.constant 0 : i32
    %c0_i32_1 = arith.constant 0 : i32
    return %c0_i32, %c0_i32_0 : i32, i32
  }
  func.func @transform_3(%arg0: i32) -> (i32, i32) {
    %c0_i32 = arith.constant 0 : i32
    %c0_i32_0 = arith.constant 0 : i32
    %c0_i32_1 = arith.constant 0 : i32
    return %c0_i32, %c0_i32_0 : i32, i32
  }
  func.func @transform_4(%arg0: i32) -> (i32, i32) {
    %c0_i32 = arith.constant 0 : i32
    %c0_i32_0 = arith.constant 0 : i32
    return %arg0, %c0_i32 : i32, i32
  }
  func.func @transform_5(%arg0: i32) -> (i32, i32, i32) {
    %c0_i32 = arith.constant 0 : i32
    %c0_i32_0 = arith.constant 0 : i32
    %c0_i32_1 = arith.constant 0 : i32
    return %c0_i32, %arg0, %c0_i32_0 : i32, i32, i32
  }
}

</mosaic_0001>

<sc_bundles>
// kernel: kernel.11.cloned.1.call-start
scs
__scs_entry_jumppad:
0x0: {  	(pc) =	sbr.rel $0x88, $3  }
0x1: {  	(tag) =	ssettag $0x0;
	lr =	simm.s32 $0x1  }
0x2: {  	[smem:$0x3F8F] =	sst lr;
	_ =	strace $0xD0000000  }
0x3: {  	_ = 	snop  }
0x4: {  	_ = 	snop  }
0x5: {  	_ = 	snop  }
0x6: {  	_ = 	snop  }
0x7: {  	_ = 	snop  }
__scs_overlays_trampoline_lowered:
0x8: {  	[smem:$0x3F9E] =	sst s0  }
0x9: {  	[smem:$0x3F9F] =	sst s1  }
0xa: {  	[smem:$0x3FA0] =	sst s2  }
0xb: {  	[smem:$0x3FA1] =	sst s3  }
0xc: {  	[smem:$0x3FA2] =	sst s4  }
0xd: {  	[smem:$0x3FA3] =	sst s5  }
0xe: {  	[smem:$0x3FA4] =	sst s6  }
0xf: {  	[smem:$0x3FA5] =	sst s7  }
0x10: {  	[smem:$0x3FA6] =	sst s8  }
0x11: {  	[smem:$0x3FA7] =	sst s9;
	s0 =	simm.s32 @!p0 $0x0  }
0x12: {  	s1 =	sld [smem:$0x3F8D];
	s0 =	simm.s32 @p0 $0x1  }
0x13: {  	[smem:$0x3FA8] =	sst s0;
	s0 =	simm.s32 @!p1 $0x0  }
0x14: {  	s2 =	sld [smem:$0x3F8C];
	s0 =	simm.s32 @p1 $0x1  }
0x15: {  	[smem:$0x3FA9] =	sst s0;
	s0 =	simm.s32 @!p2 $0x0  }
0x16: {  	s3 =	sld [smem:$0x3FDB];
	s0 =	simm.s32 @p2 $0x1  }
0x17: {  	s4 =	simm.s32 $0x1BF5;
	[smem:$0x3FAB] =	sst s0  }
0x18: {  	s0 =	sld [smem:$0x3F8E];
	_ =	swait.ge [sflag:s4], $0x0  }
0x19: {  	s7 =	sld [smem:$0x3F8F]  }
0x1a: {  	s8 =	sadd.s32 $0xFFFFE003, lr  }
0x1b: {  	s9 =	sadd.s32 $0xFFFFFEF7, lr;
	s5 =	simm.s32 $0xFFFFFFFF;
	p2 =	slt.u32 s8, $0xFFFFF086  }
0x1c: {  	p1 =	slt.u32 s9, $0xF7A;
	s5 =	simm.s32 @!p2 $0x0  }
0x1d: {  	s5 =	simm.s32 @p1 $0x1;
	p0 =	seq.s32 s7, s2  }
0x1e: {  	s7 =	smul.u32 @!p0 $0xF7A, s2;
	p2 =	seq.s32 @!p0 s5, $0x0  }
0x1f: {  	s9 =	smul.u32 $0xF7A, s1;
	s8 =	simm.s32 @!p0 $0x1BF5;
	p2 =	por !p2, p0  }
0x20: {  	[sflag:s8] =	ssyncset.s32 @!p0 $0xFFFFF086;
	s6 =	sadd.s32 @!p0 s3, s7;
	s7 =	simm.s32 @!p0 $0x108  }
0x21: {  	s3 =	sadd.s32 s3, s9;
	s6 =	sadd.s32 @!p0 $0x88, s6;
	s7 =	simm.s32 @p2 $0x1082  }
0x22: {  	[simem:s7], [sflag:s8] =	dma.local @!p0 [hbm:s6], $0xF7A  }
0x23: {  	s9 =	sor.u32 $0xD0000000, s2;
	s6 =	simm.s32 $0x108;
	_ =	swait.ge @!p0 [sflag:s8], $0x0  }
0x24: {  	s3 =	sadd.s32 $0x88, s3;
	s6 =	simm.s32 @!p1 $0x1082;
	[sflag:s4] =	ssyncset.s32 $0xFFFFF086  }
0x25: {  	[simem:s6], [sflag:s4] =	dma.local [hbm:s3], $0xF7A  }
0x26: {  	[smem:$0x3F8F] =	sst s1;
	(tag) =	ssettag s2;
	_ =	strace s9  }
0x27: {  	s1 =	sld [smem:$0x3F9F]  }
0x28: {  	s2 =	sld [smem:$0x3FA0]  }
0x29: {  	s4 =	sld [smem:$0x3FA2]  }
0x2a: {  	p0 =	seq.s32 s5, $0x0;
	s5 =	sld [smem:$0x3FA3]  }
0x2b: {  	s6 =	sld [smem:$0x3FA4]  }
0x2c: {  	s7 =	sld [smem:$0x3FA5]  }
0x2d: {  	s3 =	simm.s32 $0x108;
	s8 =	sld [smem:$0x3FA6]  }
0x2e: {  	s3 =	simm.s32 @!p0 $0x1082;
	s9 =	sld [smem:$0x3FA7]  }
0x2f: {  	lr =	sadd.s32 s0, s3;
	s0 =	sld [smem:$0x3F9E]  }
0x30: {  	s3 =	sld [smem:$0x3FA1]  }
0x31: {  	[smem:$0x3FAA] =	sst s10  }
0x32: {  	s10 =	sld [smem:$0x3FA8];
	_ =	sdelay $0x3  }
0x33: {  	p0 =	seq.s32 s10, $0x1;
	s10 =	sld [smem:$0x3FAA];
	_ =	sdelay $0x3  }
0x34: {  	[smem:$0x3FAA] =	sst s10  }
0x35: {  	s10 =	sld [smem:$0x3FA9];
	_ =	sdelay $0x3  }
0x36: {  	p1 =	seq.s32 s10, $0x1;
	s10 =	sld [smem:$0x3FAA];
	_ =	sdelay $0x3  }
0x37: {  	[smem:$0x3FAA] =	sst s10  }
0x38: {  	s10 =	sld [smem:$0x3FAB]  }
0x39: {  	_ = 	snop;
	(pc) =	sbr.ind lr, $3  }
0x3a: {  	_ = 	snop  }
0x3b: {  	_ = 	snop  }
0x3c: {  	p2 =	seq.s32 s10, $0x1;
	s10 =	sld [smem:$0x3FAA]  }
0x3d: {  	_ =	shalt  }
0x3e: {  	_ =	shalt  }
0x3f: {  	_ =	shalt  }
0x40: {  	_ =	shalt  }
0x41: {  	_ =	shalt  }
0x42: {  	_ =	shalt  }
0x43: {  	_ =	shalt  }
0x44: {  	_ =	shalt  }
0x45: {  	_ =	shalt  }
0x46: {  	_ =	shalt  }
0x47: {  	_ =	shalt  }
0x48: {  	_ =	shalt  }
0x49: {  	_ =	shalt  }
0x4a: {  	_ =	shalt  }
0x4b: {  	_ =	shalt  }
0x4c: {  	_ =	shalt  }
0x4d: {  	_ =	shalt  }
0x4e: {  	_ =	shalt  }
0x4f: {  	_ =	shalt  }
0x50: {  	_ =	shalt  }
0x51: {  	_ =	shalt  }
0x52: {  	_ =	shalt  }
0x53: {  	_ =	shalt  }
0x54: {  	_ =	shalt  }
0x55: {  	_ =	shalt  }
0x56: {  	_ =	shalt  }
0x57: {  	_ =	shalt  }
0x58: {  	_ =	shalt  }
0x59: {  	_ =	shalt  }
0x5a: {  	_ =	shalt  }
0x5b: {  	_ =	shalt  }
0x5c: {  	_ =	shalt  }
0x5d: {  	_ =	shalt  }
0x5e: {  	_ =	shalt  }
0x5f: {  	_ =	shalt  }
0x60: {  	_ =	shalt  }
0x61: {  	_ =	shalt  }
0x62: {  	_ =	shalt  }
0x63: {  	_ =	shalt  }
0x64: {  	_ =	shalt  }
0x65: {  	_ =	shalt  }
0x66: {  	_ =	shalt  }
0x67: {  	_ =	shalt  }
0x68: {  	_ =	shalt  }
0x69: {  	_ =	shalt  }
0x6a: {  	_ =	shalt  }
0x6b: {  	_ =	shalt  }
0x6c: {  	_ =	shalt  }
0x6d: {  	_ =	shalt  }
0x6e: {  	_ =	shalt  }
0x6f: {  	_ =	shalt  }
0x70: {  	_ =	shalt  }
0x71: {  	_ =	shalt  }
0x72: {  	_ =	shalt  }
0x73: {  	_ =	shalt  }
0x74: {  	_ =	shalt  }
0x75: {  	_ =	shalt  }
0x76: {  	_ =	shalt  }
0x77: {  	_ =	shalt  }
0x78: {  	_ =	shalt  }
0x79: {  	_ =	shalt  }
0x7a: {  	_ =	shalt  }
0x7b: {  	_ =	shalt  }
0x7c: {  	_ =	shalt  }
0x7d: {  	_ =	shalt  }
0x7e: {  	_ =	shalt  }
0x7f: {  	_ =	shalt  }
0x80: {  	_ =	shalt  }
0x81: {  	_ =	shalt  }
0x82: {  	_ =	shalt  }
0x83: {  	_ =	shalt  }
0x84: {  	_ =	shalt  }
0x85: {  	_ =	shalt  }
0x86: {  	_ =	shalt  }
0x87: {  	_ =	shalt  }
.Lfunc_end0:
.L_simem_size_0:
called_computation.1_lowered:
.L_overlay_start_0:
0x88: {  	s2 =	sld [smem:$0x3FD9]  }
0x89: {  	s3 =	sld [smem:$0x3FFE];
	_ =	sdelay $0x1  }
0x8a: {  	s1 =	srdreg.scid  }
0x8b: {  	s0 =	sand.u32 $0x1, s1  }
0x8c: {  	s14 =	sshll.u32 s0, $0xA;
	s2 =	sadd.s32 s3, s2  }
0x8d: {  	s2 =	sadd.s32 s2, s14  }
0x8e: {  	[smem:$0x3FB6] =	sst s2  }
0x8f: {  	_ = 	snop  }
0x90: {  	s2 =	sld [smem:$0x3FD0];
	_ =	sdelay $0x2  }
0x91: {  	s15 =	simm.s32 $0xA;
	s4 =	simm.s32 $0x10  }
0x92: {  	[smem:s4], [sflag:s15] =	dma.local [hbm:s2], $0x1  }
0x93: {  	_ =	swait.eq [sflag:s15], $0x1  }
0x94: {  	[sflag:s15] =	ssyncset.done $0x0  }
0x95: {  	s16 =	sld [smem:$0x10];
	[sflag:s15] =	ssyncadd.s32 $0xFFFFFFFF  }
0x96: {  	s17 =	sld [smem:$0x11];
	(tm) =	ssettm $0x1  }
0x97: {  	s18 =	sld [smem:$0x3FFB];
	_ =	sdelay $0x3  }
0x98: {  	_ =	strace s18  }
0x99: {  	s4 =	sld [smem:$0x3FFC];
	_ =	sdelay $0x3  }
0x9a: {  	_ =	strace s4  }
0x9b: {  	s4 =	sld [smem:$0x3FFD];
	_ =	sdelay $0x3  }
0x9c: {  	_ =	strace s4  }
0x9d: {  	_ =	strace $0x8FFFFFFF  }
0x9e: {  	s19 =	sld [smem:$0x3FDB];
	_ =	sdelay $0x1  }
0x9f: {  	s5 =	simm.s32 $_scs_section_size  }
0xa0: {  	s6 =	simm.s32 $_size__tile_overlayer_lowered;
	s7 =	simm.s32 $_tile_overlayer_lowered  }
0xa1: {  	s22 =	simm.s32 $0x1BFF;
	s21 =	sshll.u32 s7, $0x1;
	s4 =	sadd.s32 s5, s19  }
0xa2: {  	s8 =	simm.s32 $0x0;
	s20 =	sshll.u32 s6, $0x1;
	s6 =	sadd.s32 s21, s4  }
0xa3: {  	[timem:s8], [sflag:s22] =	dma.local [hbm:s6], s20  }
0xa4: {  	_ =	swait.ge [sflag:s22], s20  }
0xa5: {  	s5 =	ssub.s32 $0x0, s20;
	[sflag:s22] =	ssyncset.done $0x0  }
0xa6: {  	[sflag:s22] =	ssyncadd.s32 s5;
	_ =	sdelay $0x1  }
0xa7: {  	s23 =	simm.s32 $0x1B8B  }
0xa8: {  	_ =	swait.ge [sflag:s23], $0x1  }
0xa9: {  	[sflag:s23] =	ssyncset.done $0x0  }
0xaa: {  	s25 =	simm.s32 $0x1B8E;
	s24 =	sld [smem:$0x3FFE];
	[sflag:s23] =	ssyncadd.s32 $0xFFFFFFFF  }
0xab: {  	s26 =	simm.s32 $execute0_lowered;
	[smem:$0x3FD2] =	sst s25  }
0xac: {  	s6 =	sshll.u32 s26, $0x1;
	_ =	strace $0x80000049;
	[dreg:$0x1] =	wrdreg $0xFFFFFFFF  }
0xad: {  	s28 =	simm.s32 $_size_execute0_lowered;
	s4 =	sadd.s32 s4, s6;
	[dreg:$0x0] =	wrdreg $0x0  }
0xae: {  	s6 =	sshll.u32 s28, $0x1;
	[dreg:$0x2] =	wrdreg s4  }
0xaf: {  	[dreg:$0x3] =	wrdreg s6  }
0xb0: {  	[dreg:$0x4] =	wrdreg $0xC0  }
0xb1: {  	_ =	task [dreg:s8], $0x5FFFF  }
0xb2: {  	[dreg:$0x1] =	wrdreg $0xFFFFFFFF  }
0xb3: {  	[dreg:$0x0] =	wrdreg $0x60  }
0xb4: {  	[dreg:$0x2] =	wrdreg s16  }
0xb5: {  	[dreg:$0x3] =	wrdreg s24  }
0xb6: {  	[dreg:$0x4] =	wrdreg s17  }
0xb7: {  	[dreg:$0x5] =	wrdreg $0xA2000  }
0xb8: {  	[dreg:$0x6] =	wrdreg $0x9  }
0xb9: {  	_ =	task.clear_ibuf [dreg:s8], $0x7FFFF;
	_ =	strace $0x90000049  }
0xba: {  	s29 =	simm.s32 $0x9;
	_ =	strace $0x8000004B  }
0xbb: {  	_ =	swait.ge [sflag:s29], $0x1  }
0xbc: {  	[sflag:s29] =	ssyncadd.s32 $0xFFFFFFFF  }
0xbd: {  	_ =	strace $0x9000004B  }
0xbe: {  	_ =	sfence  }
0xbf: {  	s30 =	sld [smem:$0x0];
	_ =	sdelay $0x2  }
0xc0: {  	s31 =	sshll.u32 s1, $0xD;
	s1 =	sshrl.u32 s1, $0x2  }
0xc1: {  	s3 =	sand.u32 $0x4000, s31;
	s1 =	sadd.s32 s1, s30  }
0xc2: {  	s0 =	sor.u32 s3, s0;
	s1 =	sshll.u32 s1, $0x11  }
0xc3: {  	s0 =	sor.u32 s1, s0  }
0xc4: {  	s0 =	sadd.s32 $0x8F2B, s0  }
0xc5: {  	[sflag:s0] =	ssyncadd.remote.s32 $0x1  }
0xc6: {  	_ =	sfence.sel $0xFFFF  }
0xc7: {  	[dreg:$0x0] =	wrdreg $0xFFFFFFFF;
	(pc) =	sbr.abs _section_cstart, $3  }
0xc8: {  	[dreg:$0x1] =	wrdreg $0xFFFFFFFF  }
0xc9: {  	_ =	task.clear_ibuf [dreg:s8], $0x2FFFF;
	_ =	strace $0x9FFFFFFF  }
0xca: {  	(tm) =	ssettm $0x7FFFFFFF  }
0xcb: {  	_ =	shalt  }
tec
execute0_lowered:
.L_overlay_start_1:
0x0: {  	(tag) =	ssettag $0x1  }
0x1: {  	s1 =	rddreg [dreg:$0x0]  }
0x2: {  	s0 =	rddreg [dreg:$0x1]  }
0x3: {  	s3 =	rddreg [dreg:$0x2]  }
0x4: {  	s2 =	rddreg [dreg:$0x3];
	s4 =	simm.s32 $0x0;
	s21 =	stileid.u32  }
0x5: {  	s6 =	srdreg.scid;
	s28 =	simm.s32 $0xA000;
	s29 =	simm.s32 $0xA080  }
0x6: {  	s30 =	simm.s32 $0x50;
	s31 =	simm.s32 $0x5000;
	[smem:$0x7FF] =	sst s4  }
0x7: {  	s5 =	sadd.s32 $0x60DC00, s0;
	s15 =	sand.u32 $0x1, s6;
	s6 =	sadd.s32 $0x5E6A00, s0  }
0x8: {  	s14 =	smul.u32 $0x14000, s21;
	s7 =	sadd.s32 $0x5BF800, s0;
	s8 =	sadd.s32 $0xD600, s0  }
0x9: {  	s9 =	sadd.s32 $0x3800, s0;
	s10 =	sadd.s32 $0xDD800, s0;
	s22 =	sshll.u32 s21, $0x1  }
0xa: {  	s20 =	smul.u32 $0x50000, s21;
	s25 =	sshll.u32 s21, $0x6;
	_ =	strace $0x8000004A  }
0xb: {  	s11 =	smul.u32 $0x3C0000, s15;
	s18 =	ssub.s32 $0x2, s15;
	s19 =	sor.u32 s15, s22  }
0xc: {  	s15 =	smul.u32 $0x140000, s15;
	s13 =	sshrl.u32 s14, $0x3;
	s23 =	sshrl.u32 s18, $0x1  }
0xd: {  	s24 =	sshrl.u32 s20, $0x2;
	s16 =	sadd.s32 s13, s0;
	s13 =	smul.u32 $0x2710, s19  }
0xe: {  	s12 =	sadd.s32 s14, s11;
	s11 =	sadd.s32 $0x17400, s0;
	s19 =	smul.u32 $0x138800, s19  }
0xf: {  	s14 =	sadd.s32 s14, s15;
	s12 =	sshrl.u32 s12, $0x3;
	s16 =	sadd.s32 $0x65800, s16  }
0x10: {  	s14 =	sshrl.u32 s14, $0x3;
	s17 =	sadd.s32 s12, s0;
	s12 =	sadd.s32 $0x634E00, s0  }
0x11: {  	s0 =	ssub.s32 s18, s23;
	s18 =	sadd.s32 s24, s2;
	[dreg:$0x6] =	wrdreg s16  }
0x12: {  	s26 =	sshrl.u32 s13, $0x3;
	s3 =	sadd.s32 s3, s14;
	[dreg:$0x5] =	wrdreg s18  }
0x13: {  	s15 =	simm.s32 $0x0;
	[dreg:$0x8] =	wrdreg s3;
	s21 =	sadd.s32 s8, s26  }
0x14: {  	s20 =	sshrl.u32 s19, $0x3;
	s23 =	sadd.s32 $0xB16E00, s17;
	[dreg:$0x9] =	wrdreg s21  }
0x15: {  	s19 =	sadd.s32 $0x50, s13;
	s24 =	sadd.s32 s9, s26;
	[dreg:$0xb] =	wrdreg s23  }
0x16: {  	s18 =	sor.u32 $0x1C05, s25;
	s25 =	sadd.s32 $0xB3EE00, s17;
	[dreg:$0xc] =	wrdreg s24  }
0x17: {  	s14 =	simm.s32 $0x3;
	s26 =	sadd.s32 $0xB66E00, s17;
	[dreg:$0xd] =	wrdreg s25  }
0x18: {  	s22 =	sadd.s32 s12, s20;
	s0 =	smax.u32 s0, $0x1;
	[dreg:$0xe] =	wrdreg s26  }
0x19: {  	s17 =	simm.s32 $0x1;
	s3 =	sadd.s32 $0x26C00, s22;
	[dreg:$0xf] =	wrdreg s0  }
0x1a: {  	s26 =	simm.s32 $0x5;
	s0 =	simm.s32 $0x7800;
	s21 =	simm.s32 $0xA100  }
0x1b: {  	v2 =	vlaneseq.u32;
	s23 =	simm.s32 $0xA180;
	s24 =	simm.s32 $0x2800;
	[dreg:$0x7] =	wrdreg s18  }
0x1c: {  	v0 =	vmul.u32 $0x10, v2;
	v1 =	vand.u32 $0x7, v2;
	v2 =	vor.u32 $0x8, v2;
	s25 =	simm.s32 $0x4;
	[dreg:$0xa] =	wrdreg s3;
	s3 =	simm.s32 $0x2  }
.LBB2_1:
0x1d: {  	[dreg:$0x10] =	wrdreg s15  }
0x1e: {  	s20 =	rddreg [dreg:$0x5]  }
0x1f: {  	s22 =	rddreg [dreg:$0x6];
	s16 =	sshrl.u32 s20, $0x3  }
0x20: {  	[dreg:$0x11] =	wrdreg s16  }
0x21: {  	[spmem:s16], [sflag:s18] =	dma.local [hbm:s22], $0x2800  }
0x22: {  	_ =	swait.ge [sflag:s26], $0x2800  }
0x23: {  	[sflag:s26] =	ssyncset.done $0x0  }
0x24: {  	[sflag:s26] =	ssyncadd.s32 $0xFFFFD800  }
0x25: {  	s15 =	simm.s32 $0x0;
	[bflag:$0x0] =	sbarrier.arrive $0xFFFF  }
.LBB2_2:
0x26: {  	s16 =	smul.u32 $0x50, s15;
	_ =	sdelay $0x1  }
0x27: {  	s16 =	sadd.s32 s13, s16  }
0x28: {  	s18 =	sshrl.u32 s16, $0x3  }
0x29: {  	s22 =	simm.s32 $0x0;
	s20 =	sadd.s32 s8, s18  }
0x2a: {  	[tilespmem:s28], [sflag:$0x5] =	stream.linear.gather [hbm4b:s20+s22], $0x50, $0x38;
	[tilespmem:$0x1E200] =	vst v63  }
0x2b: {  	_ =	swait.ge [sflag:s26], $0x50  }
0x2c: {  	[sflag:s26] =	ssyncset.done $0x0  }
0x2d: {  	s18 =	sadd.s32 s9, s18;
	[sflag:s26] =	ssyncadd.s32 $0xFFFFFFB0  }
0x2e: {  	[tilespmem:s29], [sflag:$0x5] =	stream.linear.gather [hbm4b:s18+s22], $0x50, $0x38;
	[tilespmem:$0x1E200] =	vst v63  }
0x2f: {  	_ =	swait.ge [sflag:s26], $0x50  }
0x30: {  	[sflag:s26] =	ssyncset.done $0x0  }
0x31: {  	s16 =	sshll.u32 s16, $0x4;
	[sflag:s26] =	ssyncadd.s32 $0xFFFFFFB0  }
0x32: {  	[tilespmem:s22], [sflag:$0x1] =	stream.indirect.gather [hbm4b:s1+s30], $0x80, s28, s30, $0xb8;
	[tilespmem:$0x1E200] =	vst v63  }
0x33: {  	s20 =	sadd.s32 s10, s16  }
0x34: {  	v3 =	vmov s22;
	[tilespmem:s31], [sflag:$0x2] =	stream.linear.gather [hbm4b:s20+s22], $0x2800, $0x38;
	[tilespmem:$0x1E200] =	vst v63  }
0x35: {  	v3 =	vshll.u32 v3, $0x4  }
0x36: {  	v3 =	vor.u32 v0, v3;
	[tilespmem:s0], [sflag:$0x3] =	stream.indirect.gather [hbm4b:s11+s30], $0x80, s29, s30, $0xb8;
	[tilespmem:$0x1E200] =	vst v63  }
0x37: {  	v4 =	vand.u32 $0x3F80, v3;
	_ =	swait.ge [sflag:s3], $0x2800  }
0x38: {  	v3 =	vor.u32 v1, v4;
	[sflag:s3] =	ssyncset.done $0x0  }
0x39: {  	[sflag:s3] =	ssyncadd.s32 $0xFFFFD800  }
0x3a: {  	_ =	swait.ge [sflag:s14], $0x2800  }
0x3b: {  	[sflag:s14] =	ssyncset.done $0x0  }
0x3c: {  	[sflag:s14] =	ssyncadd.s32 $0xFFFFD800  }
0x3d: {  	v5 =	vld.idx.msk [tilespmem:v3+s0+$0x0], $0xffff;
	_ =	sdelay $0x4  }
0x3e: {  	v5 =	vadd.f32 $1.000000020e-16, v5  }
0x3f: {  	v4 =	vor.u32 v2, v4  }
0x40: {  	(erf) = vrcp.f32 v5;
	_ =	sdelay $0x2  }
0x41: {  	s22 =	simm.s32 $0x10  }
0x42: {  	s18 =	simm.s32 $0x20;
	v4 =	vld.idx.msk [tilespmem:v4+s31+$0x0], $0xffff;
	v5 =	vmov s22  }
.LBB2_3:
0x43: {  	p0 =	sne.s32 s18, $0x270;
	v5 =	vshll.u32 v5, $0x4  }
0x44: {  	v5 =	vor.u32 v0, v5  }
0x45: {  	v5 =	vand.u32 $0x3F80, v5  }
0x46: {  	v6 =	vor.u32 v1, v5  }
0x47: {  	v7 =	vpop (erf)  }
0x48: {  	v4 =	vmul.f32 v7, v4;
	_ =	sdelay $0x1  }
0x49: {  	[tilespmem:v3+s31+$0x0] =	vst.idx.msk $0xffff, v4;
	v3 =	vmov v6  }
0x4a: {  	v4 =	vld.idx.msk [tilespmem:v6+s0+$0x0], $0xffff;
	_ =	sdelay $0x5  }
0x4b: {  	v4 =	vadd.f32 $1.000000020e-16, v4  }
0x4c: {  	v6 =	vor.u32 v2, v5  }
.Ltmp0:
0x4d: {  	(erf) = vrcp.f32 v4;
	(pc) =	sbr.rel @p0 .LBB2_3-.Ltmp0, $2  }
0x4e: {  	_ =	sdelay $0x2  }
0x4f: {  	v5 =	vmov s18;
	s18 =	sadd.s32 $0x10, s18;
	v4 =	vld.idx.msk [tilespmem:v6+s31+$0x0], $0xffff  }
0x50: {  	v5 =	vshll.u32 v5, $0x4  }
0x51: {  	v5 =	vor.u32 v0, v5  }
0x52: {  	v5 =	vand.u32 $0x3F80, v5  }
0x53: {  	v6 =	vor.u32 v1, v5  }
0x54: {  	v7 =	vpop (erf)  }
0x55: {  	v4 =	vmul.f32 v7, v4;
	_ =	sdelay $0x1  }
0x56: {  	[tilespmem:v3+s31+$0x0] =	vst.idx.msk $0xffff, v4  }
0x57: {  	v3 =	vld.idx.msk [tilespmem:v6+s0+$0x0], $0xffff;
	_ =	sdelay $0x4  }
0x58: {  	v3 =	vadd.f32 $1.000000020e-16, v3;
	_ =	sdelay $0x1  }
0x59: {  	v4 =	vor.u32 v2, v5;
	(erf) = vrcp.f32 v3;
	_ =	sdelay $0x4  }
0x5a: {  	v3 =	vld.idx.msk [tilespmem:v4+s31+$0x0], $0xffff;
	_ =	sdelay $0x3  }
0x5b: {  	v4 =	vpop (erf)  }
0x5c: {  	v3 =	vmul.f32 v4, v3;
	_ =	sdelay $0x1  }
0x5d: {  	s16 =	sadd.s32 s12, s16;
	s18 =	simm.s32 $0x0;
	[tilespmem:v6+s31+$0x0] =	vst.idx.msk $0xffff, v3  }
0x5e: {  	[hbm4b:s16+s18] =	stream.linear.scatter [tilespmem:s31], [sflag:$0x2], $0x2800, $0x38;
	[tilespmem:$0x1E200] =	vst v63  }
0x5f: {  	_ =	swait.ge [sflag:s17], $0x2800  }
0x60: {  	[sflag:s17] =	ssyncset.done $0x0  }
0x61: {  	s18 =	simm.s32 $0x0;
	[sflag:s17] =	ssyncadd.s32 $0xFFFFD800  }
0x62: {  	v3 =	vld [tilespmem:s18+$0x5000]  }
0x63: {  	v9 =	vld [tilespmem:s18+$0x0]  }
0x64: {  	v6 =	vld [tilespmem:s18+$0x20]  }
0x65: {  	v4 =	vld [tilespmem:s18+$0x10]  }
0x66: {  	v5 =	vld [tilespmem:s18+$0x30]  }
0x67: {  	v7 =	vld [tilespmem:s18+$0x40];
	v12 =	vbroadcast v3, $0x0;
	v10 =	vbroadcast v3, $0x1  }
0x68: {  	v8 =	vld [tilespmem:s18+$0x50];
	v13 =	vbroadcast v3, $0x2;
	v11 =	vbroadcast v3, $0x4  }
0x69: {  	s16 =	simm.s32 $0x200;
	v14 =	vmul.f32 v12, v9;
	v12 =	vbroadcast v3, $0x3;
	v9 =	vld [tilespmem:s18+$0x60]  }
.LBB2_5:
0x6a: {  	s20 =	sshra.s32 s16, $0x2;
	p0 =	sne.s32 s16, $0x9E00;
	s16 =	sadd.s32 $0x200, s16;
	v6 =	vmul.f32 v6, v13;
	v13 =	vbroadcast v3, $0x5;
	v15 =	vld [tilespmem:s18+$0x70]  }
0x6b: {  	v4 =	vmul.f32 v4, v10;
	v16 =	vld [tilespmem:s20+$0x5000];
	[tilespmem:s18+$0x0] =	vst v14;
	v5 =	vmul.f32 v5, v12  }
0x6c: {  	v10 =	vbroadcast v3, $0x6;
	v12 =	vld [tilespmem:s20+$0x0];
	[tilespmem:s18+$0x20] =	vst v6;
	v7 =	vmul.f32 v7, v11  }
0x6d: {  	v11 =	vbroadcast v3, $0x7;
	v6 =	vld [tilespmem:s20+$0x20];
	[tilespmem:s18+$0x10] =	vst v4;
	v8 =	vmul.f32 v8, v13  }
.Ltmp1:
0x6e: {  	v4 =	vld [tilespmem:s20+$0x10];
	[tilespmem:s18+$0x30] =	vst v5;
	v9 =	vmul.f32 v9, v10;
	(pc) =	sbr.rel @p0 .LBB2_5-.Ltmp1, $4  }
0x6f: {  	v5 =	vld [tilespmem:s20+$0x30];
	[tilespmem:s18+$0x40] =	vst v7;
	v15 =	vmul.f32 v15, v11  }
0x70: {  	v14 =	vbroadcast v16, $0x0;
	v10 =	vbroadcast v16, $0x1;
	v7 =	vld [tilespmem:s20+$0x40];
	[tilespmem:s18+$0x50] =	vst v8;
	v3 =	vmov v16  }
0x71: {  	v13 =	vbroadcast v3, $0x2;
	v11 =	vbroadcast v3, $0x4;
	v8 =	vld [tilespmem:s20+$0x50];
	[tilespmem:s18+$0x60] =	vst v9  }
0x72: {  	v14 =	vmul.f32 v14, v12;
	v12 =	vbroadcast v3, $0x3;
	v9 =	vld [tilespmem:s20+$0x60];
	[tilespmem:s18+$0x70] =	vst v15;
	s18 =	smov.u32 s20  }
0x73: {  	v6 =	vmul.f32 v6, v13  }
0x74: {  	v58 =	vld [tilespmem:s18+$0x70];
	v4 =	vmul.f32 v4, v10;
	[tilespmem:s18+$0x0] =	vst v14  }
0x75: {  	v59 =	vbroadcast v3, $0x5;
	v5 =	vmul.f32 v5, v12;
	[tilespmem:s18+$0x20] =	vst v6  }
0x76: {  	v61 =	vbroadcast v3, $0x6;
	v60 =	vmul.f32 v7, v11;
	[tilespmem:s18+$0x10] =	vst v4  }
0x77: {  	v3 =	vbroadcast v3, $0x7;
	v62 =	vmul.f32 v8, v59;
	[tilespmem:s18+$0x30] =	vst v5  }
0x78: {  	v63 =	vmul.f32 v9, v61;
	[tilespmem:s18+$0x40] =	vst v60  }
0x79: {  	v3 =	vmul.f32 v58, v3;
	[tilespmem:s18+$0x50] =	vst v62  }
0x7a: {  	[tilespmem:s18+$0x60] =	vst v63  }
0x7b: {  	s15 =	sadd.s32 $0x1, s15;
	[tilespmem:s18+$0x70] =	vst v3  }
0x7c: {  	[spmem:s2] =	stream.indirect.scatter.add.f32 [tilespmem:s4], [sflag:$0x5], $0x80, s29, s30, $0xb8;
	[tilespmem:$0x1E200] =	vst v63  }
0x7d: {  	p0 =	sne.s32 s15, $0x7D;
	_ =	swait.ge [sflag:s26], $0x2800  }
.Ltmp2:
0x7e: {  	[sflag:s26] =	ssyncset.done $0x0;
	(pc) =	sbr.rel @p0 .LBB2_2-.Ltmp2, $4  }
0x7f: {  	[sflag:s26] =	ssyncadd.s32 $0xFFFFD800  }
0x80: {  	_ =	swait.ge [sflag:s3], $0x2800  }
0x81: {  	[sflag:s3] =	ssyncset.done $0x0  }
0x82: {  	[sflag:s3] =	ssyncadd.s32 $0xFFFFD800  }
0x83: {  	[bflag:$0x0] =	sbarrier.arrive $0xFFFF  }
0x84: {  	s15 =	rddreg [dreg:$0x7]  }
0x85: {  	s1 =	rddreg [dreg:$0x8]  }
0x86: {  	s16 =	rddreg [dreg:$0x11]  }
0x87: {  	[hbm:s1], [sflag:s15] =	dma.local [spmem:s16], $0x2800  }
0x88: {  	_ =	swait.ge [sflag:s26], $0x2800  }
0x89: {  	[sflag:s26] =	ssyncset.done $0x0  }
0x8a: {  	[sflag:s26] =	ssyncadd.s32 $0xFFFFD800  }
0x8b: {  	[bflag:$0x0] =	sbarrier.arrive $0xFFFF  }
0x8c: {  	s22 =	rddreg [dreg:$0x6]  }
0x8d: {  	[spmem:s16], [sflag:s15] =	dma.local [hbm:s22], $0x2800  }
0x8e: {  	_ =	swait.ge [sflag:s26], $0x2800  }
0x8f: {  	[sflag:s26] =	ssyncset.done $0x0  }
0x90: {  	[sflag:s26] =	ssyncadd.s32 $0xFFFFD800  }
0x91: {  	[bflag:$0x0] =	sbarrier.arrive $0xFFFF  }
0x92: {  	s22 =	simm.s32 $0x0;
	s18 =	rddreg [dreg:$0x9]  }
0x93: {  	[tilespmem:s28], [sflag:$0x5] =	stream.linear.gather [hbm4b:s18+s22], $0x50, $0x38;
	[tilespmem:$0x1E200] =	vst v63  }
0x94: {  	_ =	swait.ge [sflag:s26], $0x50  }
0x95: {  	[sflag:s26] =	ssyncset.done $0x0  }
0x96: {  	s20 =	rddreg [dreg:$0xc];
	[sflag:s26] =	ssyncadd.s32 $0xFFFFFFB0  }
0x97: {  	[tilespmem:s29], [sflag:$0x5] =	stream.linear.gather [hbm4b:s20+s22], $0x50, $0x38;
	[tilespmem:$0x1E200] =	vst v63  }
0x98: {  	_ =	swait.ge [sflag:s26], $0x50  }
0x99: {  	[sflag:s26] =	ssyncset.done $0x0  }
0x9a: {  	s15 =	simm.s32 $0x0;
	[sflag:s26] =	ssyncadd.s32 $0xFFFFFFB0  }
0x9b: {  	[tilespmem:s22], [sflag:$0x1] =	stream.indirect.gather [hbm4b:s5+s30], $0x80, s28, s30, $0xb8;
	[tilespmem:$0x1E200] =	vst v63  }
.LBB2_8:
0x9c: {  	s18 =	smul.u32 $0xA0, s15;
	_ =	sdelay $0x1  }
0x9d: {  	s16 =	sadd.s32 s13, s18  }
0x9e: {  	s20 =	sshll.u32 s16, $0x4  }
0x9f: {  	s20 =	sadd.s32 s12, s20  }
0xa0: {  	[tilespmem:s31], [sflag:$0x2] =	stream.linear.gather [hbm4b:s20+s22], $0x2800, $0x38;
	[tilespmem:$0x1E200] =	vst v63  }
0xa1: {  	s16 =	sshrl.u32 s16, $0x3;
	_ =	swait.ge [sflag:s17], $0x2800  }
0xa2: {  	s16 =	sadd.s32 $0xA, s16;
	[sflag:s17] =	ssyncset.done $0x0  }
0xa3: {  	s1 =	sadd.s32 s8, s16;
	[sflag:s17] =	ssyncadd.s32 $0xFFFFD800  }
0xa4: {  	[tilespmem:s21], [sflag:$0x5] =	stream.linear.gather [hbm4b:s1+s22], $0x50, $0x38;
	[tilespmem:$0x1E200] =	vst v63  }
0xa5: {  	_ =	swait.ge [sflag:s26], $0x50  }
0xa6: {  	[sflag:s26] =	ssyncset.done $0x0  }
0xa7: {  	s16 =	sadd.s32 s9, s16;
	[sflag:s26] =	ssyncadd.s32 $0xFFFFFFB0  }
0xa8: {  	[tilespmem:s23], [sflag:$0x5] =	stream.linear.gather [hbm4b:s16+s22], $0x50, $0x38;
	[tilespmem:$0x1E200] =	vst v63  }
0xa9: {  	_ =	swait.ge [sflag:s26], $0x50  }
0xaa: {  	[sflag:s26] =	ssyncset.done $0x0  }
0xab: {  	[sflag:s26] =	ssyncadd.s32 $0xFFFFFFB0  }
0xac: {  	[tilespmem:s24], [sflag:$0x4] =	stream.indirect.gather [hbm4b:s5+s30], $0x80, s21, s30, $0xb8;
	[tilespmem:$0x1E200] =	vst v63  }
0xad: {  	_ =	swait.ge [sflag:s3], $0x2800  }
0xae: {  	[sflag:s3] =	ssyncset.done $0x0  }
0xaf: {  	s16 =	simm.s32 $0x0;
	[sflag:s3] =	ssyncadd.s32 $0xFFFFD800  }
0xb0: {  	v3 =	vld [tilespmem:s16+$0x5000]  }
0xb1: {  	v9 =	vld [tilespmem:s16+$0x0]  }
0xb2: {  	v6 =	vld [tilespmem:s16+$0x20]  }
0xb3: {  	v4 =	vld [tilespmem:s16+$0x10]  }
0xb4: {  	v5 =	vld [tilespmem:s16+$0x30]  }
0xb5: {  	v7 =	vld [tilespmem:s16+$0x40];
	v12 =	vbroadcast v3, $0x0;
	v10 =	vbroadcast v3, $0x1  }
0xb6: {  	v8 =	vld [tilespmem:s16+$0x50];
	v13 =	vbroadcast v3, $0x2;
	v11 =	vbroadcast v3, $0x4  }
0xb7: {  	s20 =	simm.s32 $0x200;
	v14 =	vmul.f32 v12, v9;
	v12 =	vbroadcast v3, $0x3;
	v9 =	vld [tilespmem:s16+$0x60]  }
.LBB2_9:
0xb8: {  	s1 =	sshra.s32 s20, $0x2;
	p0 =	sne.s32 s20, $0x9E00;
	s20 =	sadd.s32 $0x200, s20;
	v6 =	vmul.f32 v6, v13;
	v13 =	vbroadcast v3, $0x5;
	v15 =	vld [tilespmem:s16+$0x70]  }
0xb9: {  	v4 =	vmul.f32 v4, v10;
	v16 =	vld [tilespmem:s1+$0x5000];
	[tilespmem:s16+$0x0] =	vst v14;
	v5 =	vmul.f32 v5, v12  }
0xba: {  	v10 =	vbroadcast v3, $0x6;
	v12 =	vld [tilespmem:s1+$0x0];
	[tilespmem:s16+$0x20] =	vst v6;
	v7 =	vmul.f32 v7, v11  }
0xbb: {  	v11 =	vbroadcast v3, $0x7;
	v6 =	vld [tilespmem:s1+$0x20];
	[tilespmem:s16+$0x10] =	vst v4;
	v8 =	vmul.f32 v8, v13  }
.Ltmp3:
0xbc: {  	v4 =	vld [tilespmem:s1+$0x10];
	[tilespmem:s16+$0x30] =	vst v5;
	v9 =	vmul.f32 v9, v10;
	(pc) =	sbr.rel @p0 .LBB2_9-.Ltmp3, $4  }
0xbd: {  	v5 =	vld [tilespmem:s1+$0x30];
	[tilespmem:s16+$0x40] =	vst v7;
	v15 =	vmul.f32 v15, v11  }
0xbe: {  	v14 =	vbroadcast v16, $0x0;
	v10 =	vbroadcast v16, $0x1;
	v7 =	vld [tilespmem:s1+$0x40];
	[tilespmem:s16+$0x50] =	vst v8;
	v3 =	vmov v16  }
0xbf: {  	v13 =	vbroadcast v3, $0x2;
	v11 =	vbroadcast v3, $0x4;
	v8 =	vld [tilespmem:s1+$0x50];
	[tilespmem:s16+$0x60] =	vst v9  }
0xc0: {  	v14 =	vmul.f32 v14, v12;
	v12 =	vbroadcast v3, $0x3;
	v9 =	vld [tilespmem:s1+$0x60];
	[tilespmem:s16+$0x70] =	vst v15;
	s16 =	smov.u32 s1  }
0xc1: {  	v6 =	vmul.f32 v6, v13  }
0xc2: {  	v13 =	vld [tilespmem:s16+$0x70];
	v4 =	vmul.f32 v4, v10;
	[tilespmem:s16+$0x0] =	vst v14  }
0xc3: {  	v10 =	vbroadcast v3, $0x5;
	v5 =	vmul.f32 v5, v12;
	[tilespmem:s16+$0x20] =	vst v6  }
0xc4: {  	v6 =	vmul.f32 v7, v11;
	v7 =	vbroadcast v3, $0x6;
	[tilespmem:s16+$0x10] =	vst v4  }
0xc5: {  	v3 =	vbroadcast v3, $0x7;
	v4 =	vmul.f32 v8, v10;
	[tilespmem:s16+$0x30] =	vst v5  }
0xc6: {  	v5 =	vmul.f32 v9, v7;
	[tilespmem:s16+$0x40] =	vst v6  }
0xc7: {  	v3 =	vmul.f32 v13, v3;
	[tilespmem:s16+$0x50] =	vst v4  }
0xc8: {  	[tilespmem:s16+$0x60] =	vst v5  }
0xc9: {  	s1 =	simm.s32 $0x0;
	[tilespmem:s16+$0x70] =	vst v3  }
0xca: {  	[spmem:s2] =	stream.indirect.scatter.add.f32 [tilespmem:s1], [sflag:$0x5], $0x80, s29, s30, $0xb8;
	[tilespmem:$0x1E200] =	vst v63  }
0xcb: {  	s20 =	sadd.s32 s18, s19;
	_ =	swait.ge [sflag:s26], $0x2800  }
0xcc: {  	s18 =	sshll.u32 s20, $0x4;
	[sflag:s26] =	ssyncset.done $0x0  }
0xcd: {  	s18 =	sadd.s32 s12, s18;
	[sflag:s26] =	ssyncadd.s32 $0xFFFFD800  }
0xce: {  	[tilespmem:s31], [sflag:$0x2] =	stream.linear.gather [hbm4b:s18+s1], $0x2800, $0x38;
	[tilespmem:$0x1E200] =	vst v63  }
0xcf: {  	s16 =	sshrl.u32 s20, $0x3;
	_ =	swait.ge [sflag:s25], $0x2800  }
0xd0: {  	s16 =	sadd.s32 $0xA, s16;
	[sflag:s25] =	ssyncset.done $0x0  }
0xd1: {  	s20 =	sadd.s32 s8, s16;
	[sflag:s25] =	ssyncadd.s32 $0xFFFFD800  }
0xd2: {  	[tilespmem:s28], [sflag:$0x5] =	stream.linear.gather [hbm4b:s20+s1], $0x50, $0x38;
	[tilespmem:$0x1E200] =	vst v63  }
0xd3: {  	_ =	swait.ge [sflag:s26], $0x50  }
0xd4: {  	[sflag:s26] =	ssyncset.done $0x0  }
0xd5: {  	s16 =	sadd.s32 s9, s16;
	[sflag:s26] =	ssyncadd.s32 $0xFFFFFFB0  }
0xd6: {  	[tilespmem:s29], [sflag:$0x5] =	stream.linear.gather [hbm4b:s16+s1], $0x50, $0x38;
	[tilespmem:$0x1E200] =	vst v63  }
0xd7: {  	_ =	swait.ge [sflag:s26], $0x50  }
0xd8: {  	[sflag:s26] =	ssyncset.done $0x0  }
0xd9: {  	[sflag:s26] =	ssyncadd.s32 $0xFFFFFFB0  }
0xda: {  	[tilespmem:s1], [sflag:$0x1] =	stream.indirect.gather [hbm4b:s5+s30], $0x80, s28, s30, $0xb8;
	[tilespmem:$0x1E200] =	vst v63  }
0xdb: {  	_ =	swait.ge [sflag:s3], $0x2800  }
0xdc: {  	[sflag:s3] =	ssyncset.done $0x0  }
0xdd: {  	s16 =	simm.s32 $0x0;
	[sflag:s3] =	ssyncadd.s32 $0xFFFFD800  }
0xde: {  	v3 =	vld [tilespmem:s16+$0x5000]  }
0xdf: {  	v9 =	vld [tilespmem:s16+$0x2800]  }
0xe0: {  	v6 =	vld [tilespmem:s16+$0x2820]  }
0xe1: {  	v4 =	vld [tilespmem:s16+$0x2810]  }
0xe2: {  	v5 =	vld [tilespmem:s16+$0x2830]  }
0xe3: {  	v7 =	vld [tilespmem:s16+$0x2840];
	v12 =	vbroadcast v3, $0x0;
	v10 =	vbroadcast v3, $0x1  }
0xe4: {  	v8 =	vld [tilespmem:s16+$0x2850];
	v13 =	vbroadcast v3, $0x2;
	v11 =	vbroadcast v3, $0x4  }
0xe5: {  	s18 =	simm.s32 $0x200;
	v14 =	vmul.f32 v12, v9;
	v12 =	vbroadcast v3, $0x3;
	v9 =	vld [tilespmem:s16+$0x2860]  }
.LBB2_11:
0xe6: {  	s1 =	sshra.s32 s18, $0x2;
	p0 =	sne.s32 s18, $0x9E00;
	s18 =	sadd.s32 $0x200, s18;
	v6 =	vmul.f32 v6, v13;
	v13 =	vbroadcast v3, $0x5;
	v15 =	vld [tilespmem:s16+$0x2870]  }
0xe7: {  	v4 =	vmul.f32 v4, v10;
	v16 =	vld [tilespmem:s1+$0x5000];
	[tilespmem:s16+$0x2800] =	vst v14;
	v5 =	vmul.f32 v5, v12  }
0xe8: {  	v10 =	vbroadcast v3, $0x6;
	v12 =	vld [tilespmem:s1+$0x2800];
	[tilespmem:s16+$0x2820] =	vst v6;
	v7 =	vmul.f32 v7, v11  }
0xe9: {  	v11 =	vbroadcast v3, $0x7;
	v6 =	vld [tilespmem:s1+$0x2820];
	[tilespmem:s16+$0x2810] =	vst v4;
	v8 =	vmul.f32 v8, v13  }
.Ltmp4:
0xea: {  	v4 =	vld [tilespmem:s1+$0x2810];
	[tilespmem:s16+$0x2830] =	vst v5;
	v9 =	vmul.f32 v9, v10;
	(pc) =	sbr.rel @p0 .LBB2_11-.Ltmp4, $4  }
0xeb: {  	v5 =	vld [tilespmem:s1+$0x2830];
	[tilespmem:s16+$0x2840] =	vst v7;
	v15 =	vmul.f32 v15, v11  }
0xec: {  	v14 =	vbroadcast v16, $0x0;
	v10 =	vbroadcast v16, $0x1;
	v7 =	vld [tilespmem:s1+$0x2840];
	[tilespmem:s16+$0x2850] =	vst v8;
	v3 =	vmov v16  }
0xed: {  	v13 =	vbroadcast v3, $0x2;
	v11 =	vbroadcast v3, $0x4;
	v8 =	vld [tilespmem:s1+$0x2850];
	[tilespmem:s16+$0x2860] =	vst v9  }
0xee: {  	v14 =	vmul.f32 v14, v12;
	v12 =	vbroadcast v3, $0x3;
	v9 =	vld [tilespmem:s1+$0x2860];
	[tilespmem:s16+$0x2870] =	vst v15;
	s16 =	smov.u32 s1  }
0xef: {  	v6 =	vmul.f32 v6, v13  }
0xf0: {  	v58 =	vld [tilespmem:s16+$0x2870];
	v4 =	vmul.f32 v4, v10;
	[tilespmem:s16+$0x2800] =	vst v14  }
0xf1: {  	v59 =	vbroadcast v3, $0x5;
	v5 =	vmul.f32 v5, v12;
	[tilespmem:s16+$0x2820] =	vst v6  }
0xf2: {  	v61 =	vbroadcast v3, $0x6;
	v60 =	vmul.f32 v7, v11;
	[tilespmem:s16+$0x2810] =	vst v4  }
0xf3: {  	v3 =	vbroadcast v3, $0x7;
	v62 =	vmul.f32 v8, v59;
	[tilespmem:s16+$0x2830] =	vst v5  }
0xf4: {  	v63 =	vmul.f32 v9, v61;
	[tilespmem:s16+$0x2840] =	vst v60  }
0xf5: {  	s15 =	sadd.s32 $0x1, s15;
	v3 =	vmul.f32 v58, v3;
	[tilespmem:s16+$0x2850] =	vst v62  }
0xf6: {  	p0 =	sne.s32 s15, $0x3E;
	[tilespmem:s16+$0x2860] =	vst v63  }
.Ltmp5:
0xf7: {  	[tilespmem:s16+$0x2870] =	vst v3;
	(pc) =	sbr.rel @p0 .LBB2_8-.Ltmp5, $4  }
0xf8: {  	[spmem:s2] =	stream.indirect.scatter.add.f32 [tilespmem:s24], [sflag:$0x5], $0x80, s23, s30, $0xb8;
	[tilespmem:$0x1E200] =	vst v63  }
0xf9: {  	_ =	swait.ge [sflag:s26], $0x2800  }
0xfa: {  	[sflag:s26] =	ssyncset.done $0x0  }
0xfb: {  	[sflag:s26] =	ssyncadd.s32 $0xFFFFD800  }
0xfc: {  	_ =	swait.ge [sflag:s17], $0x2800  }
0xfd: {  	[sflag:s17] =	ssyncset.done $0x0  }
0xfe: {  	s1 =	simm.s32 $0x0;
	s15 =	rddreg [dreg:$0xa];
	[sflag:s17] =	ssyncadd.s32 $0xFFFFD800  }
0xff: {  	[tilespmem:s31], [sflag:$0x5] =	stream.linear.gather [hbm4b:s15+s1], $0x2800, $0x38;
	[tilespmem:$0x1E200] =	vst v63  }
0x100: {  	_ =	swait.ge [sflag:s26], $0x2800  }
0x101: {  	[sflag:s26] =	ssyncset.done $0x0  }
0x102: {  	s15 =	simm.s32 $0x0;
	[sflag:s26] =	ssyncadd.s32 $0xFFFFD800  }
0x103: {  	v3 =	vld [tilespmem:s15+$0x5000]  }
0x104: {  	v9 =	vld [tilespmem:s15+$0x0]  }
0x105: {  	v6 =	vld [tilespmem:s15+$0x20]  }
0x106: {  	v4 =	vld [tilespmem:s15+$0x10]  }
0x107: {  	v5 =	vld [tilespmem:s15+$0x30]  }
0x108: {  	v7 =	vld [tilespmem:s15+$0x40];
	v12 =	vbroadcast v3, $0x0;
	v10 =	vbroadcast v3, $0x1  }
0x109: {  	v8 =	vld [tilespmem:s15+$0x50];
	v13 =	vbroadcast v3, $0x2;
	v11 =	vbroadcast v3, $0x4  }
0x10a: {  	s16 =	simm.s32 $0x200;
	v14 =	vmul.f32 v12, v9;
	v12 =	vbroadcast v3, $0x3;
	v9 =	vld [tilespmem:s15+$0x60]  }
.LBB2_14:
0x10b: {  	s1 =	sshra.s32 s16, $0x2;
	p0 =	sne.s32 s16, $0x9E00;
	s16 =	sadd.s32 $0x200, s16;
	v6 =	vmul.f32 v6, v13;
	v13 =	vbroadcast v3, $0x5;
	v15 =	vld [tilespmem:s15+$0x70]  }
0x10c: {  	v4 =	vmul.f32 v4, v10;
	v16 =	vld [tilespmem:s1+$0x5000];
	[tilespmem:s15+$0x0] =	vst v14;
	v5 =	vmul.f32 v5, v12  }
0x10d: {  	v10 =	vbroadcast v3, $0x6;
	v12 =	vld [tilespmem:s1+$0x0];
	[tilespmem:s15+$0x20] =	vst v6;
	v7 =	vmul.f32 v7, v11  }
0x10e: {  	v11 =	vbroadcast v3, $0x7;
	v6 =	vld [tilespmem:s1+$0x20];
	[tilespmem:s15+$0x10] =	vst v4;
	v8 =	vmul.f32 v8, v13  }
.Ltmp6:
0x10f: {  	v4 =	vld [tilespmem:s1+$0x10];
	[tilespmem:s15+$0x30] =	vst v5;
	v9 =	vmul.f32 v9, v10;
	(pc) =	sbr.rel @p0 .LBB2_14-.Ltmp6, $4  }
0x110: {  	v5 =	vld [tilespmem:s1+$0x30];
	[tilespmem:s15+$0x40] =	vst v7;
	v15 =	vmul.f32 v15, v11  }
0x111: {  	v14 =	vbroadcast v16, $0x0;
	v10 =	vbroadcast v16, $0x1;
	v7 =	vld [tilespmem:s1+$0x40];
	[tilespmem:s15+$0x50] =	vst v8;
	v3 =	vmov v16  }
0x112: {  	v13 =	vbroadcast v3, $0x2;
	v11 =	vbroadcast v3, $0x4;
	v8 =	vld [tilespmem:s1+$0x50];
	[tilespmem:s15+$0x60] =	vst v9  }
0x113: {  	v14 =	vmul.f32 v14, v12;
	v12 =	vbroadcast v3, $0x3;
	v9 =	vld [tilespmem:s1+$0x60];
	[tilespmem:s15+$0x70] =	vst v15;
	s15 =	smov.u32 s1  }
0x114: {  	v6 =	vmul.f32 v6, v13  }
0x115: {  	v58 =	vld [tilespmem:s15+$0x70];
	v4 =	vmul.f32 v4, v10;
	[tilespmem:s15+$0x0] =	vst v14  }
0x116: {  	v59 =	vbroadcast v3, $0x5;
	v5 =	vmul.f32 v5, v12;
	[tilespmem:s15+$0x20] =	vst v6  }
0x117: {  	v61 =	vbroadcast v3, $0x6;
	v60 =	vmul.f32 v7, v11;
	[tilespmem:s15+$0x10] =	vst v4  }
0x118: {  	v3 =	vbroadcast v3, $0x7;
	v62 =	vmul.f32 v8, v59;
	[tilespmem:s15+$0x30] =	vst v5  }
0x119: {  	v63 =	vmul.f32 v9, v61;
	[tilespmem:s15+$0x40] =	vst v60  }
0x11a: {  	v3 =	vmul.f32 v58, v3;
	[tilespmem:s15+$0x50] =	vst v62  }
0x11b: {  	[tilespmem:s15+$0x60] =	vst v63  }
0x11c: {  	s22 =	simm.s32 $0x0;
	[tilespmem:s15+$0x70] =	vst v3  }
0x11d: {  	[spmem:s2] =	stream.indirect.scatter.add.f32 [tilespmem:s22], [sflag:$0x5], $0x80, s29, s30, $0xb8;
	[tilespmem:$0x1E200] =	vst v63  }
0x11e: {  	_ =	swait.ge [sflag:s26], $0x2800  }
0x11f: {  	[sflag:s26] =	ssyncset.done $0x0  }
0x120: {  	[sflag:s26] =	ssyncadd.s32 $0xFFFFD800  }
0x121: {  	[bflag:$0x0] =	sbarrier.arrive $0xFFFF  }
0x122: {  	s18 =	rddreg [dreg:$0x7]  }
0x123: {  	s1 =	rddreg [dreg:$0xb]  }
0x124: {  	s16 =	rddreg [dreg:$0x11]  }
0x125: {  	[hbm:s1], [sflag:s18] =	dma.local [spmem:s16], $0x2800  }
0x126: {  	_ =	swait.ge [sflag:s26], $0x2800  }
0x127: {  	[sflag:s26] =	ssyncset.done $0x0  }
0x128: {  	[sflag:s26] =	ssyncadd.s32 $0xFFFFD800  }
0x129: {  	[bflag:$0x0] =	sbarrier.arrive $0xFFFF  }
0x12a: {  	s20 =	rddreg [dreg:$0x6]  }
0x12b: {  	[spmem:s16], [sflag:s18] =	dma.local [hbm:s20], $0x2800  }
0x12c: {  	_ =	swait.ge [sflag:s26], $0x2800  }
0x12d: {  	[sflag:s26] =	ssyncset.done $0x0  }
0x12e: {  	[sflag:s26] =	ssyncadd.s32 $0xFFFFD800  }
0x12f: {  	[bflag:$0x0] =	sbarrier.arrive $0xFFFF  }
0x130: {  	s18 =	rddreg [dreg:$0x9]  }
0x131: {  	[tilespmem:s28], [sflag:$0x5] =	stream.linear.gather [hbm4b:s18+s22], $0x50, $0x38;
	[tilespmem:$0x1E200] =	vst v63  }
0x132: {  	_ =	swait.ge [sflag:s26], $0x50  }
0x133: {  	[sflag:s26] =	ssyncset.done $0x0  }
0x134: {  	s20 =	rddreg [dreg:$0xc];
	[sflag:s26] =	ssyncadd.s32 $0xFFFFFFB0  }
0x135: {  	[tilespmem:s29], [sflag:$0x5] =	stream.linear.gather [hbm4b:s20+s22], $0x50, $0x38;
	[tilespmem:$0x1E200] =	vst v63  }
0x136: {  	_ =	swait.ge [sflag:s26], $0x50  }
0x137: {  	[sflag:s26] =	ssyncset.done $0x0  }
0x138: {  	s15 =	simm.s32 $0x0;
	[sflag:s26] =	ssyncadd.s32 $0xFFFFFFB0  }
0x139: {  	[tilespmem:s22], [sflag:$0x1] =	stream.indirect.gather [hbm4b:s6+s30], $0x80, s28, s30, $0xb8;
	[tilespmem:$0x1E200] =	vst v63  }
.LBB2_16:
0x13a: {  	s18 =	smul.u32 $0xA0, s15;
	_ =	sdelay $0x1  }
0x13b: {  	s1 =	sadd.s32 s13, s18  }
0x13c: {  	s16 =	sshll.u32 s1, $0x4  }
0x13d: {  	s16 =	sadd.s32 s12, s16  }
0x13e: {  	[tilespmem:s31], [sflag:$0x2] =	stream.linear.gather [hbm4b:s16+s22], $0x2800, $0x38;
	[tilespmem:$0x1E200] =	vst v63  }
0x13f: {  	s1 =	sshrl.u32 s1, $0x3;
	_ =	swait.ge [sflag:s17], $0x2800  }
0x140: {  	s1 =	sadd.s32 $0xA, s1;
	[sflag:s17] =	ssyncset.done $0x0  }
0x141: {  	s20 =	sadd.s32 s8, s1;
	[sflag:s17] =	ssyncadd.s32 $0xFFFFD800  }
0x142: {  	[tilespmem:s21], [sflag:$0x5] =	stream.linear.gather [hbm4b:s20+s22], $0x50, $0x38;
	[tilespmem:$0x1E200] =	vst v63  }
0x143: {  	_ =	swait.ge [sflag:s26], $0x50  }
0x144: {  	[sflag:s26] =	ssyncset.done $0x0  }
0x145: {  	s1 =	sadd.s32 s9, s1;
	[sflag:s26] =	ssyncadd.s32 $0xFFFFFFB0  }
0x146: {  	[tilespmem:s23], [sflag:$0x5] =	stream.linear.gather [hbm4b:s1+s22], $0x50, $0x38;
	[tilespmem:$0x1E200] =	vst v63  }
0x147: {  	_ =	swait.ge [sflag:s26], $0x50  }
0x148: {  	[sflag:s26] =	ssyncset.done $0x0  }
0x149: {  	[sflag:s26] =	ssyncadd.s32 $0xFFFFFFB0  }
0x14a: {  	[tilespmem:s24], [sflag:$0x4] =	stream.indirect.gather [hbm4b:s6+s30], $0x80, s21, s30, $0xb8;
	[tilespmem:$0x1E200] =	vst v63  }
0x14b: {  	_ =	swait.ge [sflag:s3], $0x2800  }
0x14c: {  	[sflag:s3] =	ssyncset.done $0x0  }
0x14d: {  	s16 =	simm.s32 $0x0;
	[sflag:s3] =	ssyncadd.s32 $0xFFFFD800  }
0x14e: {  	v3 =	vld [tilespmem:s16+$0x5000]  }
0x14f: {  	v9 =	vld [tilespmem:s16+$0x0]  }
0x150: {  	v6 =	vld [tilespmem:s16+$0x20]  }
0x151: {  	v4 =	vld [tilespmem:s16+$0x10]  }
0x152: {  	v5 =	vld [tilespmem:s16+$0x30]  }
0x153: {  	v7 =	vld [tilespmem:s16+$0x40];
	v12 =	vbroadcast v3, $0x0;
	v10 =	vbroadcast v3, $0x1  }
0x154: {  	v8 =	vld [tilespmem:s16+$0x50];
	v13 =	vbroadcast v3, $0x2;
	v11 =	vbroadcast v3, $0x4  }
0x155: {  	s20 =	simm.s32 $0x200;
	v14 =	vmul.f32 v12, v9;
	v12 =	vbroadcast v3, $0x3;
	v9 =	vld [tilespmem:s16+$0x60]  }
.LBB2_17:
0x156: {  	s1 =	sshra.s32 s20, $0x2;
	p0 =	sne.s32 s20, $0x9E00;
	s20 =	sadd.s32 $0x200, s20;
	v6 =	vmul.f32 v6, v13;
	v13 =	vbroadcast v3, $0x5;
	v15 =	vld [tilespmem:s16+$0x70]  }
0x157: {  	v4 =	vmul.f32 v4, v10;
	v16 =	vld [tilespmem:s1+$0x5000];
	[tilespmem:s16+$0x0] =	vst v14;
	v5 =	vmul.f32 v5, v12  }
0x158: {  	v10 =	vbroadcast v3, $0x6;
	v12 =	vld [tilespmem:s1+$0x0];
	[tilespmem:s16+$0x20] =	vst v6;
	v7 =	vmul.f32 v7, v11  }
0x159: {  	v11 =	vbroadcast v3, $0x7;
	v6 =	vld [tilespmem:s1+$0x20];
	[tilespmem:s16+$0x10] =	vst v4;
	v8 =	vmul.f32 v8, v13  }
.Ltmp7:
0x15a: {  	v4 =	vld [tilespmem:s1+$0x10];
	[tilespmem:s16+$0x30] =	vst v5;
	v9 =	vmul.f32 v9, v10;
	(pc) =	sbr.rel @p0 .LBB2_17-.Ltmp7, $4  }
0x15b: {  	v5 =	vld [tilespmem:s1+$0x30];
	[tilespmem:s16+$0x40] =	vst v7;
	v15 =	vmul.f32 v15, v11  }
0x15c: {  	v14 =	vbroadcast v16, $0x0;
	v10 =	vbroadcast v16, $0x1;
	v7 =	vld [tilespmem:s1+$0x40];
	[tilespmem:s16+$0x50] =	vst v8;
	v3 =	vmov v16  }
0x15d: {  	v13 =	vbroadcast v3, $0x2;
	v11 =	vbroadcast v3, $0x4;
	v8 =	vld [tilespmem:s1+$0x50];
	[tilespmem:s16+$0x60] =	vst v9  }
0x15e: {  	v14 =	vmul.f32 v14, v12;
	v12 =	vbroadcast v3, $0x3;
	v9 =	vld [tilespmem:s1+$0x60];
	[tilespmem:s16+$0x70] =	vst v15;
	s16 =	smov.u32 s1  }
0x15f: {  	v6 =	vmul.f32 v6, v13  }
0x160: {  	v13 =	vld [tilespmem:s16+$0x70];
	v4 =	vmul.f32 v4, v10;
	[tilespmem:s16+$0x0] =	vst v14  }
0x161: {  	v10 =	vbroadcast v3, $0x5;
	v5 =	vmul.f32 v5, v12;
	[tilespmem:s16+$0x20] =	vst v6  }
0x162: {  	v6 =	vmul.f32 v7, v11;
	v7 =	vbroadcast v3, $0x6;
	[tilespmem:s16+$0x10] =	vst v4  }
0x163: {  	v3 =	vbroadcast v3, $0x7;
	v4 =	vmul.f32 v8, v10;
	[tilespmem:s16+$0x30] =	vst v5  }
0x164: {  	v5 =	vmul.f32 v9, v7;
	[tilespmem:s16+$0x40] =	vst v6  }
0x165: {  	v3 =	vmul.f32 v13, v3;
	[tilespmem:s16+$0x50] =	vst v4  }
0x166: {  	[tilespmem:s16+$0x60] =	vst v5  }
0x167: {  	s1 =	simm.s32 $0x0;
	[tilespmem:s16+$0x70] =	vst v3  }
0x168: {  	[spmem:s2] =	stream.indirect.scatter.add.f32 [tilespmem:s1], [sflag:$0x5], $0x80, s29, s30, $0xb8;
	[tilespmem:$0x1E200] =	vst v63  }
0x169: {  	s20 =	sadd.s32 s18, s19;
	_ =	swait.ge [sflag:s26], $0x2800  }
0x16a: {  	s18 =	sshll.u32 s20, $0x4;
	[sflag:s26] =	ssyncset.done $0x0  }
0x16b: {  	s18 =	sadd.s32 s12, s18;
	[sflag:s26] =	ssyncadd.s32 $0xFFFFD800  }
0x16c: {  	[tilespmem:s31], [sflag:$0x2] =	stream.linear.gather [hbm4b:s18+s1], $0x2800, $0x38;
	[tilespmem:$0x1E200] =	vst v63  }
0x16d: {  	s16 =	sshrl.u32 s20, $0x3;
	_ =	swait.ge [sflag:s25], $0x2800  }
0x16e: {  	s16 =	sadd.s32 $0xA, s16;
	[sflag:s25] =	ssyncset.done $0x0  }
0x16f: {  	s20 =	sadd.s32 s8, s16;
	[sflag:s25] =	ssyncadd.s32 $0xFFFFD800  }
0x170: {  	[tilespmem:s28], [sflag:$0x5] =	stream.linear.gather [hbm4b:s20+s1], $0x50, $0x38;
	[tilespmem:$0x1E200] =	vst v63  }
0x171: {  	_ =	swait.ge [sflag:s26], $0x50  }
0x172: {  	[sflag:s26] =	ssyncset.done $0x0  }
0x173: {  	s16 =	sadd.s32 s9, s16;
	[sflag:s26] =	ssyncadd.s32 $0xFFFFFFB0  }
0x174: {  	[tilespmem:s29], [sflag:$0x5] =	stream.linear.gather [hbm4b:s16+s1], $0x50, $0x38;
	[tilespmem:$0x1E200] =	vst v63  }
0x175: {  	_ =	swait.ge [sflag:s26], $0x50  }
0x176: {  	[sflag:s26] =	ssyncset.done $0x0  }
0x177: {  	[sflag:s26] =	ssyncadd.s32 $0xFFFFFFB0  }
0x178: {  	[tilespmem:s1], [sflag:$0x1] =	stream.indirect.gather [hbm4b:s6+s30], $0x80, s28, s30, $0xb8;
	[tilespmem:$0x1E200] =	vst v63  }
0x179: {  	_ =	swait.ge [sflag:s3], $0x2800  }
0x17a: {  	[sflag:s3] =	ssyncset.done $0x0  }
0x17b: {  	s16 =	simm.s32 $0x0;
	[sflag:s3] =	ssyncadd.s32 $0xFFFFD800  }
0x17c: {  	v3 =	vld [tilespmem:s16+$0x5000]  }
0x17d: {  	v9 =	vld [tilespmem:s16+$0x2800]  }
0x17e: {  	v6 =	vld [tilespmem:s16+$0x2820]  }
0x17f: {  	v4 =	vld [tilespmem:s16+$0x2810]  }
0x180: {  	v5 =	vld [tilespmem:s16+$0x2830]  }
0x181: {  	v7 =	vld [tilespmem:s16+$0x2840];
	v12 =	vbroadcast v3, $0x0;
	v10 =	vbroadcast v3, $0x1  }
0x182: {  	v8 =	vld [tilespmem:s16+$0x2850];
	v13 =	vbroadcast v3, $0x2;
	v11 =	vbroadcast v3, $0x4  }
0x183: {  	s18 =	simm.s32 $0x200;
	v14 =	vmul.f32 v12, v9;
	v12 =	vbroadcast v3, $0x3;
	v9 =	vld [tilespmem:s16+$0x2860]  }
.LBB2_19:
0x184: {  	s1 =	sshra.s32 s18, $0x2;
	p0 =	sne.s32 s18, $0x9E00;
	s18 =	sadd.s32 $0x200, s18;
	v6 =	vmul.f32 v6, v13;
	v13 =	vbroadcast v3, $0x5;
	v15 =	vld [tilespmem:s16+$0x2870]  }
0x185: {  	v4 =	vmul.f32 v4, v10;
	v16 =	vld [tilespmem:s1+$0x5000];
	[tilespmem:s16+$0x2800] =	vst v14;
	v5 =	vmul.f32 v5, v12  }
0x186: {  	v10 =	vbroadcast v3, $0x6;
	v12 =	vld [tilespmem:s1+$0x2800];
	[tilespmem:s16+$0x2820] =	vst v6;
	v7 =	vmul.f32 v7, v11  }
0x187: {  	v11 =	vbroadcast v3, $0x7;
	v6 =	vld [tilespmem:s1+$0x2820];
	[tilespmem:s16+$0x2810] =	vst v4;
	v8 =	vmul.f32 v8, v13  }
.Ltmp8:
0x188: {  	v4 =	vld [tilespmem:s1+$0x2810];
	[tilespmem:s16+$0x2830] =	vst v5;
	v9 =	vmul.f32 v9, v10;
	(pc) =	sbr.rel @p0 .LBB2_19-.Ltmp8, $4  }
0x189: {  	v5 =	vld [tilespmem:s1+$0x2830];
	[tilespmem:s16+$0x2840] =	vst v7;
	v15 =	vmul.f32 v15, v11  }
0x18a: {  	v14 =	vbroadcast v16, $0x0;
	v10 =	vbroadcast v16, $0x1;
	v7 =	vld [tilespmem:s1+$0x2840];
	[tilespmem:s16+$0x2850] =	vst v8;
	v3 =	vmov v16  }
0x18b: {  	v13 =	vbroadcast v3, $0x2;
	v11 =	vbroadcast v3, $0x4;
	v8 =	vld [tilespmem:s1+$0x2850];
	[tilespmem:s16+$0x2860] =	vst v9  }
0x18c: {  	v14 =	vmul.f32 v14, v12;
	v12 =	vbroadcast v3, $0x3;
	v9 =	vld [tilespmem:s1+$0x2860];
	[tilespmem:s16+$0x2870] =	vst v15;
	s16 =	smov.u32 s1  }
0x18d: {  	v6 =	vmul.f32 v6, v13  }
0x18e: {  	v58 =	vld [tilespmem:s16+$0x2870];
	v4 =	vmul.f32 v4, v10;
	[tilespmem:s16+$0x2800] =	vst v14  }
0x18f: {  	v59 =	vbroadcast v3, $0x5;
	v5 =	vmul.f32 v5, v12;
	[tilespmem:s16+$0x2820] =	vst v6  }
0x190: {  	v61 =	vbroadcast v3, $0x6;
	v60 =	vmul.f32 v7, v11;
	[tilespmem:s16+$0x2810] =	vst v4  }
0x191: {  	v3 =	vbroadcast v3, $0x7;
	v62 =	vmul.f32 v8, v59;
	[tilespmem:s16+$0x2830] =	vst v5  }
0x192: {  	v63 =	vmul.f32 v9, v61;
	[tilespmem:s16+$0x2840] =	vst v60  }
0x193: {  	s15 =	sadd.s32 $0x1, s15;
	v3 =	vmul.f32 v58, v3;
	[tilespmem:s16+$0x2850] =	vst v62  }
0x194: {  	p0 =	sne.s32 s15, $0x3E;
	[tilespmem:s16+$0x2860] =	vst v63  }
.Ltmp9:
0x195: {  	[tilespmem:s16+$0x2870] =	vst v3;
	(pc) =	sbr.rel @p0 .LBB2_16-.Ltmp9, $4  }
0x196: {  	[spmem:s2] =	stream.indirect.scatter.add.f32 [tilespmem:s24], [sflag:$0x5], $0x80, s23, s30, $0xb8;
	[tilespmem:$0x1E200] =	vst v63  }
0x197: {  	_ =	swait.ge [sflag:s26], $0x2800  }
0x198: {  	[sflag:s26] =	ssyncset.done $0x0  }
0x199: {  	[sflag:s26] =	ssyncadd.s32 $0xFFFFD800  }
0x19a: {  	_ =	swait.ge [sflag:s17], $0x2800  }
0x19b: {  	[sflag:s17] =	ssyncset.done $0x0  }
0x19c: {  	s1 =	simm.s32 $0x0;
	s15 =	rddreg [dreg:$0xa];
	[sflag:s17] =	ssyncadd.s32 $0xFFFFD800  }
0x19d: {  	[tilespmem:s31], [sflag:$0x5] =	stream.linear.gather [hbm4b:s15+s1], $0x2800, $0x38;
	[tilespmem:$0x1E200] =	vst v63  }
0x19e: {  	_ =	swait.ge [sflag:s26], $0x2800  }
0x19f: {  	[sflag:s26] =	ssyncset.done $0x0  }
0x1a0: {  	s15 =	simm.s32 $0x0;
	[sflag:s26] =	ssyncadd.s32 $0xFFFFD800  }
0x1a1: {  	v3 =	vld [tilespmem:s15+$0x5000]  }
0x1a2: {  	v9 =	vld [tilespmem:s15+$0x0]  }
0x1a3: {  	v6 =	vld [tilespmem:s15+$0x20]  }
0x1a4: {  	v4 =	vld [tilespmem:s15+$0x10]  }
0x1a5: {  	v5 =	vld [tilespmem:s15+$0x30]  }
0x1a6: {  	v7 =	vld [tilespmem:s15+$0x40];
	v12 =	vbroadcast v3, $0x0;
	v10 =	vbroadcast v3, $0x1  }
0x1a7: {  	v8 =	vld [tilespmem:s15+$0x50];
	v13 =	vbroadcast v3, $0x2;
	v11 =	vbroadcast v3, $0x4  }
0x1a8: {  	s16 =	simm.s32 $0x200;
	v14 =	vmul.f32 v12, v9;
	v12 =	vbroadcast v3, $0x3;
	v9 =	vld [tilespmem:s15+$0x60]  }
.LBB2_22:
0x1a9: {  	s1 =	sshra.s32 s16, $0x2;
	p0 =	sne.s32 s16, $0x9E00;
	s16 =	sadd.s32 $0x200, s16;
	v6 =	vmul.f32 v6, v13;
	v13 =	vbroadcast v3, $0x5;
	v15 =	vld [tilespmem:s15+$0x70]  }
0x1aa: {  	v4 =	vmul.f32 v4, v10;
	v16 =	vld [tilespmem:s1+$0x5000];
	[tilespmem:s15+$0x0] =	vst v14;
	v5 =	vmul.f32 v5, v12  }
0x1ab: {  	v10 =	vbroadcast v3, $0x6;
	v12 =	vld [tilespmem:s1+$0x0];
	[tilespmem:s15+$0x20] =	vst v6;
	v7 =	vmul.f32 v7, v11  }
0x1ac: {  	v11 =	vbroadcast v3, $0x7;
	v6 =	vld [tilespmem:s1+$0x20];
	[tilespmem:s15+$0x10] =	vst v4;
	v8 =	vmul.f32 v8, v13  }
.Ltmp10:
0x1ad: {  	v4 =	vld [tilespmem:s1+$0x10];
	[tilespmem:s15+$0x30] =	vst v5;
	v9 =	vmul.f32 v9, v10;
	(pc) =	sbr.rel @p0 .LBB2_22-.Ltmp10, $4  }
0x1ae: {  	v5 =	vld [tilespmem:s1+$0x30];
	[tilespmem:s15+$0x40] =	vst v7;
	v15 =	vmul.f32 v15, v11  }
0x1af: {  	v14 =	vbroadcast v16, $0x0;
	v10 =	vbroadcast v16, $0x1;
	v7 =	vld [tilespmem:s1+$0x40];
	[tilespmem:s15+$0x50] =	vst v8;
	v3 =	vmov v16  }
0x1b0: {  	v13 =	vbroadcast v3, $0x2;
	v11 =	vbroadcast v3, $0x4;
	v8 =	vld [tilespmem:s1+$0x50];
	[tilespmem:s15+$0x60] =	vst v9  }
0x1b1: {  	v14 =	vmul.f32 v14, v12;
	v12 =	vbroadcast v3, $0x3;
	v9 =	vld [tilespmem:s1+$0x60];
	[tilespmem:s15+$0x70] =	vst v15;
	s15 =	smov.u32 s1  }
0x1b2: {  	v6 =	vmul.f32 v6, v13  }
0x1b3: {  	v58 =	vld [tilespmem:s15+$0x70];
	v4 =	vmul.f32 v4, v10;
	[tilespmem:s15+$0x0] =	vst v14  }
0x1b4: {  	v59 =	vbroadcast v3, $0x5;
	v5 =	vmul.f32 v5, v12;
	[tilespmem:s15+$0x20] =	vst v6  }
0x1b5: {  	v61 =	vbroadcast v3, $0x6;
	v60 =	vmul.f32 v7, v11;
	[tilespmem:s15+$0x10] =	vst v4  }
0x1b6: {  	v3 =	vbroadcast v3, $0x7;
	v62 =	vmul.f32 v8, v59;
	[tilespmem:s15+$0x30] =	vst v5  }
0x1b7: {  	v63 =	vmul.f32 v9, v61;
	[tilespmem:s15+$0x40] =	vst v60  }
0x1b8: {  	v3 =	vmul.f32 v58, v3;
	[tilespmem:s15+$0x50] =	vst v62  }
0x1b9: {  	[tilespmem:s15+$0x60] =	vst v63  }
0x1ba: {  	s22 =	simm.s32 $0x0;
	[tilespmem:s15+$0x70] =	vst v3  }
0x1bb: {  	[spmem:s2] =	stream.indirect.scatter.add.f32 [tilespmem:s22], [sflag:$0x5], $0x80, s29, s30, $0xb8;
	[tilespmem:$0x1E200] =	vst v63  }
0x1bc: {  	_ =	swait.ge [sflag:s26], $0x2800  }
0x1bd: {  	[sflag:s26] =	ssyncset.done $0x0  }
0x1be: {  	[sflag:s26] =	ssyncadd.s32 $0xFFFFD800  }
0x1bf: {  	[bflag:$0x0] =	sbarrier.arrive $0xFFFF  }
0x1c0: {  	s18 =	rddreg [dreg:$0x7]  }
0x1c1: {  	s1 =	rddreg [dreg:$0xd]  }
0x1c2: {  	s16 =	rddreg [dreg:$0x11]  }
0x1c3: {  	[hbm:s1], [sflag:s18] =	dma.local [spmem:s16], $0x2800  }
0x1c4: {  	_ =	swait.ge [sflag:s26], $0x2800  }
0x1c5: {  	[sflag:s26] =	ssyncset.done $0x0  }
0x1c6: {  	[sflag:s26] =	ssyncadd.s32 $0xFFFFD800  }
0x1c7: {  	[bflag:$0x0] =	sbarrier.arrive $0xFFFF  }
0x1c8: {  	s20 =	rddreg [dreg:$0x6]  }
0x1c9: {  	[spmem:s16], [sflag:s18] =	dma.local [hbm:s20], $0x2800  }
0x1ca: {  	_ =	swait.ge [sflag:s26], $0x2800  }
0x1cb: {  	[sflag:s26] =	ssyncset.done $0x0  }
0x1cc: {  	[sflag:s26] =	ssyncadd.s32 $0xFFFFD800  }
0x1cd: {  	[bflag:$0x0] =	sbarrier.arrive $0xFFFF  }
0x1ce: {  	s18 =	rddreg [dreg:$0x9]  }
0x1cf: {  	[tilespmem:s28], [sflag:$0x5] =	stream.linear.gather [hbm4b:s18+s22], $0x50, $0x38;
	[tilespmem:$0x1E200] =	vst v63  }
0x1d0: {  	_ =	swait.ge [sflag:s26], $0x50  }
0x1d1: {  	[sflag:s26] =	ssyncset.done $0x0  }
0x1d2: {  	s20 =	rddreg [dreg:$0xc];
	[sflag:s26] =	ssyncadd.s32 $0xFFFFFFB0  }
0x1d3: {  	[tilespmem:s29], [sflag:$0x5] =	stream.linear.gather [hbm4b:s20+s22], $0x50, $0x38;
	[tilespmem:$0x1E200] =	vst v63  }
0x1d4: {  	_ =	swait.ge [sflag:s26], $0x50  }
0x1d5: {  	[sflag:s26] =	ssyncset.done $0x0  }
0x1d6: {  	s15 =	simm.s32 $0x0;
	[sflag:s26] =	ssyncadd.s32 $0xFFFFFFB0  }
0x1d7: {  	[tilespmem:s22], [sflag:$0x1] =	stream.indirect.gather [hbm4b:s7+s30], $0x80, s28, s30, $0xb8;
	[tilespmem:$0x1E200] =	vst v63  }
.LBB2_24:
0x1d8: {  	s18 =	smul.u32 $0xA0, s15;
	_ =	sdelay $0x1  }
0x1d9: {  	s1 =	sadd.s32 s13, s18  }
0x1da: {  	s16 =	sshll.u32 s1, $0x4  }
0x1db: {  	s16 =	sadd.s32 s12, s16  }
0x1dc: {  	[tilespmem:s31], [sflag:$0x2] =	stream.linear.gather [hbm4b:s16+s22], $0x2800, $0x38;
	[tilespmem:$0x1E200] =	vst v63  }
0x1dd: {  	s1 =	sshrl.u32 s1, $0x3;
	_ =	swait.ge [sflag:s17], $0x2800  }
0x1de: {  	s1 =	sadd.s32 $0xA, s1;
	[sflag:s17] =	ssyncset.done $0x0  }
0x1df: {  	s20 =	sadd.s32 s8, s1;
	[sflag:s17] =	ssyncadd.s32 $0xFFFFD800  }
0x1e0: {  	[tilespmem:s21], [sflag:$0x5] =	stream.linear.gather [hbm4b:s20+s22], $0x50, $0x38;
	[tilespmem:$0x1E200] =	vst v63  }
0x1e1: {  	_ =	swait.ge [sflag:s26], $0x50  }
0x1e2: {  	[sflag:s26] =	ssyncset.done $0x0  }
0x1e3: {  	s1 =	sadd.s32 s9, s1;
	[sflag:s26] =	ssyncadd.s32 $0xFFFFFFB0  }
0x1e4: {  	[tilespmem:s23], [sflag:$0x5] =	stream.linear.gather [hbm4b:s1+s22], $0x50, $0x38;
	[tilespmem:$0x1E200] =	vst v63  }
0x1e5: {  	_ =	swait.ge [sflag:s26], $0x50  }
0x1e6: {  	[sflag:s26] =	ssyncset.done $0x0  }
0x1e7: {  	[sflag:s26] =	ssyncadd.s32 $0xFFFFFFB0  }
0x1e8: {  	[tilespmem:s24], [sflag:$0x4] =	stream.indirect.gather [hbm4b:s7+s30], $0x80, s21, s30, $0xb8;
	[tilespmem:$0x1E200] =	vst v63  }
0x1e9: {  	_ =	swait.ge [sflag:s3], $0x2800  }
0x1ea: {  	[sflag:s3] =	ssyncset.done $0x0  }
0x1eb: {  	s16 =	simm.s32 $0x0;
	[sflag:s3] =	ssyncadd.s32 $0xFFFFD800  }
0x1ec: {  	v3 =	vld [tilespmem:s16+$0x5000]  }
0x1ed: {  	v9 =	vld [tilespmem:s16+$0x0]  }
0x1ee: {  	v6 =	vld [tilespmem:s16+$0x20]  }
0x1ef: {  	v4 =	vld [tilespmem:s16+$0x10]  }
0x1f0: {  	v5 =	vld [tilespmem:s16+$0x30]  }
0x1f1: {  	v7 =	vld [tilespmem:s16+$0x40];
	v12 =	vbroadcast v3, $0x0;
	v10 =	vbroadcast v3, $0x1  }
0x1f2: {  	v8 =	vld [tilespmem:s16+$0x50];
	v13 =	vbroadcast v3, $0x2;
	v11 =	vbroadcast v3, $0x4  }
0x1f3: {  	s20 =	simm.s32 $0x200;
	v14 =	vmul.f32 v12, v9;
	v12 =	vbroadcast v3, $0x3;
	v9 =	vld [tilespmem:s16+$0x60]  }
.LBB2_25:
0x1f4: {  	s1 =	sshra.s32 s20, $0x2;
	p0 =	sne.s32 s20, $0x9E00;
	s20 =	sadd.s32 $0x200, s20;
	v6 =	vmul.f32 v6, v13;
	v13 =	vbroadcast v3, $0x5;
	v15 =	vld [tilespmem:s16+$0x70]  }
0x1f5: {  	v4 =	vmul.f32 v4, v10;
	v16 =	vld [tilespmem:s1+$0x5000];
	[tilespmem:s16+$0x0] =	vst v14;
	v5 =	vmul.f32 v5, v12  }
0x1f6: {  	v10 =	vbroadcast v3, $0x6;
	v12 =	vld [tilespmem:s1+$0x0];
	[tilespmem:s16+$0x20] =	vst v6;
	v7 =	vmul.f32 v7, v11  }
0x1f7: {  	v11 =	vbroadcast v3, $0x7;
	v6 =	vld [tilespmem:s1+$0x20];
	[tilespmem:s16+$0x10] =	vst v4;
	v8 =	vmul.f32 v8, v13  }
.Ltmp11:
0x1f8: {  	v4 =	vld [tilespmem:s1+$0x10];
	[tilespmem:s16+$0x30] =	vst v5;
	v9 =	vmul.f32 v9, v10;
	(pc) =	sbr.rel @p0 .LBB2_25-.Ltmp11, $4  }
0x1f9: {  	v5 =	vld [tilespmem:s1+$0x30];
	[tilespmem:s16+$0x40] =	vst v7;
	v15 =	vmul.f32 v15, v11  }
0x1fa: {  	v14 =	vbroadcast v16, $0x0;
	v10 =	vbroadcast v16, $0x1;
	v7 =	vld [tilespmem:s1+$0x40];
	[tilespmem:s16+$0x50] =	vst v8;
	v3 =	vmov v16  }
0x1fb: {  	v13 =	vbroadcast v3, $0x2;
	v11 =	vbroadcast v3, $0x4;
	v8 =	vld [tilespmem:s1+$0x50];
	[tilespmem:s16+$0x60] =	vst v9  }
0x1fc: {  	v14 =	vmul.f32 v14, v12;
	v12 =	vbroadcast v3, $0x3;
	v9 =	vld [tilespmem:s1+$0x60];
	[tilespmem:s16+$0x70] =	vst v15;
	s16 =	smov.u32 s1  }
0x1fd: {  	v6 =	vmul.f32 v6, v13  }
0x1fe: {  	v13 =	vld [tilespmem:s16+$0x70];
	v4 =	vmul.f32 v4, v10;
	[tilespmem:s16+$0x0] =	vst v14  }
0x1ff: {  	v10 =	vbroadcast v3, $0x5;
	v5 =	vmul.f32 v5, v12;
	[tilespmem:s16+$0x20] =	vst v6  }
0x200: {  	v6 =	vmul.f32 v7, v11;
	v7 =	vbroadcast v3, $0x6;
	[tilespmem:s16+$0x10] =	vst v4  }
0x201: {  	v3 =	vbroadcast v3, $0x7;
	v4 =	vmul.f32 v8, v10;
	[tilespmem:s16+$0x30] =	vst v5  }
0x202: {  	v5 =	vmul.f32 v9, v7;
	[tilespmem:s16+$0x40] =	vst v6  }
0x203: {  	v3 =	vmul.f32 v13, v3;
	[tilespmem:s16+$0x50] =	vst v4  }
0x204: {  	[tilespmem:s16+$0x60] =	vst v5  }
0x205: {  	s1 =	simm.s32 $0x0;
	[tilespmem:s16+$0x70] =	vst v3  }
0x206: {  	[spmem:s2] =	stream.indirect.scatter.add.f32 [tilespmem:s1], [sflag:$0x5], $0x80, s29, s30, $0xb8;
	[tilespmem:$0x1E200] =	vst v63  }
0x207: {  	s20 =	sadd.s32 s18, s19;
	_ =	swait.ge [sflag:s26], $0x2800  }
0x208: {  	s18 =	sshll.u32 s20, $0x4;
	[sflag:s26] =	ssyncset.done $0x0  }
0x209: {  	s18 =	sadd.s32 s12, s18;
	[sflag:s26] =	ssyncadd.s32 $0xFFFFD800  }
0x20a: {  	[tilespmem:s31], [sflag:$0x2] =	stream.linear.gather [hbm4b:s18+s1], $0x2800, $0x38;
	[tilespmem:$0x1E200] =	vst v63  }
0x20b: {  	s16 =	sshrl.u32 s20, $0x3;
	_ =	swait.ge [sflag:s25], $0x2800  }
0x20c: {  	s16 =	sadd.s32 $0xA, s16;
	[sflag:s25] =	ssyncset.done $0x0  }
0x20d: {  	s20 =	sadd.s32 s8, s16;
	[sflag:s25] =	ssyncadd.s32 $0xFFFFD800  }
0x20e: {  	[tilespmem:s28], [sflag:$0x5] =	stream.linear.gather [hbm4b:s20+s1], $0x50, $0x38;
	[tilespmem:$0x1E200] =	vst v63  }
0x20f: {  	_ =	swait.ge [sflag:s26], $0x50  }
0x210: {  	[sflag:s26] =	ssyncset.done $0x0  }
0x211: {  	s16 =	sadd.s32 s9, s16;
	[sflag:s26] =	ssyncadd.s32 $0xFFFFFFB0  }
0x212: {  	[tilespmem:s29], [sflag:$0x5] =	stream.linear.gather [hbm4b:s16+s1], $0x50, $0x38;
	[tilespmem:$0x1E200] =	vst v63  }
0x213: {  	_ =	swait.ge [sflag:s26], $0x50  }
0x214: {  	[sflag:s26] =	ssyncset.done $0x0  }
0x215: {  	[sflag:s26] =	ssyncadd.s32 $0xFFFFFFB0  }
0x216: {  	[tilespmem:s1], [sflag:$0x1] =	stream.indirect.gather [hbm4b:s7+s30], $0x80, s28, s30, $0xb8;
	[tilespmem:$0x1E200] =	vst v63  }
0x217: {  	_ =	swait.ge [sflag:s3], $0x2800  }
0x218: {  	[sflag:s3] =	ssyncset.done $0x0  }
0x219: {  	s16 =	simm.s32 $0x0;
	[sflag:s3] =	ssyncadd.s32 $0xFFFFD800  }
0x21a: {  	v3 =	vld [tilespmem:s16+$0x5000]  }
0x21b: {  	v9 =	vld [tilespmem:s16+$0x2800]  }
0x21c: {  	v6 =	vld [tilespmem:s16+$0x2820]  }
0x21d: {  	v4 =	vld [tilespmem:s16+$0x2810]  }
0x21e: {  	v5 =	vld [tilespmem:s16+$0x2830]  }
0x21f: {  	v7 =	vld [tilespmem:s16+$0x2840];
	v12 =	vbroadcast v3, $0x0;
	v10 =	vbroadcast v3, $0x1  }
0x220: {  	v8 =	vld [tilespmem:s16+$0x2850];
	v13 =	vbroadcast v3, $0x2;
	v11 =	vbroadcast v3, $0x4  }
0x221: {  	s18 =	simm.s32 $0x200;
	v14 =	vmul.f32 v12, v9;
	v12 =	vbroadcast v3, $0x3;
	v9 =	vld [tilespmem:s16+$0x2860]  }
.LBB2_27:
0x222: {  	s1 =	sshra.s32 s18, $0x2;
	p0 =	sne.s32 s18, $0x9E00;
	s18 =	sadd.s32 $0x200, s18;
	v6 =	vmul.f32 v6, v13;
	v13 =	vbroadcast v3, $0x5;
	v15 =	vld [tilespmem:s16+$0x2870]  }
0x223: {  	v4 =	vmul.f32 v4, v10;
	v16 =	vld [tilespmem:s1+$0x5000];
	[tilespmem:s16+$0x2800] =	vst v14;
	v5 =	vmul.f32 v5, v12  }
0x224: {  	v10 =	vbroadcast v3, $0x6;
	v12 =	vld [tilespmem:s1+$0x2800];
	[tilespmem:s16+$0x2820] =	vst v6;
	v7 =	vmul.f32 v7, v11  }
0x225: {  	v11 =	vbroadcast v3, $0x7;
	v6 =	vld [tilespmem:s1+$0x2820];
	[tilespmem:s16+$0x2810] =	vst v4;
	v8 =	vmul.f32 v8, v13  }
.Ltmp12:
0x226: {  	v4 =	vld [tilespmem:s1+$0x2810];
	[tilespmem:s16+$0x2830] =	vst v5;
	v9 =	vmul.f32 v9, v10;
	(pc) =	sbr.rel @p0 .LBB2_27-.Ltmp12, $4  }
0x227: {  	v5 =	vld [tilespmem:s1+$0x2830];
	[tilespmem:s16+$0x2840] =	vst v7;
	v15 =	vmul.f32 v15, v11  }
0x228: {  	v14 =	vbroadcast v16, $0x0;
	v10 =	vbroadcast v16, $0x1;
	v7 =	vld [tilespmem:s1+$0x2840];
	[tilespmem:s16+$0x2850] =	vst v8;
	v3 =	vmov v16  }
0x229: {  	v13 =	vbroadcast v3, $0x2;
	v11 =	vbroadcast v3, $0x4;
	v8 =	vld [tilespmem:s1+$0x2850];
	[tilespmem:s16+$0x2860] =	vst v9  }
0x22a: {  	v14 =	vmul.f32 v14, v12;
	v12 =	vbroadcast v3, $0x3;
	v9 =	vld [tilespmem:s1+$0x2860];
	[tilespmem:s16+$0x2870] =	vst v15;
	s16 =	smov.u32 s1  }
0x22b: {  	v6 =	vmul.f32 v6, v13  }
0x22c: {  	v58 =	vld [tilespmem:s16+$0x2870];
	v4 =	vmul.f32 v4, v10;
	[tilespmem:s16+$0x2800] =	vst v14  }
0x22d: {  	v59 =	vbroadcast v3, $0x5;
	v5 =	vmul.f32 v5, v12;
	[tilespmem:s16+$0x2820] =	vst v6  }
0x22e: {  	v61 =	vbroadcast v3, $0x6;
	v60 =	vmul.f32 v7, v11;
	[tilespmem:s16+$0x2810] =	vst v4  }
0x22f: {  	v3 =	vbroadcast v3, $0x7;
	v62 =	vmul.f32 v8, v59;
	[tilespmem:s16+$0x2830] =	vst v5  }
0x230: {  	v63 =	vmul.f32 v9, v61;
	[tilespmem:s16+$0x2840] =	vst v60  }
0x231: {  	s15 =	sadd.s32 $0x1, s15;
	v3 =	vmul.f32 v58, v3;
	[tilespmem:s16+$0x2850] =	vst v62  }
0x232: {  	p0 =	sne.s32 s15, $0x3E;
	[tilespmem:s16+$0x2860] =	vst v63  }
.Ltmp13:
0x233: {  	[tilespmem:s16+$0x2870] =	vst v3;
	(pc) =	sbr.rel @p0 .LBB2_24-.Ltmp13, $4  }
0x234: {  	[spmem:s2] =	stream.indirect.scatter.add.f32 [tilespmem:s24], [sflag:$0x5], $0x80, s23, s30, $0xb8;
	[tilespmem:$0x1E200] =	vst v63  }
0x235: {  	_ =	swait.ge [sflag:s26], $0x2800  }
0x236: {  	[sflag:s26] =	ssyncset.done $0x0  }
0x237: {  	[sflag:s26] =	ssyncadd.s32 $0xFFFFD800  }
0x238: {  	_ =	swait.ge [sflag:s17], $0x2800  }
0x239: {  	[sflag:s17] =	ssyncset.done $0x0  }
0x23a: {  	s1 =	simm.s32 $0x0;
	s15 =	rddreg [dreg:$0xa];
	[sflag:s17] =	ssyncadd.s32 $0xFFFFD800  }
0x23b: {  	[tilespmem:s31], [sflag:$0x5] =	stream.linear.gather [hbm4b:s15+s1], $0x2800, $0x38;
	[tilespmem:$0x1E200] =	vst v63  }
0x23c: {  	_ =	swait.ge [sflag:s26], $0x2800  }
0x23d: {  	[sflag:s26] =	ssyncset.done $0x0  }
0x23e: {  	s15 =	simm.s32 $0x0;
	[sflag:s26] =	ssyncadd.s32 $0xFFFFD800  }
0x23f: {  	v3 =	vld [tilespmem:s15+$0x5000]  }
0x240: {  	v9 =	vld [tilespmem:s15+$0x0]  }
0x241: {  	v6 =	vld [tilespmem:s15+$0x20]  }
0x242: {  	v4 =	vld [tilespmem:s15+$0x10]  }
0x243: {  	v5 =	vld [tilespmem:s15+$0x30]  }
0x244: {  	v7 =	vld [tilespmem:s15+$0x40];
	v12 =	vbroadcast v3, $0x0;
	v10 =	vbroadcast v3, $0x1  }
0x245: {  	v8 =	vld [tilespmem:s15+$0x50];
	v13 =	vbroadcast v3, $0x2;
	v11 =	vbroadcast v3, $0x4  }
0x246: {  	s16 =	simm.s32 $0x200;
	v14 =	vmul.f32 v12, v9;
	v12 =	vbroadcast v3, $0x3;
	v9 =	vld [tilespmem:s15+$0x60]  }
.LBB2_30:
0x247: {  	s1 =	sshra.s32 s16, $0x2;
	p0 =	sne.s32 s16, $0x9E00;
	s16 =	sadd.s32 $0x200, s16;
	v6 =	vmul.f32 v6, v13;
	v13 =	vbroadcast v3, $0x5;
	v15 =	vld [tilespmem:s15+$0x70]  }
0x248: {  	v4 =	vmul.f32 v4, v10;
	v16 =	vld [tilespmem:s1+$0x5000];
	[tilespmem:s15+$0x0] =	vst v14;
	v5 =	vmul.f32 v5, v12  }
0x249: {  	v10 =	vbroadcast v3, $0x6;
	v12 =	vld [tilespmem:s1+$0x0];
	[tilespmem:s15+$0x20] =	vst v6;
	v7 =	vmul.f32 v7, v11  }
0x24a: {  	v11 =	vbroadcast v3, $0x7;
	v6 =	vld [tilespmem:s1+$0x20];
	[tilespmem:s15+$0x10] =	vst v4;
	v8 =	vmul.f32 v8, v13  }
.Ltmp14:
0x24b: {  	v4 =	vld [tilespmem:s1+$0x10];
	[tilespmem:s15+$0x30] =	vst v5;
	v9 =	vmul.f32 v9, v10;
	(pc) =	sbr.rel @p0 .LBB2_30-.Ltmp14, $4  }
0x24c: {  	v5 =	vld [tilespmem:s1+$0x30];
	[tilespmem:s15+$0x40] =	vst v7;
	v15 =	vmul.f32 v15, v11  }
0x24d: {  	v14 =	vbroadcast v16, $0x0;
	v10 =	vbroadcast v16, $0x1;
	v7 =	vld [tilespmem:s1+$0x40];
	[tilespmem:s15+$0x50] =	vst v8;
	v3 =	vmov v16  }
0x24e: {  	v13 =	vbroadcast v3, $0x2;
	v11 =	vbroadcast v3, $0x4;
	v8 =	vld [tilespmem:s1+$0x50];
	[tilespmem:s15+$0x60] =	vst v9  }
0x24f: {  	v14 =	vmul.f32 v14, v12;
	v12 =	vbroadcast v3, $0x3;
	v9 =	vld [tilespmem:s1+$0x60];
	[tilespmem:s15+$0x70] =	vst v15;
	s15 =	smov.u32 s1  }
0x250: {  	v6 =	vmul.f32 v6, v13  }
0x251: {  	v58 =	vld [tilespmem:s15+$0x70];
	v4 =	vmul.f32 v4, v10;
	[tilespmem:s15+$0x0] =	vst v14  }
0x252: {  	v59 =	vbroadcast v3, $0x5;
	v5 =	vmul.f32 v5, v12;
	[tilespmem:s15+$0x20] =	vst v6  }
0x253: {  	v61 =	vbroadcast v3, $0x6;
	v60 =	vmul.f32 v7, v11;
	[tilespmem:s15+$0x10] =	vst v4  }
0x254: {  	v3 =	vbroadcast v3, $0x7;
	v62 =	vmul.f32 v8, v59;
	[tilespmem:s15+$0x30] =	vst v5  }
0x255: {  	v63 =	vmul.f32 v9, v61;
	[tilespmem:s15+$0x40] =	vst v60  }
0x256: {  	v3 =	vmul.f32 v58, v3;
	[tilespmem:s15+$0x50] =	vst v62  }
0x257: {  	[tilespmem:s15+$0x60] =	vst v63  }
0x258: {  	[tilespmem:s15+$0x70] =	vst v3  }
0x259: {  	[spmem:s2] =	stream.indirect.scatter.add.f32 [tilespmem:s4], [sflag:$0x5], $0x80, s29, s30, $0xb8;
	[tilespmem:$0x1E200] =	vst v63  }
0x25a: {  	_ =	swait.ge [sflag:s26], $0x2800  }
0x25b: {  	[sflag:s26] =	ssyncset.done $0x0  }
0x25c: {  	[sflag:s26] =	ssyncadd.s32 $0xFFFFD800  }
0x25d: {  	[bflag:$0x0] =	sbarrier.arrive $0xFFFF  }
0x25e: {  	s18 =	rddreg [dreg:$0x7]  }
0x25f: {  	s1 =	rddreg [dreg:$0xe]  }
0x260: {  	s16 =	rddreg [dreg:$0x11]  }
0x261: {  	[hbm:s1], [sflag:s18] =	dma.local [spmem:s16], $0x2800  }
0x262: {  	_ =	swait.ge [sflag:s26], $0x2800  }
0x263: {  	s20 =	rddreg [dreg:$0x10]  }
0x264: {  	s22 =	rddreg [dreg:$0xf];
	s15 =	sadd.s32 $0x1, s20  }
0x265: {  	p0 =	sne.s32 s15, s22  }
.Ltmp15:
0x266: {  	_ = 	snop;
	(pc) =	sbr.rel @p0 .LBB2_1-.Ltmp15, $4  }
0x267: {  	[sflag:s26] =	ssyncset.done $0x0  }
0x268: {  	[sflag:s26] =	ssyncadd.s32 $0xFFFFD800  }
0x269: {  	[bflag:$0x0] =	sbarrier.arrive $0xFFFF  }
0x26a: {  	s1 =	rddreg [dreg:$0x0]  }
0x26b: {  	_ =	sfence.sel $0x180000  }
0x26c: {  	[bflag:$0x0] =	sbarrier.arrive $0xFFFF  }
0x26d: {  	_ =	strace $0x9000004A  }
0x26e: {  	s0 =	stileid.u32;
	[bflag:$0x2] =	sbarrier.arrive $0xFFFF  }
0x26f: {  	p0 =	sne.s32 s0, $0x0;
	s0 =	rddreg [dreg:$0x4]  }
0x270: {  	s0 =	sadd.s32 @!p0 $0x100000, s0  }
0x271: {  	[sflag:s0] =	ssyncadd.tile.s32 @!p0 $0x1;
	_ =	shalt  }
.Lfunc_end2:
_tile_overlayer_lowered:
.L_overlay_start_2:
0x272: {  	(tag) =	ssettag $0x2  }
0x273: {  	s0 =	rddreg [dreg:$0x0];
	s2 =	stileid.u32  }
0x274: {  	s1 =	rddreg [dreg:$0x1];
	p0 =	sne.s32 s2, $0x0  }
0x275: {  	s3 =	rddreg [dreg:$0x2];
	[bflag:$0x3] =	sbarrier.arrive $0xFFFF;
	s2 =	simm.s32 @!p0 $0x1C05  }
0x276: {  	[timem:s3], [sflag:s2] =	dma.local @!p0 [hbm:s0], s1  }
0x277: {  	s0 =	simm.s32 @!p0 $0x5  }
0x278: {  	_ =	swait.ge @!p0 [sflag:s0], s1  }
0x279: {  	s1 =	ssub.s32 @!p0 $0x0, s1;
	[sflag:s0] =	ssyncset.done @!p0 $0x0  }
0x27a: {  	[sflag:s0] =	ssyncadd.s32 @!p0 s1  }
0x27b: {  	[bflag:$0x3] =	sbarrier.arrive $0xFFFF  }
0x27c: {  	_ =	shalt  }

// kernel: kernel.8.cloned.1.call-start
scs
__scs_entry_jumppad:
0x0: {  	(pc) =	sbr.rel $0x88, $3  }
0x1: {  	(tag) =	ssettag $0x0;
	lr =	simm.s32 $0x1  }
0x2: {  	[smem:$0x3F8F] =	sst lr;
	_ =	strace $0xD0000000  }
0x3: {  	_ = 	snop  }
0x4: {  	_ = 	snop  }
0x5: {  	_ = 	snop  }
0x6: {  	_ = 	snop  }
0x7: {  	_ = 	snop  }
__scs_overlays_trampoline_lowered:
0x8: {  	[smem:$0x3F9E] =	sst s0  }
0x9: {  	[smem:$0x3F9F] =	sst s1  }
0xa: {  	[smem:$0x3FA0] =	sst s2  }
0xb: {  	[smem:$0x3FA1] =	sst s3  }
0xc: {  	[smem:$0x3FA2] =	sst s4  }
0xd: {  	[smem:$0x3FA3] =	sst s5  }
0xe: {  	[smem:$0x3FA4] =	sst s6  }
0xf: {  	[smem:$0x3FA5] =	sst s7  }
0x10: {  	[smem:$0x3FA6] =	sst s8  }
0x11: {  	[smem:$0x3FA7] =	sst s9;
	s0 =	simm.s32 @!p0 $0x0  }
0x12: {  	s1 =	sld [smem:$0x3F8D];
	s0 =	simm.s32 @p0 $0x1  }
0x13: {  	[smem:$0x3FA8] =	sst s0;
	s0 =	simm.s32 @!p1 $0x0  }
0x14: {  	s2 =	sld [smem:$0x3F8C];
	s0 =	simm.s32 @p1 $0x1  }
0x15: {  	[smem:$0x3FA9] =	sst s0;
	s0 =	simm.s32 @!p2 $0x0  }
0x16: {  	s3 =	sld [smem:$0x3FDB];
	s0 =	simm.s32 @p2 $0x1  }
0x17: {  	s4 =	simm.s32 $0x1BF5;
	[smem:$0x3FAB] =	sst s0  }
0x18: {  	s0 =	sld [smem:$0x3F8E];
	_ =	swait.ge [sflag:s4], $0x0  }
0x19: {  	s7 =	sld [smem:$0x3F8F]  }
0x1a: {  	s8 =	sadd.s32 $0xFFFFE003, lr  }
0x1b: {  	s9 =	sadd.s32 $0xFFFFFEF7, lr;
	s5 =	simm.s32 $0xFFFFFFFF;
	p2 =	slt.u32 s8, $0xFFFFF086  }
0x1c: {  	p1 =	slt.u32 s9, $0xF7A;
	s5 =	simm.s32 @!p2 $0x0  }
0x1d: {  	s5 =	simm.s32 @p1 $0x1;
	p0 =	seq.s32 s7, s2  }
0x1e: {  	s7 =	smul.u32 @!p0 $0xF7A, s2;
	p2 =	seq.s32 @!p0 s5, $0x0  }
0x1f: {  	s9 =	smul.u32 $0xF7A, s1;
	s8 =	simm.s32 @!p0 $0x1BF5;
	p2 =	por !p2, p0  }
0x20: {  	[sflag:s8] =	ssyncset.s32 @!p0 $0xFFFFF086;
	s6 =	sadd.s32 @!p0 s3, s7;
	s7 =	simm.s32 @!p0 $0x108  }
0x21: {  	s3 =	sadd.s32 s3, s9;
	s6 =	sadd.s32 @!p0 $0x88, s6;
	s7 =	simm.s32 @p2 $0x1082  }
0x22: {  	[simem:s7], [sflag:s8] =	dma.local @!p0 [hbm:s6], $0xF7A  }
0x23: {  	s9 =	sor.u32 $0xD0000000, s2;
	s6 =	simm.s32 $0x108;
	_ =	swait.ge @!p0 [sflag:s8], $0x0  }
0x24: {  	s3 =	sadd.s32 $0x88, s3;
	s6 =	simm.s32 @!p1 $0x1082;
	[sflag:s4] =	ssyncset.s32 $0xFFFFF086  }
0x25: {  	[simem:s6], [sflag:s4] =	dma.local [hbm:s3], $0xF7A  }
0x26: {  	[smem:$0x3F8F] =	sst s1;
	(tag) =	ssettag s2;
	_ =	strace s9  }
0x27: {  	s1 =	sld [smem:$0x3F9F]  }
0x28: {  	s2 =	sld [smem:$0x3FA0]  }
0x29: {  	s4 =	sld [smem:$0x3FA2]  }
0x2a: {  	p0 =	seq.s32 s5, $0x0;
	s5 =	sld [smem:$0x3FA3]  }
0x2b: {  	s6 =	sld [smem:$0x3FA4]  }
0x2c: {  	s7 =	sld [smem:$0x3FA5]  }
0x2d: {  	s3 =	simm.s32 $0x108;
	s8 =	sld [smem:$0x3FA6]  }
0x2e: {  	s3 =	simm.s32 @!p0 $0x1082;
	s9 =	sld [smem:$0x3FA7]  }
0x2f: {  	lr =	sadd.s32 s0, s3;
	s0 =	sld [smem:$0x3F9E]  }
0x30: {  	s3 =	sld [smem:$0x3FA1]  }
0x31: {  	[smem:$0x3FAA] =	sst s10  }
0x32: {  	s10 =	sld [smem:$0x3FA8];
	_ =	sdelay $0x3  }
0x33: {  	p0 =	seq.s32 s10, $0x1;
	s10 =	sld [smem:$0x3FAA];
	_ =	sdelay $0x3  }
0x34: {  	[smem:$0x3FAA] =	sst s10  }
0x35: {  	s10 =	sld [smem:$0x3FA9];
	_ =	sdelay $0x3  }
0x36: {  	p1 =	seq.s32 s10, $0x1;
	s10 =	sld [smem:$0x3FAA];
	_ =	sdelay $0x3  }
0x37: {  	[smem:$0x3FAA] =	sst s10  }
0x38: {  	s10 =	sld [smem:$0x3FAB]  }
0x39: {  	_ = 	snop;
	(pc) =	sbr.ind lr, $3  }
0x3a: {  	_ = 	snop  }
0x3b: {  	_ = 	snop  }
0x3c: {  	p2 =	seq.s32 s10, $0x1;
	s10 =	sld [smem:$0x3FAA]  }
0x3d: {  	_ =	shalt  }
0x3e: {  	_ =	shalt  }
0x3f: {  	_ =	shalt  }
0x40: {  	_ =	shalt  }
0x41: {  	_ =	shalt  }
0x42: {  	_ =	shalt  }
0x43: {  	_ =	shalt  }
0x44: {  	_ =	shalt  }
0x45: {  	_ =	shalt  }
0x46: {  	_ =	shalt  }
0x47: {  	_ =	shalt  }
0x48: {  	_ =	shalt  }
0x49: {  	_ =	shalt  }
0x4a: {  	_ =	shalt  }
0x4b: {  	_ =	shalt  }
0x4c: {  	_ =	shalt  }
0x4d: {  	_ =	shalt  }
0x4e: {  	_ =	shalt  }
0x4f: {  	_ =	shalt  }
0x50: {  	_ =	shalt  }
0x51: {  	_ =	shalt  }
0x52: {  	_ =	shalt  }
0x53: {  	_ =	shalt  }
0x54: {  	_ =	shalt  }
0x55: {  	_ =	shalt  }
0x56: {  	_ =	shalt  }
0x57: {  	_ =	shalt  }
0x58: {  	_ =	shalt  }
0x59: {  	_ =	shalt  }
0x5a: {  	_ =	shalt  }
0x5b: {  	_ =	shalt  }
0x5c: {  	_ =	shalt  }
0x5d: {  	_ =	shalt  }
0x5e: {  	_ =	shalt  }
0x5f: {  	_ =	shalt  }
0x60: {  	_ =	shalt  }
0x61: {  	_ =	shalt  }
0x62: {  	_ =	shalt  }
0x63: {  	_ =	shalt  }
0x64: {  	_ =	shalt  }
0x65: {  	_ =	shalt  }
0x66: {  	_ =	shalt  }
0x67: {  	_ =	shalt  }
0x68: {  	_ =	shalt  }
0x69: {  	_ =	shalt  }
0x6a: {  	_ =	shalt  }
0x6b: {  	_ =	shalt  }
0x6c: {  	_ =	shalt  }
0x6d: {  	_ =	shalt  }
0x6e: {  	_ =	shalt  }
0x6f: {  	_ =	shalt  }
0x70: {  	_ =	shalt  }
0x71: {  	_ =	shalt  }
0x72: {  	_ =	shalt  }
0x73: {  	_ =	shalt  }
0x74: {  	_ =	shalt  }
0x75: {  	_ =	shalt  }
0x76: {  	_ =	shalt  }
0x77: {  	_ =	shalt  }
0x78: {  	_ =	shalt  }
0x79: {  	_ =	shalt  }
0x7a: {  	_ =	shalt  }
0x7b: {  	_ =	shalt  }
0x7c: {  	_ =	shalt  }
0x7d: {  	_ =	shalt  }
0x7e: {  	_ =	shalt  }
0x7f: {  	_ =	shalt  }
0x80: {  	_ =	shalt  }
0x81: {  	_ =	shalt  }
0x82: {  	_ =	shalt  }
0x83: {  	_ =	shalt  }
0x84: {  	_ =	shalt  }
0x85: {  	_ =	shalt  }
0x86: {  	_ =	shalt  }
0x87: {  	_ =	shalt  }
.Lfunc_end0:
.L_simem_size_0:
called_computation_lowered:
.L_overlay_start_0:
0x88: {  	s2 =	sld [smem:$0x3FD9]  }
0x89: {  	s3 =	sld [smem:$0x3FFE];
	_ =	sdelay $0x1  }
0x8a: {  	s1 =	srdreg.scid  }
0x8b: {  	s0 =	sand.u32 $0x1, s1  }
0x8c: {  	s16 =	sshll.u32 s0, $0xA;
	s2 =	sadd.s32 s3, s2  }
0x8d: {  	s2 =	sadd.s32 s2, s16  }
0x8e: {  	[smem:$0x3FB6] =	sst s2  }
0x8f: {  	_ = 	snop  }
0x90: {  	(tm) =	ssettm $0x1  }
0x91: {  	s17 =	sld [smem:$0x3FFB];
	_ =	sdelay $0x3  }
0x92: {  	_ =	strace s17  }
0x93: {  	s2 =	sld [smem:$0x3FFC];
	_ =	sdelay $0x3  }
0x94: {  	_ =	strace s2  }
0x95: {  	s2 =	sld [smem:$0x3FFD];
	_ =	sdelay $0x3  }
0x96: {  	_ =	strace s2  }
0x97: {  	_ =	strace $0x8FFFFFFF  }
0x98: {  	s18 =	sld [smem:$0x3FDB];
	_ =	sdelay $0x1  }
0x99: {  	s19 =	simm.s32 $_scs_section_size  }
0x9a: {  	s4 =	simm.s32 $_size__tile_overlayer_lowered;
	s5 =	simm.s32 $_tile_overlayer_lowered  }
0x9b: {  	s22 =	simm.s32 $0x1BFF;
	s21 =	sshll.u32 s5, $0x1;
	s2 =	sadd.s32 s19, s18  }
0x9c: {  	s6 =	simm.s32 $0x0;
	s20 =	sshll.u32 s4, $0x1;
	s4 =	sadd.s32 s21, s2  }
0x9d: {  	[timem:s6], [sflag:s22] =	dma.local [hbm:s4], s20  }
0x9e: {  	_ =	swait.ge [sflag:s22], s20  }
0x9f: {  	s3 =	ssub.s32 $0x0, s20;
	[sflag:s22] =	ssyncset.done $0x0  }
0xa0: {  	[sflag:s22] =	ssyncadd.s32 s3;
	_ =	sdelay $0x1  }
0xa1: {  	s23 =	simm.s32 $0x1B8B  }
0xa2: {  	_ =	swait.ge [sflag:s23], $0x1  }
0xa3: {  	[sflag:s23] =	ssyncset.done $0x0  }
0xa4: {  	s25 =	simm.s32 $0x1B8E;
	s24 =	sld [smem:$0x3FFE];
	[sflag:s23] =	ssyncadd.s32 $0xFFFFFFFF  }
0xa5: {  	s26 =	simm.s32 $execute0_lowered;
	[smem:$0x3FD2] =	sst s25  }
0xa6: {  	s4 =	sshll.u32 s26, $0x1;
	_ =	strace $0x80000046;
	[dreg:$0x1] =	wrdreg $0xFFFFFFFF  }
0xa7: {  	s28 =	simm.s32 $_size_execute0_lowered;
	s2 =	sadd.s32 s2, s4;
	[dreg:$0x0] =	wrdreg $0x0  }
0xa8: {  	s4 =	sshll.u32 s28, $0x1;
	[dreg:$0x2] =	wrdreg s2  }
0xa9: {  	[dreg:$0x3] =	wrdreg s4  }
0xaa: {  	[dreg:$0x4] =	wrdreg $0xC0  }
0xab: {  	_ =	task [dreg:s6], $0x5FFFF  }
0xac: {  	[dreg:$0x1] =	wrdreg $0xFFFFFFFF  }
0xad: {  	[dreg:$0x0] =	wrdreg $0x60  }
0xae: {  	[dreg:$0x2] =	wrdreg s24  }
0xaf: {  	[dreg:$0x3] =	wrdreg $0xA1000  }
0xb0: {  	[dreg:$0x4] =	wrdreg $0x9  }
0xb1: {  	_ =	task.clear_ibuf [dreg:s6], $0x5FFFF;
	_ =	strace $0x90000046  }
0xb2: {  	s29 =	simm.s32 $0x9;
	_ =	strace $0x80000048  }
0xb3: {  	_ =	swait.ge [sflag:s29], $0x1  }
0xb4: {  	[sflag:s29] =	ssyncadd.s32 $0xFFFFFFFF  }
0xb5: {  	_ =	strace $0x90000048  }
0xb6: {  	_ =	sfence  }
0xb7: {  	s30 =	sld [smem:$0x0];
	_ =	sdelay $0x2  }
0xb8: {  	s31 =	sshll.u32 s1, $0xD;
	s1 =	sshrl.u32 s1, $0x2  }
0xb9: {  	s3 =	sand.u32 $0x4000, s31;
	s1 =	sadd.s32 s1, s30  }
0xba: {  	s0 =	sor.u32 s3, s0;
	s1 =	sshll.u32 s1, $0x11  }
0xbb: {  	s0 =	sor.u32 s1, s0  }
0xbc: {  	s0 =	sadd.s32 $0x8F2B, s0  }
0xbd: {  	[sflag:s0] =	ssyncadd.remote.s32 $0x1  }
0xbe: {  	_ =	sfence.sel $0xFFFF  }
0xbf: {  	[dreg:$0x0] =	wrdreg $0xFFFFFFFF;
	(pc) =	sbr.abs _section_cstart, $3  }
0xc0: {  	[dreg:$0x1] =	wrdreg $0xFFFFFFFF  }
0xc1: {  	_ =	task.clear_ibuf [dreg:s6], $0x2FFFF;
	_ =	strace $0x9FFFFFFF  }
0xc2: {  	(tm) =	ssettm $0x7FFFFFFF  }
0xc3: {  	_ =	shalt  }
tec
execute0_lowered:
.L_overlay_start_1:
0x0: {  	(tag) =	ssettag $0x1  }
0x1: {  	s0 =	rddreg [dreg:$0x0]  }
0x2: {  	s2 =	rddreg [dreg:$0x1]  }
0x3: {  	s3 =	simm.s32 $0x0;
	s1 =	srdreg.scid;
	s9 =	stileid.u32  }
0x4: {  	s19 =	simm.s32 $0xA000;
	s20 =	simm.s32 $0xA080;
	s21 =	simm.s32 $0x50  }
0x5: {  	s22 =	simm.s32 $0x2800;
	s23 =	simm.s32 $0x5000;
	s24 =	simm.s32 $0x1  }
0x6: {  	s25 =	simm.s32 $0x2;
	s26 =	simm.s32 $0x3;
	s28 =	simm.s32 $0x0  }
0x7: {  	[smem:$0x7FF] =	sst s3;
	s1 =	sand.u32 $0x1, s1;
	s12 =	smul.u32 $0x14000, s9  }
0x8: {  	s4 =	sadd.s32 $0x3E600, s0;
	s5 =	sadd.s32 $0x17400, s0;
	s6 =	sadd.s32 $0xD600, s0  }
0x9: {  	s7 =	sadd.s32 $0x3800, s0;
	s8 =	sadd.s32 $0x9DB400, s0;
	s17 =	sadd.s32 $0x65800, s0  }
0xa: {  	s15 =	sshll.u32 s9, $0x1;
	s16 =	smul.u32 $0x50000, s9;
	s31 =	sshll.u32 s9, $0x6  }
0xb: {  	_ =	strace $0x80000047;
	s10 =	smul.u32 $0x140000, s1;
	s13 =	ssub.s32 $0x2, s1  }
0xc: {  	s1 =	sor.u32 s1, s15;
	s15 =	simm.s32 $0x7800;
	s14 =	sshrl.u32 s13, $0x1  }
0xd: {  	s30 =	sshrl.u32 s16, $0x2;
	s16 =	simm.s32 $0x4;
	s11 =	sadd.s32 s12, s10  }
0xe: {  	s10 =	sadd.s32 $0xDD800, s0;
	s14 =	ssub.s32 s13, s14;
	s12 =	sshrl.u32 s12, $0x3  }
0xf: {  	s13 =	smov.u32 s17;
	s11 =	sshrl.u32 s11, $0x3;
	s12 =	sadd.s32 s17, s12  }
0x10: {  	v0 =	vlaneseq.u32;
	s14 =	smax.u32 s14, $0x1;
	s0 =	sadd.s32 s11, s0;
	s11 =	smul.u32 $0x2710, s1  }
0x11: {  	v0 =	vmul.u32 $0x80, v0;
	s1 =	sadd.s32 s30, s2;
	[dreg:$0x3] =	wrdreg s12;
	s0 =	sadd.s32 $0x8D800, s0  }
0x12: {  	s17 =	sor.u32 $0x1C04, s31;
	s18 =	sshrl.u32 s1, $0x3;
	[dreg:$0x4] =	wrdreg s0  }
.LBB2_1:
0x13: {  	[tilespmem:s15], [sflag:$0x4] =	stream.linear.gather [hbm4b:s13+s3], $0x2800, $0x38;
	[tilespmem:$0x1E100] =	vst v63  }
0x14: {  	_ =	swait.ge [sflag:s16], $0x2800  }
0x15: {  	[sflag:s16] =	ssyncset.done $0x0  }
0x16: {  	s0 =	rddreg [dreg:$0x3];
	[sflag:s16] =	ssyncadd.s32 $0xFFFFD800  }
0x17: {  	[spmem:s18], [sflag:s17] =	dma.local [hbm:s0], $0x2800  }
0x18: {  	_ =	swait.ge [sflag:s16], $0x2800  }
0x19: {  	[sflag:s16] =	ssyncset.done $0x0  }
0x1a: {  	[sflag:s16] =	ssyncadd.s32 $0xFFFFD800  }
0x1b: {  	s29 =	simm.s32 $0x0;
	[bflag:$0x0] =	sbarrier.arrive $0xFFFF  }
.LBB2_2:
0x1c: {  	s0 =	smul.u32 $0x50, s29;
	_ =	sdelay $0x1  }
0x1d: {  	s0 =	sadd.s32 s11, s0  }
0x1e: {  	s1 =	sshrl.u32 s0, $0x3  }
0x1f: {  	s31 =	simm.s32 $0x0;
	s12 =	sadd.s32 s6, s1  }
0x20: {  	[tilespmem:s19], [sflag:$0x4] =	stream.linear.gather [hbm4b:s12+s31], $0x50, $0x38;
	[tilespmem:$0x1E100] =	vst v63  }
0x21: {  	_ =	swait.ge [sflag:s16], $0x50  }
0x22: {  	[sflag:s16] =	ssyncset.done $0x0  }
0x23: {  	s1 =	sadd.s32 s7, s1;
	[sflag:s16] =	ssyncadd.s32 $0xFFFFFFB0  }
0x24: {  	[tilespmem:s20], [sflag:$0x4] =	stream.linear.gather [hbm4b:s1+s31], $0x50, $0x38;
	[tilespmem:$0x1E100] =	vst v63  }
0x25: {  	_ =	swait.ge [sflag:s16], $0x50  }
0x26: {  	[sflag:s16] =	ssyncset.done $0x0  }
0x27: {  	[sflag:s16] =	ssyncadd.s32 $0xFFFFFFB0  }
0x28: {  	[tilespmem:s31], [sflag:$0x1] =	stream.indirect.gather [hbm4b:s4+s21], $0x80, s20, s21, $0xb8;
	[tilespmem:$0x1E100] =	vst v63  }
0x29: {  	s30 =	sshll.u32 s0, $0x4  }
0x2a: {  	[tilespmem:s22], [sflag:$0x2] =	stream.indirect.gather [hbm4b:s5+s21], $0x80, s19, s21, $0xb8;
	[tilespmem:$0x1E100] =	vst v63  }
0x2b: {  	s0 =	sadd.s32 s8, s30  }
0x2c: {  	[tilespmem:s23], [sflag:$0x3] =	stream.linear.gather [hbm4b:s0+s31], $0x2800, $0x38;
	[tilespmem:$0x1E100] =	vst v63  }
0x2d: {  	s1 =	sand.u32 $0x70, s31;
	_ =	swait.ge [sflag:s24], $0x2800  }
0x2e: {  	v1 =	vmov s1;
	[sflag:s24] =	ssyncset.done $0x0  }
0x2f: {  	v1 =	vshll.u32 v1, $0x7;
	s0 =	sand.u32 $0x7, s31;
	[sflag:s24] =	ssyncadd.s32 $0xFFFFD800  }
0x30: {  	v1 =	vor.u32 v0, v1;
	s1 =	sshll.u32 s0, $0x4;
	_ =	swait.ge [sflag:s25], $0x2800  }
0x31: {  	v2 =	vor.u32 s1, v1;
	[sflag:s25] =	ssyncset.done $0x0  }
0x32: {  	s9 =	sor.u32 $0x1, s1;
	[sflag:s25] =	ssyncadd.s32 $0xFFFFD800  }
0x33: {  	v3 =	vor.u32 s9, v1;
	_ =	swait.ge [sflag:s26], $0x2800  }
0x34: {  	s9 =	sor.u32 $0x2, s1;
	[sflag:s26] =	ssyncset.done $0x0  }
0x35: {  	v4 =	vor.u32 s9, v1;
	[sflag:s26] =	ssyncadd.s32 $0xFFFFD800  }
0x36: {  	s9 =	sor.u32 $0x3, s1;
	v5 =	vld.idx.msk [tilespmem:v2+s3+$0x0], $0xffff  }
0x37: {  	v6 =	vor.u32 s9, v1;
	v2 =	vld.idx.msk [tilespmem:v2+s22+$0x0], $0xffff  }
0x38: {  	s9 =	sor.u32 $0x4, s1;
	v7 =	vld.idx.msk [tilespmem:v3+s3+$0x0], $0xffff  }
0x39: {  	v8 =	vor.u32 s9, v1;
	v3 =	vld.idx.msk [tilespmem:v3+s22+$0x0], $0xffff  }
0x3a: {  	s9 =	sor.u32 $0x5, s1;
	v9 =	vld.idx.msk [tilespmem:v4+s3+$0x0], $0xffff  }
0x3b: {  	v10 =	vor.u32 s9, v1;
	v4 =	vld.idx.msk [tilespmem:v4+s22+$0x0], $0xffff  }
0x3c: {  	s9 =	sor.u32 $0x6, s1;
	v11 =	vld.idx.msk [tilespmem:v6+s3+$0x0], $0xffff;
	v2 =	vmul.f32 v2, v5  }
0x3d: {  	v40 =	vor.u32 s9, v1;
	v5 =	vld.idx.msk [tilespmem:v6+s22+$0x0], $0xffff  }
0x3e: {  	s9 =	sor.u32 $0x7, s1;
	v12 =	vld.idx.msk [tilespmem:v8+s3+$0x0], $0xffff;
	v3 =	vmul.f32 v3, v7;
	v2 =	vadd.f32 $0.0e+00, v2  }
0x3f: {  	v42 =	vor.u32 s9, v1;
	v41 =	vld.idx.msk [tilespmem:v8+s22+$0x0], $0xffff  }
0x40: {  	s9 =	sor.u32 $0x8, s1;
	v13 =	vld.idx.msk [tilespmem:v10+s3+$0x0], $0xffff;
	v2 =	vadd.f32 v3, v2;
	v3 =	vmul.f32 v4, v9  }
0x41: {  	v43 =	vor.u32 s9, v1;
	v4 =	vld.idx.msk [tilespmem:v10+s22+$0x0], $0xffff  }
0x42: {  	s9 =	sor.u32 $0x9, s1;
	v44 =	vld.idx.msk [tilespmem:v40+s3+$0x0], $0xffff;
	v2 =	vadd.f32 v3, v2;
	v3 =	vmul.f32 v5, v11  }
0x43: {  	v45 =	vor.u32 s9, v1;
	v5 =	vld.idx.msk [tilespmem:v40+s22+$0x0], $0xffff  }
0x44: {  	s9 =	sor.u32 $0xA, s1;
	v46 =	vld.idx.msk [tilespmem:v42+s3+$0x0], $0xffff;
	v2 =	vadd.f32 v3, v2;
	v3 =	vmul.f32 v41, v12  }
0x45: {  	v48 =	vor.u32 s9, v1;
	v47 =	vld.idx.msk [tilespmem:v42+s22+$0x0], $0xffff  }
0x46: {  	s9 =	sor.u32 $0xB, s1;
	v49 =	vld.idx.msk [tilespmem:v43+s3+$0x0], $0xffff;
	v2 =	vadd.f32 v3, v2;
	v3 =	vmul.f32 v4, v13  }
0x47: {  	v50 =	vor.u32 s9, v1;
	v4 =	vld.idx.msk [tilespmem:v43+s22+$0x0], $0xffff  }
0x48: {  	s9 =	sor.u32 $0xC, s1;
	v51 =	vld.idx.msk [tilespmem:v45+s3+$0x0], $0xffff;
	v2 =	vadd.f32 v3, v2;
	v3 =	vmul.f32 v5, v44  }
0x49: {  	v52 =	vor.u32 s9, v1;
	v5 =	vld.idx.msk [tilespmem:v45+s22+$0x0], $0xffff  }
0x4a: {  	s9 =	sor.u32 $0xD, s1;
	v53 =	vld.idx.msk [tilespmem:v48+s3+$0x0], $0xffff;
	v2 =	vadd.f32 v3, v2;
	v3 =	vmul.f32 v47, v46  }
0x4b: {  	v55 =	vor.u32 s9, v1;
	v54 =	vld.idx.msk [tilespmem:v48+s22+$0x0], $0xffff  }
0x4c: {  	s1 =	sor.u32 $0xE, s1;
	v56 =	vld.idx.msk [tilespmem:v50+s3+$0x0], $0xffff;
	v2 =	vadd.f32 v3, v2;
	v3 =	vmul.f32 v4, v49  }
0x4d: {  	v57 =	vor.u32 s1, v1;
	v4 =	vld.idx.msk [tilespmem:v50+s22+$0x0], $0xffff  }
0x4e: {  	s9 =	sshllo.u32 s0, $0x4;
	v58 =	vld.idx.msk [tilespmem:v52+s3+$0x0], $0xffff;
	v2 =	vadd.f32 v3, v2;
	v3 =	vmul.f32 v5, v51  }
0x4f: {  	v59 =	vor.u32 s9, v1;
	v5 =	vld.idx.msk [tilespmem:v52+s22+$0x0], $0xffff  }
0x50: {  	v60 =	vld.idx.msk [tilespmem:v55+s3+$0x0], $0xffff;
	v2 =	vadd.f32 v3, v2;
	v3 =	vmul.f32 v54, v53  }
0x51: {  	v61 =	vld.idx.msk [tilespmem:v55+s22+$0x0], $0xffff  }
0x52: {  	v62 =	vld.idx.msk [tilespmem:v57+s3+$0x0], $0xffff;
	v2 =	vadd.f32 v3, v2;
	v3 =	vmul.f32 v4, v56  }
0x53: {  	v4 =	vld.idx.msk [tilespmem:v57+s22+$0x0], $0xffff  }
0x54: {  	v63 =	vld.idx.msk [tilespmem:v59+s3+$0x0], $0xffff;
	v5 =	vmul.f32 v5, v58;
	v3 =	vadd.f32 v3, v2  }
0x55: {  	v6 =	vld.idx.msk [tilespmem:v59+s22+$0x0], $0xffff  }
0x56: {  	v2 =	vor.u32 s0, v1;
	v1 =	vadd.f32 v5, v3;
	v3 =	vmul.f32 v61, v60;
	_ =	sdelay $0x1  }
0x57: {  	v1 =	vadd.f32 v3, v1;
	v3 =	vmul.f32 v4, v62;
	_ =	sdelay $0x1  }
0x58: {  	v1 =	vadd.f32 v3, v1;
	v3 =	vmul.f32 v6, v63  }
0x59: {  	v4 =	vld.idx.msk [tilespmem:v2+s23+$0x0], $0xffff  }
0x5a: {  	v1 =	vadd.f32 v3, v1;
	_ =	sdelay $0x1  }
0x5b: {  	v1 =	vmul.f32 $2.500000000e-01, v1;
	_ =	sdelay $0x1  }
0x5c: {  	v1 =	vadd.f32 v1, v4;
	_ =	sdelay $0x1  }
0x5d: {  	v1 =	vmul.f32 $1.442695020e+00, v1;
	_ =	sdelay $0x1  }
0x5e: {  	(erf) = vpow2.f32 v1;
	_ =	sdelay $0x1  }
0x5f: {  	s0 =	simm.s32 $0x2  }
0x60: {  	s12 =	sand.u32 $0x70, s0  }
0x61: {  	s9 =	simm.s32 $0x1;
	v3 =	vmov s12  }
0x62: {  	s1 =	simm.s32 $0x2;
	s31 =	sand.u32 $0x7, s9;
	v1 =	vshll.u32 v3, $0x7;
	v3 =	vor.u32 $0x8, v2  }
.LBB2_3:
0x63: {  	p0 =	sne.s32 s1, $0x27;
	v1 =	vor.u32 v0, v1;
	s12 =	sshll.u32 s31, $0x4  }
0x64: {  	v4 =	vor.u32 s12, v1  }
0x65: {  	s9 =	sor.u32 $0x1, s12  }
0x66: {  	v5 =	vor.u32 s9, v1;
	v6 =	vpop (erf)  }
0x67: {  	s9 =	sor.u32 $0x2, s12;
	[tilespmem:v3+s23+$0x0] =	vst.idx.msk $0xffff, v6  }
0x68: {  	v3 =	vor.u32 s9, v1;
	[tilespmem:v2+s15+$0x0] =	vst.idx.msk $0xffff, v6  }
0x69: {  	s9 =	sor.u32 $0x3, s12;
	v2 =	vld.idx.msk [tilespmem:v4+s3+$0x0], $0xffff  }
0x6a: {  	v6 =	vor.u32 s9, v1;
	v4 =	vld.idx.msk [tilespmem:v4+s22+$0x0], $0xffff  }
0x6b: {  	s9 =	sor.u32 $0x4, s12;
	v7 =	vld.idx.msk [tilespmem:v5+s3+$0x0], $0xffff  }
0x6c: {  	v8 =	vor.u32 s9, v1;
	v5 =	vld.idx.msk [tilespmem:v5+s22+$0x0], $0xffff  }
0x6d: {  	s9 =	sor.u32 $0x5, s12;
	v9 =	vld.idx.msk [tilespmem:v3+s3+$0x0], $0xffff  }
0x6e: {  	v10 =	vor.u32 s9, v1;
	v3 =	vld.idx.msk [tilespmem:v3+s22+$0x0], $0xffff  }
0x6f: {  	s9 =	sor.u32 $0x6, s12;
	v11 =	vld.idx.msk [tilespmem:v6+s3+$0x0], $0xffff  }
0x70: {  	v2 =	vmul.f32 v4, v2;
	v4 =	vld.idx.msk [tilespmem:v6+s22+$0x0], $0xffff;
	v6 =	vor.u32 s9, v1  }
0x71: {  	s9 =	sor.u32 $0x7, s12;
	v12 =	vld.idx.msk [tilespmem:v8+s3+$0x0], $0xffff  }
0x72: {  	v2 =	vadd.f32 $0.0e+00, v2;
	v5 =	vmul.f32 v5, v7;
	v7 =	vld.idx.msk [tilespmem:v8+s22+$0x0], $0xffff;
	v8 =	vor.u32 s9, v1  }
0x73: {  	s9 =	sor.u32 $0x8, s12;
	v13 =	vld.idx.msk [tilespmem:v10+s3+$0x0], $0xffff  }
0x74: {  	v2 =	vadd.f32 v5, v2;
	v3 =	vmul.f32 v3, v9;
	v9 =	vor.u32 s9, v1;
	v5 =	vld.idx.msk [tilespmem:v10+s22+$0x0], $0xffff  }
0x75: {  	s9 =	sor.u32 $0x9, s12;
	v10 =	vld.idx.msk [tilespmem:v6+s3+$0x0], $0xffff  }
0x76: {  	v2 =	vadd.f32 v3, v2;
	v3 =	vmul.f32 v4, v11;
	v4 =	vld.idx.msk [tilespmem:v6+s22+$0x0], $0xffff;
	v6 =	vor.u32 s9, v1  }
0x77: {  	s9 =	sor.u32 $0xA, s12;
	v11 =	vld.idx.msk [tilespmem:v8+s3+$0x0], $0xffff  }
0x78: {  	v2 =	vadd.f32 v3, v2;
	v3 =	vmul.f32 v7, v12;
	v7 =	vld.idx.msk [tilespmem:v8+s22+$0x0], $0xffff;
	v8 =	vor.u32 s9, v1  }
0x79: {  	s9 =	sor.u32 $0xB, s12;
	v12 =	vld.idx.msk [tilespmem:v9+s3+$0x0], $0xffff  }
0x7a: {  	v2 =	vadd.f32 v3, v2;
	v3 =	vmul.f32 v5, v13;
	v5 =	vld.idx.msk [tilespmem:v9+s22+$0x0], $0xffff;
	v9 =	vor.u32 s9, v1  }
0x7b: {  	s9 =	sor.u32 $0xC, s12;
	v13 =	vld.idx.msk [tilespmem:v6+s3+$0x0], $0xffff  }
0x7c: {  	v2 =	vadd.f32 v3, v2;
	v3 =	vmul.f32 v4, v10;
	v4 =	vld.idx.msk [tilespmem:v6+s22+$0x0], $0xffff;
	v6 =	vor.u32 s9, v1  }
0x7d: {  	s9 =	sor.u32 $0xD, s12;
	v10 =	vld.idx.msk [tilespmem:v8+s3+$0x0], $0xffff  }
0x7e: {  	v2 =	vadd.f32 v3, v2;
	v3 =	vmul.f32 v7, v11;
	v7 =	vld.idx.msk [tilespmem:v8+s22+$0x0], $0xffff;
	v8 =	vor.u32 s9, v1  }
0x7f: {  	s9 =	sor.u32 $0xE, s12;
	v11 =	vld.idx.msk [tilespmem:v9+s3+$0x0], $0xffff  }
0x80: {  	v2 =	vadd.f32 v3, v2;
	v3 =	vmul.f32 v5, v12;
	v5 =	vld.idx.msk [tilespmem:v9+s22+$0x0], $0xffff;
	v9 =	vor.u32 s9, v1  }
0x81: {  	s9 =	sshllo.u32 s31, $0x4;
	v12 =	vld.idx.msk [tilespmem:v6+s3+$0x0], $0xffff  }
0x82: {  	v2 =	vadd.f32 v3, v2;
	v3 =	vmul.f32 v4, v13;
	v4 =	vld.idx.msk [tilespmem:v6+s22+$0x0], $0xffff;
	v6 =	vor.u32 s9, v1  }
0x83: {  	v13 =	vld.idx.msk [tilespmem:v8+s3+$0x0], $0xffff  }
0x84: {  	v2 =	vadd.f32 v3, v2;
	v3 =	vmul.f32 v7, v10;
	v7 =	vld.idx.msk [tilespmem:v8+s22+$0x0], $0xffff  }
0x85: {  	v8 =	vld.idx.msk [tilespmem:v9+s3+$0x0], $0xffff  }
0x86: {  	v2 =	vadd.f32 v3, v2;
	v3 =	vmul.f32 v5, v11;
	v5 =	vld.idx.msk [tilespmem:v9+s22+$0x0], $0xffff  }
0x87: {  	v9 =	vld.idx.msk [tilespmem:v6+s3+$0x0], $0xffff  }
0x88: {  	v3 =	vadd.f32 v3, v2;
	v4 =	vmul.f32 v4, v12;
	v6 =	vld.idx.msk [tilespmem:v6+s22+$0x0], $0xffff  }
0x89: {  	v2 =	vor.u32 s31, v1  }
0x8a: {  	v1 =	vadd.f32 v4, v3;
	v3 =	vmul.f32 v7, v13;
	_ =	sdelay $0x1  }
0x8b: {  	v1 =	vadd.f32 v3, v1;
	v3 =	vmul.f32 v5, v8;
	_ =	sdelay $0x1  }
0x8c: {  	v1 =	vadd.f32 v3, v1;
	v3 =	vmul.f32 v6, v9;
	v4 =	vld.idx.msk [tilespmem:v2+s23+$0x0], $0xffff;
	_ =	sdelay $0x1  }
0x8d: {  	v1 =	vadd.f32 v3, v1;
	_ =	sdelay $0x1  }
0x8e: {  	v1 =	vmul.f32 $2.500000000e-01, v1;
	_ =	sdelay $0x1  }
0x8f: {  	v1 =	vadd.f32 v1, v4;
	_ =	sdelay $0x1  }
0x90: {  	v1 =	vmul.f32 $1.442695020e+00, v1;
	_ =	sdelay $0x1  }
0x91: {  	(erf) = vpow2.f32 v1  }
.Ltmp0:
0x92: {  	(pc) =	sbr.rel @p0 .LBB2_3-.Ltmp0, $4  }
0x93: {  	s0 =	sadd.s32 $0x2, s0  }
0x94: {  	s9 =	sand.u32 $0x70, s0  }
0x95: {  	v1 =	vmov s9  }
0x96: {  	s31 =	sand.u32 $0x7, s1;
	s1 =	sadd.s32 $0x1, s1;
	v3 =	vor.u32 $0x8, v2;
	v1 =	vshll.u32 v1, $0x7  }
0x97: {  	v1 =	vor.u32 v0, v1;
	s0 =	sshll.u32 s31, $0x4  }
0x98: {  	v4 =	vor.u32 s0, v1  }
0x99: {  	s1 =	sor.u32 $0x1, s0  }
0x9a: {  	v5 =	vor.u32 s1, v1;
	v6 =	vpop (erf)  }
0x9b: {  	s12 =	sor.u32 $0x2, s0;
	[tilespmem:v3+s23+$0x0] =	vst.idx.msk $0xffff, v6  }
0x9c: {  	v3 =	vor.u32 s12, v1;
	[tilespmem:v2+s15+$0x0] =	vst.idx.msk $0xffff, v6  }
0x9d: {  	s9 =	sor.u32 $0x3, s0;
	v2 =	vld.idx.msk [tilespmem:v4+s3+$0x0], $0xffff  }
0x9e: {  	v29 =	vor.u32 s9, v1;
	v4 =	vld.idx.msk [tilespmem:v4+s22+$0x0], $0xffff  }
0x9f: {  	s12 =	sor.u32 $0x4, s0;
	v7 =	vld.idx.msk [tilespmem:v5+s3+$0x0], $0xffff  }
0xa0: {  	v8 =	vor.u32 s12, v1;
	v5 =	vld.idx.msk [tilespmem:v5+s22+$0x0], $0xffff  }
0xa1: {  	s9 =	sor.u32 $0x5, s0;
	v9 =	vld.idx.msk [tilespmem:v3+s3+$0x0], $0xffff  }
0xa2: {  	v10 =	vor.u32 s9, v1;
	v3 =	vld.idx.msk [tilespmem:v3+s22+$0x0], $0xffff  }
0xa3: {  	s12 =	sor.u32 $0x6, s0;
	v11 =	vld.idx.msk [tilespmem:v29+s3+$0x0], $0xffff;
	v2 =	vmul.f32 v4, v2  }
0xa4: {  	v31 =	vor.u32 s12, v1;
	v30 =	vld.idx.msk [tilespmem:v29+s22+$0x0], $0xffff  }
0xa5: {  	s9 =	sor.u32 $0x7, s0;
	v12 =	vld.idx.msk [tilespmem:v8+s3+$0x0], $0xffff;
	v5 =	vmul.f32 v5, v7;
	v2 =	vadd.f32 $0.0e+00, v2  }
0xa6: {  	v33 =	vor.u32 s9, v1;
	v32 =	vld.idx.msk [tilespmem:v8+s22+$0x0], $0xffff  }
0xa7: {  	s12 =	sor.u32 $0x8, s0;
	v13 =	vld.idx.msk [tilespmem:v10+s3+$0x0], $0xffff;
	v3 =	vmul.f32 v3, v9;
	v2 =	vadd.f32 v5, v2  }
0xa8: {  	v35 =	vor.u32 s12, v1;
	v34 =	vld.idx.msk [tilespmem:v10+s22+$0x0], $0xffff  }
0xa9: {  	s9 =	sor.u32 $0x9, s0;
	v36 =	vld.idx.msk [tilespmem:v31+s3+$0x0], $0xffff;
	v2 =	vadd.f32 v3, v2;
	v3 =	vmul.f32 v30, v11  }
0xaa: {  	v38 =	vor.u32 s9, v1;
	v37 =	vld.idx.msk [tilespmem:v31+s22+$0x0], $0xffff  }
0xab: {  	s12 =	sor.u32 $0xA, s0;
	v39 =	vld.idx.msk [tilespmem:v33+s3+$0x0], $0xffff;
	v2 =	vadd.f32 v3, v2;
	v3 =	vmul.f32 v32, v12  }
0xac: {  	v41 =	vor.u32 s12, v1;
	v40 =	vld.idx.msk [tilespmem:v33+s22+$0x0], $0xffff  }
0xad: {  	s9 =	sor.u32 $0xB, s0;
	v42 =	vld.idx.msk [tilespmem:v35+s3+$0x0], $0xffff;
	v2 =	vadd.f32 v3, v2;
	v3 =	vmul.f32 v34, v13  }
0xae: {  	v44 =	vor.u32 s9, v1;
	v43 =	vld.idx.msk [tilespmem:v35+s22+$0x0], $0xffff  }
0xaf: {  	s12 =	sor.u32 $0xC, s0;
	v45 =	vld.idx.msk [tilespmem:v38+s3+$0x0], $0xffff;
	v2 =	vadd.f32 v3, v2;
	v3 =	vmul.f32 v37, v36  }
0xb0: {  	v47 =	vor.u32 s12, v1;
	v46 =	vld.idx.msk [tilespmem:v38+s22+$0x0], $0xffff  }
0xb1: {  	s9 =	sor.u32 $0xD, s0;
	v48 =	vld.idx.msk [tilespmem:v41+s3+$0x0], $0xffff;
	v2 =	vadd.f32 v3, v2;
	v3 =	vmul.f32 v40, v39  }
0xb2: {  	v50 =	vor.u32 s9, v1;
	v49 =	vld.idx.msk [tilespmem:v41+s22+$0x0], $0xffff  }
0xb3: {  	s0 =	sor.u32 $0xE, s0;
	v51 =	vld.idx.msk [tilespmem:v44+s3+$0x0], $0xffff;
	v2 =	vadd.f32 v3, v2;
	v3 =	vmul.f32 v43, v42  }
0xb4: {  	v53 =	vor.u32 s0, v1;
	v52 =	vld.idx.msk [tilespmem:v44+s22+$0x0], $0xffff  }
0xb5: {  	s12 =	sshllo.u32 s31, $0x4;
	v54 =	vld.idx.msk [tilespmem:v47+s3+$0x0], $0xffff;
	v2 =	vadd.f32 v3, v2;
	v3 =	vmul.f32 v46, v45  }
0xb6: {  	v56 =	vor.u32 s12, v1;
	v55 =	vld.idx.msk [tilespmem:v47+s22+$0x0], $0xffff  }
0xb7: {  	v57 =	vld.idx.msk [tilespmem:v50+s3+$0x0], $0xffff;
	v2 =	vadd.f32 v3, v2;
	v3 =	vmul.f32 v49, v48  }
0xb8: {  	v58 =	vld.idx.msk [tilespmem:v50+s22+$0x0], $0xffff  }
0xb9: {  	v59 =	vld.idx.msk [tilespmem:v53+s3+$0x0], $0xffff;
	v2 =	vadd.f32 v3, v2;
	v3 =	vmul.f32 v52, v51  }
0xba: {  	v60 =	vld.idx.msk [tilespmem:v53+s22+$0x0], $0xffff  }
0xbb: {  	v61 =	vld.idx.msk [tilespmem:v56+s3+$0x0], $0xffff;
	v2 =	vadd.f32 v3, v2;
	v3 =	vmul.f32 v55, v54  }
0xbc: {  	v62 =	vld.idx.msk [tilespmem:v56+s22+$0x0], $0xffff  }
0xbd: {  	v1 =	vor.u32 s31, v1;
	v2 =	vadd.f32 v3, v2;
	v3 =	vmul.f32 v58, v57;
	_ =	sdelay $0x1  }
0xbe: {  	v2 =	vadd.f32 v3, v2;
	v3 =	vmul.f32 v60, v59;
	_ =	sdelay $0x1  }
0xbf: {  	v2 =	vadd.f32 v3, v2;
	v3 =	vmul.f32 v62, v61  }
0xc0: {  	v63 =	vld.idx.msk [tilespmem:v1+s23+$0x0], $0xffff  }
0xc1: {  	v2 =	vadd.f32 v3, v2;
	_ =	sdelay $0x1  }
0xc2: {  	v2 =	vmul.f32 $2.500000000e-01, v2;
	_ =	sdelay $0x1  }
0xc3: {  	v2 =	vadd.f32 v2, v63;
	_ =	sdelay $0x1  }
0xc4: {  	v2 =	vmul.f32 $1.442695020e+00, v2;
	_ =	sdelay $0x1  }
0xc5: {  	(erf) = vpow2.f32 v2;
	_ =	sdelay $0x4  }
0xc6: {  	v2 =	vor.u32 $0x8, v1;
	_ =	sdelay $0x3  }
0xc7: {  	v3 =	vpop (erf)  }
0xc8: {  	[tilespmem:v2+s23+$0x0] =	vst.idx.msk $0xffff, v3  }
0xc9: {  	s31 =	sadd.s32 s10, s30;
	[tilespmem:v1+s15+$0x0] =	vst.idx.msk $0xffff, v3  }
0xca: {  	[hbm4b:s31+s3] =	stream.linear.scatter [tilespmem:s23], [sflag:$0x3], $0x2800, $0x38;
	[tilespmem:$0x1E100] =	vst v63  }
0xcb: {  	s29 =	sadd.s32 $0x1, s29  }
0xcc: {  	[spmem:s2] =	stream.indirect.scatter.add.f32 [tilespmem:s15], [sflag:$0x4], $0x80, s20, s21, $0xb8;
	[tilespmem:$0x1E100] =	vst v63  }
0xcd: {  	p0 =	sne.s32 s29, $0x7D;
	_ =	swait.ge [sflag:s16], $0x2800  }
.Ltmp1:
0xce: {  	[sflag:s16] =	ssyncset.done $0x0;
	(pc) =	sbr.rel @p0 .LBB2_2-.Ltmp1, $4  }
0xcf: {  	[sflag:s16] =	ssyncadd.s32 $0xFFFFD800  }
0xd0: {  	_ =	swait.ge [sflag:s26], $0x2800  }
0xd1: {  	[sflag:s26] =	ssyncset.done $0x0  }
0xd2: {  	[sflag:s26] =	ssyncadd.s32 $0xFFFFD800  }
0xd3: {  	s28 =	sadd.s32 $0x1, s28  }
0xd4: {  	[bflag:$0x0] =	sbarrier.arrive $0xFFFF;
	p0 =	sne.s32 s28, s14  }
.Ltmp2:
0xd5: {  	s0 =	rddreg [dreg:$0x4];
	(pc) =	sbr.rel @p0 .LBB2_1-.Ltmp2, $4  }
0xd6: {  	[hbm:s0], [sflag:s17] =	dma.local [spmem:s18], $0x2800  }
0xd7: {  	_ =	swait.ge [sflag:s16], $0x2800  }
0xd8: {  	[sflag:s16] =	ssyncset.done $0x0  }
0xd9: {  	[sflag:s16] =	ssyncadd.s32 $0xFFFFD800  }
0xda: {  	_ =	sfence.sel $0x180000  }
0xdb: {  	[bflag:$0x0] =	sbarrier.arrive $0xFFFF  }
0xdc: {  	_ =	strace $0x90000047  }
0xdd: {  	s0 =	stileid.u32;
	[bflag:$0x2] =	sbarrier.arrive $0xFFFF  }
0xde: {  	p0 =	sne.s32 s0, $0x0;
	s0 =	rddreg [dreg:$0x2]  }
0xdf: {  	s0 =	sadd.s32 @!p0 $0x100000, s0  }
0xe0: {  	[sflag:s0] =	ssyncadd.tile.s32 @!p0 $0x1;
	_ =	shalt  }
.Lfunc_end2:
_tile_overlayer_lowered:
.L_overlay_start_2:
0xe1: {  	(tag) =	ssettag $0x2  }
0xe2: {  	s0 =	rddreg [dreg:$0x0];
	s2 =	stileid.u32  }
0xe3: {  	s1 =	rddreg [dreg:$0x1];
	p0 =	sne.s32 s2, $0x0  }
0xe4: {  	s3 =	rddreg [dreg:$0x2];
	[bflag:$0x3] =	sbarrier.arrive $0xFFFF;
	s2 =	simm.s32 @!p0 $0x1C04  }
0xe5: {  	[timem:s3], [sflag:s2] =	dma.local @!p0 [hbm:s0], s1  }
0xe6: {  	s0 =	simm.s32 @!p0 $0x4  }
0xe7: {  	_ =	swait.ge @!p0 [sflag:s0], s1  }
0xe8: {  	s1 =	ssub.s32 @!p0 $0x0, s1;
	[sflag:s0] =	ssyncset.done @!p0 $0x0  }
0xe9: {  	[sflag:s0] =	ssyncadd.s32 @!p0 s1  }
0xea: {  	[bflag:$0x3] =	sbarrier.arrive $0xFFFF  }
0xeb: {  	_ =	shalt  }

</sc_bundles>
